<compile_context>
chip_gen: v7x
topology: tpu7x:2x2x1
jax: 0.10.2.dev20260603
libtpu: 0.0.44.dev20260713+nightly
codegen_flags: <defaults>
</compile_context>

<pallas_src>
import functools
import numpy as np
import jax
import jax.numpy as jnp
from jax import lax
from jax.experimental import pallas as pl
from jax.experimental.pallas import tpu as pltpu, tpu_sc as plsc

D_MODEL = 64
L_SEQ = 200
PE_ELEMS = L_SEQ * D_MODEL

NUM_CORES = 2
NUM_SUBCORES = 16
NW = NUM_CORES * NUM_SUBCORES

CH = 128


def _positional_encoding_np(max_len, d_model):
    pos = np.expand_dims(np.arange(0, max_len), axis=1)
    div_term = np.array(
        [[1 / np.power(10000, 2 * (i // 2) / d_model) for i in range(d_model)]]
    )
    posd = pos * div_term
    pe = np.zeros((max_len, d_model))
    pe[:, 0 : d_model // 2] = np.sin(posd[:, 0::2])
    pe[:, d_model // 2 :] = np.cos(posd[:, 0::2])
    return pe.astype(np.float32)


def _make_embed(flat_n):
    per_w = flat_n // NW
    n_chunks = per_w // CH
    assert n_chunks % 2 == 0

    mesh = plsc.VectorSubcoreMesh(
        core_axis_name="c", subcore_axis_name="s",
        num_cores=NUM_CORES, num_subcores=NUM_SUBCORES,
    )

    @functools.partial(
        pl.kernel,
        out_type=jax.ShapeDtypeStruct((flat_n, D_MODEL), jnp.float32),
        mesh=mesh,
        scratch_types=[
            pltpu.VMEM((n_chunks, CH), jnp.int32),
            pltpu.VMEM((n_chunks, CH), jnp.int32),
            pltpu.VMEM((PE_ELEMS,), jnp.float32),
            pltpu.VMEM((2, CH, 2 * D_MODEL), jnp.float32),
            pltpu.VMEM((2, CH, D_MODEL), jnp.float32),
            pltpu.SemaphoreType.DMA,
            pltpu.SemaphoreType.DMA,
            pltpu.SemaphoreType.DMA,
            pltpu.SemaphoreType.DMA,
        ],
        compiler_params=pltpu.CompilerParams(use_tc_tiling_on_sc=True),
    )
    def embed(idx_hbm, par_hbm, table_hbm, pe_hbm, out_hbm,
              idx_v, par_v, pe_v, rows_v, sbuf_v, g0, g1, s0, s1):
        wid = lax.axis_index("s") * NUM_CORES + lax.axis_index("c")
        chunk0 = wid * n_chunks
        pltpu.sync_copy(idx_hbm.at[pl.ds(chunk0, n_chunks)], idx_v)
        pltpu.sync_copy(par_hbm.at[pl.ds(chunk0, n_chunks)], par_v)
        pltpu.sync_copy(pe_hbm, pe_v)

        gbufs = (rows_v.at[0], rows_v.at[1])
        sbufs = (sbuf_v.at[0], sbuf_v.at[1])
        gsems = (g0, g1)
        ssems = (s0, s1)

        def gather(g, b):
            return pltpu.make_async_copy(table_hbm.at[idx_v.at[g]], gbufs[b], gsems[b])

        def store(g, b):
            return pltpu.make_async_copy(
                sbufs[b], out_hbm.at[pl.ds((chunk0 + g) * CH, CH)], ssems[b]
            )

        def compute(g, b):
            pos0 = lax.rem((chunk0 + g) * CH, L_SEQ)
            gbuf = gbufs[b]
            sbuf = sbufs[b]

            def grp_body(q, c2):
                r0 = q * 16
                par16 = par_v[g, pl.ds(r0, 16)]
                for k in range(16):
                    r = r0 + k
                    pos = pos0 + r
                    pos = jnp.where(pos >= L_SEQ, pos - L_SEQ, pos)
                    pb = pos * D_MODEL
                    h = par16[k]
                    for c in range(D_MODEL // 16):
                        sbuf[r, pl.ds(c * 16, 16)] = (
                            gbuf[r, pl.ds(h + c * 16, 16)] * 8.0
                            + pe_v[pl.ds(pb + c * 16, 16)]
                        )
                return c2

            lax.fori_loop(0, CH // 16, grp_body, 0)

        gather(0, 0).start()

        def pair_body(g2, carry):
            for b in range(2):
                g = g2 * 2 + b
                nb = 1 - b

                @pl.when(g + 1 < n_chunks)
                def _():
                    gather(g + 1, nb).start()

                @pl.when(g >= 2)
                def _():
                    store(g - 2, b).wait()

                gather(g, b).wait()
                compute(g, b)
                store(g, b).start()
            return carry

        lax.fori_loop(0, n_chunks // 2, pair_body, 0)
        store(n_chunks - 2, 0).wait()
        store(n_chunks - 1, 1).wait()

    return embed


def kernel(x, emb_table):
    b, l = x.shape
    flat_n = b * l
    assert l == L_SEQ and flat_n % (NW * CH) == 0
    pe = jnp.asarray(_positional_encoding_np(L_SEQ, D_MODEL).reshape(-1))
    xf = x.reshape(flat_n // CH, CH).astype(jnp.int32)
    idx2 = xf >> 1
    par = (xf & 1) * D_MODEL
    table2 = emb_table.reshape(emb_table.shape[0] // 2, 2 * D_MODEL)
    out = _make_embed(flat_n)(idx2, par, table2, pe)
    return out.reshape(b, l, D_MODEL)

# --- scband reference (transcript-rebuilt; emitter-appended) ---
"""Pipeline reference for scband-embedder-6828998001070 (READ-ONLY COPY).

The authoritative reference and input builder live on the scoring server;
editing this copy changes nothing except your own understanding.
"""

import jax, jax.numpy as jnp
import numpy as np

D_MODEL = 64
VOCAB = 1000000
B = 4096
L = 200


def positional_encoding(max_len, d_model):
    # Faithful reproduction of the original numpy PE construction:
    # sin of even-indexed scaled-position columns in the first half,
    # cos of the same columns in the second half.
    pos = np.expand_dims(np.arange(0, max_len), axis=1)
    div_term = np.array([[1 / np.power(10000, 2 * (i // 2) / d_model) for i in range(d_model)]])
    posd = pos * div_term
    pe = np.zeros((max_len, d_model))
    pe[:, 0:d_model // 2] = np.sin(posd[:, 0::2])
    pe[:, d_model // 2:] = np.cos(posd[:, 0::2])
    pe = np.expand_dims(pe, 0)
    return jnp.asarray(pe, dtype=jnp.float32)


def setup_inputs(seed: int = 0) -> dict:
    key = jax.random.key(seed)
    k1, k2 = jax.random.split(key)
    x = jax.random.randint(k1, (B, L), 0, VOCAB)
    emb_table = jax.random.normal(k2, (VOCAB, D_MODEL), dtype=jnp.float32) * 0.02
    return {"x": x, "emb_table": emb_table}


def reference(x, emb_table):
    max_len = x.shape[1]
    pe = positional_encoding(max_len, D_MODEL)
    out = jnp.take(emb_table, x, axis=0) * jnp.sqrt(jnp.asarray(D_MODEL, dtype=jnp.float32))
    out = out + pe
    return out

if __name__ == "__main__":
    import jax
    _d = setup_inputs()
    print(jax.jit(kernel)(*tuple(_d.values())))

</pallas_src>

<mosaic_0001>
#map = affine_map<(d0, d1) -> (0, 0)>
#map1 = affine_map<(d0, d1) -> (0)>
module attributes {stable_mosaic.version = 14 : i64} {
  func.func @embed(%arg0: i32, %arg1: i32, %arg2: memref<6400x128xi32, #tpu.memory_space<hbm>>, %arg3: memref<6400x128xi32, #tpu.memory_space<hbm>>, %arg4: memref<500000x128xf32, #tpu.memory_space<hbm>>, %arg5: memref<12800xf32, #tpu.memory_space<hbm>>, %arg6: memref<819200x64xf32, #tpu.memory_space<hbm>>, %arg7: memref<200x128xi32, #tpu.memory_space<vmem>>, %arg8: memref<200x128xi32, #tpu.memory_space<vmem>>, %arg9: memref<12800xf32, #tpu.memory_space<vmem>>, %arg10: memref<2x128x128xf32, #tpu.memory_space<vmem>>, %arg11: memref<2x128x64xf32, #tpu.memory_space<vmem>>, %arg12: memref<!tpu.dma_semaphore, #tpu.memory_space<semaphore_mem>>, %arg13: memref<!tpu.dma_semaphore, #tpu.memory_space<semaphore_mem>>, %arg14: memref<!tpu.dma_semaphore, #tpu.memory_space<semaphore_mem>>, %arg15: memref<!tpu.dma_semaphore, #tpu.memory_space<semaphore_mem>>) attributes {dimension_semantics = [#tpu.dimension_semantics<core_parallel>, #tpu.dimension_semantics<subcore_parallel>], iteration_bounds = array<i64: 2, 16>, scalar_prefetch = 0 : i64, scratch_operands = 9 : i64, tpu.core_type = #tpu.core_type<sc_vector_subcore>, window_params = [{transform_indices = #map}, {transform_indices = #map}, {transform_indices = #map}, {transform_indices = #map1}, {transform_indices = #map}]} {
    %mul3A = arith.constant 2 : i32
    %mul3A_0 = arith.muli %arg1, %mul3A : i32
    %add3A = arith.addi %mul3A_0, %arg0 : i32
    %mul3A_1 = arith.constant 200 : i32
    %mul3A_2 = arith.muli %add3A, %mul3A_1 : i32
    "tpu.region"() ({
      %run_scoped3A = tpu.sem_alloc : memref<!tpu.dma_semaphore, #tpu.memory_space<semaphore_mem>>
      %dma_start3A_56 = arith.constant 0 : i32
      %dma_start3A_57 = tpu.memref_slice %arg2[%mul3A_2, %dma_start3A_56] : memref<6400x128xi32, #tpu.memory_space<hbm>> -> memref<200x128xi32, #tpu.memory_space<hbm>>
      %dma_start3A_58 = arith.constant 0 : i32
      %dma_start3A_59 = tpu.memref_slice %arg2[%mul3A_2, %dma_start3A_58] : memref<6400x128xi32, #tpu.memory_space<hbm>> -> memref<200x128xi32, #tpu.memory_space<hbm>>
      tpu.enqueue_dma source(%dma_start3A_59 : memref<200x128xi32, #tpu.memory_space<hbm>>) target(%arg7 : memref<200x128xi32, #tpu.memory_space<vmem>>) target_semaphore(%run_scoped3A : memref<!tpu.dma_semaphore, #tpu.memory_space<semaphore_mem>>)
      %dma_wait3A_60 = arith.constant 0 : i32
      %dma_wait3A_61 = tpu.memref_slice %arg2[%mul3A_2, %dma_wait3A_60] : memref<6400x128xi32, #tpu.memory_space<hbm>> -> memref<200x128xi32, #tpu.memory_space<hbm>>
      %dma_wait3A_62 = arith.constant 0 : i32
      %dma_wait3A_63 = tpu.memref_slice %arg2[%mul3A_2, %dma_wait3A_62] : memref<6400x128xi32, #tpu.memory_space<hbm>> -> memref<200x128xi32, #tpu.memory_space<hbm>>
      tpu.wait_dma2 semaphore(%run_scoped3A : memref<!tpu.dma_semaphore, #tpu.memory_space<semaphore_mem>>) src(%dma_wait3A_63 : memref<200x128xi32, #tpu.memory_space<hbm>>) dst(%arg7 : memref<200x128xi32, #tpu.memory_space<vmem>>)
      tpu.yield
    }) : () -> ()
    "tpu.region"() ({
      %run_scoped3A = tpu.sem_alloc : memref<!tpu.dma_semaphore, #tpu.memory_space<semaphore_mem>>
      %dma_start3A_56 = arith.constant 0 : i32
      %dma_start3A_57 = tpu.memref_slice %arg3[%mul3A_2, %dma_start3A_56] : memref<6400x128xi32, #tpu.memory_space<hbm>> -> memref<200x128xi32, #tpu.memory_space<hbm>>
      %dma_start3A_58 = arith.constant 0 : i32
      %dma_start3A_59 = tpu.memref_slice %arg3[%mul3A_2, %dma_start3A_58] : memref<6400x128xi32, #tpu.memory_space<hbm>> -> memref<200x128xi32, #tpu.memory_space<hbm>>
      tpu.enqueue_dma source(%dma_start3A_59 : memref<200x128xi32, #tpu.memory_space<hbm>>) target(%arg8 : memref<200x128xi32, #tpu.memory_space<vmem>>) target_semaphore(%run_scoped3A : memref<!tpu.dma_semaphore, #tpu.memory_space<semaphore_mem>>)
      %dma_wait3A_60 = arith.constant 0 : i32
      %dma_wait3A_61 = tpu.memref_slice %arg3[%mul3A_2, %dma_wait3A_60] : memref<6400x128xi32, #tpu.memory_space<hbm>> -> memref<200x128xi32, #tpu.memory_space<hbm>>
      %dma_wait3A_62 = arith.constant 0 : i32
      %dma_wait3A_63 = tpu.memref_slice %arg3[%mul3A_2, %dma_wait3A_62] : memref<6400x128xi32, #tpu.memory_space<hbm>> -> memref<200x128xi32, #tpu.memory_space<hbm>>
      tpu.wait_dma2 semaphore(%run_scoped3A : memref<!tpu.dma_semaphore, #tpu.memory_space<semaphore_mem>>) src(%dma_wait3A_63 : memref<200x128xi32, #tpu.memory_space<hbm>>) dst(%arg8 : memref<200x128xi32, #tpu.memory_space<vmem>>)
      tpu.yield
    }) : () -> ()
    "tpu.region"() ({
      %run_scoped3A = tpu.sem_alloc : memref<!tpu.dma_semaphore, #tpu.memory_space<semaphore_mem>>
      tpu.enqueue_dma source(%arg5 : memref<12800xf32, #tpu.memory_space<hbm>>) target(%arg9 : memref<12800xf32, #tpu.memory_space<vmem>>) target_semaphore(%run_scoped3A : memref<!tpu.dma_semaphore, #tpu.memory_space<semaphore_mem>>)
      tpu.wait_dma2 semaphore(%run_scoped3A : memref<!tpu.dma_semaphore, #tpu.memory_space<semaphore_mem>>) src(%arg5 : memref<12800xf32, #tpu.memory_space<hbm>>) dst(%arg9 : memref<12800xf32, #tpu.memory_space<vmem>>)
      tpu.yield
    }) : () -> ()
    %dma_start3A = arith.constant 0 : i32
    %dma_start3A_3 = arith.constant 0 : i32
    %dma_start3A_4 = arith.constant 0 : i32
    %dma_start3A_5 = arith.constant 0 : i32
    %dma_start3A_6 = tpu.memref_slice %arg10[%dma_start3A_3, %dma_start3A_4, %dma_start3A_5] : memref<2x128x128xf32, #tpu.memory_space<vmem>> -> memref<1x128x128xf32, #tpu.memory_space<vmem>>
    %dma_start3A_7 = tpu.memref_squeeze %dma_start3A_6 : memref<1x128x128xf32, #tpu.memory_space<vmem>> -> memref<128x128xf32, #tpu.memory_space<vmem>>
    %dma_start3A_8 = arith.constant 0 : i32
    %dma_start3A_9 = tpu.memref_slice %arg7[%dma_start3A, %dma_start3A_8] : memref<200x128xi32, #tpu.memory_space<vmem>> -> memref<1x128xi32, #tpu.memory_space<vmem>>
    %dma_start3A_10 = tpu.memref_squeeze %dma_start3A_9 : memref<1x128xi32, #tpu.memory_space<vmem>> -> memref<128xi32, #tpu.memory_space<vmem>>
    %dma_start3A_11 = arith.constant 0 : i32
    %dma_start3A_12 = arith.constant 0 : i32
    %dma_start3A_13 = tpu.memref_slice %arg4[%dma_start3A_11, %dma_start3A_12] : memref<500000x128xf32, #tpu.memory_space<hbm>> -> memref<500000x128xf32, #tpu.memory_space<hbm>>
    tpu.enqueue_indirect_dma source(%dma_start3A_13 : memref<500000x128xf32, #tpu.memory_space<hbm>>) target(%dma_start3A_7 : memref<128x128xf32, #tpu.memory_space<vmem>>) offsets(%dma_start3A_10 : memref<128xi32, #tpu.memory_space<vmem>>) semaphore(%arg12 : memref<!tpu.dma_semaphore, #tpu.memory_space<semaphore_mem>>)
    %scan3A = arith.constant 0 : i32
    %scan3A_14 = arith.constant 1 : i32
    %scan3A_15 = arith.constant 0 : i32
    %scan3A_16 = arith.constant 0 : i32
    %scan3A_17 = arith.constant 1 : i32
    %scan3A_18 = arith.constant 0 : i32
    %scan3A_19 = arith.constant 100 : i32
    %scan3A_20 = arith.addi %scan3A_18, %scan3A_19 : i32
    %scan3A_21 = arith.constant 1 : i32
    scf.for %scan3A_56 = %scan3A_18 to %scan3A_20 step %scan3A_21  : i32 {
      %mul3A_57 = arith.constant 2 : i32
      %mul3A_58 = arith.muli %scan3A_56, %mul3A_57 : i32
      %add3A_59 = arith.constant 0 : i32
      %add3A_60 = arith.addi %mul3A_58, %add3A_59 : i32
      %add3A_61 = arith.constant 1 : i32
      %add3A_62 = arith.addi %add3A_60, %add3A_61 : i32
      %lt3A = arith.constant 200 : i32
      %lt3A_63 = arith.cmpi slt, %add3A_62, %lt3A : i32
      %convert_element_type3A = arith.extui %lt3A_63 : i1 to i32
      %cond3A = arith.constant 0 : i32
      %cond3A_64 = arith.cmpi ne, %convert_element_type3A, %cond3A : i32
      scf.if %cond3A_64 {
        %add3A_156 = arith.constant 1 : i32
        %add3A_157 = arith.addi %add3A_60, %add3A_156 : i32
        %dma_start3A_158 = arith.constant 0 : i32
        %dma_start3A_159 = arith.constant 0 : i32
        %dma_start3A_160 = tpu.memref_slice %arg10[%scan3A_14, %dma_start3A_158, %dma_start3A_159] : memref<2x128x128xf32, #tpu.memory_space<vmem>> -> memref<1x128x128xf32, #tpu.memory_space<vmem>>
        %dma_start3A_161 = tpu.memref_squeeze %dma_start3A_160 : memref<1x128x128xf32, #tpu.memory_space<vmem>> -> memref<128x128xf32, #tpu.memory_space<vmem>>
        %dma_start3A_162 = arith.constant 0 : i32
        %dma_start3A_163 = tpu.memref_slice %arg7[%add3A_157, %dma_start3A_162] : memref<200x128xi32, #tpu.memory_space<vmem>> -> memref<1x128xi32, #tpu.memory_space<vmem>>
        %dma_start3A_164 = tpu.memref_squeeze %dma_start3A_163 : memref<1x128xi32, #tpu.memory_space<vmem>> -> memref<128xi32, #tpu.memory_space<vmem>>
        %dma_start3A_165 = arith.constant 0 : i32
        %dma_start3A_166 = arith.constant 0 : i32
        %dma_start3A_167 = tpu.memref_slice %arg4[%dma_start3A_165, %dma_start3A_166] : memref<500000x128xf32, #tpu.memory_space<hbm>> -> memref<500000x128xf32, #tpu.memory_space<hbm>>
        tpu.enqueue_indirect_dma source(%dma_start3A_167 : memref<500000x128xf32, #tpu.memory_space<hbm>>) target(%dma_start3A_161 : memref<128x128xf32, #tpu.memory_space<vmem>>) offsets(%dma_start3A_164 : memref<128xi32, #tpu.memory_space<vmem>>) semaphore(%arg13 : memref<!tpu.dma_semaphore, #tpu.memory_space<semaphore_mem>>)
      } else {
      }
      %ge3A = arith.constant 2 : i32
      %ge3A_65 = arith.cmpi sge, %add3A_60, %ge3A : i32
      %convert_element_type3A_66 = arith.extui %ge3A_65 : i1 to i32
      %cond3A_67 = arith.constant 0 : i32
      %cond3A_68 = arith.cmpi ne, %convert_element_type3A_66, %cond3A_67 : i32
      scf.if %cond3A_68 {
        %sub3A = arith.constant 2 : i32
        %sub3A_156 = arith.subi %add3A_60, %sub3A : i32
        %add3A_157 = arith.addi %mul3A_2, %sub3A_156 : i32
        %mul3A_158 = arith.constant 128 : i32
        %mul3A_159 = arith.muli %add3A_157, %mul3A_158 : i32
        %dma_wait3A_160 = arith.constant 0 : i32
        %dma_wait3A_161 = arith.constant 0 : i32
        %dma_wait3A_162 = tpu.memref_slice %arg11[%scan3A_15, %dma_wait3A_160, %dma_wait3A_161] : memref<2x128x64xf32, #tpu.memory_space<vmem>> -> memref<1x128x64xf32, #tpu.memory_space<vmem>>
        %dma_wait3A_163 = tpu.memref_squeeze %dma_wait3A_162 : memref<1x128x64xf32, #tpu.memory_space<vmem>> -> memref<128x64xf32, #tpu.memory_space<vmem>>
        %dma_wait3A_164 = arith.constant 0 : i32
        %dma_wait3A_165 = tpu.memref_slice %arg6[%mul3A_159, %dma_wait3A_164] : memref<819200x64xf32, #tpu.memory_space<hbm>> -> memref<128x64xf32, #tpu.memory_space<hbm>>
        %dma_wait3A_166 = arith.constant 0 : i32
        %dma_wait3A_167 = tpu.memref_slice %arg6[%mul3A_159, %dma_wait3A_166] : memref<819200x64xf32, #tpu.memory_space<hbm>> -> memref<128x64xf32, #tpu.memory_space<hbm>>
        %dma_wait3A_168 = arith.constant 0 : i32
        %dma_wait3A_169 = arith.constant 0 : i32
        %dma_wait3A_170 = tpu.memref_slice %arg11[%scan3A_15, %dma_wait3A_168, %dma_wait3A_169] : memref<2x128x64xf32, #tpu.memory_space<vmem>> -> memref<1x128x64xf32, #tpu.memory_space<vmem>>
        %dma_wait3A_171 = tpu.memref_squeeze %dma_wait3A_170 : memref<1x128x64xf32, #tpu.memory_space<vmem>> -> memref<128x64xf32, #tpu.memory_space<vmem>>
        tpu.wait_dma2 semaphore(%arg14 : memref<!tpu.dma_semaphore, #tpu.memory_space<semaphore_mem>>) src(%dma_wait3A_171 : memref<128x64xf32, #tpu.memory_space<vmem>>) dst(%dma_wait3A_167 : memref<128x64xf32, #tpu.memory_space<hbm>>)
      } else {
      }
      %dma_wait3A_69 = arith.constant 0 : i32
      %dma_wait3A_70 = arith.constant 0 : i32
      %dma_wait3A_71 = tpu.memref_slice %arg10[%scan3A_16, %dma_wait3A_69, %dma_wait3A_70] : memref<2x128x128xf32, #tpu.memory_space<vmem>> -> memref<1x128x128xf32, #tpu.memory_space<vmem>>
      %dma_wait3A_72 = tpu.memref_squeeze %dma_wait3A_71 : memref<1x128x128xf32, #tpu.memory_space<vmem>> -> memref<128x128xf32, #tpu.memory_space<vmem>>
      %dma_wait3A_73 = arith.constant 0 : i32
      %dma_wait3A_74 = tpu.memref_slice %arg7[%add3A_60, %dma_wait3A_73] : memref<200x128xi32, #tpu.memory_space<vmem>> -> memref<1x128xi32, #tpu.memory_space<vmem>>
      %dma_wait3A_75 = tpu.memref_squeeze %dma_wait3A_74 : memref<1x128xi32, #tpu.memory_space<vmem>> -> memref<128xi32, #tpu.memory_space<vmem>>
      %dma_wait3A_76 = arith.constant 0 : i32
      %dma_wait3A_77 = arith.constant 0 : i32
      %dma_wait3A_78 = tpu.memref_slice %arg4[%dma_wait3A_76, %dma_wait3A_77] : memref<500000x128xf32, #tpu.memory_space<hbm>> -> memref<500000x128xf32, #tpu.memory_space<hbm>>
      tpu.wait_indirect_dma semaphore(%arg12 : memref<!tpu.dma_semaphore, #tpu.memory_space<semaphore_mem>>) src(%dma_wait3A_78 : memref<500000x128xf32, #tpu.memory_space<hbm>>) dst(%dma_wait3A_72 : memref<128x128xf32, #tpu.memory_space<vmem>>)
      %add3A_79 = arith.addi %mul3A_2, %add3A_60 : i32
      %mul3A_80 = arith.constant 128 : i32
      %mul3A_81 = arith.muli %add3A_79, %mul3A_80 : i32
      %rem3A = arith.constant 200 : i32
      %rem3A_82 = arith.remsi %mul3A_81, %rem3A : i32
      %scan3A_83 = arith.constant 0 : i32
      %scan3A_84 = arith.constant 0 : i32
      %scan3A_85 = arith.constant 8 : i32
      %scan3A_86 = arith.addi %scan3A_84, %scan3A_85 : i32
      %scan3A_87 = arith.constant 1 : i32
      scf.for %scan3A_156 = %scan3A_84 to %scan3A_86 step %scan3A_87  : i32 {
        %mul3A_157 = arith.constant 16 : i32
        %mul3A_158 = arith.muli %scan3A_156, %mul3A_157 : i32
        %get3A = arith.index_cast %add3A_60 : i32 to index
        %get3A_159 = arith.index_cast %mul3A_158 : i32 to index
        %get3A_160 = tpu.vector_load %arg8[%get3A, %get3A_159] {strides = array<i32>} : memref<200x128xi32, #tpu.memory_space<vmem>>, vector<1x16xi32>,
        %get3A_161 = vector.shape_cast %get3A_160 : vector<1x16xi32> to vector<16xi32>
        %add3A_162 = arith.constant 0 : i32
        %add3A_163 = arith.addi %mul3A_158, %add3A_162 : i32
        %add3A_164 = arith.addi %rem3A_82, %add3A_163 : i32
        %ge3A_165 = arith.constant 200 : i32
        %ge3A_166 = arith.cmpi sge, %add3A_164, %ge3A_165 : i32
        %sub3A = arith.constant 200 : i32
        %sub3A_167 = arith.subi %add3A_164, %sub3A : i32
        %select_n3A = arith.select %ge3A_166, %sub3A_167, %add3A_164 : i32
        %mul3A_168 = arith.constant 64 : i32
        %mul3A_169 = arith.muli %select_n3A, %mul3A_168 : i32
        %slice3A = vector.extract_strided_slice %get3A_161 {offsets = [0], sizes = [1], strides = [1]} : vector<16xi32> to vector<1xi32>
        %squeeze3A = vector.extract %slice3A[0] : i32 from vector<1xi32>
        %add3A_170 = arith.constant 0 : i32
        %add3A_171 = arith.addi %squeeze3A, %add3A_170 : i32
        %get3A_172 = arith.constant 0 : i32
        %get3A_173 = arith.constant 0 : i32
        %get3A_174 = tpu.memref_slice %arg10[%scan3A_16, %get3A_172, %get3A_173] : memref<2x128x128xf32, #tpu.memory_space<vmem>> -> memref<1x128x128xf32, #tpu.memory_space<vmem>>
        %get3A_175 = tpu.memref_squeeze %get3A_174 : memref<1x128x128xf32, #tpu.memory_space<vmem>> -> memref<128x128xf32, #tpu.memory_space<vmem>>
        %get3A_176 = arith.index_cast %add3A_163 : i32 to index
        %get3A_177 = arith.index_cast %add3A_171 : i32 to index
        %get3A_178 = tpu.vector_load %get3A_175[%get3A_176, %get3A_177] {strides = array<i32>} : memref<128x128xf32, #tpu.memory_space<vmem>>, vector<1x16xf32>,
        %get3A_179 = vector.shape_cast %get3A_178 : vector<1x16xf32> to vector<16xf32>
        %mul3A_180 = arith.constant 8.000000e+00 : f32
        %mul3A_181 = vector.broadcast %mul3A_180 : f32 to vector<16xf32>
        %mul3A_182 = arith.mulf %get3A_179, %mul3A_181 : vector<16xf32>
        %add3A_183 = arith.constant 0 : i32
        %add3A_184 = arith.addi %mul3A_169, %add3A_183 : i32
        %get3A_185 = arith.index_cast %add3A_184 : i32 to index
        %get3A_186 = tpu.vector_load %arg9[%get3A_185] {strides = array<i32>} : memref<12800xf32, #tpu.memory_space<vmem>>, vector<16xf32>,
        %get3A_187 = vector.shape_cast %get3A_186 : vector<16xf32> to vector<16xf32>
        %add3A_188 = arith.addf %mul3A_182, %get3A_187 : vector<16xf32>
        %swap3A = arith.constant 0 : i32
        %swap3A_189 = arith.constant 0 : i32
        %swap3A_190 = tpu.memref_slice %arg11[%scan3A_15, %swap3A, %swap3A_189] : memref<2x128x64xf32, #tpu.memory_space<vmem>> -> memref<1x128x64xf32, #tpu.memory_space<vmem>>
        %swap3A_191 = tpu.memref_squeeze %swap3A_190 : memref<1x128x64xf32, #tpu.memory_space<vmem>> -> memref<128x64xf32, #tpu.memory_space<vmem>>
        %swap3A_192 = arith.index_cast %add3A_163 : i32 to index
        %swap3A_193 = arith.constant 0 : index
        %swap3A_194 = tpu.vector_load %swap3A_191[%swap3A_192, %swap3A_193] {strides = array<i32>} : memref<128x64xf32, #tpu.memory_space<vmem>>, vector<1x16xf32>,
        %swap3A_195 = vector.shape_cast %swap3A_194 : vector<1x16xf32> to vector<16xf32>
        %swap3A_196 = vector.shape_cast %add3A_188 : vector<16xf32> to vector<1x16xf32>
        tpu.vector_store %swap3A_191[%swap3A_192, %swap3A_193], %swap3A_196 {strides = array<i32>} : memref<128x64xf32, #tpu.memory_space<vmem>>, vector<1x16xf32>,
        %add3A_197 = arith.constant 16 : i32
        %add3A_198 = arith.addi %squeeze3A, %add3A_197 : i32
        %get3A_199 = arith.constant 0 : i32
        %get3A_200 = arith.constant 0 : i32
        %get3A_201 = tpu.memref_slice %arg10[%scan3A_16, %get3A_199, %get3A_200] : memref<2x128x128xf32, #tpu.memory_space<vmem>> -> memref<1x128x128xf32, #tpu.memory_space<vmem>>
        %get3A_202 = tpu.memref_squeeze %get3A_201 : memref<1x128x128xf32, #tpu.memory_space<vmem>> -> memref<128x128xf32, #tpu.memory_space<vmem>>
        %get3A_203 = arith.index_cast %add3A_163 : i32 to index
        %get3A_204 = arith.index_cast %add3A_198 : i32 to index
        %get3A_205 = tpu.vector_load %get3A_202[%get3A_203, %get3A_204] {strides = array<i32>} : memref<128x128xf32, #tpu.memory_space<vmem>>, vector<1x16xf32>,
        %get3A_206 = vector.shape_cast %get3A_205 : vector<1x16xf32> to vector<16xf32>
        %mul3A_207 = arith.constant 8.000000e+00 : f32
        %mul3A_208 = vector.broadcast %mul3A_207 : f32 to vector<16xf32>
        %mul3A_209 = arith.mulf %get3A_206, %mul3A_208 : vector<16xf32>
        %add3A_210 = arith.constant 16 : i32
        %add3A_211 = arith.addi %mul3A_169, %add3A_210 : i32
        %get3A_212 = arith.index_cast %add3A_211 : i32 to index
        %get3A_213 = tpu.vector_load %arg9[%get3A_212] {strides = array<i32>} : memref<12800xf32, #tpu.memory_space<vmem>>, vector<16xf32>,
        %get3A_214 = vector.shape_cast %get3A_213 : vector<16xf32> to vector<16xf32>
        %add3A_215 = arith.addf %mul3A_209, %get3A_214 : vector<16xf32>
        %swap3A_216 = arith.constant 0 : i32
        %swap3A_217 = arith.constant 0 : i32
        %swap3A_218 = tpu.memref_slice %arg11[%scan3A_15, %swap3A_216, %swap3A_217] : memref<2x128x64xf32, #tpu.memory_space<vmem>> -> memref<1x128x64xf32, #tpu.memory_space<vmem>>
        %swap3A_219 = tpu.memref_squeeze %swap3A_218 : memref<1x128x64xf32, #tpu.memory_space<vmem>> -> memref<128x64xf32, #tpu.memory_space<vmem>>
        %swap3A_220 = arith.index_cast %add3A_163 : i32 to index
        %swap3A_221 = arith.constant 16 : index
        %swap3A_222 = tpu.vector_load %swap3A_219[%swap3A_220, %swap3A_221] {strides = array<i32>} : memref<128x64xf32, #tpu.memory_space<vmem>>, vector<1x16xf32>,
        %swap3A_223 = vector.shape_cast %swap3A_222 : vector<1x16xf32> to vector<16xf32>
        %swap3A_224 = vector.shape_cast %add3A_215 : vector<16xf32> to vector<1x16xf32>
        tpu.vector_store %swap3A_219[%swap3A_220, %swap3A_221], %swap3A_224 {strides = array<i32>} : memref<128x64xf32, #tpu.memory_space<vmem>>, vector<1x16xf32>,
        %add3A_225 = arith.constant 32 : i32
        %add3A_226 = arith.addi %squeeze3A, %add3A_225 : i32
        %get3A_227 = arith.constant 0 : i32
        %get3A_228 = arith.constant 0 : i32
        %get3A_229 = tpu.memref_slice %arg10[%scan3A_16, %get3A_227, %get3A_228] : memref<2x128x128xf32, #tpu.memory_space<vmem>> -> memref<1x128x128xf32, #tpu.memory_space<vmem>>
        %get3A_230 = tpu.memref_squeeze %get3A_229 : memref<1x128x128xf32, #tpu.memory_space<vmem>> -> memref<128x128xf32, #tpu.memory_space<vmem>>
        %get3A_231 = arith.index_cast %add3A_163 : i32 to index
        %get3A_232 = arith.index_cast %add3A_226 : i32 to index
        %get3A_233 = tpu.vector_load %get3A_230[%get3A_231, %get3A_232] {strides = array<i32>} : memref<128x128xf32, #tpu.memory_space<vmem>>, vector<1x16xf32>,
        %get3A_234 = vector.shape_cast %get3A_233 : vector<1x16xf32> to vector<16xf32>
        %mul3A_235 = arith.constant 8.000000e+00 : f32
        %mul3A_236 = vector.broadcast %mul3A_235 : f32 to vector<16xf32>
        %mul3A_237 = arith.mulf %get3A_234, %mul3A_236 : vector<16xf32>
        %add3A_238 = arith.constant 32 : i32
        %add3A_239 = arith.addi %mul3A_169, %add3A_238 : i32
        %get3A_240 = arith.index_cast %add3A_239 : i32 to index
        %get3A_241 = tpu.vector_load %arg9[%get3A_240] {strides = array<i32>} : memref<12800xf32, #tpu.memory_space<vmem>>, vector<16xf32>,
        %get3A_242 = vector.shape_cast %get3A_241 : vector<16xf32> to vector<16xf32>
        %add3A_243 = arith.addf %mul3A_237, %get3A_242 : vector<16xf32>
        %swap3A_244 = arith.constant 0 : i32
        %swap3A_245 = arith.constant 0 : i32
        %swap3A_246 = tpu.memref_slice %arg11[%scan3A_15, %swap3A_244, %swap3A_245] : memref<2x128x64xf32, #tpu.memory_space<vmem>> -> memref<1x128x64xf32, #tpu.memory_space<vmem>>
        %swap3A_247 = tpu.memref_squeeze %swap3A_246 : memref<1x128x64xf32, #tpu.memory_space<vmem>> -> memref<128x64xf32, #tpu.memory_space<vmem>>
        %swap3A_248 = arith.index_cast %add3A_163 : i32 to index
        %swap3A_249 = arith.constant 32 : index
        %swap3A_250 = tpu.vector_load %swap3A_247[%swap3A_248, %swap3A_249] {strides = array<i32>} : memref<128x64xf32, #tpu.memory_space<vmem>>, vector<1x16xf32>,
        %swap3A_251 = vector.shape_cast %swap3A_250 : vector<1x16xf32> to vector<16xf32>
        %swap3A_252 = vector.shape_cast %add3A_243 : vector<16xf32> to vector<1x16xf32>
        tpu.vector_store %swap3A_247[%swap3A_248, %swap3A_249], %swap3A_252 {strides = array<i32>} : memref<128x64xf32, #tpu.memory_space<vmem>>, vector<1x16xf32>,
        %add3A_253 = arith.constant 48 : i32
        %add3A_254 = arith.addi %squeeze3A, %add3A_253 : i32
        %get3A_255 = arith.constant 0 : i32
        %get3A_256 = arith.constant 0 : i32
        %get3A_257 = tpu.memref_slice %arg10[%scan3A_16, %get3A_255, %get3A_256] : memref<2x128x128xf32, #tpu.memory_space<vmem>> -> memref<1x128x128xf32, #tpu.memory_space<vmem>>
        %get3A_258 = tpu.memref_squeeze %get3A_257 : memref<1x128x128xf32, #tpu.memory_space<vmem>> -> memref<128x128xf32, #tpu.memory_space<vmem>>
        %get3A_259 = arith.index_cast %add3A_163 : i32 to index
        %get3A_260 = arith.index_cast %add3A_254 : i32 to index
        %get3A_261 = tpu.vector_load %get3A_258[%get3A_259, %get3A_260] {strides = array<i32>} : memref<128x128xf32, #tpu.memory_space<vmem>>, vector<1x16xf32>,
        %get3A_262 = vector.shape_cast %get3A_261 : vector<1x16xf32> to vector<16xf32>
        %mul3A_263 = arith.constant 8.000000e+00 : f32
        %mul3A_264 = vector.broadcast %mul3A_263 : f32 to vector<16xf32>
        %mul3A_265 = arith.mulf %get3A_262, %mul3A_264 : vector<16xf32>
        %add3A_266 = arith.constant 48 : i32
        %add3A_267 = arith.addi %mul3A_169, %add3A_266 : i32
        %get3A_268 = arith.index_cast %add3A_267 : i32 to index
        %get3A_269 = tpu.vector_load %arg9[%get3A_268] {strides = array<i32>} : memref<12800xf32, #tpu.memory_space<vmem>>, vector<16xf32>,
        %get3A_270 = vector.shape_cast %get3A_269 : vector<16xf32> to vector<16xf32>
        %add3A_271 = arith.addf %mul3A_265, %get3A_270 : vector<16xf32>
        %swap3A_272 = arith.constant 0 : i32
        %swap3A_273 = arith.constant 0 : i32
        %swap3A_274 = tpu.memref_slice %arg11[%scan3A_15, %swap3A_272, %swap3A_273] : memref<2x128x64xf32, #tpu.memory_space<vmem>> -> memref<1x128x64xf32, #tpu.memory_space<vmem>>
        %swap3A_275 = tpu.memref_squeeze %swap3A_274 : memref<1x128x64xf32, #tpu.memory_space<vmem>> -> memref<128x64xf32, #tpu.memory_space<vmem>>
        %swap3A_276 = arith.index_cast %add3A_163 : i32 to index
        %swap3A_277 = arith.constant 48 : index
        %swap3A_278 = tpu.vector_load %swap3A_275[%swap3A_276, %swap3A_277] {strides = array<i32>} : memref<128x64xf32, #tpu.memory_space<vmem>>, vector<1x16xf32>,
        %swap3A_279 = vector.shape_cast %swap3A_278 : vector<1x16xf32> to vector<16xf32>
        %swap3A_280 = vector.shape_cast %add3A_271 : vector<16xf32> to vector<1x16xf32>
        tpu.vector_store %swap3A_275[%swap3A_276, %swap3A_277], %swap3A_280 {strides = array<i32>} : memref<128x64xf32, #tpu.memory_space<vmem>>, vector<1x16xf32>,
        %add3A_281 = arith.constant 1 : i32
        %add3A_282 = arith.addi %mul3A_158, %add3A_281 : i32
        %add3A_283 = arith.addi %rem3A_82, %add3A_282 : i32
        %ge3A_284 = arith.constant 200 : i32
        %ge3A_285 = arith.cmpi sge, %add3A_283, %ge3A_284 : i32
        %sub3A_286 = arith.constant 200 : i32
        %sub3A_287 = arith.subi %add3A_283, %sub3A_286 : i32
        %select_n3A_288 = arith.select %ge3A_285, %sub3A_287, %add3A_283 : i32
        %mul3A_289 = arith.constant 64 : i32
        %mul3A_290 = arith.muli %select_n3A_288, %mul3A_289 : i32
        %slice3A_291 = vector.extract_strided_slice %get3A_161 {offsets = [1], sizes = [1], strides = [1]} : vector<16xi32> to vector<1xi32>
        %squeeze3A_292 = vector.extract %slice3A_291[0] : i32 from vector<1xi32>
        %add3A_293 = arith.constant 0 : i32
        %add3A_294 = arith.addi %squeeze3A_292, %add3A_293 : i32
        %get3A_295 = arith.constant 0 : i32
        %get3A_296 = arith.constant 0 : i32
        %get3A_297 = tpu.memref_slice %arg10[%scan3A_16, %get3A_295, %get3A_296] : memref<2x128x128xf32, #tpu.memory_space<vmem>> -> memref<1x128x128xf32, #tpu.memory_space<vmem>>
        %get3A_298 = tpu.memref_squeeze %get3A_297 : memref<1x128x128xf32, #tpu.memory_space<vmem>> -> memref<128x128xf32, #tpu.memory_space<vmem>>
        %get3A_299 = arith.index_cast %add3A_282 : i32 to index
        %get3A_300 = arith.index_cast %add3A_294 : i32 to index
        %get3A_301 = tpu.vector_load %get3A_298[%get3A_299, %get3A_300] {strides = array<i32>} : memref<128x128xf32, #tpu.memory_space<vmem>>, vector<1x16xf32>,
        %get3A_302 = vector.shape_cast %get3A_301 : vector<1x16xf32> to vector<16xf32>
        %mul3A_303 = arith.constant 8.000000e+00 : f32
        %mul3A_304 = vector.broadcast %mul3A_303 : f32 to vector<16xf32>
        %mul3A_305 = arith.mulf %get3A_302, %mul3A_304 : vector<16xf32>
        %add3A_306 = arith.constant 0 : i32
        %add3A_307 = arith.addi %mul3A_290, %add3A_306 : i32
        %get3A_308 = arith.index_cast %add3A_307 : i32 to index
        %get3A_309 = tpu.vector_load %arg9[%get3A_308] {strides = array<i32>} : memref<12800xf32, #tpu.memory_space<vmem>>, vector<16xf32>,
        %get3A_310 = vector.shape_cast %get3A_309 : vector<16xf32> to vector<16xf32>
        %add3A_311 = arith.addf %mul3A_305, %get3A_310 : vector<16xf32>
        %swap3A_312 = arith.constant 0 : i32
        %swap3A_313 = arith.constant 0 : i32
        %swap3A_314 = tpu.memref_slice %arg11[%scan3A_15, %swap3A_312, %swap3A_313] : memref<2x128x64xf32, #tpu.memory_space<vmem>> -> memref<1x128x64xf32, #tpu.memory_space<vmem>>
        %swap3A_315 = tpu.memref_squeeze %swap3A_314 : memref<1x128x64xf32, #tpu.memory_space<vmem>> -> memref<128x64xf32, #tpu.memory_space<vmem>>
        %swap3A_316 = arith.index_cast %add3A_282 : i32 to index
        %swap3A_317 = arith.constant 0 : index
        %swap3A_318 = tpu.vector_load %swap3A_315[%swap3A_316, %swap3A_317] {strides = array<i32>} : memref<128x64xf32, #tpu.memory_space<vmem>>, vector<1x16xf32>,
        %swap3A_319 = vector.shape_cast %swap3A_318 : vector<1x16xf32> to vector<16xf32>
        %swap3A_320 = vector.shape_cast %add3A_311 : vector<16xf32> to vector<1x16xf32>
        tpu.vector_store %swap3A_315[%swap3A_316, %swap3A_317], %swap3A_320 {strides = array<i32>} : memref<128x64xf32, #tpu.memory_space<vmem>>, vector<1x16xf32>,
        %add3A_321 = arith.constant 16 : i32
        %add3A_322 = arith.addi %squeeze3A_292, %add3A_321 : i32
        %get3A_323 = arith.constant 0 : i32
        %get3A_324 = arith.constant 0 : i32
        %get3A_325 = tpu.memref_slice %arg10[%scan3A_16, %get3A_323, %get3A_324] : memref<2x128x128xf32, #tpu.memory_space<vmem>> -> memref<1x128x128xf32, #tpu.memory_space<vmem>>
        %get3A_326 = tpu.memref_squeeze %get3A_325 : memref<1x128x128xf32, #tpu.memory_space<vmem>> -> memref<128x128xf32, #tpu.memory_space<vmem>>
        %get3A_327 = arith.index_cast %add3A_282 : i32 to index
        %get3A_328 = arith.index_cast %add3A_322 : i32 to index
        %get3A_329 = tpu.vector_load %get3A_326[%get3A_327, %get3A_328] {strides = array<i32>} : memref<128x128xf32, #tpu.memory_space<vmem>>, vector<1x16xf32>,
        %get3A_330 = vector.shape_cast %get3A_329 : vector<1x16xf32> to vector<16xf32>
        %mul3A_331 = arith.constant 8.000000e+00 : f32
        %mul3A_332 = vector.broadcast %mul3A_331 : f32 to vector<16xf32>
        %mul3A_333 = arith.mulf %get3A_330, %mul3A_332 : vector<16xf32>
        %add3A_334 = arith.constant 16 : i32
        %add3A_335 = arith.addi %mul3A_290, %add3A_334 : i32
        %get3A_336 = arith.index_cast %add3A_335 : i32 to index
        %get3A_337 = tpu.vector_load %arg9[%get3A_336] {strides = array<i32>} : memref<12800xf32, #tpu.memory_space<vmem>>, vector<16xf32>,
        %get3A_338 = vector.shape_cast %get3A_337 : vector<16xf32> to vector<16xf32>
        %add3A_339 = arith.addf %mul3A_333, %get3A_338 : vector<16xf32>
        %swap3A_340 = arith.constant 0 : i32
        %swap3A_341 = arith.constant 0 : i32
        %swap3A_342 = tpu.memref_slice %arg11[%scan3A_15, %swap3A_340, %swap3A_341] : memref<2x128x64xf32, #tpu.memory_space<vmem>> -> memref<1x128x64xf32, #tpu.memory_space<vmem>>
        %swap3A_343 = tpu.memref_squeeze %swap3A_342 : memref<1x128x64xf32, #tpu.memory_space<vmem>> -> memref<128x64xf32, #tpu.memory_space<vmem>>
        %swap3A_344 = arith.index_cast %add3A_282 : i32 to index
        %swap3A_345 = arith.constant 16 : index
        %swap3A_346 = tpu.vector_load %swap3A_343[%swap3A_344, %swap3A_345] {strides = array<i32>} : memref<128x64xf32, #tpu.memory_space<vmem>>, vector<1x16xf32>,
        %swap3A_347 = vector.shape_cast %swap3A_346 : vector<1x16xf32> to vector<16xf32>
        %swap3A_348 = vector.shape_cast %add3A_339 : vector<16xf32> to vector<1x16xf32>
        tpu.vector_store %swap3A_343[%swap3A_344, %swap3A_345], %swap3A_348 {strides = array<i32>} : memref<128x64xf32, #tpu.memory_space<vmem>>, vector<1x16xf32>,
        %add3A_349 = arith.constant 32 : i32
        %add3A_350 = arith.addi %squeeze3A_292, %add3A_349 : i32
        %get3A_351 = arith.constant 0 : i32
        %get3A_352 = arith.constant 0 : i32
        %get3A_353 = tpu.memref_slice %arg10[%scan3A_16, %get3A_351, %get3A_352] : memref<2x128x128xf32, #tpu.memory_space<vmem>> -> memref<1x128x128xf32, #tpu.memory_space<vmem>>
        %get3A_354 = tpu.memref_squeeze %get3A_353 : memref<1x128x128xf32, #tpu.memory_space<vmem>> -> memref<128x128xf32, #tpu.memory_space<vmem>>
        %get3A_355 = arith.index_cast %add3A_282 : i32 to index
        %get3A_356 = arith.index_cast %add3A_350 : i32 to index
        %get3A_357 = tpu.vector_load %get3A_354[%get3A_355, %get3A_356] {strides = array<i32>} : memref<128x128xf32, #tpu.memory_space<vmem>>, vector<1x16xf32>,
        %get3A_358 = vector.shape_cast %get3A_357 : vector<1x16xf32> to vector<16xf32>
        %mul3A_359 = arith.constant 8.000000e+00 : f32
        %mul3A_360 = vector.broadcast %mul3A_359 : f32 to vector<16xf32>
        %mul3A_361 = arith.mulf %get3A_358, %mul3A_360 : vector<16xf32>
        %add3A_362 = arith.constant 32 : i32
        %add3A_363 = arith.addi %mul3A_290, %add3A_362 : i32
        %get3A_364 = arith.index_cast %add3A_363 : i32 to index
        %get3A_365 = tpu.vector_load %arg9[%get3A_364] {strides = array<i32>} : memref<12800xf32, #tpu.memory_space<vmem>>, vector<16xf32>,
        %get3A_366 = vector.shape_cast %get3A_365 : vector<16xf32> to vector<16xf32>
        %add3A_367 = arith.addf %mul3A_361, %get3A_366 : vector<16xf32>
        %swap3A_368 = arith.constant 0 : i32
        %swap3A_369 = arith.constant 0 : i32
        %swap3A_370 = tpu.memref_slice %arg11[%scan3A_15, %swap3A_368, %swap3A_369] : memref<2x128x64xf32, #tpu.memory_space<vmem>> -> memref<1x128x64xf32, #tpu.memory_space<vmem>>
        %swap3A_371 = tpu.memref_squeeze %swap3A_370 : memref<1x128x64xf32, #tpu.memory_space<vmem>> -> memref<128x64xf32, #tpu.memory_space<vmem>>
        %swap3A_372 = arith.index_cast %add3A_282 : i32 to index
        %swap3A_373 = arith.constant 32 : index
        %swap3A_374 = tpu.vector_load %swap3A_371[%swap3A_372, %swap3A_373] {strides = array<i32>} : memref<128x64xf32, #tpu.memory_space<vmem>>, vector<1x16xf32>,
        %swap3A_375 = vector.shape_cast %swap3A_374 : vector<1x16xf32> to vector<16xf32>
        %swap3A_376 = vector.shape_cast %add3A_367 : vector<16xf32> to vector<1x16xf32>
        tpu.vector_store %swap3A_371[%swap3A_372, %swap3A_373], %swap3A_376 {strides = array<i32>} : memref<128x64xf32, #tpu.memory_space<vmem>>, vector<1x16xf32>,
        %add3A_377 = arith.constant 48 : i32
        %add3A_378 = arith.addi %squeeze3A_292, %add3A_377 : i32
        %get3A_379 = arith.constant 0 : i32
        %get3A_380 = arith.constant 0 : i32
        %get3A_381 = tpu.memref_slice %arg10[%scan3A_16, %get3A_379, %get3A_380] : memref<2x128x128xf32, #tpu.memory_space<vmem>> -> memref<1x128x128xf32, #tpu.memory_space<vmem>>
        %get3A_382 = tpu.memref_squeeze %get3A_381 : memref<1x128x128xf32, #tpu.memory_space<vmem>> -> memref<128x128xf32, #tpu.memory_space<vmem>>
        %get3A_383 = arith.index_cast %add3A_282 : i32 to index
        %get3A_384 = arith.index_cast %add3A_378 : i32 to index
        %get3A_385 = tpu.vector_load %get3A_382[%get3A_383, %get3A_384] {strides = array<i32>} : memref<128x128xf32, #tpu.memory_space<vmem>>, vector<1x16xf32>,
        %get3A_386 = vector.shape_cast %get3A_385 : vector<1x16xf32> to vector<16xf32>
        %mul3A_387 = arith.constant 8.000000e+00 : f32
        %mul3A_388 = vector.broadcast %mul3A_387 : f32 to vector<16xf32>
        %mul3A_389 = arith.mulf %get3A_386, %mul3A_388 : vector<16xf32>
        %add3A_390 = arith.constant 48 : i32
        %add3A_391 = arith.addi %mul3A_290, %add3A_390 : i32
        %get3A_392 = arith.index_cast %add3A_391 : i32 to index
        %get3A_393 = tpu.vector_load %arg9[%get3A_392] {strides = array<i32>} : memref<12800xf32, #tpu.memory_space<vmem>>, vector<16xf32>,
        %get3A_394 = vector.shape_cast %get3A_393 : vector<16xf32> to vector<16xf32>
        %add3A_395 = arith.addf %mul3A_389, %get3A_394 : vector<16xf32>
        %swap3A_396 = arith.constant 0 : i32
        %swap3A_397 = arith.constant 0 : i32
        %swap3A_398 = tpu.memref_slice %arg11[%scan3A_15, %swap3A_396, %swap3A_397] : memref<2x128x64xf32, #tpu.memory_space<vmem>> -> memref<1x128x64xf32, #tpu.memory_space<vmem>>
        %swap3A_399 = tpu.memref_squeeze %swap3A_398 : memref<1x128x64xf32, #tpu.memory_space<vmem>> -> memref<128x64xf32, #tpu.memory_space<vmem>>
        %swap3A_400 = arith.index_cast %add3A_282 : i32 to index
        %swap3A_401 = arith.constant 48 : index
        %swap3A_402 = tpu.vector_load %swap3A_399[%swap3A_400, %swap3A_401] {strides = array<i32>} : memref<128x64xf32, #tpu.memory_space<vmem>>, vector<1x16xf32>,
        %swap3A_403 = vector.shape_cast %swap3A_402 : vector<1x16xf32> to vector<16xf32>
        %swap3A_404 = vector.shape_cast %add3A_395 : vector<16xf32> to vector<1x16xf32>
        tpu.vector_store %swap3A_399[%swap3A_400, %swap3A_401], %swap3A_404 {strides = array<i32>} : memref<128x64xf32, #tpu.memory_space<vmem>>, vector<1x16xf32>,
        %add3A_405 = arith.constant 2 : i32
        %add3A_406 = arith.addi %mul3A_158, %add3A_405 : i32
        %add3A_407 = arith.addi %rem3A_82, %add3A_406 : i32
        %ge3A_408 = arith.constant 200 : i32
        %ge3A_409 = arith.cmpi sge, %add3A_407, %ge3A_408 : i32
        %sub3A_410 = arith.constant 200 : i32
        %sub3A_411 = arith.subi %add3A_407, %sub3A_410 : i32
        %select_n3A_412 = arith.select %ge3A_409, %sub3A_411, %add3A_407 : i32
        %mul3A_413 = arith.constant 64 : i32
        %mul3A_414 = arith.muli %select_n3A_412, %mul3A_413 : i32
        %slice3A_415 = vector.extract_strided_slice %get3A_161 {offsets = [2], sizes = [1], strides = [1]} : vector<16xi32> to vector<1xi32>
        %squeeze3A_416 = vector.extract %slice3A_415[0] : i32 from vector<1xi32>
        %add3A_417 = arith.constant 0 : i32
        %add3A_418 = arith.addi %squeeze3A_416, %add3A_417 : i32
        %get3A_419 = arith.constant 0 : i32
        %get3A_420 = arith.constant 0 : i32
        %get3A_421 = tpu.memref_slice %arg10[%scan3A_16, %get3A_419, %get3A_420] : memref<2x128x128xf32, #tpu.memory_space<vmem>> -> memref<1x128x128xf32, #tpu.memory_space<vmem>>
        %get3A_422 = tpu.memref_squeeze %get3A_421 : memref<1x128x128xf32, #tpu.memory_space<vmem>> -> memref<128x128xf32, #tpu.memory_space<vmem>>
        %get3A_423 = arith.index_cast %add3A_406 : i32 to index
        %get3A_424 = arith.index_cast %add3A_418 : i32 to index
        %get3A_425 = tpu.vector_load %get3A_422[%get3A_423, %get3A_424] {strides = array<i32>} : memref<128x128xf32, #tpu.memory_space<vmem>>, vector<1x16xf32>,
        %get3A_426 = vector.shape_cast %get3A_425 : vector<1x16xf32> to vector<16xf32>
        %mul3A_427 = arith.constant 8.000000e+00 : f32
        %mul3A_428 = vector.broadcast %mul3A_427 : f32 to vector<16xf32>
        %mul3A_429 = arith.mulf %get3A_426, %mul3A_428 : vector<16xf32>
        %add3A_430 = arith.constant 0 : i32
        %add3A_431 = arith.addi %mul3A_414, %add3A_430 : i32
        %get3A_432 = arith.index_cast %add3A_431 : i32 to index
        %get3A_433 = tpu.vector_load %arg9[%get3A_432] {strides = array<i32>} : memref<12800xf32, #tpu.memory_space<vmem>>, vector<16xf32>,
        %get3A_434 = vector.shape_cast %get3A_433 : vector<16xf32> to vector<16xf32>
        %add3A_435 = arith.addf %mul3A_429, %get3A_434 : vector<16xf32>
        %swap3A_436 = arith.constant 0 : i32
        %swap3A_437 = arith.constant 0 : i32
        %swap3A_438 = tpu.memref_slice %arg11[%scan3A_15, %swap3A_436, %swap3A_437] : memref<2x128x64xf32, #tpu.memory_space<vmem>> -> memref<1x128x64xf32, #tpu.memory_space<vmem>>
        %swap3A_439 = tpu.memref_squeeze %swap3A_438 : memref<1x128x64xf32, #tpu.memory_space<vmem>> -> memref<128x64xf32, #tpu.memory_space<vmem>>
        %swap3A_440 = arith.index_cast %add3A_406 : i32 to index
        %swap3A_441 = arith.constant 0 : index
        %swap3A_442 = tpu.vector_load %swap3A_439[%swap3A_440, %swap3A_441] {strides = array<i32>} : memref<128x64xf32, #tpu.memory_space<vmem>>, vector<1x16xf32>,
        %swap3A_443 = vector.shape_cast %swap3A_442 : vector<1x16xf32> to vector<16xf32>
        %swap3A_444 = vector.shape_cast %add3A_435 : vector<16xf32> to vector<1x16xf32>
        tpu.vector_store %swap3A_439[%swap3A_440, %swap3A_441], %swap3A_444 {strides = array<i32>} : memref<128x64xf32, #tpu.memory_space<vmem>>, vector<1x16xf32>,
        %add3A_445 = arith.constant 16 : i32
        %add3A_446 = arith.addi %squeeze3A_416, %add3A_445 : i32
        %get3A_447 = arith.constant 0 : i32
        %get3A_448 = arith.constant 0 : i32
        %get3A_449 = tpu.memref_slice %arg10[%scan3A_16, %get3A_447, %get3A_448] : memref<2x128x128xf32, #tpu.memory_space<vmem>> -> memref<1x128x128xf32, #tpu.memory_space<vmem>>
        %get3A_450 = tpu.memref_squeeze %get3A_449 : memref<1x128x128xf32, #tpu.memory_space<vmem>> -> memref<128x128xf32, #tpu.memory_space<vmem>>
        %get3A_451 = arith.index_cast %add3A_406 : i32 to index
        %get3A_452 = arith.index_cast %add3A_446 : i32 to index
        %get3A_453 = tpu.vector_load %get3A_450[%get3A_451, %get3A_452] {strides = array<i32>} : memref<128x128xf32, #tpu.memory_space<vmem>>, vector<1x16xf32>,
        %get3A_454 = vector.shape_cast %get3A_453 : vector<1x16xf32> to vector<16xf32>
        %mul3A_455 = arith.constant 8.000000e+00 : f32
        %mul3A_456 = vector.broadcast %mul3A_455 : f32 to vector<16xf32>
        %mul3A_457 = arith.mulf %get3A_454, %mul3A_456 : vector<16xf32>
        %add3A_458 = arith.constant 16 : i32
        %add3A_459 = arith.addi %mul3A_414, %add3A_458 : i32
        %get3A_460 = arith.index_cast %add3A_459 : i32 to index
        %get3A_461 = tpu.vector_load %arg9[%get3A_460] {strides = array<i32>} : memref<12800xf32, #tpu.memory_space<vmem>>, vector<16xf32>,
        %get3A_462 = vector.shape_cast %get3A_461 : vector<16xf32> to vector<16xf32>
        %add3A_463 = arith.addf %mul3A_457, %get3A_462 : vector<16xf32>
        %swap3A_464 = arith.constant 0 : i32
        %swap3A_465 = arith.constant 0 : i32
        %swap3A_466 = tpu.memref_slice %arg11[%scan3A_15, %swap3A_464, %swap3A_465] : memref<2x128x64xf32, #tpu.memory_space<vmem>> -> memref<1x128x64xf32, #tpu.memory_space<vmem>>
        %swap3A_467 = tpu.memref_squeeze %swap3A_466 : memref<1x128x64xf32, #tpu.memory_space<vmem>> -> memref<128x64xf32, #tpu.memory_space<vmem>>
        %swap3A_468 = arith.index_cast %add3A_406 : i32 to index
        %swap3A_469 = arith.constant 16 : index
        %swap3A_470 = tpu.vector_load %swap3A_467[%swap3A_468, %swap3A_469] {strides = array<i32>} : memref<128x64xf32, #tpu.memory_space<vmem>>, vector<1x16xf32>,
        %swap3A_471 = vector.shape_cast %swap3A_470 : vector<1x16xf32> to vector<16xf32>
        %swap3A_472 = vector.shape_cast %add3A_463 : vector<16xf32> to vector<1x16xf32>
        tpu.vector_store %swap3A_467[%swap3A_468, %swap3A_469], %swap3A_472 {strides = array<i32>} : memref<128x64xf32, #tpu.memory_space<vmem>>, vector<1x16xf32>,
        %add3A_473 = arith.constant 32 : i32
        %add3A_474 = arith.addi %squeeze3A_416, %add3A_473 : i32
        %get3A_475 = arith.constant 0 : i32
        %get3A_476 = arith.constant 0 : i32
        %get3A_477 = tpu.memref_slice %arg10[%scan3A_16, %get3A_475, %get3A_476] : memref<2x128x128xf32, #tpu.memory_space<vmem>> -> memref<1x128x128xf32, #tpu.memory_space<vmem>>
        %get3A_478 = tpu.memref_squeeze %get3A_477 : memref<1x128x128xf32, #tpu.memory_space<vmem>> -> memref<128x128xf32, #tpu.memory_space<vmem>>
        %get3A_479 = arith.index_cast %add3A_406 : i32 to index
        %get3A_480 = arith.index_cast %add3A_474 : i32 to index
        %get3A_481 = tpu.vector_load %get3A_478[%get3A_479, %get3A_480] {strides = array<i32>} : memref<128x128xf32, #tpu.memory_space<vmem>>, vector<1x16xf32>,
        %get3A_482 = vector.shape_cast %get3A_481 : vector<1x16xf32> to vector<16xf32>
        %mul3A_483 = arith.constant 8.000000e+00 : f32
        %mul3A_484 = vector.broadcast %mul3A_483 : f32 to vector<16xf32>
        %mul3A_485 = arith.mulf %get3A_482, %mul3A_484 : vector<16xf32>
        %add3A_486 = arith.constant 32 : i32
        %add3A_487 = arith.addi %mul3A_414, %add3A_486 : i32
        %get3A_488 = arith.index_cast %add3A_487 : i32 to index
        %get3A_489 = tpu.vector_load %arg9[%get3A_488] {strides = array<i32>} : memref<12800xf32, #tpu.memory_space<vmem>>, vector<16xf32>,
        %get3A_490 = vector.shape_cast %get3A_489 : vector<16xf32> to vector<16xf32>
        %add3A_491 = arith.addf %mul3A_485, %get3A_490 : vector<16xf32>
        %swap3A_492 = arith.constant 0 : i32
        %swap3A_493 = arith.constant 0 : i32
        %swap3A_494 = tpu.memref_slice %arg11[%scan3A_15, %swap3A_492, %swap3A_493] : memref<2x128x64xf32, #tpu.memory_space<vmem>> -> memref<1x128x64xf32, #tpu.memory_space<vmem>>
        %swap3A_495 = tpu.memref_squeeze %swap3A_494 : memref<1x128x64xf32, #tpu.memory_space<vmem>> -> memref<128x64xf32, #tpu.memory_space<vmem>>
        %swap3A_496 = arith.index_cast %add3A_406 : i32 to index
        %swap3A_497 = arith.constant 32 : index
        %swap3A_498 = tpu.vector_load %swap3A_495[%swap3A_496, %swap3A_497] {strides = array<i32>} : memref<128x64xf32, #tpu.memory_space<vmem>>, vector<1x16xf32>,
        %swap3A_499 = vector.shape_cast %swap3A_498 : vector<1x16xf32> to vector<16xf32>
        %swap3A_500 = vector.shape_cast %add3A_491 : vector<16xf32> to vector<1x16xf32>
        tpu.vector_store %swap3A_495[%swap3A_496, %swap3A_497], %swap3A_500 {strides = array<i32>} : memref<128x64xf32, #tpu.memory_space<vmem>>, vector<1x16xf32>,
        %add3A_501 = arith.constant 48 : i32
        %add3A_502 = arith.addi %squeeze3A_416, %add3A_501 : i32
        %get3A_503 = arith.constant 0 : i32
        %get3A_504 = arith.constant 0 : i32
        %get3A_505 = tpu.memref_slice %arg10[%scan3A_16, %get3A_503, %get3A_504] : memref<2x128x128xf32, #tpu.memory_space<vmem>> -> memref<1x128x128xf32, #tpu.memory_space<vmem>>
        %get3A_506 = tpu.memref_squeeze %get3A_505 : memref<1x128x128xf32, #tpu.memory_space<vmem>> -> memref<128x128xf32, #tpu.memory_space<vmem>>
        %get3A_507 = arith.index_cast %add3A_406 : i32 to index
        %get3A_508 = arith.index_cast %add3A_502 : i32 to index
        %get3A_509 = tpu.vector_load %get3A_506[%get3A_507, %get3A_508] {strides = array<i32>} : memref<128x128xf32, #tpu.memory_space<vmem>>, vector<1x16xf32>,
        %get3A_510 = vector.shape_cast %get3A_509 : vector<1x16xf32> to vector<16xf32>
        %mul3A_511 = arith.constant 8.000000e+00 : f32
        %mul3A_512 = vector.broadcast %mul3A_511 : f32 to vector<16xf32>
        %mul3A_513 = arith.mulf %get3A_510, %mul3A_512 : vector<16xf32>
        %add3A_514 = arith.constant 48 : i32
        %add3A_515 = arith.addi %mul3A_414, %add3A_514 : i32
        %get3A_516 = arith.index_cast %add3A_515 : i32 to index
        %get3A_517 = tpu.vector_load %arg9[%get3A_516] {strides = array<i32>} : memref<12800xf32, #tpu.memory_space<vmem>>, vector<16xf32>,
        %get3A_518 = vector.shape_cast %get3A_517 : vector<16xf32> to vector<16xf32>
        %add3A_519 = arith.addf %mul3A_513, %get3A_518 : vector<16xf32>
        %swap3A_520 = arith.constant 0 : i32
        %swap3A_521 = arith.constant 0 : i32
        %swap3A_522 = tpu.memref_slice %arg11[%scan3A_15, %swap3A_520, %swap3A_521] : memref<2x128x64xf32, #tpu.memory_space<vmem>> -> memref<1x128x64xf32, #tpu.memory_space<vmem>>
        %swap3A_523 = tpu.memref_squeeze %swap3A_522 : memref<1x128x64xf32, #tpu.memory_space<vmem>> -> memref<128x64xf32, #tpu.memory_space<vmem>>
        %swap3A_524 = arith.index_cast %add3A_406 : i32 to index
        %swap3A_525 = arith.constant 48 : index
        %swap3A_526 = tpu.vector_load %swap3A_523[%swap3A_524, %swap3A_525] {strides = array<i32>} : memref<128x64xf32, #tpu.memory_space<vmem>>, vector<1x16xf32>,
        %swap3A_527 = vector.shape_cast %swap3A_526 : vector<1x16xf32> to vector<16xf32>
        %swap3A_528 = vector.shape_cast %add3A_519 : vector<16xf32> to vector<1x16xf32>
        tpu.vector_store %swap3A_523[%swap3A_524, %swap3A_525], %swap3A_528 {strides = array<i32>} : memref<128x64xf32, #tpu.memory_space<vmem>>, vector<1x16xf32>,
        %add3A_529 = arith.constant 3 : i32
        %add3A_530 = arith.addi %mul3A_158, %add3A_529 : i32
        %add3A_531 = arith.addi %rem3A_82, %add3A_530 : i32
        %ge3A_532 = arith.constant 200 : i32
        %ge3A_533 = arith.cmpi sge, %add3A_531, %ge3A_532 : i32
        %sub3A_534 = arith.constant 200 : i32
        %sub3A_535 = arith.subi %add3A_531, %sub3A_534 : i32
        %select_n3A_536 = arith.select %ge3A_533, %sub3A_535, %add3A_531 : i32
        %mul3A_537 = arith.constant 64 : i32
        %mul3A_538 = arith.muli %select_n3A_536, %mul3A_537 : i32
        %slice3A_539 = vector.extract_strided_slice %get3A_161 {offsets = [3], sizes = [1], strides = [1]} : vector<16xi32> to vector<1xi32>
        %squeeze3A_540 = vector.extract %slice3A_539[0] : i32 from vector<1xi32>
        %add3A_541 = arith.constant 0 : i32
        %add3A_542 = arith.addi %squeeze3A_540, %add3A_541 : i32
        %get3A_543 = arith.constant 0 : i32
        %get3A_544 = arith.constant 0 : i32
        %get3A_545 = tpu.memref_slice %arg10[%scan3A_16, %get3A_543, %get3A_544] : memref<2x128x128xf32, #tpu.memory_space<vmem>> -> memref<1x128x128xf32, #tpu.memory_space<vmem>>
        %get3A_546 = tpu.memref_squeeze %get3A_545 : memref<1x128x128xf32, #tpu.memory_space<vmem>> -> memref<128x128xf32, #tpu.memory_space<vmem>>
        %get3A_547 = arith.index_cast %add3A_530 : i32 to index
        %get3A_548 = arith.index_cast %add3A_542 : i32 to index
        %get3A_549 = tpu.vector_load %get3A_546[%get3A_547, %get3A_548] {strides = array<i32>} : memref<128x128xf32, #tpu.memory_space<vmem>>, vector<1x16xf32>,
        %get3A_550 = vector.shape_cast %get3A_549 : vector<1x16xf32> to vector<16xf32>
        %mul3A_551 = arith.constant 8.000000e+00 : f32
        %mul3A_552 = vector.broadcast %mul3A_551 : f32 to vector<16xf32>
        %mul3A_553 = arith.mulf %get3A_550, %mul3A_552 : vector<16xf32>
        %add3A_554 = arith.constant 0 : i32
        %add3A_555 = arith.addi %mul3A_538, %add3A_554 : i32
        %get3A_556 = arith.index_cast %add3A_555 : i32 to index
        %get3A_557 = tpu.vector_load %arg9[%get3A_556] {strides = array<i32>} : memref<12800xf32, #tpu.memory_space<vmem>>, vector<16xf32>,
        %get3A_558 = vector.shape_cast %get3A_557 : vector<16xf32> to vector<16xf32>
        %add3A_559 = arith.addf %mul3A_553, %get3A_558 : vector<16xf32>
        %swap3A_560 = arith.constant 0 : i32
        %swap3A_561 = arith.constant 0 : i32
        %swap3A_562 = tpu.memref_slice %arg11[%scan3A_15, %swap3A_560, %swap3A_561] : memref<2x128x64xf32, #tpu.memory_space<vmem>> -> memref<1x128x64xf32, #tpu.memory_space<vmem>>
        %swap3A_563 = tpu.memref_squeeze %swap3A_562 : memref<1x128x64xf32, #tpu.memory_space<vmem>> -> memref<128x64xf32, #tpu.memory_space<vmem>>
        %swap3A_564 = arith.index_cast %add3A_530 : i32 to index
        %swap3A_565 = arith.constant 0 : index
        %swap3A_566 = tpu.vector_load %swap3A_563[%swap3A_564, %swap3A_565] {strides = array<i32>} : memref<128x64xf32, #tpu.memory_space<vmem>>, vector<1x16xf32>,
        %swap3A_567 = vector.shape_cast %swap3A_566 : vector<1x16xf32> to vector<16xf32>
        %swap3A_568 = vector.shape_cast %add3A_559 : vector<16xf32> to vector<1x16xf32>
        tpu.vector_store %swap3A_563[%swap3A_564, %swap3A_565], %swap3A_568 {strides = array<i32>} : memref<128x64xf32, #tpu.memory_space<vmem>>, vector<1x16xf32>,
        %add3A_569 = arith.constant 16 : i32
        %add3A_570 = arith.addi %squeeze3A_540, %add3A_569 : i32
        %get3A_571 = arith.constant 0 : i32
        %get3A_572 = arith.constant 0 : i32
        %get3A_573 = tpu.memref_slice %arg10[%scan3A_16, %get3A_571, %get3A_572] : memref<2x128x128xf32, #tpu.memory_space<vmem>> -> memref<1x128x128xf32, #tpu.memory_space<vmem>>
        %get3A_574 = tpu.memref_squeeze %get3A_573 : memref<1x128x128xf32, #tpu.memory_space<vmem>> -> memref<128x128xf32, #tpu.memory_space<vmem>>
        %get3A_575 = arith.index_cast %add3A_530 : i32 to index
        %get3A_576 = arith.index_cast %add3A_570 : i32 to index
        %get3A_577 = tpu.vector_load %get3A_574[%get3A_575, %get3A_576] {strides = array<i32>} : memref<128x128xf32, #tpu.memory_space<vmem>>, vector<1x16xf32>,
        %get3A_578 = vector.shape_cast %get3A_577 : vector<1x16xf32> to vector<16xf32>
        %mul3A_579 = arith.constant 8.000000e+00 : f32
        %mul3A_580 = vector.broadcast %mul3A_579 : f32 to vector<16xf32>
        %mul3A_581 = arith.mulf %get3A_578, %mul3A_580 : vector<16xf32>
        %add3A_582 = arith.constant 16 : i32
        %add3A_583 = arith.addi %mul3A_538, %add3A_582 : i32
        %get3A_584 = arith.index_cast %add3A_583 : i32 to index
        %get3A_585 = tpu.vector_load %arg9[%get3A_584] {strides = array<i32>} : memref<12800xf32, #tpu.memory_space<vmem>>, vector<16xf32>,
        %get3A_586 = vector.shape_cast %get3A_585 : vector<16xf32> to vector<16xf32>
        %add3A_587 = arith.addf %mul3A_581, %get3A_586 : vector<16xf32>
        %swap3A_588 = arith.constant 0 : i32
        %swap3A_589 = arith.constant 0 : i32
        %swap3A_590 = tpu.memref_slice %arg11[%scan3A_15, %swap3A_588, %swap3A_589] : memref<2x128x64xf32, #tpu.memory_space<vmem>> -> memref<1x128x64xf32, #tpu.memory_space<vmem>>
        %swap3A_591 = tpu.memref_squeeze %swap3A_590 : memref<1x128x64xf32, #tpu.memory_space<vmem>> -> memref<128x64xf32, #tpu.memory_space<vmem>>
        %swap3A_592 = arith.index_cast %add3A_530 : i32 to index
        %swap3A_593 = arith.constant 16 : index
        %swap3A_594 = tpu.vector_load %swap3A_591[%swap3A_592, %swap3A_593] {strides = array<i32>} : memref<128x64xf32, #tpu.memory_space<vmem>>, vector<1x16xf32>,
        %swap3A_595 = vector.shape_cast %swap3A_594 : vector<1x16xf32> to vector<16xf32>
        %swap3A_596 = vector.shape_cast %add3A_587 : vector<16xf32> to vector<1x16xf32>
        tpu.vector_store %swap3A_591[%swap3A_592, %swap3A_593], %swap3A_596 {strides = array<i32>} : memref<128x64xf32, #tpu.memory_space<vmem>>, vector<1x16xf32>,
        %add3A_597 = arith.constant 32 : i32
        %add3A_598 = arith.addi %squeeze3A_540, %add3A_597 : i32
        %get3A_599 = arith.constant 0 : i32
        %get3A_600 = arith.constant 0 : i32
        %get3A_601 = tpu.memref_slice %arg10[%scan3A_16, %get3A_599, %get3A_600] : memref<2x128x128xf32, #tpu.memory_space<vmem>> -> memref<1x128x128xf32, #tpu.memory_space<vmem>>
        %get3A_602 = tpu.memref_squeeze %get3A_601 : memref<1x128x128xf32, #tpu.memory_space<vmem>> -> memref<128x128xf32, #tpu.memory_space<vmem>>
        %get3A_603 = arith.index_cast %add3A_530 : i32 to index
        %get3A_604 = arith.index_cast %add3A_598 : i32 to index
        %get3A_605 = tpu.vector_load %get3A_602[%get3A_603, %get3A_604] {strides = array<i32>} : memref<128x128xf32, #tpu.memory_space<vmem>>, vector<1x16xf32>,
        %get3A_606 = vector.shape_cast %get3A_605 : vector<1x16xf32> to vector<16xf32>
        %mul3A_607 = arith.constant 8.000000e+00 : f32
        %mul3A_608 = vector.broadcast %mul3A_607 : f32 to vector<16xf32>
        %mul3A_609 = arith.mulf %get3A_606, %mul3A_608 : vector<16xf32>
        %add3A_610 = arith.constant 32 : i32
        %add3A_611 = arith.addi %mul3A_538, %add3A_610 : i32
        %get3A_612 = arith.index_cast %add3A_611 : i32 to index
        %get3A_613 = tpu.vector_load %arg9[%get3A_612] {strides = array<i32>} : memref<12800xf32, #tpu.memory_space<vmem>>, vector<16xf32>,
        %get3A_614 = vector.shape_cast %get3A_613 : vector<16xf32> to vector<16xf32>
        %add3A_615 = arith.addf %mul3A_609, %get3A_614 : vector<16xf32>
        %swap3A_616 = arith.constant 0 : i32
        %swap3A_617 = arith.constant 0 : i32
        %swap3A_618 = tpu.memref_slice %arg11[%scan3A_15, %swap3A_616, %swap3A_617] : memref<2x128x64xf32, #tpu.memory_space<vmem>> -> memref<1x128x64xf32, #tpu.memory_space<vmem>>
        %swap3A_619 = tpu.memref_squeeze %swap3A_618 : memref<1x128x64xf32, #tpu.memory_space<vmem>> -> memref<128x64xf32, #tpu.memory_space<vmem>>
        %swap3A_620 = arith.index_cast %add3A_530 : i32 to index
        %swap3A_621 = arith.constant 32 : index
        %swap3A_622 = tpu.vector_load %swap3A_619[%swap3A_620, %swap3A_621] {strides = array<i32>} : memref<128x64xf32, #tpu.memory_space<vmem>>, vector<1x16xf32>,
        %swap3A_623 = vector.shape_cast %swap3A_622 : vector<1x16xf32> to vector<16xf32>
        %swap3A_624 = vector.shape_cast %add3A_615 : vector<16xf32> to vector<1x16xf32>
        tpu.vector_store %swap3A_619[%swap3A_620, %swap3A_621], %swap3A_624 {strides = array<i32>} : memref<128x64xf32, #tpu.memory_space<vmem>>, vector<1x16xf32>,
        %add3A_625 = arith.constant 48 : i32
        %add3A_626 = arith.addi %squeeze3A_540, %add3A_625 : i32
        %get3A_627 = arith.constant 0 : i32
        %get3A_628 = arith.constant 0 : i32
        %get3A_629 = tpu.memref_slice %arg10[%scan3A_16, %get3A_627, %get3A_628] : memref<2x128x128xf32, #tpu.memory_space<vmem>> -> memref<1x128x128xf32, #tpu.memory_space<vmem>>
        %get3A_630 = tpu.memref_squeeze %get3A_629 : memref<1x128x128xf32, #tpu.memory_space<vmem>> -> memref<128x128xf32, #tpu.memory_space<vmem>>
        %get3A_631 = arith.index_cast %add3A_530 : i32 to index
        %get3A_632 = arith.index_cast %add3A_626 : i32 to index
        %get3A_633 = tpu.vector_load %get3A_630[%get3A_631, %get3A_632] {strides = array<i32>} : memref<128x128xf32, #tpu.memory_space<vmem>>, vector<1x16xf32>,
        %get3A_634 = vector.shape_cast %get3A_633 : vector<1x16xf32> to vector<16xf32>
        %mul3A_635 = arith.constant 8.000000e+00 : f32
        %mul3A_636 = vector.broadcast %mul3A_635 : f32 to vector<16xf32>
        %mul3A_637 = arith.mulf %get3A_634, %mul3A_636 : vector<16xf32>
        %add3A_638 = arith.constant 48 : i32
        %add3A_639 = arith.addi %mul3A_538, %add3A_638 : i32
        %get3A_640 = arith.index_cast %add3A_639 : i32 to index
        %get3A_641 = tpu.vector_load %arg9[%get3A_640] {strides = array<i32>} : memref<12800xf32, #tpu.memory_space<vmem>>, vector<16xf32>,
        %get3A_642 = vector.shape_cast %get3A_641 : vector<16xf32> to vector<16xf32>
        %add3A_643 = arith.addf %mul3A_637, %get3A_642 : vector<16xf32>
        %swap3A_644 = arith.constant 0 : i32
        %swap3A_645 = arith.constant 0 : i32
        %swap3A_646 = tpu.memref_slice %arg11[%scan3A_15, %swap3A_644, %swap3A_645] : memref<2x128x64xf32, #tpu.memory_space<vmem>> -> memref<1x128x64xf32, #tpu.memory_space<vmem>>
        %swap3A_647 = tpu.memref_squeeze %swap3A_646 : memref<1x128x64xf32, #tpu.memory_space<vmem>> -> memref<128x64xf32, #tpu.memory_space<vmem>>
        %swap3A_648 = arith.index_cast %add3A_530 : i32 to index
        %swap3A_649 = arith.constant 48 : index
        %swap3A_650 = tpu.vector_load %swap3A_647[%swap3A_648, %swap3A_649] {strides = array<i32>} : memref<128x64xf32, #tpu.memory_space<vmem>>, vector<1x16xf32>,
        %swap3A_651 = vector.shape_cast %swap3A_650 : vector<1x16xf32> to vector<16xf32>
        %swap3A_652 = vector.shape_cast %add3A_643 : vector<16xf32> to vector<1x16xf32>
        tpu.vector_store %swap3A_647[%swap3A_648, %swap3A_649], %swap3A_652 {strides = array<i32>} : memref<128x64xf32, #tpu.memory_space<vmem>>, vector<1x16xf32>,
        %add3A_653 = arith.constant 4 : i32
        %add3A_654 = arith.addi %mul3A_158, %add3A_653 : i32
        %add3A_655 = arith.addi %rem3A_82, %add3A_654 : i32
        %ge3A_656 = arith.constant 200 : i32
        %ge3A_657 = arith.cmpi sge, %add3A_655, %ge3A_656 : i32
        %sub3A_658 = arith.constant 200 : i32
        %sub3A_659 = arith.subi %add3A_655, %sub3A_658 : i32
        %select_n3A_660 = arith.select %ge3A_657, %sub3A_659, %add3A_655 : i32
        %mul3A_661 = arith.constant 64 : i32
        %mul3A_662 = arith.muli %select_n3A_660, %mul3A_661 : i32
        %slice3A_663 = vector.extract_strided_slice %get3A_161 {offsets = [4], sizes = [1], strides = [1]} : vector<16xi32> to vector<1xi32>
        %squeeze3A_664 = vector.extract %slice3A_663[0] : i32 from vector<1xi32>
        %add3A_665 = arith.constant 0 : i32
        %add3A_666 = arith.addi %squeeze3A_664, %add3A_665 : i32
        %get3A_667 = arith.constant 0 : i32
        %get3A_668 = arith.constant 0 : i32
        %get3A_669 = tpu.memref_slice %arg10[%scan3A_16, %get3A_667, %get3A_668] : memref<2x128x128xf32, #tpu.memory_space<vmem>> -> memref<1x128x128xf32, #tpu.memory_space<vmem>>
        %get3A_670 = tpu.memref_squeeze %get3A_669 : memref<1x128x128xf32, #tpu.memory_space<vmem>> -> memref<128x128xf32, #tpu.memory_space<vmem>>
        %get3A_671 = arith.index_cast %add3A_654 : i32 to index
        %get3A_672 = arith.index_cast %add3A_666 : i32 to index
        %get3A_673 = tpu.vector_load %get3A_670[%get3A_671, %get3A_672] {strides = array<i32>} : memref<128x128xf32, #tpu.memory_space<vmem>>, vector<1x16xf32>,
        %get3A_674 = vector.shape_cast %get3A_673 : vector<1x16xf32> to vector<16xf32>
        %mul3A_675 = arith.constant 8.000000e+00 : f32
        %mul3A_676 = vector.broadcast %mul3A_675 : f32 to vector<16xf32>
        %mul3A_677 = arith.mulf %get3A_674, %mul3A_676 : vector<16xf32>
        %add3A_678 = arith.constant 0 : i32
        %add3A_679 = arith.addi %mul3A_662, %add3A_678 : i32
        %get3A_680 = arith.index_cast %add3A_679 : i32 to index
        %get3A_681 = tpu.vector_load %arg9[%get3A_680] {strides = array<i32>} : memref<12800xf32, #tpu.memory_space<vmem>>, vector<16xf32>,
        %get3A_682 = vector.shape_cast %get3A_681 : vector<16xf32> to vector<16xf32>
        %add3A_683 = arith.addf %mul3A_677, %get3A_682 : vector<16xf32>
        %swap3A_684 = arith.constant 0 : i32
        %swap3A_685 = arith.constant 0 : i32
        %swap3A_686 = tpu.memref_slice %arg11[%scan3A_15, %swap3A_684, %swap3A_685] : memref<2x128x64xf32, #tpu.memory_space<vmem>> -> memref<1x128x64xf32, #tpu.memory_space<vmem>>
        %swap3A_687 = tpu.memref_squeeze %swap3A_686 : memref<1x128x64xf32, #tpu.memory_space<vmem>> -> memref<128x64xf32, #tpu.memory_space<vmem>>
        %swap3A_688 = arith.index_cast %add3A_654 : i32 to index
        %swap3A_689 = arith.constant 0 : index
        %swap3A_690 = tpu.vector_load %swap3A_687[%swap3A_688, %swap3A_689] {strides = array<i32>} : memref<128x64xf32, #tpu.memory_space<vmem>>, vector<1x16xf32>,
        %swap3A_691 = vector.shape_cast %swap3A_690 : vector<1x16xf32> to vector<16xf32>
        %swap3A_692 = vector.shape_cast %add3A_683 : vector<16xf32> to vector<1x16xf32>
        tpu.vector_store %swap3A_687[%swap3A_688, %swap3A_689], %swap3A_692 {strides = array<i32>} : memref<128x64xf32, #tpu.memory_space<vmem>>, vector<1x16xf32>,
        %add3A_693 = arith.constant 16 : i32
        %add3A_694 = arith.addi %squeeze3A_664, %add3A_693 : i32
        %get3A_695 = arith.constant 0 : i32
        %get3A_696 = arith.constant 0 : i32
        %get3A_697 = tpu.memref_slice %arg10[%scan3A_16, %get3A_695, %get3A_696] : memref<2x128x128xf32, #tpu.memory_space<vmem>> -> memref<1x128x128xf32, #tpu.memory_space<vmem>>
        %get3A_698 = tpu.memref_squeeze %get3A_697 : memref<1x128x128xf32, #tpu.memory_space<vmem>> -> memref<128x128xf32, #tpu.memory_space<vmem>>
        %get3A_699 = arith.index_cast %add3A_654 : i32 to index
        %get3A_700 = arith.index_cast %add3A_694 : i32 to index
        %get3A_701 = tpu.vector_load %get3A_698[%get3A_699, %get3A_700] {strides = array<i32>} : memref<128x128xf32, #tpu.memory_space<vmem>>, vector<1x16xf32>,
        %get3A_702 = vector.shape_cast %get3A_701 : vector<1x16xf32> to vector<16xf32>
        %mul3A_703 = arith.constant 8.000000e+00 : f32
        %mul3A_704 = vector.broadcast %mul3A_703 : f32 to vector<16xf32>
        %mul3A_705 = arith.mulf %get3A_702, %mul3A_704 : vector<16xf32>
        %add3A_706 = arith.constant 16 : i32
        %add3A_707 = arith.addi %mul3A_662, %add3A_706 : i32
        %get3A_708 = arith.index_cast %add3A_707 : i32 to index
        %get3A_709 = tpu.vector_load %arg9[%get3A_708] {strides = array<i32>} : memref<12800xf32, #tpu.memory_space<vmem>>, vector<16xf32>,
        %get3A_710 = vector.shape_cast %get3A_709 : vector<16xf32> to vector<16xf32>
        %add3A_711 = arith.addf %mul3A_705, %get3A_710 : vector<16xf32>
        %swap3A_712 = arith.constant 0 : i32
        %swap3A_713 = arith.constant 0 : i32
        %swap3A_714 = tpu.memref_slice %arg11[%scan3A_15, %swap3A_712, %swap3A_713] : memref<2x128x64xf32, #tpu.memory_space<vmem>> -> memref<1x128x64xf32, #tpu.memory_space<vmem>>
        %swap3A_715 = tpu.memref_squeeze %swap3A_714 : memref<1x128x64xf32, #tpu.memory_space<vmem>> -> memref<128x64xf32, #tpu.memory_space<vmem>>
        %swap3A_716 = arith.index_cast %add3A_654 : i32 to index
        %swap3A_717 = arith.constant 16 : index
        %swap3A_718 = tpu.vector_load %swap3A_715[%swap3A_716, %swap3A_717] {strides = array<i32>} : memref<128x64xf32, #tpu.memory_space<vmem>>, vector<1x16xf32>,
        %swap3A_719 = vector.shape_cast %swap3A_718 : vector<1x16xf32> to vector<16xf32>
        %swap3A_720 = vector.shape_cast %add3A_711 : vector<16xf32> to vector<1x16xf32>
        tpu.vector_store %swap3A_715[%swap3A_716, %swap3A_717], %swap3A_720 {strides = array<i32>} : memref<128x64xf32, #tpu.memory_space<vmem>>, vector<1x16xf32>,
        %add3A_721 = arith.constant 32 : i32
        %add3A_722 = arith.addi %squeeze3A_664, %add3A_721 : i32
        %get3A_723 = arith.constant 0 : i32
        %get3A_724 = arith.constant 0 : i32
        %get3A_725 = tpu.memref_slice %arg10[%scan3A_16, %get3A_723, %get3A_724] : memref<2x128x128xf32, #tpu.memory_space<vmem>> -> memref<1x128x128xf32, #tpu.memory_space<vmem>>
        %get3A_726 = tpu.memref_squeeze %get3A_725 : memref<1x128x128xf32, #tpu.memory_space<vmem>> -> memref<128x128xf32, #tpu.memory_space<vmem>>
        %get3A_727 = arith.index_cast %add3A_654 : i32 to index
        %get3A_728 = arith.index_cast %add3A_722 : i32 to index
        %get3A_729 = tpu.vector_load %get3A_726[%get3A_727, %get3A_728] {strides = array<i32>} : memref<128x128xf32, #tpu.memory_space<vmem>>, vector<1x16xf32>,
        %get3A_730 = vector.shape_cast %get3A_729 : vector<1x16xf32> to vector<16xf32>
        %mul3A_731 = arith.constant 8.000000e+00 : f32
        %mul3A_732 = vector.broadcast %mul3A_731 : f32 to vector<16xf32>
        %mul3A_733 = arith.mulf %get3A_730, %mul3A_732 : vector<16xf32>
        %add3A_734 = arith.constant 32 : i32
        %add3A_735 = arith.addi %mul3A_662, %add3A_734 : i32
        %get3A_736 = arith.index_cast %add3A_735 : i32 to index
        %get3A_737 = tpu.vector_load %arg9[%get3A_736] {strides = array<i32>} : memref<12800xf32, #tpu.memory_space<vmem>>, vector<16xf32>,
        %get3A_738 = vector.shape_cast %get3A_737 : vector<16xf32> to vector<16xf32>
        %add3A_739 = arith.addf %mul3A_733, %get3A_738 : vector<16xf32>
        %swap3A_740 = arith.constant 0 : i32
        %swap3A_741 = arith.constant 0 : i32
        %swap3A_742 = tpu.memref_slice %arg11[%scan3A_15, %swap3A_740, %swap3A_741] : memref<2x128x64xf32, #tpu.memory_space<vmem>> -> memref<1x128x64xf32, #tpu.memory_space<vmem>>
        %swap3A_743 = tpu.memref_squeeze %swap3A_742 : memref<1x128x64xf32, #tpu.memory_space<vmem>> -> memref<128x64xf32, #tpu.memory_space<vmem>>
        %swap3A_744 = arith.index_cast %add3A_654 : i32 to index
        %swap3A_745 = arith.constant 32 : index
        %swap3A_746 = tpu.vector_load %swap3A_743[%swap3A_744, %swap3A_745] {strides = array<i32>} : memref<128x64xf32, #tpu.memory_space<vmem>>, vector<1x16xf32>,
        %swap3A_747 = vector.shape_cast %swap3A_746 : vector<1x16xf32> to vector<16xf32>
        %swap3A_748 = vector.shape_cast %add3A_739 : vector<16xf32> to vector<1x16xf32>
        tpu.vector_store %swap3A_743[%swap3A_744, %swap3A_745], %swap3A_748 {strides = array<i32>} : memref<128x64xf32, #tpu.memory_space<vmem>>, vector<1x16xf32>,
        %add3A_749 = arith.constant 48 : i32
        %add3A_750 = arith.addi %squeeze3A_664, %add3A_749 : i32
        %get3A_751 = arith.constant 0 : i32
        %get3A_752 = arith.constant 0 : i32
        %get3A_753 = tpu.memref_slice %arg10[%scan3A_16, %get3A_751, %get3A_752] : memref<2x128x128xf32, #tpu.memory_space<vmem>> -> memref<1x128x128xf32, #tpu.memory_space<vmem>>
        %get3A_754 = tpu.memref_squeeze %get3A_753 : memref<1x128x128xf32, #tpu.memory_space<vmem>> -> memref<128x128xf32, #tpu.memory_space<vmem>>
        %get3A_755 = arith.index_cast %add3A_654 : i32 to index
        %get3A_756 = arith.index_cast %add3A_750 : i32 to index
        %get3A_757 = tpu.vector_load %get3A_754[%get3A_755, %get3A_756] {strides = array<i32>} : memref<128x128xf32, #tpu.memory_space<vmem>>, vector<1x16xf32>,
        %get3A_758 = vector.shape_cast %get3A_757 : vector<1x16xf32> to vector<16xf32>
        %mul3A_759 = arith.constant 8.000000e+00 : f32
        %mul3A_760 = vector.broadcast %mul3A_759 : f32 to vector<16xf32>
        %mul3A_761 = arith.mulf %get3A_758, %mul3A_760 : vector<16xf32>
        %add3A_762 = arith.constant 48 : i32
        %add3A_763 = arith.addi %mul3A_662, %add3A_762 : i32
        %get3A_764 = arith.index_cast %add3A_763 : i32 to index
        %get3A_765 = tpu.vector_load %arg9[%get3A_764] {strides = array<i32>} : memref<12800xf32, #tpu.memory_space<vmem>>, vector<16xf32>,
        %get3A_766 = vector.shape_cast %get3A_765 : vector<16xf32> to vector<16xf32>
        %add3A_767 = arith.addf %mul3A_761, %get3A_766 : vector<16xf32>
        %swap3A_768 = arith.constant 0 : i32
        %swap3A_769 = arith.constant 0 : i32
        %swap3A_770 = tpu.memref_slice %arg11[%scan3A_15, %swap3A_768, %swap3A_769] : memref<2x128x64xf32, #tpu.memory_space<vmem>> -> memref<1x128x64xf32, #tpu.memory_space<vmem>>
        %swap3A_771 = tpu.memref_squeeze %swap3A_770 : memref<1x128x64xf32, #tpu.memory_space<vmem>> -> memref<128x64xf32, #tpu.memory_space<vmem>>
        %swap3A_772 = arith.index_cast %add3A_654 : i32 to index
        %swap3A_773 = arith.constant 48 : index
        %swap3A_774 = tpu.vector_load %swap3A_771[%swap3A_772, %swap3A_773] {strides = array<i32>} : memref<128x64xf32, #tpu.memory_space<vmem>>, vector<1x16xf32>,
        %swap3A_775 = vector.shape_cast %swap3A_774 : vector<1x16xf32> to vector<16xf32>
        %swap3A_776 = vector.shape_cast %add3A_767 : vector<16xf32> to vector<1x16xf32>
        tpu.vector_store %swap3A_771[%swap3A_772, %swap3A_773], %swap3A_776 {strides = array<i32>} : memref<128x64xf32, #tpu.memory_space<vmem>>, vector<1x16xf32>,
        %add3A_777 = arith.constant 5 : i32
        %add3A_778 = arith.addi %mul3A_158, %add3A_777 : i32
        %add3A_779 = arith.addi %rem3A_82, %add3A_778 : i32
        %ge3A_780 = arith.constant 200 : i32
        %ge3A_781 = arith.cmpi sge, %add3A_779, %ge3A_780 : i32
        %sub3A_782 = arith.constant 200 : i32
        %sub3A_783 = arith.subi %add3A_779, %sub3A_782 : i32
        %select_n3A_784 = arith.select %ge3A_781, %sub3A_783, %add3A_779 : i32
        %mul3A_785 = arith.constant 64 : i32
        %mul3A_786 = arith.muli %select_n3A_784, %mul3A_785 : i32
        %slice3A_787 = vector.extract_strided_slice %get3A_161 {offsets = [5], sizes = [1], strides = [1]} : vector<16xi32> to vector<1xi32>
        %squeeze3A_788 = vector.extract %slice3A_787[0] : i32 from vector<1xi32>
        %add3A_789 = arith.constant 0 : i32
        %add3A_790 = arith.addi %squeeze3A_788, %add3A_789 : i32
        %get3A_791 = arith.constant 0 : i32
        %get3A_792 = arith.constant 0 : i32
        %get3A_793 = tpu.memref_slice %arg10[%scan3A_16, %get3A_791, %get3A_792] : memref<2x128x128xf32, #tpu.memory_space<vmem>> -> memref<1x128x128xf32, #tpu.memory_space<vmem>>
        %get3A_794 = tpu.memref_squeeze %get3A_793 : memref<1x128x128xf32, #tpu.memory_space<vmem>> -> memref<128x128xf32, #tpu.memory_space<vmem>>
        %get3A_795 = arith.index_cast %add3A_778 : i32 to index
        %get3A_796 = arith.index_cast %add3A_790 : i32 to index
        %get3A_797 = tpu.vector_load %get3A_794[%get3A_795, %get3A_796] {strides = array<i32>} : memref<128x128xf32, #tpu.memory_space<vmem>>, vector<1x16xf32>,
        %get3A_798 = vector.shape_cast %get3A_797 : vector<1x16xf32> to vector<16xf32>
        %mul3A_799 = arith.constant 8.000000e+00 : f32
        %mul3A_800 = vector.broadcast %mul3A_799 : f32 to vector<16xf32>
        %mul3A_801 = arith.mulf %get3A_798, %mul3A_800 : vector<16xf32>
        %add3A_802 = arith.constant 0 : i32
        %add3A_803 = arith.addi %mul3A_786, %add3A_802 : i32
        %get3A_804 = arith.index_cast %add3A_803 : i32 to index
        %get3A_805 = tpu.vector_load %arg9[%get3A_804] {strides = array<i32>} : memref<12800xf32, #tpu.memory_space<vmem>>, vector<16xf32>,
        %get3A_806 = vector.shape_cast %get3A_805 : vector<16xf32> to vector<16xf32>
        %add3A_807 = arith.addf %mul3A_801, %get3A_806 : vector<16xf32>
        %swap3A_808 = arith.constant 0 : i32
        %swap3A_809 = arith.constant 0 : i32
        %swap3A_810 = tpu.memref_slice %arg11[%scan3A_15, %swap3A_808, %swap3A_809] : memref<2x128x64xf32, #tpu.memory_space<vmem>> -> memref<1x128x64xf32, #tpu.memory_space<vmem>>
        %swap3A_811 = tpu.memref_squeeze %swap3A_810 : memref<1x128x64xf32, #tpu.memory_space<vmem>> -> memref<128x64xf32, #tpu.memory_space<vmem>>
        %swap3A_812 = arith.index_cast %add3A_778 : i32 to index
        %swap3A_813 = arith.constant 0 : index
        %swap3A_814 = tpu.vector_load %swap3A_811[%swap3A_812, %swap3A_813] {strides = array<i32>} : memref<128x64xf32, #tpu.memory_space<vmem>>, vector<1x16xf32>,
        %swap3A_815 = vector.shape_cast %swap3A_814 : vector<1x16xf32> to vector<16xf32>
        %swap3A_816 = vector.shape_cast %add3A_807 : vector<16xf32> to vector<1x16xf32>
        tpu.vector_store %swap3A_811[%swap3A_812, %swap3A_813], %swap3A_816 {strides = array<i32>} : memref<128x64xf32, #tpu.memory_space<vmem>>, vector<1x16xf32>,
        %add3A_817 = arith.constant 16 : i32
        %add3A_818 = arith.addi %squeeze3A_788, %add3A_817 : i32
        %get3A_819 = arith.constant 0 : i32
        %get3A_820 = arith.constant 0 : i32
        %get3A_821 = tpu.memref_slice %arg10[%scan3A_16, %get3A_819, %get3A_820] : memref<2x128x128xf32, #tpu.memory_space<vmem>> -> memref<1x128x128xf32, #tpu.memory_space<vmem>>
        %get3A_822 = tpu.memref_squeeze %get3A_821 : memref<1x128x128xf32, #tpu.memory_space<vmem>> -> memref<128x128xf32, #tpu.memory_space<vmem>>
        %get3A_823 = arith.index_cast %add3A_778 : i32 to index
        %get3A_824 = arith.index_cast %add3A_818 : i32 to index
        %get3A_825 = tpu.vector_load %get3A_822[%get3A_823, %get3A_824] {strides = array<i32>} : memref<128x128xf32, #tpu.memory_space<vmem>>, vector<1x16xf32>,
        %get3A_826 = vector.shape_cast %get3A_825 : vector<1x16xf32> to vector<16xf32>
        %mul3A_827 = arith.constant 8.000000e+00 : f32
        %mul3A_828 = vector.broadcast %mul3A_827 : f32 to vector<16xf32>
        %mul3A_829 = arith.mulf %get3A_826, %mul3A_828 : vector<16xf32>
        %add3A_830 = arith.constant 16 : i32
        %add3A_831 = arith.addi %mul3A_786, %add3A_830 : i32
        %get3A_832 = arith.index_cast %add3A_831 : i32 to index
        %get3A_833 = tpu.vector_load %arg9[%get3A_832] {strides = array<i32>} : memref<12800xf32, #tpu.memory_space<vmem>>, vector<16xf32>,
        %get3A_834 = vector.shape_cast %get3A_833 : vector<16xf32> to vector<16xf32>
        %add3A_835 = arith.addf %mul3A_829, %get3A_834 : vector<16xf32>
        %swap3A_836 = arith.constant 0 : i32
        %swap3A_837 = arith.constant 0 : i32
        %swap3A_838 = tpu.memref_slice %arg11[%scan3A_15, %swap3A_836, %swap3A_837] : memref<2x128x64xf32, #tpu.memory_space<vmem>> -> memref<1x128x64xf32, #tpu.memory_space<vmem>>
        %swap3A_839 = tpu.memref_squeeze %swap3A_838 : memref<1x128x64xf32, #tpu.memory_space<vmem>> -> memref<128x64xf32, #tpu.memory_space<vmem>>
        %swap3A_840 = arith.index_cast %add3A_778 : i32 to index
        %swap3A_841 = arith.constant 16 : index
        %swap3A_842 = tpu.vector_load %swap3A_839[%swap3A_840, %swap3A_841] {strides = array<i32>} : memref<128x64xf32, #tpu.memory_space<vmem>>, vector<1x16xf32>,
        %swap3A_843 = vector.shape_cast %swap3A_842 : vector<1x16xf32> to vector<16xf32>
        %swap3A_844 = vector.shape_cast %add3A_835 : vector<16xf32> to vector<1x16xf32>
        tpu.vector_store %swap3A_839[%swap3A_840, %swap3A_841], %swap3A_844 {strides = array<i32>} : memref<128x64xf32, #tpu.memory_space<vmem>>, vector<1x16xf32>,
        %add3A_845 = arith.constant 32 : i32
        %add3A_846 = arith.addi %squeeze3A_788, %add3A_845 : i32
        %get3A_847 = arith.constant 0 : i32
        %get3A_848 = arith.constant 0 : i32
        %get3A_849 = tpu.memref_slice %arg10[%scan3A_16, %get3A_847, %get3A_848] : memref<2x128x128xf32, #tpu.memory_space<vmem>> -> memref<1x128x128xf32, #tpu.memory_space<vmem>>
        %get3A_850 = tpu.memref_squeeze %get3A_849 : memref<1x128x128xf32, #tpu.memory_space<vmem>> -> memref<128x128xf32, #tpu.memory_space<vmem>>
        %get3A_851 = arith.index_cast %add3A_778 : i32 to index
        %get3A_852 = arith.index_cast %add3A_846 : i32 to index
        %get3A_853 = tpu.vector_load %get3A_850[%get3A_851, %get3A_852] {strides = array<i32>} : memref<128x128xf32, #tpu.memory_space<vmem>>, vector<1x16xf32>,
        %get3A_854 = vector.shape_cast %get3A_853 : vector<1x16xf32> to vector<16xf32>
        %mul3A_855 = arith.constant 8.000000e+00 : f32
        %mul3A_856 = vector.broadcast %mul3A_855 : f32 to vector<16xf32>
        %mul3A_857 = arith.mulf %get3A_854, %mul3A_856 : vector<16xf32>
        %add3A_858 = arith.constant 32 : i32
        %add3A_859 = arith.addi %mul3A_786, %add3A_858 : i32
        %get3A_860 = arith.index_cast %add3A_859 : i32 to index
        %get3A_861 = tpu.vector_load %arg9[%get3A_860] {strides = array<i32>} : memref<12800xf32, #tpu.memory_space<vmem>>, vector<16xf32>,
        %get3A_862 = vector.shape_cast %get3A_861 : vector<16xf32> to vector<16xf32>
        %add3A_863 = arith.addf %mul3A_857, %get3A_862 : vector<16xf32>
        %swap3A_864 = arith.constant 0 : i32
        %swap3A_865 = arith.constant 0 : i32
        %swap3A_866 = tpu.memref_slice %arg11[%scan3A_15, %swap3A_864, %swap3A_865] : memref<2x128x64xf32, #tpu.memory_space<vmem>> -> memref<1x128x64xf32, #tpu.memory_space<vmem>>
        %swap3A_867 = tpu.memref_squeeze %swap3A_866 : memref<1x128x64xf32, #tpu.memory_space<vmem>> -> memref<128x64xf32, #tpu.memory_space<vmem>>
        %swap3A_868 = arith.index_cast %add3A_778 : i32 to index
        %swap3A_869 = arith.constant 32 : index
        %swap3A_870 = tpu.vector_load %swap3A_867[%swap3A_868, %swap3A_869] {strides = array<i32>} : memref<128x64xf32, #tpu.memory_space<vmem>>, vector<1x16xf32>,
        %swap3A_871 = vector.shape_cast %swap3A_870 : vector<1x16xf32> to vector<16xf32>
        %swap3A_872 = vector.shape_cast %add3A_863 : vector<16xf32> to vector<1x16xf32>
        tpu.vector_store %swap3A_867[%swap3A_868, %swap3A_869], %swap3A_872 {strides = array<i32>} : memref<128x64xf32, #tpu.memory_space<vmem>>, vector<1x16xf32>,
        %add3A_873 = arith.constant 48 : i32
        %add3A_874 = arith.addi %squeeze3A_788, %add3A_873 : i32
        %get3A_875 = arith.constant 0 : i32
        %get3A_876 = arith.constant 0 : i32
        %get3A_877 = tpu.memref_slice %arg10[%scan3A_16, %get3A_875, %get3A_876] : memref<2x128x128xf32, #tpu.memory_space<vmem>> -> memref<1x128x128xf32, #tpu.memory_space<vmem>>
        %get3A_878 = tpu.memref_squeeze %get3A_877 : memref<1x128x128xf32, #tpu.memory_space<vmem>> -> memref<128x128xf32, #tpu.memory_space<vmem>>
        %get3A_879 = arith.index_cast %add3A_778 : i32 to index
        %get3A_880 = arith.index_cast %add3A_874 : i32 to index
        %get3A_881 = tpu.vector_load %get3A_878[%get3A_879, %get3A_880] {strides = array<i32>} : memref<128x128xf32, #tpu.memory_space<vmem>>, vector<1x16xf32>,
        %get3A_882 = vector.shape_cast %get3A_881 : vector<1x16xf32> to vector<16xf32>
        %mul3A_883 = arith.constant 8.000000e+00 : f32
        %mul3A_884 = vector.broadcast %mul3A_883 : f32 to vector<16xf32>
        %mul3A_885 = arith.mulf %get3A_882, %mul3A_884 : vector<16xf32>
        %add3A_886 = arith.constant 48 : i32
        %add3A_887 = arith.addi %mul3A_786, %add3A_886 : i32
        %get3A_888 = arith.index_cast %add3A_887 : i32 to index
        %get3A_889 = tpu.vector_load %arg9[%get3A_888] {strides = array<i32>} : memref<12800xf32, #tpu.memory_space<vmem>>, vector<16xf32>,
        %get3A_890 = vector.shape_cast %get3A_889 : vector<16xf32> to vector<16xf32>
        %add3A_891 = arith.addf %mul3A_885, %get3A_890 : vector<16xf32>
        %swap3A_892 = arith.constant 0 : i32
        %swap3A_893 = arith.constant 0 : i32
        %swap3A_894 = tpu.memref_slice %arg11[%scan3A_15, %swap3A_892, %swap3A_893] : memref<2x128x64xf32, #tpu.memory_space<vmem>> -> memref<1x128x64xf32, #tpu.memory_space<vmem>>
        %swap3A_895 = tpu.memref_squeeze %swap3A_894 : memref<1x128x64xf32, #tpu.memory_space<vmem>> -> memref<128x64xf32, #tpu.memory_space<vmem>>
        %swap3A_896 = arith.index_cast %add3A_778 : i32 to index
        %swap3A_897 = arith.constant 48 : index
        %swap3A_898 = tpu.vector_load %swap3A_895[%swap3A_896, %swap3A_897] {strides = array<i32>} : memref<128x64xf32, #tpu.memory_space<vmem>>, vector<1x16xf32>,
        %swap3A_899 = vector.shape_cast %swap3A_898 : vector<1x16xf32> to vector<16xf32>
        %swap3A_900 = vector.shape_cast %add3A_891 : vector<16xf32> to vector<1x16xf32>
        tpu.vector_store %swap3A_895[%swap3A_896, %swap3A_897], %swap3A_900 {strides = array<i32>} : memref<128x64xf32, #tpu.memory_space<vmem>>, vector<1x16xf32>,
        %add3A_901 = arith.constant 6 : i32
        %add3A_902 = arith.addi %mul3A_158, %add3A_901 : i32
        %add3A_903 = arith.addi %rem3A_82, %add3A_902 : i32
        %ge3A_904 = arith.constant 200 : i32
        %ge3A_905 = arith.cmpi sge, %add3A_903, %ge3A_904 : i32
        %sub3A_906 = arith.constant 200 : i32
        %sub3A_907 = arith.subi %add3A_903, %sub3A_906 : i32
        %select_n3A_908 = arith.select %ge3A_905, %sub3A_907, %add3A_903 : i32
        %mul3A_909 = arith.constant 64 : i32
        %mul3A_910 = arith.muli %select_n3A_908, %mul3A_909 : i32
        %slice3A_911 = vector.extract_strided_slice %get3A_161 {offsets = [6], sizes = [1], strides = [1]} : vector<16xi32> to vector<1xi32>
        %squeeze3A_912 = vector.extract %slice3A_911[0] : i32 from vector<1xi32>
        %add3A_913 = arith.constant 0 : i32
        %add3A_914 = arith.addi %squeeze3A_912, %add3A_913 : i32
        %get3A_915 = arith.constant 0 : i32
        %get3A_916 = arith.constant 0 : i32
        %get3A_917 = tpu.memref_slice %arg10[%scan3A_16, %get3A_915, %get3A_916] : memref<2x128x128xf32, #tpu.memory_space<vmem>> -> memref<1x128x128xf32, #tpu.memory_space<vmem>>
        %get3A_918 = tpu.memref_squeeze %get3A_917 : memref<1x128x128xf32, #tpu.memory_space<vmem>> -> memref<128x128xf32, #tpu.memory_space<vmem>>
        %get3A_919 = arith.index_cast %add3A_902 : i32 to index
        %get3A_920 = arith.index_cast %add3A_914 : i32 to index
        %get3A_921 = tpu.vector_load %get3A_918[%get3A_919, %get3A_920] {strides = array<i32>} : memref<128x128xf32, #tpu.memory_space<vmem>>, vector<1x16xf32>,
        %get3A_922 = vector.shape_cast %get3A_921 : vector<1x16xf32> to vector<16xf32>
        %mul3A_923 = arith.constant 8.000000e+00 : f32
        %mul3A_924 = vector.broadcast %mul3A_923 : f32 to vector<16xf32>
        %mul3A_925 = arith.mulf %get3A_922, %mul3A_924 : vector<16xf32>
        %add3A_926 = arith.constant 0 : i32
        %add3A_927 = arith.addi %mul3A_910, %add3A_926 : i32
        %get3A_928 = arith.index_cast %add3A_927 : i32 to index
        %get3A_929 = tpu.vector_load %arg9[%get3A_928] {strides = array<i32>} : memref<12800xf32, #tpu.memory_space<vmem>>, vector<16xf32>,
        %get3A_930 = vector.shape_cast %get3A_929 : vector<16xf32> to vector<16xf32>
        %add3A_931 = arith.addf %mul3A_925, %get3A_930 : vector<16xf32>
        %swap3A_932 = arith.constant 0 : i32
        %swap3A_933 = arith.constant 0 : i32
        %swap3A_934 = tpu.memref_slice %arg11[%scan3A_15, %swap3A_932, %swap3A_933] : memref<2x128x64xf32, #tpu.memory_space<vmem>> -> memref<1x128x64xf32, #tpu.memory_space<vmem>>
        %swap3A_935 = tpu.memref_squeeze %swap3A_934 : memref<1x128x64xf32, #tpu.memory_space<vmem>> -> memref<128x64xf32, #tpu.memory_space<vmem>>
        %swap3A_936 = arith.index_cast %add3A_902 : i32 to index
        %swap3A_937 = arith.constant 0 : index
        %swap3A_938 = tpu.vector_load %swap3A_935[%swap3A_936, %swap3A_937] {strides = array<i32>} : memref<128x64xf32, #tpu.memory_space<vmem>>, vector<1x16xf32>,
        %swap3A_939 = vector.shape_cast %swap3A_938 : vector<1x16xf32> to vector<16xf32>
        %swap3A_940 = vector.shape_cast %add3A_931 : vector<16xf32> to vector<1x16xf32>
        tpu.vector_store %swap3A_935[%swap3A_936, %swap3A_937], %swap3A_940 {strides = array<i32>} : memref<128x64xf32, #tpu.memory_space<vmem>>, vector<1x16xf32>,
        %add3A_941 = arith.constant 16 : i32
        %add3A_942 = arith.addi %squeeze3A_912, %add3A_941 : i32
        %get3A_943 = arith.constant 0 : i32
        %get3A_944 = arith.constant 0 : i32
        %get3A_945 = tpu.memref_slice %arg10[%scan3A_16, %get3A_943, %get3A_944] : memref<2x128x128xf32, #tpu.memory_space<vmem>> -> memref<1x128x128xf32, #tpu.memory_space<vmem>>
        %get3A_946 = tpu.memref_squeeze %get3A_945 : memref<1x128x128xf32, #tpu.memory_space<vmem>> -> memref<128x128xf32, #tpu.memory_space<vmem>>
        %get3A_947 = arith.index_cast %add3A_902 : i32 to index
        %get3A_948 = arith.index_cast %add3A_942 : i32 to index
        %get3A_949 = tpu.vector_load %get3A_946[%get3A_947, %get3A_948] {strides = array<i32>} : memref<128x128xf32, #tpu.memory_space<vmem>>, vector<1x16xf32>,
        %get3A_950 = vector.shape_cast %get3A_949 : vector<1x16xf32> to vector<16xf32>
        %mul3A_951 = arith.constant 8.000000e+00 : f32
        %mul3A_952 = vector.broadcast %mul3A_951 : f32 to vector<16xf32>
        %mul3A_953 = arith.mulf %get3A_950, %mul3A_952 : vector<16xf32>
        %add3A_954 = arith.constant 16 : i32
        %add3A_955 = arith.addi %mul3A_910, %add3A_954 : i32
        %get3A_956 = arith.index_cast %add3A_955 : i32 to index
        %get3A_957 = tpu.vector_load %arg9[%get3A_956] {strides = array<i32>} : memref<12800xf32, #tpu.memory_space<vmem>>, vector<16xf32>,
        %get3A_958 = vector.shape_cast %get3A_957 : vector<16xf32> to vector<16xf32>
        %add3A_959 = arith.addf %mul3A_953, %get3A_958 : vector<16xf32>
        %swap3A_960 = arith.constant 0 : i32
        %swap3A_961 = arith.constant 0 : i32
        %swap3A_962 = tpu.memref_slice %arg11[%scan3A_15, %swap3A_960, %swap3A_961] : memref<2x128x64xf32, #tpu.memory_space<vmem>> -> memref<1x128x64xf32, #tpu.memory_space<vmem>>
        %swap3A_963 = tpu.memref_squeeze %swap3A_962 : memref<1x128x64xf32, #tpu.memory_space<vmem>> -> memref<128x64xf32, #tpu.memory_space<vmem>>
        %swap3A_964 = arith.index_cast %add3A_902 : i32 to index
        %swap3A_965 = arith.constant 16 : index
        %swap3A_966 = tpu.vector_load %swap3A_963[%swap3A_964, %swap3A_965] {strides = array<i32>} : memref<128x64xf32, #tpu.memory_space<vmem>>, vector<1x16xf32>,
        %swap3A_967 = vector.shape_cast %swap3A_966 : vector<1x16xf32> to vector<16xf32>
        %swap3A_968 = vector.shape_cast %add3A_959 : vector<16xf32> to vector<1x16xf32>
        tpu.vector_store %swap3A_963[%swap3A_964, %swap3A_965], %swap3A_968 {strides = array<i32>} : memref<128x64xf32, #tpu.memory_space<vmem>>, vector<1x16xf32>,
        %add3A_969 = arith.constant 32 : i32
        %add3A_970 = arith.addi %squeeze3A_912, %add3A_969 : i32
        %get3A_971 = arith.constant 0 : i32
        %get3A_972 = arith.constant 0 : i32
        %get3A_973 = tpu.memref_slice %arg10[%scan3A_16, %get3A_971, %get3A_972] : memref<2x128x128xf32, #tpu.memory_space<vmem>> -> memref<1x128x128xf32, #tpu.memory_space<vmem>>
        %get3A_974 = tpu.memref_squeeze %get3A_973 : memref<1x128x128xf32, #tpu.memory_space<vmem>> -> memref<128x128xf32, #tpu.memory_space<vmem>>
        %get3A_975 = arith.index_cast %add3A_902 : i32 to index
        %get3A_976 = arith.index_cast %add3A_970 : i32 to index
        %get3A_977 = tpu.vector_load %get3A_974[%get3A_975, %get3A_976] {strides = array<i32>} : memref<128x128xf32, #tpu.memory_space<vmem>>, vector<1x16xf32>,
        %get3A_978 = vector.shape_cast %get3A_977 : vector<1x16xf32> to vector<16xf32>
        %mul3A_979 = arith.constant 8.000000e+00 : f32
        %mul3A_980 = vector.broadcast %mul3A_979 : f32 to vector<16xf32>
        %mul3A_981 = arith.mulf %get3A_978, %mul3A_980 : vector<16xf32>
        %add3A_982 = arith.constant 32 : i32
        %add3A_983 = arith.addi %mul3A_910, %add3A_982 : i32
        %get3A_984 = arith.index_cast %add3A_983 : i32 to index
        %get3A_985 = tpu.vector_load %arg9[%get3A_984] {strides = array<i32>} : memref<12800xf32, #tpu.memory_space<vmem>>, vector<16xf32>,
        %get3A_986 = vector.shape_cast %get3A_985 : vector<16xf32> to vector<16xf32>
        %add3A_987 = arith.addf %mul3A_981, %get3A_986 : vector<16xf32>
        %swap3A_988 = arith.constant 0 : i32
        %swap3A_989 = arith.constant 0 : i32
        %swap3A_990 = tpu.memref_slice %arg11[%scan3A_15, %swap3A_988, %swap3A_989] : memref<2x128x64xf32, #tpu.memory_space<vmem>> -> memref<1x128x64xf32, #tpu.memory_space<vmem>>
        %swap3A_991 = tpu.memref_squeeze %swap3A_990 : memref<1x128x64xf32, #tpu.memory_space<vmem>> -> memref<128x64xf32, #tpu.memory_space<vmem>>
        %swap3A_992 = arith.index_cast %add3A_902 : i32 to index
        %swap3A_993 = arith.constant 32 : index
        %swap3A_994 = tpu.vector_load %swap3A_991[%swap3A_992, %swap3A_993] {strides = array<i32>} : memref<128x64xf32, #tpu.memory_space<vmem>>, vector<1x16xf32>,
        %swap3A_995 = vector.shape_cast %swap3A_994 : vector<1x16xf32> to vector<16xf32>
        %swap3A_996 = vector.shape_cast %add3A_987 : vector<16xf32> to vector<1x16xf32>
        tpu.vector_store %swap3A_991[%swap3A_992, %swap3A_993], %swap3A_996 {strides = array<i32>} : memref<128x64xf32, #tpu.memory_space<vmem>>, vector<1x16xf32>,
        %add3A_997 = arith.constant 48 : i32
        %add3A_998 = arith.addi %squeeze3A_912, %add3A_997 : i32
        %get3A_999 = arith.constant 0 : i32
        %get3A_1000 = arith.constant 0 : i32
        %get3A_1001 = tpu.memref_slice %arg10[%scan3A_16, %get3A_999, %get3A_1000] : memref<2x128x128xf32, #tpu.memory_space<vmem>> -> memref<1x128x128xf32, #tpu.memory_space<vmem>>
        %get3A_1002 = tpu.memref_squeeze %get3A_1001 : memref<1x128x128xf32, #tpu.memory_space<vmem>> -> memref<128x128xf32, #tpu.memory_space<vmem>>
        %get3A_1003 = arith.index_cast %add3A_902 : i32 to index
        %get3A_1004 = arith.index_cast %add3A_998 : i32 to index
        %get3A_1005 = tpu.vector_load %get3A_1002[%get3A_1003, %get3A_1004] {strides = array<i32>} : memref<128x128xf32, #tpu.memory_space<vmem>>, vector<1x16xf32>,
        %get3A_1006 = vector.shape_cast %get3A_1005 : vector<1x16xf32> to vector<16xf32>
        %mul3A_1007 = arith.constant 8.000000e+00 : f32
        %mul3A_1008 = vector.broadcast %mul3A_1007 : f32 to vector<16xf32>
        %mul3A_1009 = arith.mulf %get3A_1006, %mul3A_1008 : vector<16xf32>
        %add3A_1010 = arith.constant 48 : i32
        %add3A_1011 = arith.addi %mul3A_910, %add3A_1010 : i32
        %get3A_1012 = arith.index_cast %add3A_1011 : i32 to index
        %get3A_1013 = tpu.vector_load %arg9[%get3A_1012] {strides = array<i32>} : memref<12800xf32, #tpu.memory_space<vmem>>, vector<16xf32>,
        %get3A_1014 = vector.shape_cast %get3A_1013 : vector<16xf32> to vector<16xf32>
        %add3A_1015 = arith.addf %mul3A_1009, %get3A_1014 : vector<16xf32>
        %swap3A_1016 = arith.constant 0 : i32
        %swap3A_1017 = arith.constant 0 : i32
        %swap3A_1018 = tpu.memref_slice %arg11[%scan3A_15, %swap3A_1016, %swap3A_1017] : memref<2x128x64xf32, #tpu.memory_space<vmem>> -> memref<1x128x64xf32, #tpu.memory_space<vmem>>
        %swap3A_1019 = tpu.memref_squeeze %swap3A_1018 : memref<1x128x64xf32, #tpu.memory_space<vmem>> -> memref<128x64xf32, #tpu.memory_space<vmem>>
        %swap3A_1020 = arith.index_cast %add3A_902 : i32 to index
        %swap3A_1021 = arith.constant 48 : index
        %swap3A_1022 = tpu.vector_load %swap3A_1019[%swap3A_1020, %swap3A_1021] {strides = array<i32>} : memref<128x64xf32, #tpu.memory_space<vmem>>, vector<1x16xf32>,
        %swap3A_1023 = vector.shape_cast %swap3A_1022 : vector<1x16xf32> to vector<16xf32>
        %swap3A_1024 = vector.shape_cast %add3A_1015 : vector<16xf32> to vector<1x16xf32>
        tpu.vector_store %swap3A_1019[%swap3A_1020, %swap3A_1021], %swap3A_1024 {strides = array<i32>} : memref<128x64xf32, #tpu.memory_space<vmem>>, vector<1x16xf32>,
        %add3A_1025 = arith.constant 7 : i32
        %add3A_1026 = arith.addi %mul3A_158, %add3A_1025 : i32
        %add3A_1027 = arith.addi %rem3A_82, %add3A_1026 : i32
        %ge3A_1028 = arith.constant 200 : i32
        %ge3A_1029 = arith.cmpi sge, %add3A_1027, %ge3A_1028 : i32
        %sub3A_1030 = arith.constant 200 : i32
        %sub3A_1031 = arith.subi %add3A_1027, %sub3A_1030 : i32
        %select_n3A_1032 = arith.select %ge3A_1029, %sub3A_1031, %add3A_1027 : i32
        %mul3A_1033 = arith.constant 64 : i32
        %mul3A_1034 = arith.muli %select_n3A_1032, %mul3A_1033 : i32
        %slice3A_1035 = vector.extract_strided_slice %get3A_161 {offsets = [7], sizes = [1], strides = [1]} : vector<16xi32> to vector<1xi32>
        %squeeze3A_1036 = vector.extract %slice3A_1035[0] : i32 from vector<1xi32>
        %add3A_1037 = arith.constant 0 : i32
        %add3A_1038 = arith.addi %squeeze3A_1036, %add3A_1037 : i32
        %get3A_1039 = arith.constant 0 : i32
        %get3A_1040 = arith.constant 0 : i32
        %get3A_1041 = tpu.memref_slice %arg10[%scan3A_16, %get3A_1039, %get3A_1040] : memref<2x128x128xf32, #tpu.memory_space<vmem>> -> memref<1x128x128xf32, #tpu.memory_space<vmem>>
        %get3A_1042 = tpu.memref_squeeze %get3A_1041 : memref<1x128x128xf32, #tpu.memory_space<vmem>> -> memref<128x128xf32, #tpu.memory_space<vmem>>
        %get3A_1043 = arith.index_cast %add3A_1026 : i32 to index
        %get3A_1044 = arith.index_cast %add3A_1038 : i32 to index
        %get3A_1045 = tpu.vector_load %get3A_1042[%get3A_1043, %get3A_1044] {strides = array<i32>} : memref<128x128xf32, #tpu.memory_space<vmem>>, vector<1x16xf32>,
        %get3A_1046 = vector.shape_cast %get3A_1045 : vector<1x16xf32> to vector<16xf32>
        %mul3A_1047 = arith.constant 8.000000e+00 : f32
        %mul3A_1048 = vector.broadcast %mul3A_1047 : f32 to vector<16xf32>
        %mul3A_1049 = arith.mulf %get3A_1046, %mul3A_1048 : vector<16xf32>
        %add3A_1050 = arith.constant 0 : i32
        %add3A_1051 = arith.addi %mul3A_1034, %add3A_1050 : i32
        %get3A_1052 = arith.index_cast %add3A_1051 : i32 to index
        %get3A_1053 = tpu.vector_load %arg9[%get3A_1052] {strides = array<i32>} : memref<12800xf32, #tpu.memory_space<vmem>>, vector<16xf32>,
        %get3A_1054 = vector.shape_cast %get3A_1053 : vector<16xf32> to vector<16xf32>
        %add3A_1055 = arith.addf %mul3A_1049, %get3A_1054 : vector<16xf32>
        %swap3A_1056 = arith.constant 0 : i32
        %swap3A_1057 = arith.constant 0 : i32
        %swap3A_1058 = tpu.memref_slice %arg11[%scan3A_15, %swap3A_1056, %swap3A_1057] : memref<2x128x64xf32, #tpu.memory_space<vmem>> -> memref<1x128x64xf32, #tpu.memory_space<vmem>>
        %swap3A_1059 = tpu.memref_squeeze %swap3A_1058 : memref<1x128x64xf32, #tpu.memory_space<vmem>> -> memref<128x64xf32, #tpu.memory_space<vmem>>
        %swap3A_1060 = arith.index_cast %add3A_1026 : i32 to index
        %swap3A_1061 = arith.constant 0 : index
        %swap3A_1062 = tpu.vector_load %swap3A_1059[%swap3A_1060, %swap3A_1061] {strides = array<i32>} : memref<128x64xf32, #tpu.memory_space<vmem>>, vector<1x16xf32>,
        %swap3A_1063 = vector.shape_cast %swap3A_1062 : vector<1x16xf32> to vector<16xf32>
        %swap3A_1064 = vector.shape_cast %add3A_1055 : vector<16xf32> to vector<1x16xf32>
        tpu.vector_store %swap3A_1059[%swap3A_1060, %swap3A_1061], %swap3A_1064 {strides = array<i32>} : memref<128x64xf32, #tpu.memory_space<vmem>>, vector<1x16xf32>,
        %add3A_1065 = arith.constant 16 : i32
        %add3A_1066 = arith.addi %squeeze3A_1036, %add3A_1065 : i32
        %get3A_1067 = arith.constant 0 : i32
        %get3A_1068 = arith.constant 0 : i32
        %get3A_1069 = tpu.memref_slice %arg10[%scan3A_16, %get3A_1067, %get3A_1068] : memref<2x128x128xf32, #tpu.memory_space<vmem>> -> memref<1x128x128xf32, #tpu.memory_space<vmem>>
        %get3A_1070 = tpu.memref_squeeze %get3A_1069 : memref<1x128x128xf32, #tpu.memory_space<vmem>> -> memref<128x128xf32, #tpu.memory_space<vmem>>
        %get3A_1071 = arith.index_cast %add3A_1026 : i32 to index
        %get3A_1072 = arith.index_cast %add3A_1066 : i32 to index
        %get3A_1073 = tpu.vector_load %get3A_1070[%get3A_1071, %get3A_1072] {strides = array<i32>} : memref<128x128xf32, #tpu.memory_space<vmem>>, vector<1x16xf32>,
        %get3A_1074 = vector.shape_cast %get3A_1073 : vector<1x16xf32> to vector<16xf32>
        %mul3A_1075 = arith.constant 8.000000e+00 : f32
        %mul3A_1076 = vector.broadcast %mul3A_1075 : f32 to vector<16xf32>
        %mul3A_1077 = arith.mulf %get3A_1074, %mul3A_1076 : vector<16xf32>
        %add3A_1078 = arith.constant 16 : i32
        %add3A_1079 = arith.addi %mul3A_1034, %add3A_1078 : i32
        %get3A_1080 = arith.index_cast %add3A_1079 : i32 to index
        %get3A_1081 = tpu.vector_load %arg9[%get3A_1080] {strides = array<i32>} : memref<12800xf32, #tpu.memory_space<vmem>>, vector<16xf32>,
        %get3A_1082 = vector.shape_cast %get3A_1081 : vector<16xf32> to vector<16xf32>
        %add3A_1083 = arith.addf %mul3A_1077, %get3A_1082 : vector<16xf32>
        %swap3A_1084 = arith.constant 0 : i32
        %swap3A_1085 = arith.constant 0 : i32
        %swap3A_1086 = tpu.memref_slice %arg11[%scan3A_15, %swap3A_1084, %swap3A_1085] : memref<2x128x64xf32, #tpu.memory_space<vmem>> -> memref<1x128x64xf32, #tpu.memory_space<vmem>>
        %swap3A_1087 = tpu.memref_squeeze %swap3A_1086 : memref<1x128x64xf32, #tpu.memory_space<vmem>> -> memref<128x64xf32, #tpu.memory_space<vmem>>
        %swap3A_1088 = arith.index_cast %add3A_1026 : i32 to index
        %swap3A_1089 = arith.constant 16 : index
        %swap3A_1090 = tpu.vector_load %swap3A_1087[%swap3A_1088, %swap3A_1089] {strides = array<i32>} : memref<128x64xf32, #tpu.memory_space<vmem>>, vector<1x16xf32>,
        %swap3A_1091 = vector.shape_cast %swap3A_1090 : vector<1x16xf32> to vector<16xf32>
        %swap3A_1092 = vector.shape_cast %add3A_1083 : vector<16xf32> to vector<1x16xf32>
        tpu.vector_store %swap3A_1087[%swap3A_1088, %swap3A_1089], %swap3A_1092 {strides = array<i32>} : memref<128x64xf32, #tpu.memory_space<vmem>>, vector<1x16xf32>,
        %add3A_1093 = arith.constant 32 : i32
        %add3A_1094 = arith.addi %squeeze3A_1036, %add3A_1093 : i32
        %get3A_1095 = arith.constant 0 : i32
        %get3A_1096 = arith.constant 0 : i32
        %get3A_1097 = tpu.memref_slice %arg10[%scan3A_16, %get3A_1095, %get3A_1096] : memref<2x128x128xf32, #tpu.memory_space<vmem>> -> memref<1x128x128xf32, #tpu.memory_space<vmem>>
        %get3A_1098 = tpu.memref_squeeze %get3A_1097 : memref<1x128x128xf32, #tpu.memory_space<vmem>> -> memref<128x128xf32, #tpu.memory_space<vmem>>
        %get3A_1099 = arith.index_cast %add3A_1026 : i32 to index
        %get3A_1100 = arith.index_cast %add3A_1094 : i32 to index
        %get3A_1101 = tpu.vector_load %get3A_1098[%get3A_1099, %get3A_1100] {strides = array<i32>} : memref<128x128xf32, #tpu.memory_space<vmem>>, vector<1x16xf32>,
        %get3A_1102 = vector.shape_cast %get3A_1101 : vector<1x16xf32> to vector<16xf32>
        %mul3A_1103 = arith.constant 8.000000e+00 : f32
        %mul3A_1104 = vector.broadcast %mul3A_1103 : f32 to vector<16xf32>
        %mul3A_1105 = arith.mulf %get3A_1102, %mul3A_1104 : vector<16xf32>
        %add3A_1106 = arith.constant 32 : i32
        %add3A_1107 = arith.addi %mul3A_1034, %add3A_1106 : i32
        %get3A_1108 = arith.index_cast %add3A_1107 : i32 to index
        %get3A_1109 = tpu.vector_load %arg9[%get3A_1108] {strides = array<i32>} : memref<12800xf32, #tpu.memory_space<vmem>>, vector<16xf32>,
        %get3A_1110 = vector.shape_cast %get3A_1109 : vector<16xf32> to vector<16xf32>
        %add3A_1111 = arith.addf %mul3A_1105, %get3A_1110 : vector<16xf32>
        %swap3A_1112 = arith.constant 0 : i32
        %swap3A_1113 = arith.constant 0 : i32
        %swap3A_1114 = tpu.memref_slice %arg11[%scan3A_15, %swap3A_1112, %swap3A_1113] : memref<2x128x64xf32, #tpu.memory_space<vmem>> -> memref<1x128x64xf32, #tpu.memory_space<vmem>>
        %swap3A_1115 = tpu.memref_squeeze %swap3A_1114 : memref<1x128x64xf32, #tpu.memory_space<vmem>> -> memref<128x64xf32, #tpu.memory_space<vmem>>
        %swap3A_1116 = arith.index_cast %add3A_1026 : i32 to index
        %swap3A_1117 = arith.constant 32 : index
        %swap3A_1118 = tpu.vector_load %swap3A_1115[%swap3A_1116, %swap3A_1117] {strides = array<i32>} : memref<128x64xf32, #tpu.memory_space<vmem>>, vector<1x16xf32>,
        %swap3A_1119 = vector.shape_cast %swap3A_1118 : vector<1x16xf32> to vector<16xf32>
        %swap3A_1120 = vector.shape_cast %add3A_1111 : vector<16xf32> to vector<1x16xf32>
        tpu.vector_store %swap3A_1115[%swap3A_1116, %swap3A_1117], %swap3A_1120 {strides = array<i32>} : memref<128x64xf32, #tpu.memory_space<vmem>>, vector<1x16xf32>,
        %add3A_1121 = arith.constant 48 : i32
        %add3A_1122 = arith.addi %squeeze3A_1036, %add3A_1121 : i32
        %get3A_1123 = arith.constant 0 : i32
        %get3A_1124 = arith.constant 0 : i32
        %get3A_1125 = tpu.memref_slice %arg10[%scan3A_16, %get3A_1123, %get3A_1124] : memref<2x128x128xf32, #tpu.memory_space<vmem>> -> memref<1x128x128xf32, #tpu.memory_space<vmem>>
        %get3A_1126 = tpu.memref_squeeze %get3A_1125 : memref<1x128x128xf32, #tpu.memory_space<vmem>> -> memref<128x128xf32, #tpu.memory_space<vmem>>
        %get3A_1127 = arith.index_cast %add3A_1026 : i32 to index
        %get3A_1128 = arith.index_cast %add3A_1122 : i32 to index
        %get3A_1129 = tpu.vector_load %get3A_1126[%get3A_1127, %get3A_1128] {strides = array<i32>} : memref<128x128xf32, #tpu.memory_space<vmem>>, vector<1x16xf32>,
        %get3A_1130 = vector.shape_cast %get3A_1129 : vector<1x16xf32> to vector<16xf32>
        %mul3A_1131 = arith.constant 8.000000e+00 : f32
        %mul3A_1132 = vector.broadcast %mul3A_1131 : f32 to vector<16xf32>
        %mul3A_1133 = arith.mulf %get3A_1130, %mul3A_1132 : vector<16xf32>
        %add3A_1134 = arith.constant 48 : i32
        %add3A_1135 = arith.addi %mul3A_1034, %add3A_1134 : i32
        %get3A_1136 = arith.index_cast %add3A_1135 : i32 to index
        %get3A_1137 = tpu.vector_load %arg9[%get3A_1136] {strides = array<i32>} : memref<12800xf32, #tpu.memory_space<vmem>>, vector<16xf32>,
        %get3A_1138 = vector.shape_cast %get3A_1137 : vector<16xf32> to vector<16xf32>
        %add3A_1139 = arith.addf %mul3A_1133, %get3A_1138 : vector<16xf32>
        %swap3A_1140 = arith.constant 0 : i32
        %swap3A_1141 = arith.constant 0 : i32
        %swap3A_1142 = tpu.memref_slice %arg11[%scan3A_15, %swap3A_1140, %swap3A_1141] : memref<2x128x64xf32, #tpu.memory_space<vmem>> -> memref<1x128x64xf32, #tpu.memory_space<vmem>>
        %swap3A_1143 = tpu.memref_squeeze %swap3A_1142 : memref<1x128x64xf32, #tpu.memory_space<vmem>> -> memref<128x64xf32, #tpu.memory_space<vmem>>
        %swap3A_1144 = arith.index_cast %add3A_1026 : i32 to index
        %swap3A_1145 = arith.constant 48 : index
        %swap3A_1146 = tpu.vector_load %swap3A_1143[%swap3A_1144, %swap3A_1145] {strides = array<i32>} : memref<128x64xf32, #tpu.memory_space<vmem>>, vector<1x16xf32>,
        %swap3A_1147 = vector.shape_cast %swap3A_1146 : vector<1x16xf32> to vector<16xf32>
        %swap3A_1148 = vector.shape_cast %add3A_1139 : vector<16xf32> to vector<1x16xf32>
        tpu.vector_store %swap3A_1143[%swap3A_1144, %swap3A_1145], %swap3A_1148 {strides = array<i32>} : memref<128x64xf32, #tpu.memory_space<vmem>>, vector<1x16xf32>,
        %add3A_1149 = arith.constant 8 : i32
        %add3A_1150 = arith.addi %mul3A_158, %add3A_1149 : i32
        %add3A_1151 = arith.addi %rem3A_82, %add3A_1150 : i32
        %ge3A_1152 = arith.constant 200 : i32
        %ge3A_1153 = arith.cmpi sge, %add3A_1151, %ge3A_1152 : i32
        %sub3A_1154 = arith.constant 200 : i32
        %sub3A_1155 = arith.subi %add3A_1151, %sub3A_1154 : i32
        %select_n3A_1156 = arith.select %ge3A_1153, %sub3A_1155, %add3A_1151 : i32
        %mul3A_1157 = arith.constant 64 : i32
        %mul3A_1158 = arith.muli %select_n3A_1156, %mul3A_1157 : i32
        %slice3A_1159 = vector.extract_strided_slice %get3A_161 {offsets = [8], sizes = [1], strides = [1]} : vector<16xi32> to vector<1xi32>
        %squeeze3A_1160 = vector.extract %slice3A_1159[0] : i32 from vector<1xi32>
        %add3A_1161 = arith.constant 0 : i32
        %add3A_1162 = arith.addi %squeeze3A_1160, %add3A_1161 : i32
        %get3A_1163 = arith.constant 0 : i32
        %get3A_1164 = arith.constant 0 : i32
        %get3A_1165 = tpu.memref_slice %arg10[%scan3A_16, %get3A_1163, %get3A_1164] : memref<2x128x128xf32, #tpu.memory_space<vmem>> -> memref<1x128x128xf32, #tpu.memory_space<vmem>>
        %get3A_1166 = tpu.memref_squeeze %get3A_1165 : memref<1x128x128xf32, #tpu.memory_space<vmem>> -> memref<128x128xf32, #tpu.memory_space<vmem>>
        %get3A_1167 = arith.index_cast %add3A_1150 : i32 to index
        %get3A_1168 = arith.index_cast %add3A_1162 : i32 to index
        %get3A_1169 = tpu.vector_load %get3A_1166[%get3A_1167, %get3A_1168] {strides = array<i32>} : memref<128x128xf32, #tpu.memory_space<vmem>>, vector<1x16xf32>,
        %get3A_1170 = vector.shape_cast %get3A_1169 : vector<1x16xf32> to vector<16xf32>
        %mul3A_1171 = arith.constant 8.000000e+00 : f32
        %mul3A_1172 = vector.broadcast %mul3A_1171 : f32 to vector<16xf32>
        %mul3A_1173 = arith.mulf %get3A_1170, %mul3A_1172 : vector<16xf32>
        %add3A_1174 = arith.constant 0 : i32
        %add3A_1175 = arith.addi %mul3A_1158, %add3A_1174 : i32
        %get3A_1176 = arith.index_cast %add3A_1175 : i32 to index
        %get3A_1177 = tpu.vector_load %arg9[%get3A_1176] {strides = array<i32>} : memref<12800xf32, #tpu.memory_space<vmem>>, vector<16xf32>,
        %get3A_1178 = vector.shape_cast %get3A_1177 : vector<16xf32> to vector<16xf32>
        %add3A_1179 = arith.addf %mul3A_1173, %get3A_1178 : vector<16xf32>
        %swap3A_1180 = arith.constant 0 : i32
        %swap3A_1181 = arith.constant 0 : i32
        %swap3A_1182 = tpu.memref_slice %arg11[%scan3A_15, %swap3A_1180, %swap3A_1181] : memref<2x128x64xf32, #tpu.memory_space<vmem>> -> memref<1x128x64xf32, #tpu.memory_space<vmem>>
        %swap3A_1183 = tpu.memref_squeeze %swap3A_1182 : memref<1x128x64xf32, #tpu.memory_space<vmem>> -> memref<128x64xf32, #tpu.memory_space<vmem>>
        %swap3A_1184 = arith.index_cast %add3A_1150 : i32 to index
        %swap3A_1185 = arith.constant 0 : index
        %swap3A_1186 = tpu.vector_load %swap3A_1183[%swap3A_1184, %swap3A_1185] {strides = array<i32>} : memref<128x64xf32, #tpu.memory_space<vmem>>, vector<1x16xf32>,
        %swap3A_1187 = vector.shape_cast %swap3A_1186 : vector<1x16xf32> to vector<16xf32>
        %swap3A_1188 = vector.shape_cast %add3A_1179 : vector<16xf32> to vector<1x16xf32>
        tpu.vector_store %swap3A_1183[%swap3A_1184, %swap3A_1185], %swap3A_1188 {strides = array<i32>} : memref<128x64xf32, #tpu.memory_space<vmem>>, vector<1x16xf32>,
        %add3A_1189 = arith.constant 16 : i32
        %add3A_1190 = arith.addi %squeeze3A_1160, %add3A_1189 : i32
        %get3A_1191 = arith.constant 0 : i32
        %get3A_1192 = arith.constant 0 : i32
        %get3A_1193 = tpu.memref_slice %arg10[%scan3A_16, %get3A_1191, %get3A_1192] : memref<2x128x128xf32, #tpu.memory_space<vmem>> -> memref<1x128x128xf32, #tpu.memory_space<vmem>>
        %get3A_1194 = tpu.memref_squeeze %get3A_1193 : memref<1x128x128xf32, #tpu.memory_space<vmem>> -> memref<128x128xf32, #tpu.memory_space<vmem>>
        %get3A_1195 = arith.index_cast %add3A_1150 : i32 to index
        %get3A_1196 = arith.index_cast %add3A_1190 : i32 to index
        %get3A_1197 = tpu.vector_load %get3A_1194[%get3A_1195, %get3A_1196] {strides = array<i32>} : memref<128x128xf32, #tpu.memory_space<vmem>>, vector<1x16xf32>,
        %get3A_1198 = vector.shape_cast %get3A_1197 : vector<1x16xf32> to vector<16xf32>
        %mul3A_1199 = arith.constant 8.000000e+00 : f32
        %mul3A_1200 = vector.broadcast %mul3A_1199 : f32 to vector<16xf32>
        %mul3A_1201 = arith.mulf %get3A_1198, %mul3A_1200 : vector<16xf32>
        %add3A_1202 = arith.constant 16 : i32
        %add3A_1203 = arith.addi %mul3A_1158, %add3A_1202 : i32
        %get3A_1204 = arith.index_cast %add3A_1203 : i32 to index
        %get3A_1205 = tpu.vector_load %arg9[%get3A_1204] {strides = array<i32>} : memref<12800xf32, #tpu.memory_space<vmem>>, vector<16xf32>,
        %get3A_1206 = vector.shape_cast %get3A_1205 : vector<16xf32> to vector<16xf32>
        %add3A_1207 = arith.addf %mul3A_1201, %get3A_1206 : vector<16xf32>
        %swap3A_1208 = arith.constant 0 : i32
        %swap3A_1209 = arith.constant 0 : i32
        %swap3A_1210 = tpu.memref_slice %arg11[%scan3A_15, %swap3A_1208, %swap3A_1209] : memref<2x128x64xf32, #tpu.memory_space<vmem>> -> memref<1x128x64xf32, #tpu.memory_space<vmem>>
        %swap3A_1211 = tpu.memref_squeeze %swap3A_1210 : memref<1x128x64xf32, #tpu.memory_space<vmem>> -> memref<128x64xf32, #tpu.memory_space<vmem>>
        %swap3A_1212 = arith.index_cast %add3A_1150 : i32 to index
        %swap3A_1213 = arith.constant 16 : index
        %swap3A_1214 = tpu.vector_load %swap3A_1211[%swap3A_1212, %swap3A_1213] {strides = array<i32>} : memref<128x64xf32, #tpu.memory_space<vmem>>, vector<1x16xf32>,
        %swap3A_1215 = vector.shape_cast %swap3A_1214 : vector<1x16xf32> to vector<16xf32>
        %swap3A_1216 = vector.shape_cast %add3A_1207 : vector<16xf32> to vector<1x16xf32>
        tpu.vector_store %swap3A_1211[%swap3A_1212, %swap3A_1213], %swap3A_1216 {strides = array<i32>} : memref<128x64xf32, #tpu.memory_space<vmem>>, vector<1x16xf32>,
        %add3A_1217 = arith.constant 32 : i32
        %add3A_1218 = arith.addi %squeeze3A_1160, %add3A_1217 : i32
        %get3A_1219 = arith.constant 0 : i32
        %get3A_1220 = arith.constant 0 : i32
        %get3A_1221 = tpu.memref_slice %arg10[%scan3A_16, %get3A_1219, %get3A_1220] : memref<2x128x128xf32, #tpu.memory_space<vmem>> -> memref<1x128x128xf32, #tpu.memory_space<vmem>>
        %get3A_1222 = tpu.memref_squeeze %get3A_1221 : memref<1x128x128xf32, #tpu.memory_space<vmem>> -> memref<128x128xf32, #tpu.memory_space<vmem>>
        %get3A_1223 = arith.index_cast %add3A_1150 : i32 to index
        %get3A_1224 = arith.index_cast %add3A_1218 : i32 to index
        %get3A_1225 = tpu.vector_load %get3A_1222[%get3A_1223, %get3A_1224] {strides = array<i32>} : memref<128x128xf32, #tpu.memory_space<vmem>>, vector<1x16xf32>,
        %get3A_1226 = vector.shape_cast %get3A_1225 : vector<1x16xf32> to vector<16xf32>
        %mul3A_1227 = arith.constant 8.000000e+00 : f32
        %mul3A_1228 = vector.broadcast %mul3A_1227 : f32 to vector<16xf32>
        %mul3A_1229 = arith.mulf %get3A_1226, %mul3A_1228 : vector<16xf32>
        %add3A_1230 = arith.constant 32 : i32
        %add3A_1231 = arith.addi %mul3A_1158, %add3A_1230 : i32
        %get3A_1232 = arith.index_cast %add3A_1231 : i32 to index
        %get3A_1233 = tpu.vector_load %arg9[%get3A_1232] {strides = array<i32>} : memref<12800xf32, #tpu.memory_space<vmem>>, vector<16xf32>,
        %get3A_1234 = vector.shape_cast %get3A_1233 : vector<16xf32> to vector<16xf32>
        %add3A_1235 = arith.addf %mul3A_1229, %get3A_1234 : vector<16xf32>
        %swap3A_1236 = arith.constant 0 : i32
        %swap3A_1237 = arith.constant 0 : i32
        %swap3A_1238 = tpu.memref_slice %arg11[%scan3A_15, %swap3A_1236, %swap3A_1237] : memref<2x128x64xf32, #tpu.memory_space<vmem>> -> memref<1x128x64xf32, #tpu.memory_space<vmem>>
        %swap3A_1239 = tpu.memref_squeeze %swap3A_1238 : memref<1x128x64xf32, #tpu.memory_space<vmem>> -> memref<128x64xf32, #tpu.memory_space<vmem>>
        %swap3A_1240 = arith.index_cast %add3A_1150 : i32 to index
        %swap3A_1241 = arith.constant 32 : index
        %swap3A_1242 = tpu.vector_load %swap3A_1239[%swap3A_1240, %swap3A_1241] {strides = array<i32>} : memref<128x64xf32, #tpu.memory_space<vmem>>, vector<1x16xf32>,
        %swap3A_1243 = vector.shape_cast %swap3A_1242 : vector<1x16xf32> to vector<16xf32>
        %swap3A_1244 = vector.shape_cast %add3A_1235 : vector<16xf32> to vector<1x16xf32>
        tpu.vector_store %swap3A_1239[%swap3A_1240, %swap3A_1241], %swap3A_1244 {strides = array<i32>} : memref<128x64xf32, #tpu.memory_space<vmem>>, vector<1x16xf32>,
        %add3A_1245 = arith.constant 48 : i32
        %add3A_1246 = arith.addi %squeeze3A_1160, %add3A_1245 : i32
        %get3A_1247 = arith.constant 0 : i32
        %get3A_1248 = arith.constant 0 : i32
        %get3A_1249 = tpu.memref_slice %arg10[%scan3A_16, %get3A_1247, %get3A_1248] : memref<2x128x128xf32, #tpu.memory_space<vmem>> -> memref<1x128x128xf32, #tpu.memory_space<vmem>>
        %get3A_1250 = tpu.memref_squeeze %get3A_1249 : memref<1x128x128xf32, #tpu.memory_space<vmem>> -> memref<128x128xf32, #tpu.memory_space<vmem>>
        %get3A_1251 = arith.index_cast %add3A_1150 : i32 to index
        %get3A_1252 = arith.index_cast %add3A_1246 : i32 to index
        %get3A_1253 = tpu.vector_load %get3A_1250[%get3A_1251, %get3A_1252] {strides = array<i32>} : memref<128x128xf32, #tpu.memory_space<vmem>>, vector<1x16xf32>,
        %get3A_1254 = vector.shape_cast %get3A_1253 : vector<1x16xf32> to vector<16xf32>
        %mul3A_1255 = arith.constant 8.000000e+00 : f32
        %mul3A_1256 = vector.broadcast %mul3A_1255 : f32 to vector<16xf32>
        %mul3A_1257 = arith.mulf %get3A_1254, %mul3A_1256 : vector<16xf32>
        %add3A_1258 = arith.constant 48 : i32
        %add3A_1259 = arith.addi %mul3A_1158, %add3A_1258 : i32
        %get3A_1260 = arith.index_cast %add3A_1259 : i32 to index
        %get3A_1261 = tpu.vector_load %arg9[%get3A_1260] {strides = array<i32>} : memref<12800xf32, #tpu.memory_space<vmem>>, vector<16xf32>,
        %get3A_1262 = vector.shape_cast %get3A_1261 : vector<16xf32> to vector<16xf32>
        %add3A_1263 = arith.addf %mul3A_1257, %get3A_1262 : vector<16xf32>
        %swap3A_1264 = arith.constant 0 : i32
        %swap3A_1265 = arith.constant 0 : i32
        %swap3A_1266 = tpu.memref_slice %arg11[%scan3A_15, %swap3A_1264, %swap3A_1265] : memref<2x128x64xf32, #tpu.memory_space<vmem>> -> memref<1x128x64xf32, #tpu.memory_space<vmem>>
        %swap3A_1267 = tpu.memref_squeeze %swap3A_1266 : memref<1x128x64xf32, #tpu.memory_space<vmem>> -> memref<128x64xf32, #tpu.memory_space<vmem>>
        %swap3A_1268 = arith.index_cast %add3A_1150 : i32 to index
        %swap3A_1269 = arith.constant 48 : index
        %swap3A_1270 = tpu.vector_load %swap3A_1267[%swap3A_1268, %swap3A_1269] {strides = array<i32>} : memref<128x64xf32, #tpu.memory_space<vmem>>, vector<1x16xf32>,
        %swap3A_1271 = vector.shape_cast %swap3A_1270 : vector<1x16xf32> to vector<16xf32>
        %swap3A_1272 = vector.shape_cast %add3A_1263 : vector<16xf32> to vector<1x16xf32>
        tpu.vector_store %swap3A_1267[%swap3A_1268, %swap3A_1269], %swap3A_1272 {strides = array<i32>} : memref<128x64xf32, #tpu.memory_space<vmem>>, vector<1x16xf32>,
        %add3A_1273 = arith.constant 9 : i32
        %add3A_1274 = arith.addi %mul3A_158, %add3A_1273 : i32
        %add3A_1275 = arith.addi %rem3A_82, %add3A_1274 : i32
        %ge3A_1276 = arith.constant 200 : i32
        %ge3A_1277 = arith.cmpi sge, %add3A_1275, %ge3A_1276 : i32
        %sub3A_1278 = arith.constant 200 : i32
        %sub3A_1279 = arith.subi %add3A_1275, %sub3A_1278 : i32
        %select_n3A_1280 = arith.select %ge3A_1277, %sub3A_1279, %add3A_1275 : i32
        %mul3A_1281 = arith.constant 64 : i32
        %mul3A_1282 = arith.muli %select_n3A_1280, %mul3A_1281 : i32
        %slice3A_1283 = vector.extract_strided_slice %get3A_161 {offsets = [9], sizes = [1], strides = [1]} : vector<16xi32> to vector<1xi32>
        %squeeze3A_1284 = vector.extract %slice3A_1283[0] : i32 from vector<1xi32>
        %add3A_1285 = arith.constant 0 : i32
        %add3A_1286 = arith.addi %squeeze3A_1284, %add3A_1285 : i32
        %get3A_1287 = arith.constant 0 : i32
        %get3A_1288 = arith.constant 0 : i32
        %get3A_1289 = tpu.memref_slice %arg10[%scan3A_16, %get3A_1287, %get3A_1288] : memref<2x128x128xf32, #tpu.memory_space<vmem>> -> memref<1x128x128xf32, #tpu.memory_space<vmem>>
        %get3A_1290 = tpu.memref_squeeze %get3A_1289 : memref<1x128x128xf32, #tpu.memory_space<vmem>> -> memref<128x128xf32, #tpu.memory_space<vmem>>
        %get3A_1291 = arith.index_cast %add3A_1274 : i32 to index
        %get3A_1292 = arith.index_cast %add3A_1286 : i32 to index
        %get3A_1293 = tpu.vector_load %get3A_1290[%get3A_1291, %get3A_1292] {strides = array<i32>} : memref<128x128xf32, #tpu.memory_space<vmem>>, vector<1x16xf32>,
        %get3A_1294 = vector.shape_cast %get3A_1293 : vector<1x16xf32> to vector<16xf32>
        %mul3A_1295 = arith.constant 8.000000e+00 : f32
        %mul3A_1296 = vector.broadcast %mul3A_1295 : f32 to vector<16xf32>
        %mul3A_1297 = arith.mulf %get3A_1294, %mul3A_1296 : vector<16xf32>
        %add3A_1298 = arith.constant 0 : i32
        %add3A_1299 = arith.addi %mul3A_1282, %add3A_1298 : i32
        %get3A_1300 = arith.index_cast %add3A_1299 : i32 to index
        %get3A_1301 = tpu.vector_load %arg9[%get3A_1300] {strides = array<i32>} : memref<12800xf32, #tpu.memory_space<vmem>>, vector<16xf32>,
        %get3A_1302 = vector.shape_cast %get3A_1301 : vector<16xf32> to vector<16xf32>
        %add3A_1303 = arith.addf %mul3A_1297, %get3A_1302 : vector<16xf32>
        %swap3A_1304 = arith.constant 0 : i32
        %swap3A_1305 = arith.constant 0 : i32
        %swap3A_1306 = tpu.memref_slice %arg11[%scan3A_15, %swap3A_1304, %swap3A_1305] : memref<2x128x64xf32, #tpu.memory_space<vmem>> -> memref<1x128x64xf32, #tpu.memory_space<vmem>>
        %swap3A_1307 = tpu.memref_squeeze %swap3A_1306 : memref<1x128x64xf32, #tpu.memory_space<vmem>> -> memref<128x64xf32, #tpu.memory_space<vmem>>
        %swap3A_1308 = arith.index_cast %add3A_1274 : i32 to index
        %swap3A_1309 = arith.constant 0 : index
        %swap3A_1310 = tpu.vector_load %swap3A_1307[%swap3A_1308, %swap3A_1309] {strides = array<i32>} : memref<128x64xf32, #tpu.memory_space<vmem>>, vector<1x16xf32>,
        %swap3A_1311 = vector.shape_cast %swap3A_1310 : vector<1x16xf32> to vector<16xf32>
        %swap3A_1312 = vector.shape_cast %add3A_1303 : vector<16xf32> to vector<1x16xf32>
        tpu.vector_store %swap3A_1307[%swap3A_1308, %swap3A_1309], %swap3A_1312 {strides = array<i32>} : memref<128x64xf32, #tpu.memory_space<vmem>>, vector<1x16xf32>,
        %add3A_1313 = arith.constant 16 : i32
        %add3A_1314 = arith.addi %squeeze3A_1284, %add3A_1313 : i32
        %get3A_1315 = arith.constant 0 : i32
        %get3A_1316 = arith.constant 0 : i32
        %get3A_1317 = tpu.memref_slice %arg10[%scan3A_16, %get3A_1315, %get3A_1316] : memref<2x128x128xf32, #tpu.memory_space<vmem>> -> memref<1x128x128xf32, #tpu.memory_space<vmem>>
        %get3A_1318 = tpu.memref_squeeze %get3A_1317 : memref<1x128x128xf32, #tpu.memory_space<vmem>> -> memref<128x128xf32, #tpu.memory_space<vmem>>
        %get3A_1319 = arith.index_cast %add3A_1274 : i32 to index
        %get3A_1320 = arith.index_cast %add3A_1314 : i32 to index
        %get3A_1321 = tpu.vector_load %get3A_1318[%get3A_1319, %get3A_1320] {strides = array<i32>} : memref<128x128xf32, #tpu.memory_space<vmem>>, vector<1x16xf32>,
        %get3A_1322 = vector.shape_cast %get3A_1321 : vector<1x16xf32> to vector<16xf32>
        %mul3A_1323 = arith.constant 8.000000e+00 : f32
        %mul3A_1324 = vector.broadcast %mul3A_1323 : f32 to vector<16xf32>
        %mul3A_1325 = arith.mulf %get3A_1322, %mul3A_1324 : vector<16xf32>
        %add3A_1326 = arith.constant 16 : i32
        %add3A_1327 = arith.addi %mul3A_1282, %add3A_1326 : i32
        %get3A_1328 = arith.index_cast %add3A_1327 : i32 to index
        %get3A_1329 = tpu.vector_load %arg9[%get3A_1328] {strides = array<i32>} : memref<12800xf32, #tpu.memory_space<vmem>>, vector<16xf32>,
        %get3A_1330 = vector.shape_cast %get3A_1329 : vector<16xf32> to vector<16xf32>
        %add3A_1331 = arith.addf %mul3A_1325, %get3A_1330 : vector<16xf32>
        %swap3A_1332 = arith.constant 0 : i32
        %swap3A_1333 = arith.constant 0 : i32
        %swap3A_1334 = tpu.memref_slice %arg11[%scan3A_15, %swap3A_1332, %swap3A_1333] : memref<2x128x64xf32, #tpu.memory_space<vmem>> -> memref<1x128x64xf32, #tpu.memory_space<vmem>>
        %swap3A_1335 = tpu.memref_squeeze %swap3A_1334 : memref<1x128x64xf32, #tpu.memory_space<vmem>> -> memref<128x64xf32, #tpu.memory_space<vmem>>
        %swap3A_1336 = arith.index_cast %add3A_1274 : i32 to index
        %swap3A_1337 = arith.constant 16 : index
        %swap3A_1338 = tpu.vector_load %swap3A_1335[%swap3A_1336, %swap3A_1337] {strides = array<i32>} : memref<128x64xf32, #tpu.memory_space<vmem>>, vector<1x16xf32>,
        %swap3A_1339 = vector.shape_cast %swap3A_1338 : vector<1x16xf32> to vector<16xf32>
        %swap3A_1340 = vector.shape_cast %add3A_1331 : vector<16xf32> to vector<1x16xf32>
        tpu.vector_store %swap3A_1335[%swap3A_1336, %swap3A_1337], %swap3A_1340 {strides = array<i32>} : memref<128x64xf32, #tpu.memory_space<vmem>>, vector<1x16xf32>,
        %add3A_1341 = arith.constant 32 : i32
        %add3A_1342 = arith.addi %squeeze3A_1284, %add3A_1341 : i32
        %get3A_1343 = arith.constant 0 : i32
        %get3A_1344 = arith.constant 0 : i32
        %get3A_1345 = tpu.memref_slice %arg10[%scan3A_16, %get3A_1343, %get3A_1344] : memref<2x128x128xf32, #tpu.memory_space<vmem>> -> memref<1x128x128xf32, #tpu.memory_space<vmem>>
        %get3A_1346 = tpu.memref_squeeze %get3A_1345 : memref<1x128x128xf32, #tpu.memory_space<vmem>> -> memref<128x128xf32, #tpu.memory_space<vmem>>
        %get3A_1347 = arith.index_cast %add3A_1274 : i32 to index
        %get3A_1348 = arith.index_cast %add3A_1342 : i32 to index
        %get3A_1349 = tpu.vector_load %get3A_1346[%get3A_1347, %get3A_1348] {strides = array<i32>} : memref<128x128xf32, #tpu.memory_space<vmem>>, vector<1x16xf32>,
        %get3A_1350 = vector.shape_cast %get3A_1349 : vector<1x16xf32> to vector<16xf32>
        %mul3A_1351 = arith.constant 8.000000e+00 : f32
        %mul3A_1352 = vector.broadcast %mul3A_1351 : f32 to vector<16xf32>
        %mul3A_1353 = arith.mulf %get3A_1350, %mul3A_1352 : vector<16xf32>
        %add3A_1354 = arith.constant 32 : i32
        %add3A_1355 = arith.addi %mul3A_1282, %add3A_1354 : i32
        %get3A_1356 = arith.index_cast %add3A_1355 : i32 to index
        %get3A_1357 = tpu.vector_load %arg9[%get3A_1356] {strides = array<i32>} : memref<12800xf32, #tpu.memory_space<vmem>>, vector<16xf32>,
        %get3A_1358 = vector.shape_cast %get3A_1357 : vector<16xf32> to vector<16xf32>
        %add3A_1359 = arith.addf %mul3A_1353, %get3A_1358 : vector<16xf32>
        %swap3A_1360 = arith.constant 0 : i32
        %swap3A_1361 = arith.constant 0 : i32
        %swap3A_1362 = tpu.memref_slice %arg11[%scan3A_15, %swap3A_1360, %swap3A_1361] : memref<2x128x64xf32, #tpu.memory_space<vmem>> -> memref<1x128x64xf32, #tpu.memory_space<vmem>>
        %swap3A_1363 = tpu.memref_squeeze %swap3A_1362 : memref<1x128x64xf32, #tpu.memory_space<vmem>> -> memref<128x64xf32, #tpu.memory_space<vmem>>
        %swap3A_1364 = arith.index_cast %add3A_1274 : i32 to index
        %swap3A_1365 = arith.constant 32 : index
        %swap3A_1366 = tpu.vector_load %swap3A_1363[%swap3A_1364, %swap3A_1365] {strides = array<i32>} : memref<128x64xf32, #tpu.memory_space<vmem>>, vector<1x16xf32>,
        %swap3A_1367 = vector.shape_cast %swap3A_1366 : vector<1x16xf32> to vector<16xf32>
        %swap3A_1368 = vector.shape_cast %add3A_1359 : vector<16xf32> to vector<1x16xf32>
        tpu.vector_store %swap3A_1363[%swap3A_1364, %swap3A_1365], %swap3A_1368 {strides = array<i32>} : memref<128x64xf32, #tpu.memory_space<vmem>>, vector<1x16xf32>,
        %add3A_1369 = arith.constant 48 : i32
        %add3A_1370 = arith.addi %squeeze3A_1284, %add3A_1369 : i32
        %get3A_1371 = arith.constant 0 : i32
        %get3A_1372 = arith.constant 0 : i32
        %get3A_1373 = tpu.memref_slice %arg10[%scan3A_16, %get3A_1371, %get3A_1372] : memref<2x128x128xf32, #tpu.memory_space<vmem>> -> memref<1x128x128xf32, #tpu.memory_space<vmem>>
        %get3A_1374 = tpu.memref_squeeze %get3A_1373 : memref<1x128x128xf32, #tpu.memory_space<vmem>> -> memref<128x128xf32, #tpu.memory_space<vmem>>
        %get3A_1375 = arith.index_cast %add3A_1274 : i32 to index
        %get3A_1376 = arith.index_cast %add3A_1370 : i32 to index
        %get3A_1377 = tpu.vector_load %get3A_1374[%get3A_1375, %get3A_1376] {strides = array<i32>} : memref<128x128xf32, #tpu.memory_space<vmem>>, vector<1x16xf32>,
        %get3A_1378 = vector.shape_cast %get3A_1377 : vector<1x16xf32> to vector<16xf32>
        %mul3A_1379 = arith.constant 8.000000e+00 : f32
        %mul3A_1380 = vector.broadcast %mul3A_1379 : f32 to vector<16xf32>
        %mul3A_1381 = arith.mulf %get3A_1378, %mul3A_1380 : vector<16xf32>
        %add3A_1382 = arith.constant 48 : i32
        %add3A_1383 = arith.addi %mul3A_1282, %add3A_1382 : i32
        %get3A_1384 = arith.index_cast %add3A_1383 : i32 to index
        %get3A_1385 = tpu.vector_load %arg9[%get3A_1384] {strides = array<i32>} : memref<12800xf32, #tpu.memory_space<vmem>>, vector<16xf32>,
        %get3A_1386 = vector.shape_cast %get3A_1385 : vector<16xf32> to vector<16xf32>
        %add3A_1387 = arith.addf %mul3A_1381, %get3A_1386 : vector<16xf32>
        %swap3A_1388 = arith.constant 0 : i32
        %swap3A_1389 = arith.constant 0 : i32
        %swap3A_1390 = tpu.memref_slice %arg11[%scan3A_15, %swap3A_1388, %swap3A_1389] : memref<2x128x64xf32, #tpu.memory_space<vmem>> -> memref<1x128x64xf32, #tpu.memory_space<vmem>>
        %swap3A_1391 = tpu.memref_squeeze %swap3A_1390 : memref<1x128x64xf32, #tpu.memory_space<vmem>> -> memref<128x64xf32, #tpu.memory_space<vmem>>
        %swap3A_1392 = arith.index_cast %add3A_1274 : i32 to index
        %swap3A_1393 = arith.constant 48 : index
        %swap3A_1394 = tpu.vector_load %swap3A_1391[%swap3A_1392, %swap3A_1393] {strides = array<i32>} : memref<128x64xf32, #tpu.memory_space<vmem>>, vector<1x16xf32>,
        %swap3A_1395 = vector.shape_cast %swap3A_1394 : vector<1x16xf32> to vector<16xf32>
        %swap3A_1396 = vector.shape_cast %add3A_1387 : vector<16xf32> to vector<1x16xf32>
        tpu.vector_store %swap3A_1391[%swap3A_1392, %swap3A_1393], %swap3A_1396 {strides = array<i32>} : memref<128x64xf32, #tpu.memory_space<vmem>>, vector<1x16xf32>,
        %add3A_1397 = arith.constant 10 : i32
        %add3A_1398 = arith.addi %mul3A_158, %add3A_1397 : i32
        %add3A_1399 = arith.addi %rem3A_82, %add3A_1398 : i32
        %ge3A_1400 = arith.constant 200 : i32
        %ge3A_1401 = arith.cmpi sge, %add3A_1399, %ge3A_1400 : i32
        %sub3A_1402 = arith.constant 200 : i32
        %sub3A_1403 = arith.subi %add3A_1399, %sub3A_1402 : i32
        %select_n3A_1404 = arith.select %ge3A_1401, %sub3A_1403, %add3A_1399 : i32
        %mul3A_1405 = arith.constant 64 : i32
        %mul3A_1406 = arith.muli %select_n3A_1404, %mul3A_1405 : i32
        %slice3A_1407 = vector.extract_strided_slice %get3A_161 {offsets = [10], sizes = [1], strides = [1]} : vector<16xi32> to vector<1xi32>
        %squeeze3A_1408 = vector.extract %slice3A_1407[0] : i32 from vector<1xi32>
        %add3A_1409 = arith.constant 0 : i32
        %add3A_1410 = arith.addi %squeeze3A_1408, %add3A_1409 : i32
        %get3A_1411 = arith.constant 0 : i32
        %get3A_1412 = arith.constant 0 : i32
        %get3A_1413 = tpu.memref_slice %arg10[%scan3A_16, %get3A_1411, %get3A_1412] : memref<2x128x128xf32, #tpu.memory_space<vmem>> -> memref<1x128x128xf32, #tpu.memory_space<vmem>>
        %get3A_1414 = tpu.memref_squeeze %get3A_1413 : memref<1x128x128xf32, #tpu.memory_space<vmem>> -> memref<128x128xf32, #tpu.memory_space<vmem>>
        %get3A_1415 = arith.index_cast %add3A_1398 : i32 to index
        %get3A_1416 = arith.index_cast %add3A_1410 : i32 to index
        %get3A_1417 = tpu.vector_load %get3A_1414[%get3A_1415, %get3A_1416] {strides = array<i32>} : memref<128x128xf32, #tpu.memory_space<vmem>>, vector<1x16xf32>,
        %get3A_1418 = vector.shape_cast %get3A_1417 : vector<1x16xf32> to vector<16xf32>
        %mul3A_1419 = arith.constant 8.000000e+00 : f32
        %mul3A_1420 = vector.broadcast %mul3A_1419 : f32 to vector<16xf32>
        %mul3A_1421 = arith.mulf %get3A_1418, %mul3A_1420 : vector<16xf32>
        %add3A_1422 = arith.constant 0 : i32
        %add3A_1423 = arith.addi %mul3A_1406, %add3A_1422 : i32
        %get3A_1424 = arith.index_cast %add3A_1423 : i32 to index
        %get3A_1425 = tpu.vector_load %arg9[%get3A_1424] {strides = array<i32>} : memref<12800xf32, #tpu.memory_space<vmem>>, vector<16xf32>,
        %get3A_1426 = vector.shape_cast %get3A_1425 : vector<16xf32> to vector<16xf32>
        %add3A_1427 = arith.addf %mul3A_1421, %get3A_1426 : vector<16xf32>
        %swap3A_1428 = arith.constant 0 : i32
        %swap3A_1429 = arith.constant 0 : i32
        %swap3A_1430 = tpu.memref_slice %arg11[%scan3A_15, %swap3A_1428, %swap3A_1429] : memref<2x128x64xf32, #tpu.memory_space<vmem>> -> memref<1x128x64xf32, #tpu.memory_space<vmem>>
        %swap3A_1431 = tpu.memref_squeeze %swap3A_1430 : memref<1x128x64xf32, #tpu.memory_space<vmem>> -> memref<128x64xf32, #tpu.memory_space<vmem>>
        %swap3A_1432 = arith.index_cast %add3A_1398 : i32 to index
        %swap3A_1433 = arith.constant 0 : index
        %swap3A_1434 = tpu.vector_load %swap3A_1431[%swap3A_1432, %swap3A_1433] {strides = array<i32>} : memref<128x64xf32, #tpu.memory_space<vmem>>, vector<1x16xf32>,
        %swap3A_1435 = vector.shape_cast %swap3A_1434 : vector<1x16xf32> to vector<16xf32>
        %swap3A_1436 = vector.shape_cast %add3A_1427 : vector<16xf32> to vector<1x16xf32>
        tpu.vector_store %swap3A_1431[%swap3A_1432, %swap3A_1433], %swap3A_1436 {strides = array<i32>} : memref<128x64xf32, #tpu.memory_space<vmem>>, vector<1x16xf32>,
        %add3A_1437 = arith.constant 16 : i32
        %add3A_1438 = arith.addi %squeeze3A_1408, %add3A_1437 : i32
        %get3A_1439 = arith.constant 0 : i32
        %get3A_1440 = arith.constant 0 : i32
        %get3A_1441 = tpu.memref_slice %arg10[%scan3A_16, %get3A_1439, %get3A_1440] : memref<2x128x128xf32, #tpu.memory_space<vmem>> -> memref<1x128x128xf32, #tpu.memory_space<vmem>>
        %get3A_1442 = tpu.memref_squeeze %get3A_1441 : memref<1x128x128xf32, #tpu.memory_space<vmem>> -> memref<128x128xf32, #tpu.memory_space<vmem>>
        %get3A_1443 = arith.index_cast %add3A_1398 : i32 to index
        %get3A_1444 = arith.index_cast %add3A_1438 : i32 to index
        %get3A_1445 = tpu.vector_load %get3A_1442[%get3A_1443, %get3A_1444] {strides = array<i32>} : memref<128x128xf32, #tpu.memory_space<vmem>>, vector<1x16xf32>,
        %get3A_1446 = vector.shape_cast %get3A_1445 : vector<1x16xf32> to vector<16xf32>
        %mul3A_1447 = arith.constant 8.000000e+00 : f32
        %mul3A_1448 = vector.broadcast %mul3A_1447 : f32 to vector<16xf32>
        %mul3A_1449 = arith.mulf %get3A_1446, %mul3A_1448 : vector<16xf32>
        %add3A_1450 = arith.constant 16 : i32
        %add3A_1451 = arith.addi %mul3A_1406, %add3A_1450 : i32
        %get3A_1452 = arith.index_cast %add3A_1451 : i32 to index
        %get3A_1453 = tpu.vector_load %arg9[%get3A_1452] {strides = array<i32>} : memref<12800xf32, #tpu.memory_space<vmem>>, vector<16xf32>,
        %get3A_1454 = vector.shape_cast %get3A_1453 : vector<16xf32> to vector<16xf32>
        %add3A_1455 = arith.addf %mul3A_1449, %get3A_1454 : vector<16xf32>
        %swap3A_1456 = arith.constant 0 : i32
        %swap3A_1457 = arith.constant 0 : i32
        %swap3A_1458 = tpu.memref_slice %arg11[%scan3A_15, %swap3A_1456, %swap3A_1457] : memref<2x128x64xf32, #tpu.memory_space<vmem>> -> memref<1x128x64xf32, #tpu.memory_space<vmem>>
        %swap3A_1459 = tpu.memref_squeeze %swap3A_1458 : memref<1x128x64xf32, #tpu.memory_space<vmem>> -> memref<128x64xf32, #tpu.memory_space<vmem>>
        %swap3A_1460 = arith.index_cast %add3A_1398 : i32 to index
        %swap3A_1461 = arith.constant 16 : index
        %swap3A_1462 = tpu.vector_load %swap3A_1459[%swap3A_1460, %swap3A_1461] {strides = array<i32>} : memref<128x64xf32, #tpu.memory_space<vmem>>, vector<1x16xf32>,
        %swap3A_1463 = vector.shape_cast %swap3A_1462 : vector<1x16xf32> to vector<16xf32>
        %swap3A_1464 = vector.shape_cast %add3A_1455 : vector<16xf32> to vector<1x16xf32>
        tpu.vector_store %swap3A_1459[%swap3A_1460, %swap3A_1461], %swap3A_1464 {strides = array<i32>} : memref<128x64xf32, #tpu.memory_space<vmem>>, vector<1x16xf32>,
        %add3A_1465 = arith.constant 32 : i32
        %add3A_1466 = arith.addi %squeeze3A_1408, %add3A_1465 : i32
        %get3A_1467 = arith.constant 0 : i32
        %get3A_1468 = arith.constant 0 : i32
        %get3A_1469 = tpu.memref_slice %arg10[%scan3A_16, %get3A_1467, %get3A_1468] : memref<2x128x128xf32, #tpu.memory_space<vmem>> -> memref<1x128x128xf32, #tpu.memory_space<vmem>>
        %get3A_1470 = tpu.memref_squeeze %get3A_1469 : memref<1x128x128xf32, #tpu.memory_space<vmem>> -> memref<128x128xf32, #tpu.memory_space<vmem>>
        %get3A_1471 = arith.index_cast %add3A_1398 : i32 to index
        %get3A_1472 = arith.index_cast %add3A_1466 : i32 to index
        %get3A_1473 = tpu.vector_load %get3A_1470[%get3A_1471, %get3A_1472] {strides = array<i32>} : memref<128x128xf32, #tpu.memory_space<vmem>>, vector<1x16xf32>,
        %get3A_1474 = vector.shape_cast %get3A_1473 : vector<1x16xf32> to vector<16xf32>
        %mul3A_1475 = arith.constant 8.000000e+00 : f32
        %mul3A_1476 = vector.broadcast %mul3A_1475 : f32 to vector<16xf32>
        %mul3A_1477 = arith.mulf %get3A_1474, %mul3A_1476 : vector<16xf32>
        %add3A_1478 = arith.constant 32 : i32
        %add3A_1479 = arith.addi %mul3A_1406, %add3A_1478 : i32
        %get3A_1480 = arith.index_cast %add3A_1479 : i32 to index
        %get3A_1481 = tpu.vector_load %arg9[%get3A_1480] {strides = array<i32>} : memref<12800xf32, #tpu.memory_space<vmem>>, vector<16xf32>,
        %get3A_1482 = vector.shape_cast %get3A_1481 : vector<16xf32> to vector<16xf32>
        %add3A_1483 = arith.addf %mul3A_1477, %get3A_1482 : vector<16xf32>
        %swap3A_1484 = arith.constant 0 : i32
        %swap3A_1485 = arith.constant 0 : i32
        %swap3A_1486 = tpu.memref_slice %arg11[%scan3A_15, %swap3A_1484, %swap3A_1485] : memref<2x128x64xf32, #tpu.memory_space<vmem>> -> memref<1x128x64xf32, #tpu.memory_space<vmem>>
        %swap3A_1487 = tpu.memref_squeeze %swap3A_1486 : memref<1x128x64xf32, #tpu.memory_space<vmem>> -> memref<128x64xf32, #tpu.memory_space<vmem>>
        %swap3A_1488 = arith.index_cast %add3A_1398 : i32 to index
        %swap3A_1489 = arith.constant 32 : index
        %swap3A_1490 = tpu.vector_load %swap3A_1487[%swap3A_1488, %swap3A_1489] {strides = array<i32>} : memref<128x64xf32, #tpu.memory_space<vmem>>, vector<1x16xf32>,
        %swap3A_1491 = vector.shape_cast %swap3A_1490 : vector<1x16xf32> to vector<16xf32>
        %swap3A_1492 = vector.shape_cast %add3A_1483 : vector<16xf32> to vector<1x16xf32>
        tpu.vector_store %swap3A_1487[%swap3A_1488, %swap3A_1489], %swap3A_1492 {strides = array<i32>} : memref<128x64xf32, #tpu.memory_space<vmem>>, vector<1x16xf32>,
        %add3A_1493 = arith.constant 48 : i32
        %add3A_1494 = arith.addi %squeeze3A_1408, %add3A_1493 : i32
        %get3A_1495 = arith.constant 0 : i32
        %get3A_1496 = arith.constant 0 : i32
        %get3A_1497 = tpu.memref_slice %arg10[%scan3A_16, %get3A_1495, %get3A_1496] : memref<2x128x128xf32, #tpu.memory_space<vmem>> -> memref<1x128x128xf32, #tpu.memory_space<vmem>>
        %get3A_1498 = tpu.memref_squeeze %get3A_1497 : memref<1x128x128xf32, #tpu.memory_space<vmem>> -> memref<128x128xf32, #tpu.memory_space<vmem>>
        %get3A_1499 = arith.index_cast %add3A_1398 : i32 to index
        %get3A_1500 = arith.index_cast %add3A_1494 : i32 to index
        %get3A_1501 = tpu.vector_load %get3A_1498[%get3A_1499, %get3A_1500] {strides = array<i32>} : memref<128x128xf32, #tpu.memory_space<vmem>>, vector<1x16xf32>,
        %get3A_1502 = vector.shape_cast %get3A_1501 : vector<1x16xf32> to vector<16xf32>
        %mul3A_1503 = arith.constant 8.000000e+00 : f32
        %mul3A_1504 = vector.broadcast %mul3A_1503 : f32 to vector<16xf32>
        %mul3A_1505 = arith.mulf %get3A_1502, %mul3A_1504 : vector<16xf32>
        %add3A_1506 = arith.constant 48 : i32
        %add3A_1507 = arith.addi %mul3A_1406, %add3A_1506 : i32
        %get3A_1508 = arith.index_cast %add3A_1507 : i32 to index
        %get3A_1509 = tpu.vector_load %arg9[%get3A_1508] {strides = array<i32>} : memref<12800xf32, #tpu.memory_space<vmem>>, vector<16xf32>,
        %get3A_1510 = vector.shape_cast %get3A_1509 : vector<16xf32> to vector<16xf32>
        %add3A_1511 = arith.addf %mul3A_1505, %get3A_1510 : vector<16xf32>
        %swap3A_1512 = arith.constant 0 : i32
        %swap3A_1513 = arith.constant 0 : i32
        %swap3A_1514 = tpu.memref_slice %arg11[%scan3A_15, %swap3A_1512, %swap3A_1513] : memref<2x128x64xf32, #tpu.memory_space<vmem>> -> memref<1x128x64xf32, #tpu.memory_space<vmem>>
        %swap3A_1515 = tpu.memref_squeeze %swap3A_1514 : memref<1x128x64xf32, #tpu.memory_space<vmem>> -> memref<128x64xf32, #tpu.memory_space<vmem>>
        %swap3A_1516 = arith.index_cast %add3A_1398 : i32 to index
        %swap3A_1517 = arith.constant 48 : index
        %swap3A_1518 = tpu.vector_load %swap3A_1515[%swap3A_1516, %swap3A_1517] {strides = array<i32>} : memref<128x64xf32, #tpu.memory_space<vmem>>, vector<1x16xf32>,
        %swap3A_1519 = vector.shape_cast %swap3A_1518 : vector<1x16xf32> to vector<16xf32>
        %swap3A_1520 = vector.shape_cast %add3A_1511 : vector<16xf32> to vector<1x16xf32>
        tpu.vector_store %swap3A_1515[%swap3A_1516, %swap3A_1517], %swap3A_1520 {strides = array<i32>} : memref<128x64xf32, #tpu.memory_space<vmem>>, vector<1x16xf32>,
        %add3A_1521 = arith.constant 11 : i32
        %add3A_1522 = arith.addi %mul3A_158, %add3A_1521 : i32
        %add3A_1523 = arith.addi %rem3A_82, %add3A_1522 : i32
        %ge3A_1524 = arith.constant 200 : i32
        %ge3A_1525 = arith.cmpi sge, %add3A_1523, %ge3A_1524 : i32
        %sub3A_1526 = arith.constant 200 : i32
        %sub3A_1527 = arith.subi %add3A_1523, %sub3A_1526 : i32
        %select_n3A_1528 = arith.select %ge3A_1525, %sub3A_1527, %add3A_1523 : i32
        %mul3A_1529 = arith.constant 64 : i32
        %mul3A_1530 = arith.muli %select_n3A_1528, %mul3A_1529 : i32
        %slice3A_1531 = vector.extract_strided_slice %get3A_161 {offsets = [11], sizes = [1], strides = [1]} : vector<16xi32> to vector<1xi32>
        %squeeze3A_1532 = vector.extract %slice3A_1531[0] : i32 from vector<1xi32>
        %add3A_1533 = arith.constant 0 : i32
        %add3A_1534 = arith.addi %squeeze3A_1532, %add3A_1533 : i32
        %get3A_1535 = arith.constant 0 : i32
        %get3A_1536 = arith.constant 0 : i32
        %get3A_1537 = tpu.memref_slice %arg10[%scan3A_16, %get3A_1535, %get3A_1536] : memref<2x128x128xf32, #tpu.memory_space<vmem>> -> memref<1x128x128xf32, #tpu.memory_space<vmem>>
        %get3A_1538 = tpu.memref_squeeze %get3A_1537 : memref<1x128x128xf32, #tpu.memory_space<vmem>> -> memref<128x128xf32, #tpu.memory_space<vmem>>
        %get3A_1539 = arith.index_cast %add3A_1522 : i32 to index
        %get3A_1540 = arith.index_cast %add3A_1534 : i32 to index
        %get3A_1541 = tpu.vector_load %get3A_1538[%get3A_1539, %get3A_1540] {strides = array<i32>} : memref<128x128xf32, #tpu.memory_space<vmem>>, vector<1x16xf32>,
        %get3A_1542 = vector.shape_cast %get3A_1541 : vector<1x16xf32> to vector<16xf32>
        %mul3A_1543 = arith.constant 8.000000e+00 : f32
        %mul3A_1544 = vector.broadcast %mul3A_1543 : f32 to vector<16xf32>
        %mul3A_1545 = arith.mulf %get3A_1542, %mul3A_1544 : vector<16xf32>
        %add3A_1546 = arith.constant 0 : i32
        %add3A_1547 = arith.addi %mul3A_1530, %add3A_1546 : i32
        %get3A_1548 = arith.index_cast %add3A_1547 : i32 to index
        %get3A_1549 = tpu.vector_load %arg9[%get3A_1548] {strides = array<i32>} : memref<12800xf32, #tpu.memory_space<vmem>>, vector<16xf32>,
        %get3A_1550 = vector.shape_cast %get3A_1549 : vector<16xf32> to vector<16xf32>
        %add3A_1551 = arith.addf %mul3A_1545, %get3A_1550 : vector<16xf32>
        %swap3A_1552 = arith.constant 0 : i32
        %swap3A_1553 = arith.constant 0 : i32
        %swap3A_1554 = tpu.memref_slice %arg11[%scan3A_15, %swap3A_1552, %swap3A_1553] : memref<2x128x64xf32, #tpu.memory_space<vmem>> -> memref<1x128x64xf32, #tpu.memory_space<vmem>>
        %swap3A_1555 = tpu.memref_squeeze %swap3A_1554 : memref<1x128x64xf32, #tpu.memory_space<vmem>> -> memref<128x64xf32, #tpu.memory_space<vmem>>
        %swap3A_1556 = arith.index_cast %add3A_1522 : i32 to index
        %swap3A_1557 = arith.constant 0 : index
        %swap3A_1558 = tpu.vector_load %swap3A_1555[%swap3A_1556, %swap3A_1557] {strides = array<i32>} : memref<128x64xf32, #tpu.memory_space<vmem>>, vector<1x16xf32>,
        %swap3A_1559 = vector.shape_cast %swap3A_1558 : vector<1x16xf32> to vector<16xf32>
        %swap3A_1560 = vector.shape_cast %add3A_1551 : vector<16xf32> to vector<1x16xf32>
        tpu.vector_store %swap3A_1555[%swap3A_1556, %swap3A_1557], %swap3A_1560 {strides = array<i32>} : memref<128x64xf32, #tpu.memory_space<vmem>>, vector<1x16xf32>,
        %add3A_1561 = arith.constant 16 : i32
        %add3A_1562 = arith.addi %squeeze3A_1532, %add3A_1561 : i32
        %get3A_1563 = arith.constant 0 : i32
        %get3A_1564 = arith.constant 0 : i32
        %get3A_1565 = tpu.memref_slice %arg10[%scan3A_16, %get3A_1563, %get3A_1564] : memref<2x128x128xf32, #tpu.memory_space<vmem>> -> memref<1x128x128xf32, #tpu.memory_space<vmem>>
        %get3A_1566 = tpu.memref_squeeze %get3A_1565 : memref<1x128x128xf32, #tpu.memory_space<vmem>> -> memref<128x128xf32, #tpu.memory_space<vmem>>
        %get3A_1567 = arith.index_cast %add3A_1522 : i32 to index
        %get3A_1568 = arith.index_cast %add3A_1562 : i32 to index
        %get3A_1569 = tpu.vector_load %get3A_1566[%get3A_1567, %get3A_1568] {strides = array<i32>} : memref<128x128xf32, #tpu.memory_space<vmem>>, vector<1x16xf32>,
        %get3A_1570 = vector.shape_cast %get3A_1569 : vector<1x16xf32> to vector<16xf32>
        %mul3A_1571 = arith.constant 8.000000e+00 : f32
        %mul3A_1572 = vector.broadcast %mul3A_1571 : f32 to vector<16xf32>
        %mul3A_1573 = arith.mulf %get3A_1570, %mul3A_1572 : vector<16xf32>
        %add3A_1574 = arith.constant 16 : i32
        %add3A_1575 = arith.addi %mul3A_1530, %add3A_1574 : i32
        %get3A_1576 = arith.index_cast %add3A_1575 : i32 to index
        %get3A_1577 = tpu.vector_load %arg9[%get3A_1576] {strides = array<i32>} : memref<12800xf32, #tpu.memory_space<vmem>>, vector<16xf32>,
        %get3A_1578 = vector.shape_cast %get3A_1577 : vector<16xf32> to vector<16xf32>
        %add3A_1579 = arith.addf %mul3A_1573, %get3A_1578 : vector<16xf32>
        %swap3A_1580 = arith.constant 0 : i32
        %swap3A_1581 = arith.constant 0 : i32
        %swap3A_1582 = tpu.memref_slice %arg11[%scan3A_15, %swap3A_1580, %swap3A_1581] : memref<2x128x64xf32, #tpu.memory_space<vmem>> -> memref<1x128x64xf32, #tpu.memory_space<vmem>>
        %swap3A_1583 = tpu.memref_squeeze %swap3A_1582 : memref<1x128x64xf32, #tpu.memory_space<vmem>> -> memref<128x64xf32, #tpu.memory_space<vmem>>
        %swap3A_1584 = arith.index_cast %add3A_1522 : i32 to index
        %swap3A_1585 = arith.constant 16 : index
        %swap3A_1586 = tpu.vector_load %swap3A_1583[%swap3A_1584, %swap3A_1585] {strides = array<i32>} : memref<128x64xf32, #tpu.memory_space<vmem>>, vector<1x16xf32>,
        %swap3A_1587 = vector.shape_cast %swap3A_1586 : vector<1x16xf32> to vector<16xf32>
        %swap3A_1588 = vector.shape_cast %add3A_1579 : vector<16xf32> to vector<1x16xf32>
        tpu.vector_store %swap3A_1583[%swap3A_1584, %swap3A_1585], %swap3A_1588 {strides = array<i32>} : memref<128x64xf32, #tpu.memory_space<vmem>>, vector<1x16xf32>,
        %add3A_1589 = arith.constant 32 : i32
        %add3A_1590 = arith.addi %squeeze3A_1532, %add3A_1589 : i32
        %get3A_1591 = arith.constant 0 : i32
        %get3A_1592 = arith.constant 0 : i32
        %get3A_1593 = tpu.memref_slice %arg10[%scan3A_16, %get3A_1591, %get3A_1592] : memref<2x128x128xf32, #tpu.memory_space<vmem>> -> memref<1x128x128xf32, #tpu.memory_space<vmem>>
        %get3A_1594 = tpu.memref_squeeze %get3A_1593 : memref<1x128x128xf32, #tpu.memory_space<vmem>> -> memref<128x128xf32, #tpu.memory_space<vmem>>
        %get3A_1595 = arith.index_cast %add3A_1522 : i32 to index
        %get3A_1596 = arith.index_cast %add3A_1590 : i32 to index
        %get3A_1597 = tpu.vector_load %get3A_1594[%get3A_1595, %get3A_1596] {strides = array<i32>} : memref<128x128xf32, #tpu.memory_space<vmem>>, vector<1x16xf32>,
        %get3A_1598 = vector.shape_cast %get3A_1597 : vector<1x16xf32> to vector<16xf32>
        %mul3A_1599 = arith.constant 8.000000e+00 : f32
        %mul3A_1600 = vector.broadcast %mul3A_1599 : f32 to vector<16xf32>
        %mul3A_1601 = arith.mulf %get3A_1598, %mul3A_1600 : vector<16xf32>
        %add3A_1602 = arith.constant 32 : i32
        %add3A_1603 = arith.addi %mul3A_1530, %add3A_1602 : i32
        %get3A_1604 = arith.index_cast %add3A_1603 : i32 to index
        %get3A_1605 = tpu.vector_load %arg9[%get3A_1604] {strides = array<i32>} : memref<12800xf32, #tpu.memory_space<vmem>>, vector<16xf32>,
        %get3A_1606 = vector.shape_cast %get3A_1605 : vector<16xf32> to vector<16xf32>
        %add3A_1607 = arith.addf %mul3A_1601, %get3A_1606 : vector<16xf32>
        %swap3A_1608 = arith.constant 0 : i32
        %swap3A_1609 = arith.constant 0 : i32
        %swap3A_1610 = tpu.memref_slice %arg11[%scan3A_15, %swap3A_1608, %swap3A_1609] : memref<2x128x64xf32, #tpu.memory_space<vmem>> -> memref<1x128x64xf32, #tpu.memory_space<vmem>>
        %swap3A_1611 = tpu.memref_squeeze %swap3A_1610 : memref<1x128x64xf32, #tpu.memory_space<vmem>> -> memref<128x64xf32, #tpu.memory_space<vmem>>
        %swap3A_1612 = arith.index_cast %add3A_1522 : i32 to index
        %swap3A_1613 = arith.constant 32 : index
        %swap3A_1614 = tpu.vector_load %swap3A_1611[%swap3A_1612, %swap3A_1613] {strides = array<i32>} : memref<128x64xf32, #tpu.memory_space<vmem>>, vector<1x16xf32>,
        %swap3A_1615 = vector.shape_cast %swap3A_1614 : vector<1x16xf32> to vector<16xf32>
        %swap3A_1616 = vector.shape_cast %add3A_1607 : vector<16xf32> to vector<1x16xf32>
        tpu.vector_store %swap3A_1611[%swap3A_1612, %swap3A_1613], %swap3A_1616 {strides = array<i32>} : memref<128x64xf32, #tpu.memory_space<vmem>>, vector<1x16xf32>,
        %add3A_1617 = arith.constant 48 : i32
        %add3A_1618 = arith.addi %squeeze3A_1532, %add3A_1617 : i32
        %get3A_1619 = arith.constant 0 : i32
        %get3A_1620 = arith.constant 0 : i32
        %get3A_1621 = tpu.memref_slice %arg10[%scan3A_16, %get3A_1619, %get3A_1620] : memref<2x128x128xf32, #tpu.memory_space<vmem>> -> memref<1x128x128xf32, #tpu.memory_space<vmem>>
        %get3A_1622 = tpu.memref_squeeze %get3A_1621 : memref<1x128x128xf32, #tpu.memory_space<vmem>> -> memref<128x128xf32, #tpu.memory_space<vmem>>
        %get3A_1623 = arith.index_cast %add3A_1522 : i32 to index
        %get3A_1624 = arith.index_cast %add3A_1618 : i32 to index
        %get3A_1625 = tpu.vector_load %get3A_1622[%get3A_1623, %get3A_1624] {strides = array<i32>} : memref<128x128xf32, #tpu.memory_space<vmem>>, vector<1x16xf32>,
        %get3A_1626 = vector.shape_cast %get3A_1625 : vector<1x16xf32> to vector<16xf32>
        %mul3A_1627 = arith.constant 8.000000e+00 : f32
        %mul3A_1628 = vector.broadcast %mul3A_1627 : f32 to vector<16xf32>
        %mul3A_1629 = arith.mulf %get3A_1626, %mul3A_1628 : vector<16xf32>
        %add3A_1630 = arith.constant 48 : i32
        %add3A_1631 = arith.addi %mul3A_1530, %add3A_1630 : i32
        %get3A_1632 = arith.index_cast %add3A_1631 : i32 to index
        %get3A_1633 = tpu.vector_load %arg9[%get3A_1632] {strides = array<i32>} : memref<12800xf32, #tpu.memory_space<vmem>>, vector<16xf32>,
        %get3A_1634 = vector.shape_cast %get3A_1633 : vector<16xf32> to vector<16xf32>
        %add3A_1635 = arith.addf %mul3A_1629, %get3A_1634 : vector<16xf32>
        %swap3A_1636 = arith.constant 0 : i32
        %swap3A_1637 = arith.constant 0 : i32
        %swap3A_1638 = tpu.memref_slice %arg11[%scan3A_15, %swap3A_1636, %swap3A_1637] : memref<2x128x64xf32, #tpu.memory_space<vmem>> -> memref<1x128x64xf32, #tpu.memory_space<vmem>>
        %swap3A_1639 = tpu.memref_squeeze %swap3A_1638 : memref<1x128x64xf32, #tpu.memory_space<vmem>> -> memref<128x64xf32, #tpu.memory_space<vmem>>
        %swap3A_1640 = arith.index_cast %add3A_1522 : i32 to index
        %swap3A_1641 = arith.constant 48 : index
        %swap3A_1642 = tpu.vector_load %swap3A_1639[%swap3A_1640, %swap3A_1641] {strides = array<i32>} : memref<128x64xf32, #tpu.memory_space<vmem>>, vector<1x16xf32>,
        %swap3A_1643 = vector.shape_cast %swap3A_1642 : vector<1x16xf32> to vector<16xf32>
        %swap3A_1644 = vector.shape_cast %add3A_1635 : vector<16xf32> to vector<1x16xf32>
        tpu.vector_store %swap3A_1639[%swap3A_1640, %swap3A_1641], %swap3A_1644 {strides = array<i32>} : memref<128x64xf32, #tpu.memory_space<vmem>>, vector<1x16xf32>,
        %add3A_1645 = arith.constant 12 : i32
        %add3A_1646 = arith.addi %mul3A_158, %add3A_1645 : i32
        %add3A_1647 = arith.addi %rem3A_82, %add3A_1646 : i32
        %ge3A_1648 = arith.constant 200 : i32
        %ge3A_1649 = arith.cmpi sge, %add3A_1647, %ge3A_1648 : i32
        %sub3A_1650 = arith.constant 200 : i32
        %sub3A_1651 = arith.subi %add3A_1647, %sub3A_1650 : i32
        %select_n3A_1652 = arith.select %ge3A_1649, %sub3A_1651, %add3A_1647 : i32
        %mul3A_1653 = arith.constant 64 : i32
        %mul3A_1654 = arith.muli %select_n3A_1652, %mul3A_1653 : i32
        %slice3A_1655 = vector.extract_strided_slice %get3A_161 {offsets = [12], sizes = [1], strides = [1]} : vector<16xi32> to vector<1xi32>
        %squeeze3A_1656 = vector.extract %slice3A_1655[0] : i32 from vector<1xi32>
        %add3A_1657 = arith.constant 0 : i32
        %add3A_1658 = arith.addi %squeeze3A_1656, %add3A_1657 : i32
        %get3A_1659 = arith.constant 0 : i32
        %get3A_1660 = arith.constant 0 : i32
        %get3A_1661 = tpu.memref_slice %arg10[%scan3A_16, %get3A_1659, %get3A_1660] : memref<2x128x128xf32, #tpu.memory_space<vmem>> -> memref<1x128x128xf32, #tpu.memory_space<vmem>>
        %get3A_1662 = tpu.memref_squeeze %get3A_1661 : memref<1x128x128xf32, #tpu.memory_space<vmem>> -> memref<128x128xf32, #tpu.memory_space<vmem>>
        %get3A_1663 = arith.index_cast %add3A_1646 : i32 to index
        %get3A_1664 = arith.index_cast %add3A_1658 : i32 to index
        %get3A_1665 = tpu.vector_load %get3A_1662[%get3A_1663, %get3A_1664] {strides = array<i32>} : memref<128x128xf32, #tpu.memory_space<vmem>>, vector<1x16xf32>,
        %get3A_1666 = vector.shape_cast %get3A_1665 : vector<1x16xf32> to vector<16xf32>
        %mul3A_1667 = arith.constant 8.000000e+00 : f32
        %mul3A_1668 = vector.broadcast %mul3A_1667 : f32 to vector<16xf32>
        %mul3A_1669 = arith.mulf %get3A_1666, %mul3A_1668 : vector<16xf32>
        %add3A_1670 = arith.constant 0 : i32
        %add3A_1671 = arith.addi %mul3A_1654, %add3A_1670 : i32
        %get3A_1672 = arith.index_cast %add3A_1671 : i32 to index
        %get3A_1673 = tpu.vector_load %arg9[%get3A_1672] {strides = array<i32>} : memref<12800xf32, #tpu.memory_space<vmem>>, vector<16xf32>,
        %get3A_1674 = vector.shape_cast %get3A_1673 : vector<16xf32> to vector<16xf32>
        %add3A_1675 = arith.addf %mul3A_1669, %get3A_1674 : vector<16xf32>
        %swap3A_1676 = arith.constant 0 : i32
        %swap3A_1677 = arith.constant 0 : i32
        %swap3A_1678 = tpu.memref_slice %arg11[%scan3A_15, %swap3A_1676, %swap3A_1677] : memref<2x128x64xf32, #tpu.memory_space<vmem>> -> memref<1x128x64xf32, #tpu.memory_space<vmem>>
        %swap3A_1679 = tpu.memref_squeeze %swap3A_1678 : memref<1x128x64xf32, #tpu.memory_space<vmem>> -> memref<128x64xf32, #tpu.memory_space<vmem>>
        %swap3A_1680 = arith.index_cast %add3A_1646 : i32 to index
        %swap3A_1681 = arith.constant 0 : index
        %swap3A_1682 = tpu.vector_load %swap3A_1679[%swap3A_1680, %swap3A_1681] {strides = array<i32>} : memref<128x64xf32, #tpu.memory_space<vmem>>, vector<1x16xf32>,
        %swap3A_1683 = vector.shape_cast %swap3A_1682 : vector<1x16xf32> to vector<16xf32>
        %swap3A_1684 = vector.shape_cast %add3A_1675 : vector<16xf32> to vector<1x16xf32>
        tpu.vector_store %swap3A_1679[%swap3A_1680, %swap3A_1681], %swap3A_1684 {strides = array<i32>} : memref<128x64xf32, #tpu.memory_space<vmem>>, vector<1x16xf32>,
        %add3A_1685 = arith.constant 16 : i32
        %add3A_1686 = arith.addi %squeeze3A_1656, %add3A_1685 : i32
        %get3A_1687 = arith.constant 0 : i32
        %get3A_1688 = arith.constant 0 : i32
        %get3A_1689 = tpu.memref_slice %arg10[%scan3A_16, %get3A_1687, %get3A_1688] : memref<2x128x128xf32, #tpu.memory_space<vmem>> -> memref<1x128x128xf32, #tpu.memory_space<vmem>>
        %get3A_1690 = tpu.memref_squeeze %get3A_1689 : memref<1x128x128xf32, #tpu.memory_space<vmem>> -> memref<128x128xf32, #tpu.memory_space<vmem>>
        %get3A_1691 = arith.index_cast %add3A_1646 : i32 to index
        %get3A_1692 = arith.index_cast %add3A_1686 : i32 to index
        %get3A_1693 = tpu.vector_load %get3A_1690[%get3A_1691, %get3A_1692] {strides = array<i32>} : memref<128x128xf32, #tpu.memory_space<vmem>>, vector<1x16xf32>,
        %get3A_1694 = vector.shape_cast %get3A_1693 : vector<1x16xf32> to vector<16xf32>
        %mul3A_1695 = arith.constant 8.000000e+00 : f32
        %mul3A_1696 = vector.broadcast %mul3A_1695 : f32 to vector<16xf32>
        %mul3A_1697 = arith.mulf %get3A_1694, %mul3A_1696 : vector<16xf32>
        %add3A_1698 = arith.constant 16 : i32
        %add3A_1699 = arith.addi %mul3A_1654, %add3A_1698 : i32
        %get3A_1700 = arith.index_cast %add3A_1699 : i32 to index
        %get3A_1701 = tpu.vector_load %arg9[%get3A_1700] {strides = array<i32>} : memref<12800xf32, #tpu.memory_space<vmem>>, vector<16xf32>,
        %get3A_1702 = vector.shape_cast %get3A_1701 : vector<16xf32> to vector<16xf32>
        %add3A_1703 = arith.addf %mul3A_1697, %get3A_1702 : vector<16xf32>
        %swap3A_1704 = arith.constant 0 : i32
        %swap3A_1705 = arith.constant 0 : i32
        %swap3A_1706 = tpu.memref_slice %arg11[%scan3A_15, %swap3A_1704, %swap3A_1705] : memref<2x128x64xf32, #tpu.memory_space<vmem>> -> memref<1x128x64xf32, #tpu.memory_space<vmem>>
        %swap3A_1707 = tpu.memref_squeeze %swap3A_1706 : memref<1x128x64xf32, #tpu.memory_space<vmem>> -> memref<128x64xf32, #tpu.memory_space<vmem>>
        %swap3A_1708 = arith.index_cast %add3A_1646 : i32 to index
        %swap3A_1709 = arith.constant 16 : index
        %swap3A_1710 = tpu.vector_load %swap3A_1707[%swap3A_1708, %swap3A_1709] {strides = array<i32>} : memref<128x64xf32, #tpu.memory_space<vmem>>, vector<1x16xf32>,
        %swap3A_1711 = vector.shape_cast %swap3A_1710 : vector<1x16xf32> to vector<16xf32>
        %swap3A_1712 = vector.shape_cast %add3A_1703 : vector<16xf32> to vector<1x16xf32>
        tpu.vector_store %swap3A_1707[%swap3A_1708, %swap3A_1709], %swap3A_1712 {strides = array<i32>} : memref<128x64xf32, #tpu.memory_space<vmem>>, vector<1x16xf32>,
        %add3A_1713 = arith.constant 32 : i32
        %add3A_1714 = arith.addi %squeeze3A_1656, %add3A_1713 : i32
        %get3A_1715 = arith.constant 0 : i32
        %get3A_1716 = arith.constant 0 : i32
        %get3A_1717 = tpu.memref_slice %arg10[%scan3A_16, %get3A_1715, %get3A_1716] : memref<2x128x128xf32, #tpu.memory_space<vmem>> -> memref<1x128x128xf32, #tpu.memory_space<vmem>>
        %get3A_1718 = tpu.memref_squeeze %get3A_1717 : memref<1x128x128xf32, #tpu.memory_space<vmem>> -> memref<128x128xf32, #tpu.memory_space<vmem>>
        %get3A_1719 = arith.index_cast %add3A_1646 : i32 to index
        %get3A_1720 = arith.index_cast %add3A_1714 : i32 to index
        %get3A_1721 = tpu.vector_load %get3A_1718[%get3A_1719, %get3A_1720] {strides = array<i32>} : memref<128x128xf32, #tpu.memory_space<vmem>>, vector<1x16xf32>,
        %get3A_1722 = vector.shape_cast %get3A_1721 : vector<1x16xf32> to vector<16xf32>
        %mul3A_1723 = arith.constant 8.000000e+00 : f32
        %mul3A_1724 = vector.broadcast %mul3A_1723 : f32 to vector<16xf32>
        %mul3A_1725 = arith.mulf %get3A_1722, %mul3A_1724 : vector<16xf32>
        %add3A_1726 = arith.constant 32 : i32
        %add3A_1727 = arith.addi %mul3A_1654, %add3A_1726 : i32
        %get3A_1728 = arith.index_cast %add3A_1727 : i32 to index
        %get3A_1729 = tpu.vector_load %arg9[%get3A_1728] {strides = array<i32>} : memref<12800xf32, #tpu.memory_space<vmem>>, vector<16xf32>,
        %get3A_1730 = vector.shape_cast %get3A_1729 : vector<16xf32> to vector<16xf32>
        %add3A_1731 = arith.addf %mul3A_1725, %get3A_1730 : vector<16xf32>
        %swap3A_1732 = arith.constant 0 : i32
        %swap3A_1733 = arith.constant 0 : i32
        %swap3A_1734 = tpu.memref_slice %arg11[%scan3A_15, %swap3A_1732, %swap3A_1733] : memref<2x128x64xf32, #tpu.memory_space<vmem>> -> memref<1x128x64xf32, #tpu.memory_space<vmem>>
        %swap3A_1735 = tpu.memref_squeeze %swap3A_1734 : memref<1x128x64xf32, #tpu.memory_space<vmem>> -> memref<128x64xf32, #tpu.memory_space<vmem>>
        %swap3A_1736 = arith.index_cast %add3A_1646 : i32 to index
        %swap3A_1737 = arith.constant 32 : index
        %swap3A_1738 = tpu.vector_load %swap3A_1735[%swap3A_1736, %swap3A_1737] {strides = array<i32>} : memref<128x64xf32, #tpu.memory_space<vmem>>, vector<1x16xf32>,
        %swap3A_1739 = vector.shape_cast %swap3A_1738 : vector<1x16xf32> to vector<16xf32>
        %swap3A_1740 = vector.shape_cast %add3A_1731 : vector<16xf32> to vector<1x16xf32>
        tpu.vector_store %swap3A_1735[%swap3A_1736, %swap3A_1737], %swap3A_1740 {strides = array<i32>} : memref<128x64xf32, #tpu.memory_space<vmem>>, vector<1x16xf32>,
        %add3A_1741 = arith.constant 48 : i32
        %add3A_1742 = arith.addi %squeeze3A_1656, %add3A_1741 : i32
        %get3A_1743 = arith.constant 0 : i32
        %get3A_1744 = arith.constant 0 : i32
        %get3A_1745 = tpu.memref_slice %arg10[%scan3A_16, %get3A_1743, %get3A_1744] : memref<2x128x128xf32, #tpu.memory_space<vmem>> -> memref<1x128x128xf32, #tpu.memory_space<vmem>>
        %get3A_1746 = tpu.memref_squeeze %get3A_1745 : memref<1x128x128xf32, #tpu.memory_space<vmem>> -> memref<128x128xf32, #tpu.memory_space<vmem>>
        %get3A_1747 = arith.index_cast %add3A_1646 : i32 to index
        %get3A_1748 = arith.index_cast %add3A_1742 : i32 to index
        %get3A_1749 = tpu.vector_load %get3A_1746[%get3A_1747, %get3A_1748] {strides = array<i32>} : memref<128x128xf32, #tpu.memory_space<vmem>>, vector<1x16xf32>,
        %get3A_1750 = vector.shape_cast %get3A_1749 : vector<1x16xf32> to vector<16xf32>
        %mul3A_1751 = arith.constant 8.000000e+00 : f32
        %mul3A_1752 = vector.broadcast %mul3A_1751 : f32 to vector<16xf32>
        %mul3A_1753 = arith.mulf %get3A_1750, %mul3A_1752 : vector<16xf32>
        %add3A_1754 = arith.constant 48 : i32
        %add3A_1755 = arith.addi %mul3A_1654, %add3A_1754 : i32
        %get3A_1756 = arith.index_cast %add3A_1755 : i32 to index
        %get3A_1757 = tpu.vector_load %arg9[%get3A_1756] {strides = array<i32>} : memref<12800xf32, #tpu.memory_space<vmem>>, vector<16xf32>,
        %get3A_1758 = vector.shape_cast %get3A_1757 : vector<16xf32> to vector<16xf32>
        %add3A_1759 = arith.addf %mul3A_1753, %get3A_1758 : vector<16xf32>
        %swap3A_1760 = arith.constant 0 : i32
        %swap3A_1761 = arith.constant 0 : i32
        %swap3A_1762 = tpu.memref_slice %arg11[%scan3A_15, %swap3A_1760, %swap3A_1761] : memref<2x128x64xf32, #tpu.memory_space<vmem>> -> memref<1x128x64xf32, #tpu.memory_space<vmem>>
        %swap3A_1763 = tpu.memref_squeeze %swap3A_1762 : memref<1x128x64xf32, #tpu.memory_space<vmem>> -> memref<128x64xf32, #tpu.memory_space<vmem>>
        %swap3A_1764 = arith.index_cast %add3A_1646 : i32 to index
        %swap3A_1765 = arith.constant 48 : index
        %swap3A_1766 = tpu.vector_load %swap3A_1763[%swap3A_1764, %swap3A_1765] {strides = array<i32>} : memref<128x64xf32, #tpu.memory_space<vmem>>, vector<1x16xf32>,
        %swap3A_1767 = vector.shape_cast %swap3A_1766 : vector<1x16xf32> to vector<16xf32>
        %swap3A_1768 = vector.shape_cast %add3A_1759 : vector<16xf32> to vector<1x16xf32>
        tpu.vector_store %swap3A_1763[%swap3A_1764, %swap3A_1765], %swap3A_1768 {strides = array<i32>} : memref<128x64xf32, #tpu.memory_space<vmem>>, vector<1x16xf32>,
        %add3A_1769 = arith.constant 13 : i32
        %add3A_1770 = arith.addi %mul3A_158, %add3A_1769 : i32
        %add3A_1771 = arith.addi %rem3A_82, %add3A_1770 : i32
        %ge3A_1772 = arith.constant 200 : i32
        %ge3A_1773 = arith.cmpi sge, %add3A_1771, %ge3A_1772 : i32
        %sub3A_1774 = arith.constant 200 : i32
        %sub3A_1775 = arith.subi %add3A_1771, %sub3A_1774 : i32
        %select_n3A_1776 = arith.select %ge3A_1773, %sub3A_1775, %add3A_1771 : i32
        %mul3A_1777 = arith.constant 64 : i32
        %mul3A_1778 = arith.muli %select_n3A_1776, %mul3A_1777 : i32
        %slice3A_1779 = vector.extract_strided_slice %get3A_161 {offsets = [13], sizes = [1], strides = [1]} : vector<16xi32> to vector<1xi32>
        %squeeze3A_1780 = vector.extract %slice3A_1779[0] : i32 from vector<1xi32>
        %add3A_1781 = arith.constant 0 : i32
        %add3A_1782 = arith.addi %squeeze3A_1780, %add3A_1781 : i32
        %get3A_1783 = arith.constant 0 : i32
        %get3A_1784 = arith.constant 0 : i32
        %get3A_1785 = tpu.memref_slice %arg10[%scan3A_16, %get3A_1783, %get3A_1784] : memref<2x128x128xf32, #tpu.memory_space<vmem>> -> memref<1x128x128xf32, #tpu.memory_space<vmem>>
        %get3A_1786 = tpu.memref_squeeze %get3A_1785 : memref<1x128x128xf32, #tpu.memory_space<vmem>> -> memref<128x128xf32, #tpu.memory_space<vmem>>
        %get3A_1787 = arith.index_cast %add3A_1770 : i32 to index
        %get3A_1788 = arith.index_cast %add3A_1782 : i32 to index
        %get3A_1789 = tpu.vector_load %get3A_1786[%get3A_1787, %get3A_1788] {strides = array<i32>} : memref<128x128xf32, #tpu.memory_space<vmem>>, vector<1x16xf32>,
        %get3A_1790 = vector.shape_cast %get3A_1789 : vector<1x16xf32> to vector<16xf32>
        %mul3A_1791 = arith.constant 8.000000e+00 : f32
        %mul3A_1792 = vector.broadcast %mul3A_1791 : f32 to vector<16xf32>
        %mul3A_1793 = arith.mulf %get3A_1790, %mul3A_1792 : vector<16xf32>
        %add3A_1794 = arith.constant 0 : i32
        %add3A_1795 = arith.addi %mul3A_1778, %add3A_1794 : i32
        %get3A_1796 = arith.index_cast %add3A_1795 : i32 to index
        %get3A_1797 = tpu.vector_load %arg9[%get3A_1796] {strides = array<i32>} : memref<12800xf32, #tpu.memory_space<vmem>>, vector<16xf32>,
        %get3A_1798 = vector.shape_cast %get3A_1797 : vector<16xf32> to vector<16xf32>
        %add3A_1799 = arith.addf %mul3A_1793, %get3A_1798 : vector<16xf32>
        %swap3A_1800 = arith.constant 0 : i32
        %swap3A_1801 = arith.constant 0 : i32
        %swap3A_1802 = tpu.memref_slice %arg11[%scan3A_15, %swap3A_1800, %swap3A_1801] : memref<2x128x64xf32, #tpu.memory_space<vmem>> -> memref<1x128x64xf32, #tpu.memory_space<vmem>>
        %swap3A_1803 = tpu.memref_squeeze %swap3A_1802 : memref<1x128x64xf32, #tpu.memory_space<vmem>> -> memref<128x64xf32, #tpu.memory_space<vmem>>
        %swap3A_1804 = arith.index_cast %add3A_1770 : i32 to index
        %swap3A_1805 = arith.constant 0 : index
        %swap3A_1806 = tpu.vector_load %swap3A_1803[%swap3A_1804, %swap3A_1805] {strides = array<i32>} : memref<128x64xf32, #tpu.memory_space<vmem>>, vector<1x16xf32>,
        %swap3A_1807 = vector.shape_cast %swap3A_1806 : vector<1x16xf32> to vector<16xf32>
        %swap3A_1808 = vector.shape_cast %add3A_1799 : vector<16xf32> to vector<1x16xf32>
        tpu.vector_store %swap3A_1803[%swap3A_1804, %swap3A_1805], %swap3A_1808 {strides = array<i32>} : memref<128x64xf32, #tpu.memory_space<vmem>>, vector<1x16xf32>,
        %add3A_1809 = arith.constant 16 : i32
        %add3A_1810 = arith.addi %squeeze3A_1780, %add3A_1809 : i32
        %get3A_1811 = arith.constant 0 : i32
        %get3A_1812 = arith.constant 0 : i32
        %get3A_1813 = tpu.memref_slice %arg10[%scan3A_16, %get3A_1811, %get3A_1812] : memref<2x128x128xf32, #tpu.memory_space<vmem>> -> memref<1x128x128xf32, #tpu.memory_space<vmem>>
        %get3A_1814 = tpu.memref_squeeze %get3A_1813 : memref<1x128x128xf32, #tpu.memory_space<vmem>> -> memref<128x128xf32, #tpu.memory_space<vmem>>
        %get3A_1815 = arith.index_cast %add3A_1770 : i32 to index
        %get3A_1816 = arith.index_cast %add3A_1810 : i32 to index
        %get3A_1817 = tpu.vector_load %get3A_1814[%get3A_1815, %get3A_1816] {strides = array<i32>} : memref<128x128xf32, #tpu.memory_space<vmem>>, vector<1x16xf32>,
        %get3A_1818 = vector.shape_cast %get3A_1817 : vector<1x16xf32> to vector<16xf32>
        %mul3A_1819 = arith.constant 8.000000e+00 : f32
        %mul3A_1820 = vector.broadcast %mul3A_1819 : f32 to vector<16xf32>
        %mul3A_1821 = arith.mulf %get3A_1818, %mul3A_1820 : vector<16xf32>
        %add3A_1822 = arith.constant 16 : i32
        %add3A_1823 = arith.addi %mul3A_1778, %add3A_1822 : i32
        %get3A_1824 = arith.index_cast %add3A_1823 : i32 to index
        %get3A_1825 = tpu.vector_load %arg9[%get3A_1824] {strides = array<i32>} : memref<12800xf32, #tpu.memory_space<vmem>>, vector<16xf32>,
        %get3A_1826 = vector.shape_cast %get3A_1825 : vector<16xf32> to vector<16xf32>
        %add3A_1827 = arith.addf %mul3A_1821, %get3A_1826 : vector<16xf32>
        %swap3A_1828 = arith.constant 0 : i32
        %swap3A_1829 = arith.constant 0 : i32
        %swap3A_1830 = tpu.memref_slice %arg11[%scan3A_15, %swap3A_1828, %swap3A_1829] : memref<2x128x64xf32, #tpu.memory_space<vmem>> -> memref<1x128x64xf32, #tpu.memory_space<vmem>>
        %swap3A_1831 = tpu.memref_squeeze %swap3A_1830 : memref<1x128x64xf32, #tpu.memory_space<vmem>> -> memref<128x64xf32, #tpu.memory_space<vmem>>
        %swap3A_1832 = arith.index_cast %add3A_1770 : i32 to index
        %swap3A_1833 = arith.constant 16 : index
        %swap3A_1834 = tpu.vector_load %swap3A_1831[%swap3A_1832, %swap3A_1833] {strides = array<i32>} : memref<128x64xf32, #tpu.memory_space<vmem>>, vector<1x16xf32>,
        %swap3A_1835 = vector.shape_cast %swap3A_1834 : vector<1x16xf32> to vector<16xf32>
        %swap3A_1836 = vector.shape_cast %add3A_1827 : vector<16xf32> to vector<1x16xf32>
        tpu.vector_store %swap3A_1831[%swap3A_1832, %swap3A_1833], %swap3A_1836 {strides = array<i32>} : memref<128x64xf32, #tpu.memory_space<vmem>>, vector<1x16xf32>,
        %add3A_1837 = arith.constant 32 : i32
        %add3A_1838 = arith.addi %squeeze3A_1780, %add3A_1837 : i32
        %get3A_1839 = arith.constant 0 : i32
        %get3A_1840 = arith.constant 0 : i32
        %get3A_1841 = tpu.memref_slice %arg10[%scan3A_16, %get3A_1839, %get3A_1840] : memref<2x128x128xf32, #tpu.memory_space<vmem>> -> memref<1x128x128xf32, #tpu.memory_space<vmem>>
        %get3A_1842 = tpu.memref_squeeze %get3A_1841 : memref<1x128x128xf32, #tpu.memory_space<vmem>> -> memref<128x128xf32, #tpu.memory_space<vmem>>
        %get3A_1843 = arith.index_cast %add3A_1770 : i32 to index
        %get3A_1844 = arith.index_cast %add3A_1838 : i32 to index
        %get3A_1845 = tpu.vector_load %get3A_1842[%get3A_1843, %get3A_1844] {strides = array<i32>} : memref<128x128xf32, #tpu.memory_space<vmem>>, vector<1x16xf32>,
        %get3A_1846 = vector.shape_cast %get3A_1845 : vector<1x16xf32> to vector<16xf32>
        %mul3A_1847 = arith.constant 8.000000e+00 : f32
        %mul3A_1848 = vector.broadcast %mul3A_1847 : f32 to vector<16xf32>
        %mul3A_1849 = arith.mulf %get3A_1846, %mul3A_1848 : vector<16xf32>
        %add3A_1850 = arith.constant 32 : i32
        %add3A_1851 = arith.addi %mul3A_1778, %add3A_1850 : i32
        %get3A_1852 = arith.index_cast %add3A_1851 : i32 to index
        %get3A_1853 = tpu.vector_load %arg9[%get3A_1852] {strides = array<i32>} : memref<12800xf32, #tpu.memory_space<vmem>>, vector<16xf32>,
        %get3A_1854 = vector.shape_cast %get3A_1853 : vector<16xf32> to vector<16xf32>
        %add3A_1855 = arith.addf %mul3A_1849, %get3A_1854 : vector<16xf32>
        %swap3A_1856 = arith.constant 0 : i32
        %swap3A_1857 = arith.constant 0 : i32
        %swap3A_1858 = tpu.memref_slice %arg11[%scan3A_15, %swap3A_1856, %swap3A_1857] : memref<2x128x64xf32, #tpu.memory_space<vmem>> -> memref<1x128x64xf32, #tpu.memory_space<vmem>>
        %swap3A_1859 = tpu.memref_squeeze %swap3A_1858 : memref<1x128x64xf32, #tpu.memory_space<vmem>> -> memref<128x64xf32, #tpu.memory_space<vmem>>
        %swap3A_1860 = arith.index_cast %add3A_1770 : i32 to index
        %swap3A_1861 = arith.constant 32 : index
        %swap3A_1862 = tpu.vector_load %swap3A_1859[%swap3A_1860, %swap3A_1861] {strides = array<i32>} : memref<128x64xf32, #tpu.memory_space<vmem>>, vector<1x16xf32>,
        %swap3A_1863 = vector.shape_cast %swap3A_1862 : vector<1x16xf32> to vector<16xf32>
        %swap3A_1864 = vector.shape_cast %add3A_1855 : vector<16xf32> to vector<1x16xf32>
        tpu.vector_store %swap3A_1859[%swap3A_1860, %swap3A_1861], %swap3A_1864 {strides = array<i32>} : memref<128x64xf32, #tpu.memory_space<vmem>>, vector<1x16xf32>,
        %add3A_1865 = arith.constant 48 : i32
        %add3A_1866 = arith.addi %squeeze3A_1780, %add3A_1865 : i32
        %get3A_1867 = arith.constant 0 : i32
        %get3A_1868 = arith.constant 0 : i32
        %get3A_1869 = tpu.memref_slice %arg10[%scan3A_16, %get3A_1867, %get3A_1868] : memref<2x128x128xf32, #tpu.memory_space<vmem>> -> memref<1x128x128xf32, #tpu.memory_space<vmem>>
        %get3A_1870 = tpu.memref_squeeze %get3A_1869 : memref<1x128x128xf32, #tpu.memory_space<vmem>> -> memref<128x128xf32, #tpu.memory_space<vmem>>
        %get3A_1871 = arith.index_cast %add3A_1770 : i32 to index
        %get3A_1872 = arith.index_cast %add3A_1866 : i32 to index
        %get3A_1873 = tpu.vector_load %get3A_1870[%get3A_1871, %get3A_1872] {strides = array<i32>} : memref<128x128xf32, #tpu.memory_space<vmem>>, vector<1x16xf32>,
        %get3A_1874 = vector.shape_cast %get3A_1873 : vector<1x16xf32> to vector<16xf32>
        %mul3A_1875 = arith.constant 8.000000e+00 : f32
        %mul3A_1876 = vector.broadcast %mul3A_1875 : f32 to vector<16xf32>
        %mul3A_1877 = arith.mulf %get3A_1874, %mul3A_1876 : vector<16xf32>
        %add3A_1878 = arith.constant 48 : i32
        %add3A_1879 = arith.addi %mul3A_1778, %add3A_1878 : i32
        %get3A_1880 = arith.index_cast %add3A_1879 : i32 to index
        %get3A_1881 = tpu.vector_load %arg9[%get3A_1880] {strides = array<i32>} : memref<12800xf32, #tpu.memory_space<vmem>>, vector<16xf32>,
        %get3A_1882 = vector.shape_cast %get3A_1881 : vector<16xf32> to vector<16xf32>
        %add3A_1883 = arith.addf %mul3A_1877, %get3A_1882 : vector<16xf32>
        %swap3A_1884 = arith.constant 0 : i32
        %swap3A_1885 = arith.constant 0 : i32
        %swap3A_1886 = tpu.memref_slice %arg11[%scan3A_15, %swap3A_1884, %swap3A_1885] : memref<2x128x64xf32, #tpu.memory_space<vmem>> -> memref<1x128x64xf32, #tpu.memory_space<vmem>>
        %swap3A_1887 = tpu.memref_squeeze %swap3A_1886 : memref<1x128x64xf32, #tpu.memory_space<vmem>> -> memref<128x64xf32, #tpu.memory_space<vmem>>
        %swap3A_1888 = arith.index_cast %add3A_1770 : i32 to index
        %swap3A_1889 = arith.constant 48 : index
        %swap3A_1890 = tpu.vector_load %swap3A_1887[%swap3A_1888, %swap3A_1889] {strides = array<i32>} : memref<128x64xf32, #tpu.memory_space<vmem>>, vector<1x16xf32>,
        %swap3A_1891 = vector.shape_cast %swap3A_1890 : vector<1x16xf32> to vector<16xf32>
        %swap3A_1892 = vector.shape_cast %add3A_1883 : vector<16xf32> to vector<1x16xf32>
        tpu.vector_store %swap3A_1887[%swap3A_1888, %swap3A_1889], %swap3A_1892 {strides = array<i32>} : memref<128x64xf32, #tpu.memory_space<vmem>>, vector<1x16xf32>,
        %add3A_1893 = arith.constant 14 : i32
        %add3A_1894 = arith.addi %mul3A_158, %add3A_1893 : i32
        %add3A_1895 = arith.addi %rem3A_82, %add3A_1894 : i32
        %ge3A_1896 = arith.constant 200 : i32
        %ge3A_1897 = arith.cmpi sge, %add3A_1895, %ge3A_1896 : i32
        %sub3A_1898 = arith.constant 200 : i32
        %sub3A_1899 = arith.subi %add3A_1895, %sub3A_1898 : i32
        %select_n3A_1900 = arith.select %ge3A_1897, %sub3A_1899, %add3A_1895 : i32
        %mul3A_1901 = arith.constant 64 : i32
        %mul3A_1902 = arith.muli %select_n3A_1900, %mul3A_1901 : i32
        %slice3A_1903 = vector.extract_strided_slice %get3A_161 {offsets = [14], sizes = [1], strides = [1]} : vector<16xi32> to vector<1xi32>
        %squeeze3A_1904 = vector.extract %slice3A_1903[0] : i32 from vector<1xi32>
        %add3A_1905 = arith.constant 0 : i32
        %add3A_1906 = arith.addi %squeeze3A_1904, %add3A_1905 : i32
        %get3A_1907 = arith.constant 0 : i32
        %get3A_1908 = arith.constant 0 : i32
        %get3A_1909 = tpu.memref_slice %arg10[%scan3A_16, %get3A_1907, %get3A_1908] : memref<2x128x128xf32, #tpu.memory_space<vmem>> -> memref<1x128x128xf32, #tpu.memory_space<vmem>>
        %get3A_1910 = tpu.memref_squeeze %get3A_1909 : memref<1x128x128xf32, #tpu.memory_space<vmem>> -> memref<128x128xf32, #tpu.memory_space<vmem>>
        %get3A_1911 = arith.index_cast %add3A_1894 : i32 to index
        %get3A_1912 = arith.index_cast %add3A_1906 : i32 to index
        %get3A_1913 = tpu.vector_load %get3A_1910[%get3A_1911, %get3A_1912] {strides = array<i32>} : memref<128x128xf32, #tpu.memory_space<vmem>>, vector<1x16xf32>,
        %get3A_1914 = vector.shape_cast %get3A_1913 : vector<1x16xf32> to vector<16xf32>
        %mul3A_1915 = arith.constant 8.000000e+00 : f32
        %mul3A_1916 = vector.broadcast %mul3A_1915 : f32 to vector<16xf32>
        %mul3A_1917 = arith.mulf %get3A_1914, %mul3A_1916 : vector<16xf32>
        %add3A_1918 = arith.constant 0 : i32
        %add3A_1919 = arith.addi %mul3A_1902, %add3A_1918 : i32
        %get3A_1920 = arith.index_cast %add3A_1919 : i32 to index
        %get3A_1921 = tpu.vector_load %arg9[%get3A_1920] {strides = array<i32>} : memref<12800xf32, #tpu.memory_space<vmem>>, vector<16xf32>,
        %get3A_1922 = vector.shape_cast %get3A_1921 : vector<16xf32> to vector<16xf32>
        %add3A_1923 = arith.addf %mul3A_1917, %get3A_1922 : vector<16xf32>
        %swap3A_1924 = arith.constant 0 : i32
        %swap3A_1925 = arith.constant 0 : i32
        %swap3A_1926 = tpu.memref_slice %arg11[%scan3A_15, %swap3A_1924, %swap3A_1925] : memref<2x128x64xf32, #tpu.memory_space<vmem>> -> memref<1x128x64xf32, #tpu.memory_space<vmem>>
        %swap3A_1927 = tpu.memref_squeeze %swap3A_1926 : memref<1x128x64xf32, #tpu.memory_space<vmem>> -> memref<128x64xf32, #tpu.memory_space<vmem>>
        %swap3A_1928 = arith.index_cast %add3A_1894 : i32 to index
        %swap3A_1929 = arith.constant 0 : index
        %swap3A_1930 = tpu.vector_load %swap3A_1927[%swap3A_1928, %swap3A_1929] {strides = array<i32>} : memref<128x64xf32, #tpu.memory_space<vmem>>, vector<1x16xf32>,
        %swap3A_1931 = vector.shape_cast %swap3A_1930 : vector<1x16xf32> to vector<16xf32>
        %swap3A_1932 = vector.shape_cast %add3A_1923 : vector<16xf32> to vector<1x16xf32>
        tpu.vector_store %swap3A_1927[%swap3A_1928, %swap3A_1929], %swap3A_1932 {strides = array<i32>} : memref<128x64xf32, #tpu.memory_space<vmem>>, vector<1x16xf32>,
        %add3A_1933 = arith.constant 16 : i32
        %add3A_1934 = arith.addi %squeeze3A_1904, %add3A_1933 : i32
        %get3A_1935 = arith.constant 0 : i32
        %get3A_1936 = arith.constant 0 : i32
        %get3A_1937 = tpu.memref_slice %arg10[%scan3A_16, %get3A_1935, %get3A_1936] : memref<2x128x128xf32, #tpu.memory_space<vmem>> -> memref<1x128x128xf32, #tpu.memory_space<vmem>>
        %get3A_1938 = tpu.memref_squeeze %get3A_1937 : memref<1x128x128xf32, #tpu.memory_space<vmem>> -> memref<128x128xf32, #tpu.memory_space<vmem>>
        %get3A_1939 = arith.index_cast %add3A_1894 : i32 to index
        %get3A_1940 = arith.index_cast %add3A_1934 : i32 to index
        %get3A_1941 = tpu.vector_load %get3A_1938[%get3A_1939, %get3A_1940] {strides = array<i32>} : memref<128x128xf32, #tpu.memory_space<vmem>>, vector<1x16xf32>,
        %get3A_1942 = vector.shape_cast %get3A_1941 : vector<1x16xf32> to vector<16xf32>
        %mul3A_1943 = arith.constant 8.000000e+00 : f32
        %mul3A_1944 = vector.broadcast %mul3A_1943 : f32 to vector<16xf32>
        %mul3A_1945 = arith.mulf %get3A_1942, %mul3A_1944 : vector<16xf32>
        %add3A_1946 = arith.constant 16 : i32
        %add3A_1947 = arith.addi %mul3A_1902, %add3A_1946 : i32
        %get3A_1948 = arith.index_cast %add3A_1947 : i32 to index
        %get3A_1949 = tpu.vector_load %arg9[%get3A_1948] {strides = array<i32>} : memref<12800xf32, #tpu.memory_space<vmem>>, vector<16xf32>,
        %get3A_1950 = vector.shape_cast %get3A_1949 : vector<16xf32> to vector<16xf32>
        %add3A_1951 = arith.addf %mul3A_1945, %get3A_1950 : vector<16xf32>
        %swap3A_1952 = arith.constant 0 : i32
        %swap3A_1953 = arith.constant 0 : i32
        %swap3A_1954 = tpu.memref_slice %arg11[%scan3A_15, %swap3A_1952, %swap3A_1953] : memref<2x128x64xf32, #tpu.memory_space<vmem>> -> memref<1x128x64xf32, #tpu.memory_space<vmem>>
        %swap3A_1955 = tpu.memref_squeeze %swap3A_1954 : memref<1x128x64xf32, #tpu.memory_space<vmem>> -> memref<128x64xf32, #tpu.memory_space<vmem>>
        %swap3A_1956 = arith.index_cast %add3A_1894 : i32 to index
        %swap3A_1957 = arith.constant 16 : index
        %swap3A_1958 = tpu.vector_load %swap3A_1955[%swap3A_1956, %swap3A_1957] {strides = array<i32>} : memref<128x64xf32, #tpu.memory_space<vmem>>, vector<1x16xf32>,
        %swap3A_1959 = vector.shape_cast %swap3A_1958 : vector<1x16xf32> to vector<16xf32>
        %swap3A_1960 = vector.shape_cast %add3A_1951 : vector<16xf32> to vector<1x16xf32>
        tpu.vector_store %swap3A_1955[%swap3A_1956, %swap3A_1957], %swap3A_1960 {strides = array<i32>} : memref<128x64xf32, #tpu.memory_space<vmem>>, vector<1x16xf32>,
        %add3A_1961 = arith.constant 32 : i32
        %add3A_1962 = arith.addi %squeeze3A_1904, %add3A_1961 : i32
        %get3A_1963 = arith.constant 0 : i32
        %get3A_1964 = arith.constant 0 : i32
        %get3A_1965 = tpu.memref_slice %arg10[%scan3A_16, %get3A_1963, %get3A_1964] : memref<2x128x128xf32, #tpu.memory_space<vmem>> -> memref<1x128x128xf32, #tpu.memory_space<vmem>>
        %get3A_1966 = tpu.memref_squeeze %get3A_1965 : memref<1x128x128xf32, #tpu.memory_space<vmem>> -> memref<128x128xf32, #tpu.memory_space<vmem>>
        %get3A_1967 = arith.index_cast %add3A_1894 : i32 to index
        %get3A_1968 = arith.index_cast %add3A_1962 : i32 to index
        %get3A_1969 = tpu.vector_load %get3A_1966[%get3A_1967, %get3A_1968] {strides = array<i32>} : memref<128x128xf32, #tpu.memory_space<vmem>>, vector<1x16xf32>,
        %get3A_1970 = vector.shape_cast %get3A_1969 : vector<1x16xf32> to vector<16xf32>
        %mul3A_1971 = arith.constant 8.000000e+00 : f32
        %mul3A_1972 = vector.broadcast %mul3A_1971 : f32 to vector<16xf32>
        %mul3A_1973 = arith.mulf %get3A_1970, %mul3A_1972 : vector<16xf32>
        %add3A_1974 = arith.constant 32 : i32
        %add3A_1975 = arith.addi %mul3A_1902, %add3A_1974 : i32
        %get3A_1976 = arith.index_cast %add3A_1975 : i32 to index
        %get3A_1977 = tpu.vector_load %arg9[%get3A_1976] {strides = array<i32>} : memref<12800xf32, #tpu.memory_space<vmem>>, vector<16xf32>,
        %get3A_1978 = vector.shape_cast %get3A_1977 : vector<16xf32> to vector<16xf32>
        %add3A_1979 = arith.addf %mul3A_1973, %get3A_1978 : vector<16xf32>
        %swap3A_1980 = arith.constant 0 : i32
        %swap3A_1981 = arith.constant 0 : i32
        %swap3A_1982 = tpu.memref_slice %arg11[%scan3A_15, %swap3A_1980, %swap3A_1981] : memref<2x128x64xf32, #tpu.memory_space<vmem>> -> memref<1x128x64xf32, #tpu.memory_space<vmem>>
        %swap3A_1983 = tpu.memref_squeeze %swap3A_1982 : memref<1x128x64xf32, #tpu.memory_space<vmem>> -> memref<128x64xf32, #tpu.memory_space<vmem>>
        %swap3A_1984 = arith.index_cast %add3A_1894 : i32 to index
        %swap3A_1985 = arith.constant 32 : index
        %swap3A_1986 = tpu.vector_load %swap3A_1983[%swap3A_1984, %swap3A_1985] {strides = array<i32>} : memref<128x64xf32, #tpu.memory_space<vmem>>, vector<1x16xf32>,
        %swap3A_1987 = vector.shape_cast %swap3A_1986 : vector<1x16xf32> to vector<16xf32>
        %swap3A_1988 = vector.shape_cast %add3A_1979 : vector<16xf32> to vector<1x16xf32>
        tpu.vector_store %swap3A_1983[%swap3A_1984, %swap3A_1985], %swap3A_1988 {strides = array<i32>} : memref<128x64xf32, #tpu.memory_space<vmem>>, vector<1x16xf32>,
        %add3A_1989 = arith.constant 48 : i32
        %add3A_1990 = arith.addi %squeeze3A_1904, %add3A_1989 : i32
        %get3A_1991 = arith.constant 0 : i32
        %get3A_1992 = arith.constant 0 : i32
        %get3A_1993 = tpu.memref_slice %arg10[%scan3A_16, %get3A_1991, %get3A_1992] : memref<2x128x128xf32, #tpu.memory_space<vmem>> -> memref<1x128x128xf32, #tpu.memory_space<vmem>>
        %get3A_1994 = tpu.memref_squeeze %get3A_1993 : memref<1x128x128xf32, #tpu.memory_space<vmem>> -> memref<128x128xf32, #tpu.memory_space<vmem>>
        %get3A_1995 = arith.index_cast %add3A_1894 : i32 to index
        %get3A_1996 = arith.index_cast %add3A_1990 : i32 to index
        %get3A_1997 = tpu.vector_load %get3A_1994[%get3A_1995, %get3A_1996] {strides = array<i32>} : memref<128x128xf32, #tpu.memory_space<vmem>>, vector<1x16xf32>,
        %get3A_1998 = vector.shape_cast %get3A_1997 : vector<1x16xf32> to vector<16xf32>
        %mul3A_1999 = arith.constant 8.000000e+00 : f32
        %mul3A_2000 = vector.broadcast %mul3A_1999 : f32 to vector<16xf32>
        %mul3A_2001 = arith.mulf %get3A_1998, %mul3A_2000 : vector<16xf32>
        %add3A_2002 = arith.constant 48 : i32
        %add3A_2003 = arith.addi %mul3A_1902, %add3A_2002 : i32
        %get3A_2004 = arith.index_cast %add3A_2003 : i32 to index
        %get3A_2005 = tpu.vector_load %arg9[%get3A_2004] {strides = array<i32>} : memref<12800xf32, #tpu.memory_space<vmem>>, vector<16xf32>,
        %get3A_2006 = vector.shape_cast %get3A_2005 : vector<16xf32> to vector<16xf32>
        %add3A_2007 = arith.addf %mul3A_2001, %get3A_2006 : vector<16xf32>
        %swap3A_2008 = arith.constant 0 : i32
        %swap3A_2009 = arith.constant 0 : i32
        %swap3A_2010 = tpu.memref_slice %arg11[%scan3A_15, %swap3A_2008, %swap3A_2009] : memref<2x128x64xf32, #tpu.memory_space<vmem>> -> memref<1x128x64xf32, #tpu.memory_space<vmem>>
        %swap3A_2011 = tpu.memref_squeeze %swap3A_2010 : memref<1x128x64xf32, #tpu.memory_space<vmem>> -> memref<128x64xf32, #tpu.memory_space<vmem>>
        %swap3A_2012 = arith.index_cast %add3A_1894 : i32 to index
        %swap3A_2013 = arith.constant 48 : index
        %swap3A_2014 = tpu.vector_load %swap3A_2011[%swap3A_2012, %swap3A_2013] {strides = array<i32>} : memref<128x64xf32, #tpu.memory_space<vmem>>, vector<1x16xf32>,
        %swap3A_2015 = vector.shape_cast %swap3A_2014 : vector<1x16xf32> to vector<16xf32>
        %swap3A_2016 = vector.shape_cast %add3A_2007 : vector<16xf32> to vector<1x16xf32>
        tpu.vector_store %swap3A_2011[%swap3A_2012, %swap3A_2013], %swap3A_2016 {strides = array<i32>} : memref<128x64xf32, #tpu.memory_space<vmem>>, vector<1x16xf32>,
        %add3A_2017 = arith.constant 15 : i32
        %add3A_2018 = arith.addi %mul3A_158, %add3A_2017 : i32
        %add3A_2019 = arith.addi %rem3A_82, %add3A_2018 : i32
        %ge3A_2020 = arith.constant 200 : i32
        %ge3A_2021 = arith.cmpi sge, %add3A_2019, %ge3A_2020 : i32
        %sub3A_2022 = arith.constant 200 : i32
        %sub3A_2023 = arith.subi %add3A_2019, %sub3A_2022 : i32
        %select_n3A_2024 = arith.select %ge3A_2021, %sub3A_2023, %add3A_2019 : i32
        %mul3A_2025 = arith.constant 64 : i32
        %mul3A_2026 = arith.muli %select_n3A_2024, %mul3A_2025 : i32
        %slice3A_2027 = vector.extract_strided_slice %get3A_161 {offsets = [15], sizes = [1], strides = [1]} : vector<16xi32> to vector<1xi32>
        %squeeze3A_2028 = vector.extract %slice3A_2027[0] : i32 from vector<1xi32>
        %add3A_2029 = arith.constant 0 : i32
        %add3A_2030 = arith.addi %squeeze3A_2028, %add3A_2029 : i32
        %get3A_2031 = arith.constant 0 : i32
        %get3A_2032 = arith.constant 0 : i32
        %get3A_2033 = tpu.memref_slice %arg10[%scan3A_16, %get3A_2031, %get3A_2032] : memref<2x128x128xf32, #tpu.memory_space<vmem>> -> memref<1x128x128xf32, #tpu.memory_space<vmem>>
        %get3A_2034 = tpu.memref_squeeze %get3A_2033 : memref<1x128x128xf32, #tpu.memory_space<vmem>> -> memref<128x128xf32, #tpu.memory_space<vmem>>
        %get3A_2035 = arith.index_cast %add3A_2018 : i32 to index
        %get3A_2036 = arith.index_cast %add3A_2030 : i32 to index
        %get3A_2037 = tpu.vector_load %get3A_2034[%get3A_2035, %get3A_2036] {strides = array<i32>} : memref<128x128xf32, #tpu.memory_space<vmem>>, vector<1x16xf32>,
        %get3A_2038 = vector.shape_cast %get3A_2037 : vector<1x16xf32> to vector<16xf32>
        %mul3A_2039 = arith.constant 8.000000e+00 : f32
        %mul3A_2040 = vector.broadcast %mul3A_2039 : f32 to vector<16xf32>
        %mul3A_2041 = arith.mulf %get3A_2038, %mul3A_2040 : vector<16xf32>
        %add3A_2042 = arith.constant 0 : i32
        %add3A_2043 = arith.addi %mul3A_2026, %add3A_2042 : i32
        %get3A_2044 = arith.index_cast %add3A_2043 : i32 to index
        %get3A_2045 = tpu.vector_load %arg9[%get3A_2044] {strides = array<i32>} : memref<12800xf32, #tpu.memory_space<vmem>>, vector<16xf32>,
        %get3A_2046 = vector.shape_cast %get3A_2045 : vector<16xf32> to vector<16xf32>
        %add3A_2047 = arith.addf %mul3A_2041, %get3A_2046 : vector<16xf32>
        %swap3A_2048 = arith.constant 0 : i32
        %swap3A_2049 = arith.constant 0 : i32
        %swap3A_2050 = tpu.memref_slice %arg11[%scan3A_15, %swap3A_2048, %swap3A_2049] : memref<2x128x64xf32, #tpu.memory_space<vmem>> -> memref<1x128x64xf32, #tpu.memory_space<vmem>>
        %swap3A_2051 = tpu.memref_squeeze %swap3A_2050 : memref<1x128x64xf32, #tpu.memory_space<vmem>> -> memref<128x64xf32, #tpu.memory_space<vmem>>
        %swap3A_2052 = arith.index_cast %add3A_2018 : i32 to index
        %swap3A_2053 = arith.constant 0 : index
        %swap3A_2054 = tpu.vector_load %swap3A_2051[%swap3A_2052, %swap3A_2053] {strides = array<i32>} : memref<128x64xf32, #tpu.memory_space<vmem>>, vector<1x16xf32>,
        %swap3A_2055 = vector.shape_cast %swap3A_2054 : vector<1x16xf32> to vector<16xf32>
        %swap3A_2056 = vector.shape_cast %add3A_2047 : vector<16xf32> to vector<1x16xf32>
        tpu.vector_store %swap3A_2051[%swap3A_2052, %swap3A_2053], %swap3A_2056 {strides = array<i32>} : memref<128x64xf32, #tpu.memory_space<vmem>>, vector<1x16xf32>,
        %add3A_2057 = arith.constant 16 : i32
        %add3A_2058 = arith.addi %squeeze3A_2028, %add3A_2057 : i32
        %get3A_2059 = arith.constant 0 : i32
        %get3A_2060 = arith.constant 0 : i32
        %get3A_2061 = tpu.memref_slice %arg10[%scan3A_16, %get3A_2059, %get3A_2060] : memref<2x128x128xf32, #tpu.memory_space<vmem>> -> memref<1x128x128xf32, #tpu.memory_space<vmem>>
        %get3A_2062 = tpu.memref_squeeze %get3A_2061 : memref<1x128x128xf32, #tpu.memory_space<vmem>> -> memref<128x128xf32, #tpu.memory_space<vmem>>
        %get3A_2063 = arith.index_cast %add3A_2018 : i32 to index
        %get3A_2064 = arith.index_cast %add3A_2058 : i32 to index
        %get3A_2065 = tpu.vector_load %get3A_2062[%get3A_2063, %get3A_2064] {strides = array<i32>} : memref<128x128xf32, #tpu.memory_space<vmem>>, vector<1x16xf32>,
        %get3A_2066 = vector.shape_cast %get3A_2065 : vector<1x16xf32> to vector<16xf32>
        %mul3A_2067 = arith.constant 8.000000e+00 : f32
        %mul3A_2068 = vector.broadcast %mul3A_2067 : f32 to vector<16xf32>
        %mul3A_2069 = arith.mulf %get3A_2066, %mul3A_2068 : vector<16xf32>
        %add3A_2070 = arith.constant 16 : i32
        %add3A_2071 = arith.addi %mul3A_2026, %add3A_2070 : i32
        %get3A_2072 = arith.index_cast %add3A_2071 : i32 to index
        %get3A_2073 = tpu.vector_load %arg9[%get3A_2072] {strides = array<i32>} : memref<12800xf32, #tpu.memory_space<vmem>>, vector<16xf32>,
        %get3A_2074 = vector.shape_cast %get3A_2073 : vector<16xf32> to vector<16xf32>
        %add3A_2075 = arith.addf %mul3A_2069, %get3A_2074 : vector<16xf32>
        %swap3A_2076 = arith.constant 0 : i32
        %swap3A_2077 = arith.constant 0 : i32
        %swap3A_2078 = tpu.memref_slice %arg11[%scan3A_15, %swap3A_2076, %swap3A_2077] : memref<2x128x64xf32, #tpu.memory_space<vmem>> -> memref<1x128x64xf32, #tpu.memory_space<vmem>>
        %swap3A_2079 = tpu.memref_squeeze %swap3A_2078 : memref<1x128x64xf32, #tpu.memory_space<vmem>> -> memref<128x64xf32, #tpu.memory_space<vmem>>
        %swap3A_2080 = arith.index_cast %add3A_2018 : i32 to index
        %swap3A_2081 = arith.constant 16 : index
        %swap3A_2082 = tpu.vector_load %swap3A_2079[%swap3A_2080, %swap3A_2081] {strides = array<i32>} : memref<128x64xf32, #tpu.memory_space<vmem>>, vector<1x16xf32>,
        %swap3A_2083 = vector.shape_cast %swap3A_2082 : vector<1x16xf32> to vector<16xf32>
        %swap3A_2084 = vector.shape_cast %add3A_2075 : vector<16xf32> to vector<1x16xf32>
        tpu.vector_store %swap3A_2079[%swap3A_2080, %swap3A_2081], %swap3A_2084 {strides = array<i32>} : memref<128x64xf32, #tpu.memory_space<vmem>>, vector<1x16xf32>,
        %add3A_2085 = arith.constant 32 : i32
        %add3A_2086 = arith.addi %squeeze3A_2028, %add3A_2085 : i32
        %get3A_2087 = arith.constant 0 : i32
        %get3A_2088 = arith.constant 0 : i32
        %get3A_2089 = tpu.memref_slice %arg10[%scan3A_16, %get3A_2087, %get3A_2088] : memref<2x128x128xf32, #tpu.memory_space<vmem>> -> memref<1x128x128xf32, #tpu.memory_space<vmem>>
        %get3A_2090 = tpu.memref_squeeze %get3A_2089 : memref<1x128x128xf32, #tpu.memory_space<vmem>> -> memref<128x128xf32, #tpu.memory_space<vmem>>
        %get3A_2091 = arith.index_cast %add3A_2018 : i32 to index
        %get3A_2092 = arith.index_cast %add3A_2086 : i32 to index
        %get3A_2093 = tpu.vector_load %get3A_2090[%get3A_2091, %get3A_2092] {strides = array<i32>} : memref<128x128xf32, #tpu.memory_space<vmem>>, vector<1x16xf32>,
        %get3A_2094 = vector.shape_cast %get3A_2093 : vector<1x16xf32> to vector<16xf32>
        %mul3A_2095 = arith.constant 8.000000e+00 : f32
        %mul3A_2096 = vector.broadcast %mul3A_2095 : f32 to vector<16xf32>
        %mul3A_2097 = arith.mulf %get3A_2094, %mul3A_2096 : vector<16xf32>
        %add3A_2098 = arith.constant 32 : i32
        %add3A_2099 = arith.addi %mul3A_2026, %add3A_2098 : i32
        %get3A_2100 = arith.index_cast %add3A_2099 : i32 to index
        %get3A_2101 = tpu.vector_load %arg9[%get3A_2100] {strides = array<i32>} : memref<12800xf32, #tpu.memory_space<vmem>>, vector<16xf32>,
        %get3A_2102 = vector.shape_cast %get3A_2101 : vector<16xf32> to vector<16xf32>
        %add3A_2103 = arith.addf %mul3A_2097, %get3A_2102 : vector<16xf32>
        %swap3A_2104 = arith.constant 0 : i32
        %swap3A_2105 = arith.constant 0 : i32
        %swap3A_2106 = tpu.memref_slice %arg11[%scan3A_15, %swap3A_2104, %swap3A_2105] : memref<2x128x64xf32, #tpu.memory_space<vmem>> -> memref<1x128x64xf32, #tpu.memory_space<vmem>>
        %swap3A_2107 = tpu.memref_squeeze %swap3A_2106 : memref<1x128x64xf32, #tpu.memory_space<vmem>> -> memref<128x64xf32, #tpu.memory_space<vmem>>
        %swap3A_2108 = arith.index_cast %add3A_2018 : i32 to index
        %swap3A_2109 = arith.constant 32 : index
        %swap3A_2110 = tpu.vector_load %swap3A_2107[%swap3A_2108, %swap3A_2109] {strides = array<i32>} : memref<128x64xf32, #tpu.memory_space<vmem>>, vector<1x16xf32>,
        %swap3A_2111 = vector.shape_cast %swap3A_2110 : vector<1x16xf32> to vector<16xf32>
        %swap3A_2112 = vector.shape_cast %add3A_2103 : vector<16xf32> to vector<1x16xf32>
        tpu.vector_store %swap3A_2107[%swap3A_2108, %swap3A_2109], %swap3A_2112 {strides = array<i32>} : memref<128x64xf32, #tpu.memory_space<vmem>>, vector<1x16xf32>,
        %add3A_2113 = arith.constant 48 : i32
        %add3A_2114 = arith.addi %squeeze3A_2028, %add3A_2113 : i32
        %get3A_2115 = arith.constant 0 : i32
        %get3A_2116 = arith.constant 0 : i32
        %get3A_2117 = tpu.memref_slice %arg10[%scan3A_16, %get3A_2115, %get3A_2116] : memref<2x128x128xf32, #tpu.memory_space<vmem>> -> memref<1x128x128xf32, #tpu.memory_space<vmem>>
        %get3A_2118 = tpu.memref_squeeze %get3A_2117 : memref<1x128x128xf32, #tpu.memory_space<vmem>> -> memref<128x128xf32, #tpu.memory_space<vmem>>
        %get3A_2119 = arith.index_cast %add3A_2018 : i32 to index
        %get3A_2120 = arith.index_cast %add3A_2114 : i32 to index
        %get3A_2121 = tpu.vector_load %get3A_2118[%get3A_2119, %get3A_2120] {strides = array<i32>} : memref<128x128xf32, #tpu.memory_space<vmem>>, vector<1x16xf32>,
        %get3A_2122 = vector.shape_cast %get3A_2121 : vector<1x16xf32> to vector<16xf32>
        %mul3A_2123 = arith.constant 8.000000e+00 : f32
        %mul3A_2124 = vector.broadcast %mul3A_2123 : f32 to vector<16xf32>
        %mul3A_2125 = arith.mulf %get3A_2122, %mul3A_2124 : vector<16xf32>
        %add3A_2126 = arith.constant 48 : i32
        %add3A_2127 = arith.addi %mul3A_2026, %add3A_2126 : i32
        %get3A_2128 = arith.index_cast %add3A_2127 : i32 to index
        %get3A_2129 = tpu.vector_load %arg9[%get3A_2128] {strides = array<i32>} : memref<12800xf32, #tpu.memory_space<vmem>>, vector<16xf32>,
        %get3A_2130 = vector.shape_cast %get3A_2129 : vector<16xf32> to vector<16xf32>
        %add3A_2131 = arith.addf %mul3A_2125, %get3A_2130 : vector<16xf32>
        %swap3A_2132 = arith.constant 0 : i32
        %swap3A_2133 = arith.constant 0 : i32
        %swap3A_2134 = tpu.memref_slice %arg11[%scan3A_15, %swap3A_2132, %swap3A_2133] : memref<2x128x64xf32, #tpu.memory_space<vmem>> -> memref<1x128x64xf32, #tpu.memory_space<vmem>>
        %swap3A_2135 = tpu.memref_squeeze %swap3A_2134 : memref<1x128x64xf32, #tpu.memory_space<vmem>> -> memref<128x64xf32, #tpu.memory_space<vmem>>
        %swap3A_2136 = arith.index_cast %add3A_2018 : i32 to index
        %swap3A_2137 = arith.constant 48 : index
        %swap3A_2138 = tpu.vector_load %swap3A_2135[%swap3A_2136, %swap3A_2137] {strides = array<i32>} : memref<128x64xf32, #tpu.memory_space<vmem>>, vector<1x16xf32>,
        %swap3A_2139 = vector.shape_cast %swap3A_2138 : vector<1x16xf32> to vector<16xf32>
        %swap3A_2140 = vector.shape_cast %add3A_2131 : vector<16xf32> to vector<1x16xf32>
        tpu.vector_store %swap3A_2135[%swap3A_2136, %swap3A_2137], %swap3A_2140 {strides = array<i32>} : memref<128x64xf32, #tpu.memory_space<vmem>>, vector<1x16xf32>,
      }
      %scan3A_88 = arith.constant 8 : i32
      %add3A_89 = arith.addi %mul3A_2, %add3A_60 : i32
      %mul3A_90 = arith.constant 128 : i32
      %mul3A_91 = arith.muli %add3A_89, %mul3A_90 : i32
      %dma_start3A_92 = arith.constant 0 : i32
      %dma_start3A_93 = arith.constant 0 : i32
      %dma_start3A_94 = tpu.memref_slice %arg11[%scan3A_15, %dma_start3A_92, %dma_start3A_93] : memref<2x128x64xf32, #tpu.memory_space<vmem>> -> memref<1x128x64xf32, #tpu.memory_space<vmem>>
      %dma_start3A_95 = tpu.memref_squeeze %dma_start3A_94 : memref<1x128x64xf32, #tpu.memory_space<vmem>> -> memref<128x64xf32, #tpu.memory_space<vmem>>
      %dma_start3A_96 = arith.constant 0 : i32
      %dma_start3A_97 = tpu.memref_slice %arg6[%mul3A_91, %dma_start3A_96] : memref<819200x64xf32, #tpu.memory_space<hbm>> -> memref<128x64xf32, #tpu.memory_space<hbm>>
      %dma_start3A_98 = arith.constant 0 : i32
      %dma_start3A_99 = tpu.memref_slice %arg6[%mul3A_91, %dma_start3A_98] : memref<819200x64xf32, #tpu.memory_space<hbm>> -> memref<128x64xf32, #tpu.memory_space<hbm>>
      %dma_start3A_100 = arith.constant 0 : i32
      %dma_start3A_101 = arith.constant 0 : i32
      %dma_start3A_102 = tpu.memref_slice %arg11[%scan3A_15, %dma_start3A_100, %dma_start3A_101] : memref<2x128x64xf32, #tpu.memory_space<vmem>> -> memref<1x128x64xf32, #tpu.memory_space<vmem>>
      %dma_start3A_103 = tpu.memref_squeeze %dma_start3A_102 : memref<1x128x64xf32, #tpu.memory_space<vmem>> -> memref<128x64xf32, #tpu.memory_space<vmem>>
      tpu.enqueue_dma source(%dma_start3A_103 : memref<128x64xf32, #tpu.memory_space<vmem>>) target(%dma_start3A_99 : memref<128x64xf32, #tpu.memory_space<hbm>>) target_semaphore(%arg14 : memref<!tpu.dma_semaphore, #tpu.memory_space<semaphore_mem>>)
      %mul3A_104 = arith.constant 2 : i32
      %mul3A_105 = arith.muli %scan3A_56, %mul3A_104 : i32
      %add3A_106 = arith.constant 1 : i32
      %add3A_107 = arith.addi %mul3A_105, %add3A_106 : i32
      %add3A_108 = arith.constant 1 : i32
      %add3A_109 = arith.addi %add3A_107, %add3A_108 : i32
      %lt3A_110 = arith.constant 200 : i32
      %lt3A_111 = arith.cmpi slt, %add3A_109, %lt3A_110 : i32
      %convert_element_type3A_112 = arith.extui %lt3A_111 : i1 to i32
      %cond3A_113 = arith.constant 0 : i32
      %cond3A_114 = arith.cmpi ne, %convert_element_type3A_112, %cond3A_113 : i32
      scf.if %cond3A_114 {
        %add3A_156 = arith.constant 1 : i32
        %add3A_157 = arith.addi %add3A_107, %add3A_156 : i32
        %dma_start3A_158 = arith.constant 0 : i32
        %dma_start3A_159 = arith.constant 0 : i32
        %dma_start3A_160 = tpu.memref_slice %arg10[%scan3A_16, %dma_start3A_158, %dma_start3A_159] : memref<2x128x128xf32, #tpu.memory_space<vmem>> -> memref<1x128x128xf32, #tpu.memory_space<vmem>>
        %dma_start3A_161 = tpu.memref_squeeze %dma_start3A_160 : memref<1x128x128xf32, #tpu.memory_space<vmem>> -> memref<128x128xf32, #tpu.memory_space<vmem>>
        %dma_start3A_162 = arith.constant 0 : i32
        %dma_start3A_163 = tpu.memref_slice %arg7[%add3A_157, %dma_start3A_162] : memref<200x128xi32, #tpu.memory_space<vmem>> -> memref<1x128xi32, #tpu.memory_space<vmem>>
        %dma_start3A_164 = tpu.memref_squeeze %dma_start3A_163 : memref<1x128xi32, #tpu.memory_space<vmem>> -> memref<128xi32, #tpu.memory_space<vmem>>
        %dma_start3A_165 = arith.constant 0 : i32
        %dma_start3A_166 = arith.constant 0 : i32
        %dma_start3A_167 = tpu.memref_slice %arg4[%dma_start3A_165, %dma_start3A_166] : memref<500000x128xf32, #tpu.memory_space<hbm>> -> memref<500000x128xf32, #tpu.memory_space<hbm>>
        tpu.enqueue_indirect_dma source(%dma_start3A_167 : memref<500000x128xf32, #tpu.memory_space<hbm>>) target(%dma_start3A_161 : memref<128x128xf32, #tpu.memory_space<vmem>>) offsets(%dma_start3A_164 : memref<128xi32, #tpu.memory_space<vmem>>) semaphore(%arg12 : memref<!tpu.dma_semaphore, #tpu.memory_space<semaphore_mem>>)
      } else {
      }
      %ge3A_115 = arith.constant 2 : i32
      %ge3A_116 = arith.cmpi sge, %add3A_107, %ge3A_115 : i32
      %convert_element_type3A_117 = arith.extui %ge3A_116 : i1 to i32
      %cond3A_118 = arith.constant 0 : i32
      %cond3A_119 = arith.cmpi ne, %convert_element_type3A_117, %cond3A_118 : i32
      scf.if %cond3A_119 {
        %sub3A = arith.constant 2 : i32
        %sub3A_156 = arith.subi %add3A_107, %sub3A : i32
        %add3A_157 = arith.addi %mul3A_2, %sub3A_156 : i32
        %mul3A_158 = arith.constant 128 : i32
        %mul3A_159 = arith.muli %add3A_157, %mul3A_158 : i32
        %dma_wait3A_160 = arith.constant 0 : i32
        %dma_wait3A_161 = arith.constant 0 : i32
        %dma_wait3A_162 = tpu.memref_slice %arg11[%scan3A_17, %dma_wait3A_160, %dma_wait3A_161] : memref<2x128x64xf32, #tpu.memory_space<vmem>> -> memref<1x128x64xf32, #tpu.memory_space<vmem>>
        %dma_wait3A_163 = tpu.memref_squeeze %dma_wait3A_162 : memref<1x128x64xf32, #tpu.memory_space<vmem>> -> memref<128x64xf32, #tpu.memory_space<vmem>>
        %dma_wait3A_164 = arith.constant 0 : i32
        %dma_wait3A_165 = tpu.memref_slice %arg6[%mul3A_159, %dma_wait3A_164] : memref<819200x64xf32, #tpu.memory_space<hbm>> -> memref<128x64xf32, #tpu.memory_space<hbm>>
        %dma_wait3A_166 = arith.constant 0 : i32
        %dma_wait3A_167 = tpu.memref_slice %arg6[%mul3A_159, %dma_wait3A_166] : memref<819200x64xf32, #tpu.memory_space<hbm>> -> memref<128x64xf32, #tpu.memory_space<hbm>>
        %dma_wait3A_168 = arith.constant 0 : i32
        %dma_wait3A_169 = arith.constant 0 : i32
        %dma_wait3A_170 = tpu.memref_slice %arg11[%scan3A_17, %dma_wait3A_168, %dma_wait3A_169] : memref<2x128x64xf32, #tpu.memory_space<vmem>> -> memref<1x128x64xf32, #tpu.memory_space<vmem>>
        %dma_wait3A_171 = tpu.memref_squeeze %dma_wait3A_170 : memref<1x128x64xf32, #tpu.memory_space<vmem>> -> memref<128x64xf32, #tpu.memory_space<vmem>>
        tpu.wait_dma2 semaphore(%arg15 : memref<!tpu.dma_semaphore, #tpu.memory_space<semaphore_mem>>) src(%dma_wait3A_171 : memref<128x64xf32, #tpu.memory_space<vmem>>) dst(%dma_wait3A_167 : memref<128x64xf32, #tpu.memory_space<hbm>>)
      } else {
      }
      %dma_wait3A_120 = arith.constant 0 : i32
      %dma_wait3A_121 = arith.constant 0 : i32
      %dma_wait3A_122 = tpu.memref_slice %arg10[%scan3A_14, %dma_wait3A_120, %dma_wait3A_121] : memref<2x128x128xf32, #tpu.memory_space<vmem>> -> memref<1x128x128xf32, #tpu.memory_space<vmem>>
      %dma_wait3A_123 = tpu.memref_squeeze %dma_wait3A_122 : memref<1x128x128xf32, #tpu.memory_space<vmem>> -> memref<128x128xf32, #tpu.memory_space<vmem>>
      %dma_wait3A_124 = arith.constant 0 : i32
      %dma_wait3A_125 = tpu.memref_slice %arg7[%add3A_107, %dma_wait3A_124] : memref<200x128xi32, #tpu.memory_space<vmem>> -> memref<1x128xi32, #tpu.memory_space<vmem>>
      %dma_wait3A_126 = tpu.memref_squeeze %dma_wait3A_125 : memref<1x128xi32, #tpu.memory_space<vmem>> -> memref<128xi32, #tpu.memory_space<vmem>>
      %dma_wait3A_127 = arith.constant 0 : i32
      %dma_wait3A_128 = arith.constant 0 : i32
      %dma_wait3A_129 = tpu.memref_slice %arg4[%dma_wait3A_127, %dma_wait3A_128] : memref<500000x128xf32, #tpu.memory_space<hbm>> -> memref<500000x128xf32, #tpu.memory_space<hbm>>
      tpu.wait_indirect_dma semaphore(%arg13 : memref<!tpu.dma_semaphore, #tpu.memory_space<semaphore_mem>>) src(%dma_wait3A_129 : memref<500000x128xf32, #tpu.memory_space<hbm>>) dst(%dma_wait3A_123 : memref<128x128xf32, #tpu.memory_space<vmem>>)
      %add3A_130 = arith.addi %mul3A_2, %add3A_107 : i32
      %mul3A_131 = arith.constant 128 : i32
      %mul3A_132 = arith.muli %add3A_130, %mul3A_131 : i32
      %rem3A_133 = arith.constant 200 : i32
      %rem3A_134 = arith.remsi %mul3A_132, %rem3A_133 : i32
      %scan3A_135 = arith.constant 0 : i32
      %scan3A_136 = arith.constant 0 : i32
      %scan3A_137 = arith.constant 8 : i32
      %scan3A_138 = arith.addi %scan3A_136, %scan3A_137 : i32
      %scan3A_139 = arith.constant 1 : i32
      scf.for %scan3A_156 = %scan3A_136 to %scan3A_138 step %scan3A_139  : i32 {
        %mul3A_157 = arith.constant 16 : i32
        %mul3A_158 = arith.muli %scan3A_156, %mul3A_157 : i32
        %get3A = arith.index_cast %add3A_107 : i32 to index
        %get3A_159 = arith.index_cast %mul3A_158 : i32 to index
        %get3A_160 = tpu.vector_load %arg8[%get3A, %get3A_159] {strides = array<i32>} : memref<200x128xi32, #tpu.memory_space<vmem>>, vector<1x16xi32>,
        %get3A_161 = vector.shape_cast %get3A_160 : vector<1x16xi32> to vector<16xi32>
        %add3A_162 = arith.constant 0 : i32
        %add3A_163 = arith.addi %mul3A_158, %add3A_162 : i32
        %add3A_164 = arith.addi %rem3A_134, %add3A_163 : i32
        %ge3A_165 = arith.constant 200 : i32
        %ge3A_166 = arith.cmpi sge, %add3A_164, %ge3A_165 : i32
        %sub3A = arith.constant 200 : i32
        %sub3A_167 = arith.subi %add3A_164, %sub3A : i32
        %select_n3A = arith.select %ge3A_166, %sub3A_167, %add3A_164 : i32
        %mul3A_168 = arith.constant 64 : i32
        %mul3A_169 = arith.muli %select_n3A, %mul3A_168 : i32
        %slice3A = vector.extract_strided_slice %get3A_161 {offsets = [0], sizes = [1], strides = [1]} : vector<16xi32> to vector<1xi32>
        %squeeze3A = vector.extract %slice3A[0] : i32 from vector<1xi32>
        %add3A_170 = arith.constant 0 : i32
        %add3A_171 = arith.addi %squeeze3A, %add3A_170 : i32
        %get3A_172 = arith.constant 0 : i32
        %get3A_173 = arith.constant 0 : i32
        %get3A_174 = tpu.memref_slice %arg10[%scan3A_14, %get3A_172, %get3A_173] : memref<2x128x128xf32, #tpu.memory_space<vmem>> -> memref<1x128x128xf32, #tpu.memory_space<vmem>>
        %get3A_175 = tpu.memref_squeeze %get3A_174 : memref<1x128x128xf32, #tpu.memory_space<vmem>> -> memref<128x128xf32, #tpu.memory_space<vmem>>
        %get3A_176 = arith.index_cast %add3A_163 : i32 to index
        %get3A_177 = arith.index_cast %add3A_171 : i32 to index
        %get3A_178 = tpu.vector_load %get3A_175[%get3A_176, %get3A_177] {strides = array<i32>} : memref<128x128xf32, #tpu.memory_space<vmem>>, vector<1x16xf32>,
        %get3A_179 = vector.shape_cast %get3A_178 : vector<1x16xf32> to vector<16xf32>
        %mul3A_180 = arith.constant 8.000000e+00 : f32
        %mul3A_181 = vector.broadcast %mul3A_180 : f32 to vector<16xf32>
        %mul3A_182 = arith.mulf %get3A_179, %mul3A_181 : vector<16xf32>
        %add3A_183 = arith.constant 0 : i32
        %add3A_184 = arith.addi %mul3A_169, %add3A_183 : i32
        %get3A_185 = arith.index_cast %add3A_184 : i32 to index
        %get3A_186 = tpu.vector_load %arg9[%get3A_185] {strides = array<i32>} : memref<12800xf32, #tpu.memory_space<vmem>>, vector<16xf32>,
        %get3A_187 = vector.shape_cast %get3A_186 : vector<16xf32> to vector<16xf32>
        %add3A_188 = arith.addf %mul3A_182, %get3A_187 : vector<16xf32>
        %swap3A = arith.constant 0 : i32
        %swap3A_189 = arith.constant 0 : i32
        %swap3A_190 = tpu.memref_slice %arg11[%scan3A_17, %swap3A, %swap3A_189] : memref<2x128x64xf32, #tpu.memory_space<vmem>> -> memref<1x128x64xf32, #tpu.memory_space<vmem>>
        %swap3A_191 = tpu.memref_squeeze %swap3A_190 : memref<1x128x64xf32, #tpu.memory_space<vmem>> -> memref<128x64xf32, #tpu.memory_space<vmem>>
        %swap3A_192 = arith.index_cast %add3A_163 : i32 to index
        %swap3A_193 = arith.constant 0 : index
        %swap3A_194 = tpu.vector_load %swap3A_191[%swap3A_192, %swap3A_193] {strides = array<i32>} : memref<128x64xf32, #tpu.memory_space<vmem>>, vector<1x16xf32>,
        %swap3A_195 = vector.shape_cast %swap3A_194 : vector<1x16xf32> to vector<16xf32>
        %swap3A_196 = vector.shape_cast %add3A_188 : vector<16xf32> to vector<1x16xf32>
        tpu.vector_store %swap3A_191[%swap3A_192, %swap3A_193], %swap3A_196 {strides = array<i32>} : memref<128x64xf32, #tpu.memory_space<vmem>>, vector<1x16xf32>,
        %add3A_197 = arith.constant 16 : i32
        %add3A_198 = arith.addi %squeeze3A, %add3A_197 : i32
        %get3A_199 = arith.constant 0 : i32
        %get3A_200 = arith.constant 0 : i32
        %get3A_201 = tpu.memref_slice %arg10[%scan3A_14, %get3A_199, %get3A_200] : memref<2x128x128xf32, #tpu.memory_space<vmem>> -> memref<1x128x128xf32, #tpu.memory_space<vmem>>
        %get3A_202 = tpu.memref_squeeze %get3A_201 : memref<1x128x128xf32, #tpu.memory_space<vmem>> -> memref<128x128xf32, #tpu.memory_space<vmem>>
        %get3A_203 = arith.index_cast %add3A_163 : i32 to index
        %get3A_204 = arith.index_cast %add3A_198 : i32 to index
        %get3A_205 = tpu.vector_load %get3A_202[%get3A_203, %get3A_204] {strides = array<i32>} : memref<128x128xf32, #tpu.memory_space<vmem>>, vector<1x16xf32>,
        %get3A_206 = vector.shape_cast %get3A_205 : vector<1x16xf32> to vector<16xf32>
        %mul3A_207 = arith.constant 8.000000e+00 : f32
        %mul3A_208 = vector.broadcast %mul3A_207 : f32 to vector<16xf32>
        %mul3A_209 = arith.mulf %get3A_206, %mul3A_208 : vector<16xf32>
        %add3A_210 = arith.constant 16 : i32
        %add3A_211 = arith.addi %mul3A_169, %add3A_210 : i32
        %get3A_212 = arith.index_cast %add3A_211 : i32 to index
        %get3A_213 = tpu.vector_load %arg9[%get3A_212] {strides = array<i32>} : memref<12800xf32, #tpu.memory_space<vmem>>, vector<16xf32>,
        %get3A_214 = vector.shape_cast %get3A_213 : vector<16xf32> to vector<16xf32>
        %add3A_215 = arith.addf %mul3A_209, %get3A_214 : vector<16xf32>
        %swap3A_216 = arith.constant 0 : i32
        %swap3A_217 = arith.constant 0 : i32
        %swap3A_218 = tpu.memref_slice %arg11[%scan3A_17, %swap3A_216, %swap3A_217] : memref<2x128x64xf32, #tpu.memory_space<vmem>> -> memref<1x128x64xf32, #tpu.memory_space<vmem>>
        %swap3A_219 = tpu.memref_squeeze %swap3A_218 : memref<1x128x64xf32, #tpu.memory_space<vmem>> -> memref<128x64xf32, #tpu.memory_space<vmem>>
        %swap3A_220 = arith.index_cast %add3A_163 : i32 to index
        %swap3A_221 = arith.constant 16 : index
        %swap3A_222 = tpu.vector_load %swap3A_219[%swap3A_220, %swap3A_221] {strides = array<i32>} : memref<128x64xf32, #tpu.memory_space<vmem>>, vector<1x16xf32>,
        %swap3A_223 = vector.shape_cast %swap3A_222 : vector<1x16xf32> to vector<16xf32>
        %swap3A_224 = vector.shape_cast %add3A_215 : vector<16xf32> to vector<1x16xf32>
        tpu.vector_store %swap3A_219[%swap3A_220, %swap3A_221], %swap3A_224 {strides = array<i32>} : memref<128x64xf32, #tpu.memory_space<vmem>>, vector<1x16xf32>,
        %add3A_225 = arith.constant 32 : i32
        %add3A_226 = arith.addi %squeeze3A, %add3A_225 : i32
        %get3A_227 = arith.constant 0 : i32
        %get3A_228 = arith.constant 0 : i32
        %get3A_229 = tpu.memref_slice %arg10[%scan3A_14, %get3A_227, %get3A_228] : memref<2x128x128xf32, #tpu.memory_space<vmem>> -> memref<1x128x128xf32, #tpu.memory_space<vmem>>
        %get3A_230 = tpu.memref_squeeze %get3A_229 : memref<1x128x128xf32, #tpu.memory_space<vmem>> -> memref<128x128xf32, #tpu.memory_space<vmem>>
        %get3A_231 = arith.index_cast %add3A_163 : i32 to index
        %get3A_232 = arith.index_cast %add3A_226 : i32 to index
        %get3A_233 = tpu.vector_load %get3A_230[%get3A_231, %get3A_232] {strides = array<i32>} : memref<128x128xf32, #tpu.memory_space<vmem>>, vector<1x16xf32>,
        %get3A_234 = vector.shape_cast %get3A_233 : vector<1x16xf32> to vector<16xf32>
        %mul3A_235 = arith.constant 8.000000e+00 : f32
        %mul3A_236 = vector.broadcast %mul3A_235 : f32 to vector<16xf32>
        %mul3A_237 = arith.mulf %get3A_234, %mul3A_236 : vector<16xf32>
        %add3A_238 = arith.constant 32 : i32
        %add3A_239 = arith.addi %mul3A_169, %add3A_238 : i32
        %get3A_240 = arith.index_cast %add3A_239 : i32 to index
        %get3A_241 = tpu.vector_load %arg9[%get3A_240] {strides = array<i32>} : memref<12800xf32, #tpu.memory_space<vmem>>, vector<16xf32>,
        %get3A_242 = vector.shape_cast %get3A_241 : vector<16xf32> to vector<16xf32>
        %add3A_243 = arith.addf %mul3A_237, %get3A_242 : vector<16xf32>
        %swap3A_244 = arith.constant 0 : i32
        %swap3A_245 = arith.constant 0 : i32
        %swap3A_246 = tpu.memref_slice %arg11[%scan3A_17, %swap3A_244, %swap3A_245] : memref<2x128x64xf32, #tpu.memory_space<vmem>> -> memref<1x128x64xf32, #tpu.memory_space<vmem>>
        %swap3A_247 = tpu.memref_squeeze %swap3A_246 : memref<1x128x64xf32, #tpu.memory_space<vmem>> -> memref<128x64xf32, #tpu.memory_space<vmem>>
        %swap3A_248 = arith.index_cast %add3A_163 : i32 to index
        %swap3A_249 = arith.constant 32 : index
        %swap3A_250 = tpu.vector_load %swap3A_247[%swap3A_248, %swap3A_249] {strides = array<i32>} : memref<128x64xf32, #tpu.memory_space<vmem>>, vector<1x16xf32>,
        %swap3A_251 = vector.shape_cast %swap3A_250 : vector<1x16xf32> to vector<16xf32>
        %swap3A_252 = vector.shape_cast %add3A_243 : vector<16xf32> to vector<1x16xf32>
        tpu.vector_store %swap3A_247[%swap3A_248, %swap3A_249], %swap3A_252 {strides = array<i32>} : memref<128x64xf32, #tpu.memory_space<vmem>>, vector<1x16xf32>,
        %add3A_253 = arith.constant 48 : i32
        %add3A_254 = arith.addi %squeeze3A, %add3A_253 : i32
        %get3A_255 = arith.constant 0 : i32
        %get3A_256 = arith.constant 0 : i32
        %get3A_257 = tpu.memref_slice %arg10[%scan3A_14, %get3A_255, %get3A_256] : memref<2x128x128xf32, #tpu.memory_space<vmem>> -> memref<1x128x128xf32, #tpu.memory_space<vmem>>
        %get3A_258 = tpu.memref_squeeze %get3A_257 : memref<1x128x128xf32, #tpu.memory_space<vmem>> -> memref<128x128xf32, #tpu.memory_space<vmem>>
        %get3A_259 = arith.index_cast %add3A_163 : i32 to index
        %get3A_260 = arith.index_cast %add3A_254 : i32 to index
        %get3A_261 = tpu.vector_load %get3A_258[%get3A_259, %get3A_260] {strides = array<i32>} : memref<128x128xf32, #tpu.memory_space<vmem>>, vector<1x16xf32>,
        %get3A_262 = vector.shape_cast %get3A_261 : vector<1x16xf32> to vector<16xf32>
        %mul3A_263 = arith.constant 8.000000e+00 : f32
        %mul3A_264 = vector.broadcast %mul3A_263 : f32 to vector<16xf32>
        %mul3A_265 = arith.mulf %get3A_262, %mul3A_264 : vector<16xf32>
        %add3A_266 = arith.constant 48 : i32
        %add3A_267 = arith.addi %mul3A_169, %add3A_266 : i32
        %get3A_268 = arith.index_cast %add3A_267 : i32 to index
        %get3A_269 = tpu.vector_load %arg9[%get3A_268] {strides = array<i32>} : memref<12800xf32, #tpu.memory_space<vmem>>, vector<16xf32>,
        %get3A_270 = vector.shape_cast %get3A_269 : vector<16xf32> to vector<16xf32>
        %add3A_271 = arith.addf %mul3A_265, %get3A_270 : vector<16xf32>
        %swap3A_272 = arith.constant 0 : i32
        %swap3A_273 = arith.constant 0 : i32
        %swap3A_274 = tpu.memref_slice %arg11[%scan3A_17, %swap3A_272, %swap3A_273] : memref<2x128x64xf32, #tpu.memory_space<vmem>> -> memref<1x128x64xf32, #tpu.memory_space<vmem>>
        %swap3A_275 = tpu.memref_squeeze %swap3A_274 : memref<1x128x64xf32, #tpu.memory_space<vmem>> -> memref<128x64xf32, #tpu.memory_space<vmem>>
        %swap3A_276 = arith.index_cast %add3A_163 : i32 to index
        %swap3A_277 = arith.constant 48 : index
        %swap3A_278 = tpu.vector_load %swap3A_275[%swap3A_276, %swap3A_277] {strides = array<i32>} : memref<128x64xf32, #tpu.memory_space<vmem>>, vector<1x16xf32>,
        %swap3A_279 = vector.shape_cast %swap3A_278 : vector<1x16xf32> to vector<16xf32>
        %swap3A_280 = vector.shape_cast %add3A_271 : vector<16xf32> to vector<1x16xf32>
        tpu.vector_store %swap3A_275[%swap3A_276, %swap3A_277], %swap3A_280 {strides = array<i32>} : memref<128x64xf32, #tpu.memory_space<vmem>>, vector<1x16xf32>,
        %add3A_281 = arith.constant 1 : i32
        %add3A_282 = arith.addi %mul3A_158, %add3A_281 : i32
        %add3A_283 = arith.addi %rem3A_134, %add3A_282 : i32
        %ge3A_284 = arith.constant 200 : i32
        %ge3A_285 = arith.cmpi sge, %add3A_283, %ge3A_284 : i32
        %sub3A_286 = arith.constant 200 : i32
        %sub3A_287 = arith.subi %add3A_283, %sub3A_286 : i32
        %select_n3A_288 = arith.select %ge3A_285, %sub3A_287, %add3A_283 : i32
        %mul3A_289 = arith.constant 64 : i32
        %mul3A_290 = arith.muli %select_n3A_288, %mul3A_289 : i32
        %slice3A_291 = vector.extract_strided_slice %get3A_161 {offsets = [1], sizes = [1], strides = [1]} : vector<16xi32> to vector<1xi32>
        %squeeze3A_292 = vector.extract %slice3A_291[0] : i32 from vector<1xi32>
        %add3A_293 = arith.constant 0 : i32
        %add3A_294 = arith.addi %squeeze3A_292, %add3A_293 : i32
        %get3A_295 = arith.constant 0 : i32
        %get3A_296 = arith.constant 0 : i32
        %get3A_297 = tpu.memref_slice %arg10[%scan3A_14, %get3A_295, %get3A_296] : memref<2x128x128xf32, #tpu.memory_space<vmem>> -> memref<1x128x128xf32, #tpu.memory_space<vmem>>
        %get3A_298 = tpu.memref_squeeze %get3A_297 : memref<1x128x128xf32, #tpu.memory_space<vmem>> -> memref<128x128xf32, #tpu.memory_space<vmem>>
        %get3A_299 = arith.index_cast %add3A_282 : i32 to index
        %get3A_300 = arith.index_cast %add3A_294 : i32 to index
        %get3A_301 = tpu.vector_load %get3A_298[%get3A_299, %get3A_300] {strides = array<i32>} : memref<128x128xf32, #tpu.memory_space<vmem>>, vector<1x16xf32>,
        %get3A_302 = vector.shape_cast %get3A_301 : vector<1x16xf32> to vector<16xf32>
        %mul3A_303 = arith.constant 8.000000e+00 : f32
        %mul3A_304 = vector.broadcast %mul3A_303 : f32 to vector<16xf32>
        %mul3A_305 = arith.mulf %get3A_302, %mul3A_304 : vector<16xf32>
        %add3A_306 = arith.constant 0 : i32
        %add3A_307 = arith.addi %mul3A_290, %add3A_306 : i32
        %get3A_308 = arith.index_cast %add3A_307 : i32 to index
        %get3A_309 = tpu.vector_load %arg9[%get3A_308] {strides = array<i32>} : memref<12800xf32, #tpu.memory_space<vmem>>, vector<16xf32>,
        %get3A_310 = vector.shape_cast %get3A_309 : vector<16xf32> to vector<16xf32>
        %add3A_311 = arith.addf %mul3A_305, %get3A_310 : vector<16xf32>
        %swap3A_312 = arith.constant 0 : i32
        %swap3A_313 = arith.constant 0 : i32
        %swap3A_314 = tpu.memref_slice %arg11[%scan3A_17, %swap3A_312, %swap3A_313] : memref<2x128x64xf32, #tpu.memory_space<vmem>> -> memref<1x128x64xf32, #tpu.memory_space<vmem>>
        %swap3A_315 = tpu.memref_squeeze %swap3A_314 : memref<1x128x64xf32, #tpu.memory_space<vmem>> -> memref<128x64xf32, #tpu.memory_space<vmem>>
        %swap3A_316 = arith.index_cast %add3A_282 : i32 to index
        %swap3A_317 = arith.constant 0 : index
        %swap3A_318 = tpu.vector_load %swap3A_315[%swap3A_316, %swap3A_317] {strides = array<i32>} : memref<128x64xf32, #tpu.memory_space<vmem>>, vector<1x16xf32>,
        %swap3A_319 = vector.shape_cast %swap3A_318 : vector<1x16xf32> to vector<16xf32>
        %swap3A_320 = vector.shape_cast %add3A_311 : vector<16xf32> to vector<1x16xf32>
        tpu.vector_store %swap3A_315[%swap3A_316, %swap3A_317], %swap3A_320 {strides = array<i32>} : memref<128x64xf32, #tpu.memory_space<vmem>>, vector<1x16xf32>,
        %add3A_321 = arith.constant 16 : i32
        %add3A_322 = arith.addi %squeeze3A_292, %add3A_321 : i32
        %get3A_323 = arith.constant 0 : i32
        %get3A_324 = arith.constant 0 : i32
        %get3A_325 = tpu.memref_slice %arg10[%scan3A_14, %get3A_323, %get3A_324] : memref<2x128x128xf32, #tpu.memory_space<vmem>> -> memref<1x128x128xf32, #tpu.memory_space<vmem>>
        %get3A_326 = tpu.memref_squeeze %get3A_325 : memref<1x128x128xf32, #tpu.memory_space<vmem>> -> memref<128x128xf32, #tpu.memory_space<vmem>>
        %get3A_327 = arith.index_cast %add3A_282 : i32 to index
        %get3A_328 = arith.index_cast %add3A_322 : i32 to index
        %get3A_329 = tpu.vector_load %get3A_326[%get3A_327, %get3A_328] {strides = array<i32>} : memref<128x128xf32, #tpu.memory_space<vmem>>, vector<1x16xf32>,
        %get3A_330 = vector.shape_cast %get3A_329 : vector<1x16xf32> to vector<16xf32>
        %mul3A_331 = arith.constant 8.000000e+00 : f32
        %mul3A_332 = vector.broadcast %mul3A_331 : f32 to vector<16xf32>
        %mul3A_333 = arith.mulf %get3A_330, %mul3A_332 : vector<16xf32>
        %add3A_334 = arith.constant 16 : i32
        %add3A_335 = arith.addi %mul3A_290, %add3A_334 : i32
        %get3A_336 = arith.index_cast %add3A_335 : i32 to index
        %get3A_337 = tpu.vector_load %arg9[%get3A_336] {strides = array<i32>} : memref<12800xf32, #tpu.memory_space<vmem>>, vector<16xf32>,
        %get3A_338 = vector.shape_cast %get3A_337 : vector<16xf32> to vector<16xf32>
        %add3A_339 = arith.addf %mul3A_333, %get3A_338 : vector<16xf32>
        %swap3A_340 = arith.constant 0 : i32
        %swap3A_341 = arith.constant 0 : i32
        %swap3A_342 = tpu.memref_slice %arg11[%scan3A_17, %swap3A_340, %swap3A_341] : memref<2x128x64xf32, #tpu.memory_space<vmem>> -> memref<1x128x64xf32, #tpu.memory_space<vmem>>
        %swap3A_343 = tpu.memref_squeeze %swap3A_342 : memref<1x128x64xf32, #tpu.memory_space<vmem>> -> memref<128x64xf32, #tpu.memory_space<vmem>>
        %swap3A_344 = arith.index_cast %add3A_282 : i32 to index
        %swap3A_345 = arith.constant 16 : index
        %swap3A_346 = tpu.vector_load %swap3A_343[%swap3A_344, %swap3A_345] {strides = array<i32>} : memref<128x64xf32, #tpu.memory_space<vmem>>, vector<1x16xf32>,
        %swap3A_347 = vector.shape_cast %swap3A_346 : vector<1x16xf32> to vector<16xf32>
        %swap3A_348 = vector.shape_cast %add3A_339 : vector<16xf32> to vector<1x16xf32>
        tpu.vector_store %swap3A_343[%swap3A_344, %swap3A_345], %swap3A_348 {strides = array<i32>} : memref<128x64xf32, #tpu.memory_space<vmem>>, vector<1x16xf32>,
        %add3A_349 = arith.constant 32 : i32
        %add3A_350 = arith.addi %squeeze3A_292, %add3A_349 : i32
        %get3A_351 = arith.constant 0 : i32
        %get3A_352 = arith.constant 0 : i32
        %get3A_353 = tpu.memref_slice %arg10[%scan3A_14, %get3A_351, %get3A_352] : memref<2x128x128xf32, #tpu.memory_space<vmem>> -> memref<1x128x128xf32, #tpu.memory_space<vmem>>
        %get3A_354 = tpu.memref_squeeze %get3A_353 : memref<1x128x128xf32, #tpu.memory_space<vmem>> -> memref<128x128xf32, #tpu.memory_space<vmem>>
        %get3A_355 = arith.index_cast %add3A_282 : i32 to index
        %get3A_356 = arith.index_cast %add3A_350 : i32 to index
        %get3A_357 = tpu.vector_load %get3A_354[%get3A_355, %get3A_356] {strides = array<i32>} : memref<128x128xf32, #tpu.memory_space<vmem>>, vector<1x16xf32>,
        %get3A_358 = vector.shape_cast %get3A_357 : vector<1x16xf32> to vector<16xf32>
        %mul3A_359 = arith.constant 8.000000e+00 : f32
        %mul3A_360 = vector.broadcast %mul3A_359 : f32 to vector<16xf32>
        %mul3A_361 = arith.mulf %get3A_358, %mul3A_360 : vector<16xf32>
        %add3A_362 = arith.constant 32 : i32
        %add3A_363 = arith.addi %mul3A_290, %add3A_362 : i32
        %get3A_364 = arith.index_cast %add3A_363 : i32 to index
        %get3A_365 = tpu.vector_load %arg9[%get3A_364] {strides = array<i32>} : memref<12800xf32, #tpu.memory_space<vmem>>, vector<16xf32>,
        %get3A_366 = vector.shape_cast %get3A_365 : vector<16xf32> to vector<16xf32>
        %add3A_367 = arith.addf %mul3A_361, %get3A_366 : vector<16xf32>
        %swap3A_368 = arith.constant 0 : i32
        %swap3A_369 = arith.constant 0 : i32
        %swap3A_370 = tpu.memref_slice %arg11[%scan3A_17, %swap3A_368, %swap3A_369] : memref<2x128x64xf32, #tpu.memory_space<vmem>> -> memref<1x128x64xf32, #tpu.memory_space<vmem>>
        %swap3A_371 = tpu.memref_squeeze %swap3A_370 : memref<1x128x64xf32, #tpu.memory_space<vmem>> -> memref<128x64xf32, #tpu.memory_space<vmem>>
        %swap3A_372 = arith.index_cast %add3A_282 : i32 to index
        %swap3A_373 = arith.constant 32 : index
        %swap3A_374 = tpu.vector_load %swap3A_371[%swap3A_372, %swap3A_373] {strides = array<i32>} : memref<128x64xf32, #tpu.memory_space<vmem>>, vector<1x16xf32>,
        %swap3A_375 = vector.shape_cast %swap3A_374 : vector<1x16xf32> to vector<16xf32>
        %swap3A_376 = vector.shape_cast %add3A_367 : vector<16xf32> to vector<1x16xf32>
        tpu.vector_store %swap3A_371[%swap3A_372, %swap3A_373], %swap3A_376 {strides = array<i32>} : memref<128x64xf32, #tpu.memory_space<vmem>>, vector<1x16xf32>,
        %add3A_377 = arith.constant 48 : i32
        %add3A_378 = arith.addi %squeeze3A_292, %add3A_377 : i32
        %get3A_379 = arith.constant 0 : i32
        %get3A_380 = arith.constant 0 : i32
        %get3A_381 = tpu.memref_slice %arg10[%scan3A_14, %get3A_379, %get3A_380] : memref<2x128x128xf32, #tpu.memory_space<vmem>> -> memref<1x128x128xf32, #tpu.memory_space<vmem>>
        %get3A_382 = tpu.memref_squeeze %get3A_381 : memref<1x128x128xf32, #tpu.memory_space<vmem>> -> memref<128x128xf32, #tpu.memory_space<vmem>>
        %get3A_383 = arith.index_cast %add3A_282 : i32 to index
        %get3A_384 = arith.index_cast %add3A_378 : i32 to index
        %get3A_385 = tpu.vector_load %get3A_382[%get3A_383, %get3A_384] {strides = array<i32>} : memref<128x128xf32, #tpu.memory_space<vmem>>, vector<1x16xf32>,
        %get3A_386 = vector.shape_cast %get3A_385 : vector<1x16xf32> to vector<16xf32>
        %mul3A_387 = arith.constant 8.000000e+00 : f32
        %mul3A_388 = vector.broadcast %mul3A_387 : f32 to vector<16xf32>
        %mul3A_389 = arith.mulf %get3A_386, %mul3A_388 : vector<16xf32>
        %add3A_390 = arith.constant 48 : i32
        %add3A_391 = arith.addi %mul3A_290, %add3A_390 : i32
        %get3A_392 = arith.index_cast %add3A_391 : i32 to index
        %get3A_393 = tpu.vector_load %arg9[%get3A_392] {strides = array<i32>} : memref<12800xf32, #tpu.memory_space<vmem>>, vector<16xf32>,
        %get3A_394 = vector.shape_cast %get3A_393 : vector<16xf32> to vector<16xf32>
        %add3A_395 = arith.addf %mul3A_389, %get3A_394 : vector<16xf32>
        %swap3A_396 = arith.constant 0 : i32
        %swap3A_397 = arith.constant 0 : i32
        %swap3A_398 = tpu.memref_slice %arg11[%scan3A_17, %swap3A_396, %swap3A_397] : memref<2x128x64xf32, #tpu.memory_space<vmem>> -> memref<1x128x64xf32, #tpu.memory_space<vmem>>
        %swap3A_399 = tpu.memref_squeeze %swap3A_398 : memref<1x128x64xf32, #tpu.memory_space<vmem>> -> memref<128x64xf32, #tpu.memory_space<vmem>>
        %swap3A_400 = arith.index_cast %add3A_282 : i32 to index
        %swap3A_401 = arith.constant 48 : index
        %swap3A_402 = tpu.vector_load %swap3A_399[%swap3A_400, %swap3A_401] {strides = array<i32>} : memref<128x64xf32, #tpu.memory_space<vmem>>, vector<1x16xf32>,
        %swap3A_403 = vector.shape_cast %swap3A_402 : vector<1x16xf32> to vector<16xf32>
        %swap3A_404 = vector.shape_cast %add3A_395 : vector<16xf32> to vector<1x16xf32>
        tpu.vector_store %swap3A_399[%swap3A_400, %swap3A_401], %swap3A_404 {strides = array<i32>} : memref<128x64xf32, #tpu.memory_space<vmem>>, vector<1x16xf32>,
        %add3A_405 = arith.constant 2 : i32
        %add3A_406 = arith.addi %mul3A_158, %add3A_405 : i32
        %add3A_407 = arith.addi %rem3A_134, %add3A_406 : i32
        %ge3A_408 = arith.constant 200 : i32
        %ge3A_409 = arith.cmpi sge, %add3A_407, %ge3A_408 : i32
        %sub3A_410 = arith.constant 200 : i32
        %sub3A_411 = arith.subi %add3A_407, %sub3A_410 : i32
        %select_n3A_412 = arith.select %ge3A_409, %sub3A_411, %add3A_407 : i32
        %mul3A_413 = arith.constant 64 : i32
        %mul3A_414 = arith.muli %select_n3A_412, %mul3A_413 : i32
        %slice3A_415 = vector.extract_strided_slice %get3A_161 {offsets = [2], sizes = [1], strides = [1]} : vector<16xi32> to vector<1xi32>
        %squeeze3A_416 = vector.extract %slice3A_415[0] : i32 from vector<1xi32>
        %add3A_417 = arith.constant 0 : i32
        %add3A_418 = arith.addi %squeeze3A_416, %add3A_417 : i32
        %get3A_419 = arith.constant 0 : i32
        %get3A_420 = arith.constant 0 : i32
        %get3A_421 = tpu.memref_slice %arg10[%scan3A_14, %get3A_419, %get3A_420] : memref<2x128x128xf32, #tpu.memory_space<vmem>> -> memref<1x128x128xf32, #tpu.memory_space<vmem>>
        %get3A_422 = tpu.memref_squeeze %get3A_421 : memref<1x128x128xf32, #tpu.memory_space<vmem>> -> memref<128x128xf32, #tpu.memory_space<vmem>>
        %get3A_423 = arith.index_cast %add3A_406 : i32 to index
        %get3A_424 = arith.index_cast %add3A_418 : i32 to index
        %get3A_425 = tpu.vector_load %get3A_422[%get3A_423, %get3A_424] {strides = array<i32>} : memref<128x128xf32, #tpu.memory_space<vmem>>, vector<1x16xf32>,
        %get3A_426 = vector.shape_cast %get3A_425 : vector<1x16xf32> to vector<16xf32>
        %mul3A_427 = arith.constant 8.000000e+00 : f32
        %mul3A_428 = vector.broadcast %mul3A_427 : f32 to vector<16xf32>
        %mul3A_429 = arith.mulf %get3A_426, %mul3A_428 : vector<16xf32>
        %add3A_430 = arith.constant 0 : i32
        %add3A_431 = arith.addi %mul3A_414, %add3A_430 : i32
        %get3A_432 = arith.index_cast %add3A_431 : i32 to index
        %get3A_433 = tpu.vector_load %arg9[%get3A_432] {strides = array<i32>} : memref<12800xf32, #tpu.memory_space<vmem>>, vector<16xf32>,
        %get3A_434 = vector.shape_cast %get3A_433 : vector<16xf32> to vector<16xf32>
        %add3A_435 = arith.addf %mul3A_429, %get3A_434 : vector<16xf32>
        %swap3A_436 = arith.constant 0 : i32
        %swap3A_437 = arith.constant 0 : i32
        %swap3A_438 = tpu.memref_slice %arg11[%scan3A_17, %swap3A_436, %swap3A_437] : memref<2x128x64xf32, #tpu.memory_space<vmem>> -> memref<1x128x64xf32, #tpu.memory_space<vmem>>
        %swap3A_439 = tpu.memref_squeeze %swap3A_438 : memref<1x128x64xf32, #tpu.memory_space<vmem>> -> memref<128x64xf32, #tpu.memory_space<vmem>>
        %swap3A_440 = arith.index_cast %add3A_406 : i32 to index
        %swap3A_441 = arith.constant 0 : index
        %swap3A_442 = tpu.vector_load %swap3A_439[%swap3A_440, %swap3A_441] {strides = array<i32>} : memref<128x64xf32, #tpu.memory_space<vmem>>, vector<1x16xf32>,
        %swap3A_443 = vector.shape_cast %swap3A_442 : vector<1x16xf32> to vector<16xf32>
        %swap3A_444 = vector.shape_cast %add3A_435 : vector<16xf32> to vector<1x16xf32>
        tpu.vector_store %swap3A_439[%swap3A_440, %swap3A_441], %swap3A_444 {strides = array<i32>} : memref<128x64xf32, #tpu.memory_space<vmem>>, vector<1x16xf32>,
        %add3A_445 = arith.constant 16 : i32
        %add3A_446 = arith.addi %squeeze3A_416, %add3A_445 : i32
        %get3A_447 = arith.constant 0 : i32
        %get3A_448 = arith.constant 0 : i32
        %get3A_449 = tpu.memref_slice %arg10[%scan3A_14, %get3A_447, %get3A_448] : memref<2x128x128xf32, #tpu.memory_space<vmem>> -> memref<1x128x128xf32, #tpu.memory_space<vmem>>
        %get3A_450 = tpu.memref_squeeze %get3A_449 : memref<1x128x128xf32, #tpu.memory_space<vmem>> -> memref<128x128xf32, #tpu.memory_space<vmem>>
        %get3A_451 = arith.index_cast %add3A_406 : i32 to index
        %get3A_452 = arith.index_cast %add3A_446 : i32 to index
        %get3A_453 = tpu.vector_load %get3A_450[%get3A_451, %get3A_452] {strides = array<i32>} : memref<128x128xf32, #tpu.memory_space<vmem>>, vector<1x16xf32>,
        %get3A_454 = vector.shape_cast %get3A_453 : vector<1x16xf32> to vector<16xf32>
        %mul3A_455 = arith.constant 8.000000e+00 : f32
        %mul3A_456 = vector.broadcast %mul3A_455 : f32 to vector<16xf32>
        %mul3A_457 = arith.mulf %get3A_454, %mul3A_456 : vector<16xf32>
        %add3A_458 = arith.constant 16 : i32
        %add3A_459 = arith.addi %mul3A_414, %add3A_458 : i32
        %get3A_460 = arith.index_cast %add3A_459 : i32 to index
        %get3A_461 = tpu.vector_load %arg9[%get3A_460] {strides = array<i32>} : memref<12800xf32, #tpu.memory_space<vmem>>, vector<16xf32>,
        %get3A_462 = vector.shape_cast %get3A_461 : vector<16xf32> to vector<16xf32>
        %add3A_463 = arith.addf %mul3A_457, %get3A_462 : vector<16xf32>
        %swap3A_464 = arith.constant 0 : i32
        %swap3A_465 = arith.constant 0 : i32
        %swap3A_466 = tpu.memref_slice %arg11[%scan3A_17, %swap3A_464, %swap3A_465] : memref<2x128x64xf32, #tpu.memory_space<vmem>> -> memref<1x128x64xf32, #tpu.memory_space<vmem>>
        %swap3A_467 = tpu.memref_squeeze %swap3A_466 : memref<1x128x64xf32, #tpu.memory_space<vmem>> -> memref<128x64xf32, #tpu.memory_space<vmem>>
        %swap3A_468 = arith.index_cast %add3A_406 : i32 to index
        %swap3A_469 = arith.constant 16 : index
        %swap3A_470 = tpu.vector_load %swap3A_467[%swap3A_468, %swap3A_469] {strides = array<i32>} : memref<128x64xf32, #tpu.memory_space<vmem>>, vector<1x16xf32>,
        %swap3A_471 = vector.shape_cast %swap3A_470 : vector<1x16xf32> to vector<16xf32>
        %swap3A_472 = vector.shape_cast %add3A_463 : vector<16xf32> to vector<1x16xf32>
        tpu.vector_store %swap3A_467[%swap3A_468, %swap3A_469], %swap3A_472 {strides = array<i32>} : memref<128x64xf32, #tpu.memory_space<vmem>>, vector<1x16xf32>,
        %add3A_473 = arith.constant 32 : i32
        %add3A_474 = arith.addi %squeeze3A_416, %add3A_473 : i32
        %get3A_475 = arith.constant 0 : i32
        %get3A_476 = arith.constant 0 : i32
        %get3A_477 = tpu.memref_slice %arg10[%scan3A_14, %get3A_475, %get3A_476] : memref<2x128x128xf32, #tpu.memory_space<vmem>> -> memref<1x128x128xf32, #tpu.memory_space<vmem>>
        %get3A_478 = tpu.memref_squeeze %get3A_477 : memref<1x128x128xf32, #tpu.memory_space<vmem>> -> memref<128x128xf32, #tpu.memory_space<vmem>>
        %get3A_479 = arith.index_cast %add3A_406 : i32 to index
        %get3A_480 = arith.index_cast %add3A_474 : i32 to index
        %get3A_481 = tpu.vector_load %get3A_478[%get3A_479, %get3A_480] {strides = array<i32>} : memref<128x128xf32, #tpu.memory_space<vmem>>, vector<1x16xf32>,
        %get3A_482 = vector.shape_cast %get3A_481 : vector<1x16xf32> to vector<16xf32>
        %mul3A_483 = arith.constant 8.000000e+00 : f32
        %mul3A_484 = vector.broadcast %mul3A_483 : f32 to vector<16xf32>
        %mul3A_485 = arith.mulf %get3A_482, %mul3A_484 : vector<16xf32>
        %add3A_486 = arith.constant 32 : i32
        %add3A_487 = arith.addi %mul3A_414, %add3A_486 : i32
        %get3A_488 = arith.index_cast %add3A_487 : i32 to index
        %get3A_489 = tpu.vector_load %arg9[%get3A_488] {strides = array<i32>} : memref<12800xf32, #tpu.memory_space<vmem>>, vector<16xf32>,
        %get3A_490 = vector.shape_cast %get3A_489 : vector<16xf32> to vector<16xf32>
        %add3A_491 = arith.addf %mul3A_485, %get3A_490 : vector<16xf32>
        %swap3A_492 = arith.constant 0 : i32
        %swap3A_493 = arith.constant 0 : i32
        %swap3A_494 = tpu.memref_slice %arg11[%scan3A_17, %swap3A_492, %swap3A_493] : memref<2x128x64xf32, #tpu.memory_space<vmem>> -> memref<1x128x64xf32, #tpu.memory_space<vmem>>
        %swap3A_495 = tpu.memref_squeeze %swap3A_494 : memref<1x128x64xf32, #tpu.memory_space<vmem>> -> memref<128x64xf32, #tpu.memory_space<vmem>>
        %swap3A_496 = arith.index_cast %add3A_406 : i32 to index
        %swap3A_497 = arith.constant 32 : index
        %swap3A_498 = tpu.vector_load %swap3A_495[%swap3A_496, %swap3A_497] {strides = array<i32>} : memref<128x64xf32, #tpu.memory_space<vmem>>, vector<1x16xf32>,
        %swap3A_499 = vector.shape_cast %swap3A_498 : vector<1x16xf32> to vector<16xf32>
        %swap3A_500 = vector.shape_cast %add3A_491 : vector<16xf32> to vector<1x16xf32>
        tpu.vector_store %swap3A_495[%swap3A_496, %swap3A_497], %swap3A_500 {strides = array<i32>} : memref<128x64xf32, #tpu.memory_space<vmem>>, vector<1x16xf32>,
        %add3A_501 = arith.constant 48 : i32
        %add3A_502 = arith.addi %squeeze3A_416, %add3A_501 : i32
        %get3A_503 = arith.constant 0 : i32
        %get3A_504 = arith.constant 0 : i32
        %get3A_505 = tpu.memref_slice %arg10[%scan3A_14, %get3A_503, %get3A_504] : memref<2x128x128xf32, #tpu.memory_space<vmem>> -> memref<1x128x128xf32, #tpu.memory_space<vmem>>
        %get3A_506 = tpu.memref_squeeze %get3A_505 : memref<1x128x128xf32, #tpu.memory_space<vmem>> -> memref<128x128xf32, #tpu.memory_space<vmem>>
        %get3A_507 = arith.index_cast %add3A_406 : i32 to index
        %get3A_508 = arith.index_cast %add3A_502 : i32 to index
        %get3A_509 = tpu.vector_load %get3A_506[%get3A_507, %get3A_508] {strides = array<i32>} : memref<128x128xf32, #tpu.memory_space<vmem>>, vector<1x16xf32>,
        %get3A_510 = vector.shape_cast %get3A_509 : vector<1x16xf32> to vector<16xf32>
        %mul3A_511 = arith.constant 8.000000e+00 : f32
        %mul3A_512 = vector.broadcast %mul3A_511 : f32 to vector<16xf32>
        %mul3A_513 = arith.mulf %get3A_510, %mul3A_512 : vector<16xf32>
        %add3A_514 = arith.constant 48 : i32
        %add3A_515 = arith.addi %mul3A_414, %add3A_514 : i32
        %get3A_516 = arith.index_cast %add3A_515 : i32 to index
        %get3A_517 = tpu.vector_load %arg9[%get3A_516] {strides = array<i32>} : memref<12800xf32, #tpu.memory_space<vmem>>, vector<16xf32>,
        %get3A_518 = vector.shape_cast %get3A_517 : vector<16xf32> to vector<16xf32>
        %add3A_519 = arith.addf %mul3A_513, %get3A_518 : vector<16xf32>
        %swap3A_520 = arith.constant 0 : i32
        %swap3A_521 = arith.constant 0 : i32
        %swap3A_522 = tpu.memref_slice %arg11[%scan3A_17, %swap3A_520, %swap3A_521] : memref<2x128x64xf32, #tpu.memory_space<vmem>> -> memref<1x128x64xf32, #tpu.memory_space<vmem>>
        %swap3A_523 = tpu.memref_squeeze %swap3A_522 : memref<1x128x64xf32, #tpu.memory_space<vmem>> -> memref<128x64xf32, #tpu.memory_space<vmem>>
        %swap3A_524 = arith.index_cast %add3A_406 : i32 to index
        %swap3A_525 = arith.constant 48 : index
        %swap3A_526 = tpu.vector_load %swap3A_523[%swap3A_524, %swap3A_525] {strides = array<i32>} : memref<128x64xf32, #tpu.memory_space<vmem>>, vector<1x16xf32>,
        %swap3A_527 = vector.shape_cast %swap3A_526 : vector<1x16xf32> to vector<16xf32>
        %swap3A_528 = vector.shape_cast %add3A_519 : vector<16xf32> to vector<1x16xf32>
        tpu.vector_store %swap3A_523[%swap3A_524, %swap3A_525], %swap3A_528 {strides = array<i32>} : memref<128x64xf32, #tpu.memory_space<vmem>>, vector<1x16xf32>,
        %add3A_529 = arith.constant 3 : i32
        %add3A_530 = arith.addi %mul3A_158, %add3A_529 : i32
        %add3A_531 = arith.addi %rem3A_134, %add3A_530 : i32
        %ge3A_532 = arith.constant 200 : i32
        %ge3A_533 = arith.cmpi sge, %add3A_531, %ge3A_532 : i32
        %sub3A_534 = arith.constant 200 : i32
        %sub3A_535 = arith.subi %add3A_531, %sub3A_534 : i32
        %select_n3A_536 = arith.select %ge3A_533, %sub3A_535, %add3A_531 : i32
        %mul3A_537 = arith.constant 64 : i32
        %mul3A_538 = arith.muli %select_n3A_536, %mul3A_537 : i32
        %slice3A_539 = vector.extract_strided_slice %get3A_161 {offsets = [3], sizes = [1], strides = [1]} : vector<16xi32> to vector<1xi32>
        %squeeze3A_540 = vector.extract %slice3A_539[0] : i32 from vector<1xi32>
        %add3A_541 = arith.constant 0 : i32
        %add3A_542 = arith.addi %squeeze3A_540, %add3A_541 : i32
        %get3A_543 = arith.constant 0 : i32
        %get3A_544 = arith.constant 0 : i32
        %get3A_545 = tpu.memref_slice %arg10[%scan3A_14, %get3A_543, %get3A_544] : memref<2x128x128xf32, #tpu.memory_space<vmem>> -> memref<1x128x128xf32, #tpu.memory_space<vmem>>
        %get3A_546 = tpu.memref_squeeze %get3A_545 : memref<1x128x128xf32, #tpu.memory_space<vmem>> -> memref<128x128xf32, #tpu.memory_space<vmem>>
        %get3A_547 = arith.index_cast %add3A_530 : i32 to index
        %get3A_548 = arith.index_cast %add3A_542 : i32 to index
        %get3A_549 = tpu.vector_load %get3A_546[%get3A_547, %get3A_548] {strides = array<i32>} : memref<128x128xf32, #tpu.memory_space<vmem>>, vector<1x16xf32>,
        %get3A_550 = vector.shape_cast %get3A_549 : vector<1x16xf32> to vector<16xf32>
        %mul3A_551 = arith.constant 8.000000e+00 : f32
        %mul3A_552 = vector.broadcast %mul3A_551 : f32 to vector<16xf32>
        %mul3A_553 = arith.mulf %get3A_550, %mul3A_552 : vector<16xf32>
        %add3A_554 = arith.constant 0 : i32
        %add3A_555 = arith.addi %mul3A_538, %add3A_554 : i32
        %get3A_556 = arith.index_cast %add3A_555 : i32 to index
        %get3A_557 = tpu.vector_load %arg9[%get3A_556] {strides = array<i32>} : memref<12800xf32, #tpu.memory_space<vmem>>, vector<16xf32>,
        %get3A_558 = vector.shape_cast %get3A_557 : vector<16xf32> to vector<16xf32>
        %add3A_559 = arith.addf %mul3A_553, %get3A_558 : vector<16xf32>
        %swap3A_560 = arith.constant 0 : i32
        %swap3A_561 = arith.constant 0 : i32
        %swap3A_562 = tpu.memref_slice %arg11[%scan3A_17, %swap3A_560, %swap3A_561] : memref<2x128x64xf32, #tpu.memory_space<vmem>> -> memref<1x128x64xf32, #tpu.memory_space<vmem>>
        %swap3A_563 = tpu.memref_squeeze %swap3A_562 : memref<1x128x64xf32, #tpu.memory_space<vmem>> -> memref<128x64xf32, #tpu.memory_space<vmem>>
        %swap3A_564 = arith.index_cast %add3A_530 : i32 to index
        %swap3A_565 = arith.constant 0 : index
        %swap3A_566 = tpu.vector_load %swap3A_563[%swap3A_564, %swap3A_565] {strides = array<i32>} : memref<128x64xf32, #tpu.memory_space<vmem>>, vector<1x16xf32>,
        %swap3A_567 = vector.shape_cast %swap3A_566 : vector<1x16xf32> to vector<16xf32>
        %swap3A_568 = vector.shape_cast %add3A_559 : vector<16xf32> to vector<1x16xf32>
        tpu.vector_store %swap3A_563[%swap3A_564, %swap3A_565], %swap3A_568 {strides = array<i32>} : memref<128x64xf32, #tpu.memory_space<vmem>>, vector<1x16xf32>,
        %add3A_569 = arith.constant 16 : i32
        %add3A_570 = arith.addi %squeeze3A_540, %add3A_569 : i32
        %get3A_571 = arith.constant 0 : i32
        %get3A_572 = arith.constant 0 : i32
        %get3A_573 = tpu.memref_slice %arg10[%scan3A_14, %get3A_571, %get3A_572] : memref<2x128x128xf32, #tpu.memory_space<vmem>> -> memref<1x128x128xf32, #tpu.memory_space<vmem>>
        %get3A_574 = tpu.memref_squeeze %get3A_573 : memref<1x128x128xf32, #tpu.memory_space<vmem>> -> memref<128x128xf32, #tpu.memory_space<vmem>>
        %get3A_575 = arith.index_cast %add3A_530 : i32 to index
        %get3A_576 = arith.index_cast %add3A_570 : i32 to index
        %get3A_577 = tpu.vector_load %get3A_574[%get3A_575, %get3A_576] {strides = array<i32>} : memref<128x128xf32, #tpu.memory_space<vmem>>, vector<1x16xf32>,
        %get3A_578 = vector.shape_cast %get3A_577 : vector<1x16xf32> to vector<16xf32>
        %mul3A_579 = arith.constant 8.000000e+00 : f32
        %mul3A_580 = vector.broadcast %mul3A_579 : f32 to vector<16xf32>
        %mul3A_581 = arith.mulf %get3A_578, %mul3A_580 : vector<16xf32>
        %add3A_582 = arith.constant 16 : i32
        %add3A_583 = arith.addi %mul3A_538, %add3A_582 : i32
        %get3A_584 = arith.index_cast %add3A_583 : i32 to index
        %get3A_585 = tpu.vector_load %arg9[%get3A_584] {strides = array<i32>} : memref<12800xf32, #tpu.memory_space<vmem>>, vector<16xf32>,
        %get3A_586 = vector.shape_cast %get3A_585 : vector<16xf32> to vector<16xf32>
        %add3A_587 = arith.addf %mul3A_581, %get3A_586 : vector<16xf32>
        %swap3A_588 = arith.constant 0 : i32
        %swap3A_589 = arith.constant 0 : i32
        %swap3A_590 = tpu.memref_slice %arg11[%scan3A_17, %swap3A_588, %swap3A_589] : memref<2x128x64xf32, #tpu.memory_space<vmem>> -> memref<1x128x64xf32, #tpu.memory_space<vmem>>
        %swap3A_591 = tpu.memref_squeeze %swap3A_590 : memref<1x128x64xf32, #tpu.memory_space<vmem>> -> memref<128x64xf32, #tpu.memory_space<vmem>>
        %swap3A_592 = arith.index_cast %add3A_530 : i32 to index
        %swap3A_593 = arith.constant 16 : index
        %swap3A_594 = tpu.vector_load %swap3A_591[%swap3A_592, %swap3A_593] {strides = array<i32>} : memref<128x64xf32, #tpu.memory_space<vmem>>, vector<1x16xf32>,
        %swap3A_595 = vector.shape_cast %swap3A_594 : vector<1x16xf32> to vector<16xf32>
        %swap3A_596 = vector.shape_cast %add3A_587 : vector<16xf32> to vector<1x16xf32>
        tpu.vector_store %swap3A_591[%swap3A_592, %swap3A_593], %swap3A_596 {strides = array<i32>} : memref<128x64xf32, #tpu.memory_space<vmem>>, vector<1x16xf32>,
        %add3A_597 = arith.constant 32 : i32
        %add3A_598 = arith.addi %squeeze3A_540, %add3A_597 : i32
        %get3A_599 = arith.constant 0 : i32
        %get3A_600 = arith.constant 0 : i32
        %get3A_601 = tpu.memref_slice %arg10[%scan3A_14, %get3A_599, %get3A_600] : memref<2x128x128xf32, #tpu.memory_space<vmem>> -> memref<1x128x128xf32, #tpu.memory_space<vmem>>
        %get3A_602 = tpu.memref_squeeze %get3A_601 : memref<1x128x128xf32, #tpu.memory_space<vmem>> -> memref<128x128xf32, #tpu.memory_space<vmem>>
        %get3A_603 = arith.index_cast %add3A_530 : i32 to index
        %get3A_604 = arith.index_cast %add3A_598 : i32 to index
        %get3A_605 = tpu.vector_load %get3A_602[%get3A_603, %get3A_604] {strides = array<i32>} : memref<128x128xf32, #tpu.memory_space<vmem>>, vector<1x16xf32>,
        %get3A_606 = vector.shape_cast %get3A_605 : vector<1x16xf32> to vector<16xf32>
        %mul3A_607 = arith.constant 8.000000e+00 : f32
        %mul3A_608 = vector.broadcast %mul3A_607 : f32 to vector<16xf32>
        %mul3A_609 = arith.mulf %get3A_606, %mul3A_608 : vector<16xf32>
        %add3A_610 = arith.constant 32 : i32
        %add3A_611 = arith.addi %mul3A_538, %add3A_610 : i32
        %get3A_612 = arith.index_cast %add3A_611 : i32 to index
        %get3A_613 = tpu.vector_load %arg9[%get3A_612] {strides = array<i32>} : memref<12800xf32, #tpu.memory_space<vmem>>, vector<16xf32>,
        %get3A_614 = vector.shape_cast %get3A_613 : vector<16xf32> to vector<16xf32>
        %add3A_615 = arith.addf %mul3A_609, %get3A_614 : vector<16xf32>
        %swap3A_616 = arith.constant 0 : i32
        %swap3A_617 = arith.constant 0 : i32
        %swap3A_618 = tpu.memref_slice %arg11[%scan3A_17, %swap3A_616, %swap3A_617] : memref<2x128x64xf32, #tpu.memory_space<vmem>> -> memref<1x128x64xf32, #tpu.memory_space<vmem>>
        %swap3A_619 = tpu.memref_squeeze %swap3A_618 : memref<1x128x64xf32, #tpu.memory_space<vmem>> -> memref<128x64xf32, #tpu.memory_space<vmem>>
        %swap3A_620 = arith.index_cast %add3A_530 : i32 to index
        %swap3A_621 = arith.constant 32 : index
        %swap3A_622 = tpu.vector_load %swap3A_619[%swap3A_620, %swap3A_621] {strides = array<i32>} : memref<128x64xf32, #tpu.memory_space<vmem>>, vector<1x16xf32>,
        %swap3A_623 = vector.shape_cast %swap3A_622 : vector<1x16xf32> to vector<16xf32>
        %swap3A_624 = vector.shape_cast %add3A_615 : vector<16xf32> to vector<1x16xf32>
        tpu.vector_store %swap3A_619[%swap3A_620, %swap3A_621], %swap3A_624 {strides = array<i32>} : memref<128x64xf32, #tpu.memory_space<vmem>>, vector<1x16xf32>,
        %add3A_625 = arith.constant 48 : i32
        %add3A_626 = arith.addi %squeeze3A_540, %add3A_625 : i32
        %get3A_627 = arith.constant 0 : i32
        %get3A_628 = arith.constant 0 : i32
        %get3A_629 = tpu.memref_slice %arg10[%scan3A_14, %get3A_627, %get3A_628] : memref<2x128x128xf32, #tpu.memory_space<vmem>> -> memref<1x128x128xf32, #tpu.memory_space<vmem>>
        %get3A_630 = tpu.memref_squeeze %get3A_629 : memref<1x128x128xf32, #tpu.memory_space<vmem>> -> memref<128x128xf32, #tpu.memory_space<vmem>>
        %get3A_631 = arith.index_cast %add3A_530 : i32 to index
        %get3A_632 = arith.index_cast %add3A_626 : i32 to index
        %get3A_633 = tpu.vector_load %get3A_630[%get3A_631, %get3A_632] {strides = array<i32>} : memref<128x128xf32, #tpu.memory_space<vmem>>, vector<1x16xf32>,
        %get3A_634 = vector.shape_cast %get3A_633 : vector<1x16xf32> to vector<16xf32>
        %mul3A_635 = arith.constant 8.000000e+00 : f32
        %mul3A_636 = vector.broadcast %mul3A_635 : f32 to vector<16xf32>
        %mul3A_637 = arith.mulf %get3A_634, %mul3A_636 : vector<16xf32>
        %add3A_638 = arith.constant 48 : i32
        %add3A_639 = arith.addi %mul3A_538, %add3A_638 : i32
        %get3A_640 = arith.index_cast %add3A_639 : i32 to index
        %get3A_641 = tpu.vector_load %arg9[%get3A_640] {strides = array<i32>} : memref<12800xf32, #tpu.memory_space<vmem>>, vector<16xf32>,
        %get3A_642 = vector.shape_cast %get3A_641 : vector<16xf32> to vector<16xf32>
        %add3A_643 = arith.addf %mul3A_637, %get3A_642 : vector<16xf32>
        %swap3A_644 = arith.constant 0 : i32
        %swap3A_645 = arith.constant 0 : i32
        %swap3A_646 = tpu.memref_slice %arg11[%scan3A_17, %swap3A_644, %swap3A_645] : memref<2x128x64xf32, #tpu.memory_space<vmem>> -> memref<1x128x64xf32, #tpu.memory_space<vmem>>
        %swap3A_647 = tpu.memref_squeeze %swap3A_646 : memref<1x128x64xf32, #tpu.memory_space<vmem>> -> memref<128x64xf32, #tpu.memory_space<vmem>>
        %swap3A_648 = arith.index_cast %add3A_530 : i32 to index
        %swap3A_649 = arith.constant 48 : index
        %swap3A_650 = tpu.vector_load %swap3A_647[%swap3A_648, %swap3A_649] {strides = array<i32>} : memref<128x64xf32, #tpu.memory_space<vmem>>, vector<1x16xf32>,
        %swap3A_651 = vector.shape_cast %swap3A_650 : vector<1x16xf32> to vector<16xf32>
        %swap3A_652 = vector.shape_cast %add3A_643 : vector<16xf32> to vector<1x16xf32>
        tpu.vector_store %swap3A_647[%swap3A_648, %swap3A_649], %swap3A_652 {strides = array<i32>} : memref<128x64xf32, #tpu.memory_space<vmem>>, vector<1x16xf32>,
        %add3A_653 = arith.constant 4 : i32
        %add3A_654 = arith.addi %mul3A_158, %add3A_653 : i32
        %add3A_655 = arith.addi %rem3A_134, %add3A_654 : i32
        %ge3A_656 = arith.constant 200 : i32
        %ge3A_657 = arith.cmpi sge, %add3A_655, %ge3A_656 : i32
        %sub3A_658 = arith.constant 200 : i32
        %sub3A_659 = arith.subi %add3A_655, %sub3A_658 : i32
        %select_n3A_660 = arith.select %ge3A_657, %sub3A_659, %add3A_655 : i32
        %mul3A_661 = arith.constant 64 : i32
        %mul3A_662 = arith.muli %select_n3A_660, %mul3A_661 : i32
        %slice3A_663 = vector.extract_strided_slice %get3A_161 {offsets = [4], sizes = [1], strides = [1]} : vector<16xi32> to vector<1xi32>
        %squeeze3A_664 = vector.extract %slice3A_663[0] : i32 from vector<1xi32>
        %add3A_665 = arith.constant 0 : i32
        %add3A_666 = arith.addi %squeeze3A_664, %add3A_665 : i32
        %get3A_667 = arith.constant 0 : i32
        %get3A_668 = arith.constant 0 : i32
        %get3A_669 = tpu.memref_slice %arg10[%scan3A_14, %get3A_667, %get3A_668] : memref<2x128x128xf32, #tpu.memory_space<vmem>> -> memref<1x128x128xf32, #tpu.memory_space<vmem>>
        %get3A_670 = tpu.memref_squeeze %get3A_669 : memref<1x128x128xf32, #tpu.memory_space<vmem>> -> memref<128x128xf32, #tpu.memory_space<vmem>>
        %get3A_671 = arith.index_cast %add3A_654 : i32 to index
        %get3A_672 = arith.index_cast %add3A_666 : i32 to index
        %get3A_673 = tpu.vector_load %get3A_670[%get3A_671, %get3A_672] {strides = array<i32>} : memref<128x128xf32, #tpu.memory_space<vmem>>, vector<1x16xf32>,
        %get3A_674 = vector.shape_cast %get3A_673 : vector<1x16xf32> to vector<16xf32>
        %mul3A_675 = arith.constant 8.000000e+00 : f32
        %mul3A_676 = vector.broadcast %mul3A_675 : f32 to vector<16xf32>
        %mul3A_677 = arith.mulf %get3A_674, %mul3A_676 : vector<16xf32>
        %add3A_678 = arith.constant 0 : i32
        %add3A_679 = arith.addi %mul3A_662, %add3A_678 : i32
        %get3A_680 = arith.index_cast %add3A_679 : i32 to index
        %get3A_681 = tpu.vector_load %arg9[%get3A_680] {strides = array<i32>} : memref<12800xf32, #tpu.memory_space<vmem>>, vector<16xf32>,
        %get3A_682 = vector.shape_cast %get3A_681 : vector<16xf32> to vector<16xf32>
        %add3A_683 = arith.addf %mul3A_677, %get3A_682 : vector<16xf32>
        %swap3A_684 = arith.constant 0 : i32
        %swap3A_685 = arith.constant 0 : i32
        %swap3A_686 = tpu.memref_slice %arg11[%scan3A_17, %swap3A_684, %swap3A_685] : memref<2x128x64xf32, #tpu.memory_space<vmem>> -> memref<1x128x64xf32, #tpu.memory_space<vmem>>
        %swap3A_687 = tpu.memref_squeeze %swap3A_686 : memref<1x128x64xf32, #tpu.memory_space<vmem>> -> memref<128x64xf32, #tpu.memory_space<vmem>>
        %swap3A_688 = arith.index_cast %add3A_654 : i32 to index
        %swap3A_689 = arith.constant 0 : index
        %swap3A_690 = tpu.vector_load %swap3A_687[%swap3A_688, %swap3A_689] {strides = array<i32>} : memref<128x64xf32, #tpu.memory_space<vmem>>, vector<1x16xf32>,
        %swap3A_691 = vector.shape_cast %swap3A_690 : vector<1x16xf32> to vector<16xf32>
        %swap3A_692 = vector.shape_cast %add3A_683 : vector<16xf32> to vector<1x16xf32>
        tpu.vector_store %swap3A_687[%swap3A_688, %swap3A_689], %swap3A_692 {strides = array<i32>} : memref<128x64xf32, #tpu.memory_space<vmem>>, vector<1x16xf32>,
        %add3A_693 = arith.constant 16 : i32
        %add3A_694 = arith.addi %squeeze3A_664, %add3A_693 : i32
        %get3A_695 = arith.constant 0 : i32
        %get3A_696 = arith.constant 0 : i32
        %get3A_697 = tpu.memref_slice %arg10[%scan3A_14, %get3A_695, %get3A_696] : memref<2x128x128xf32, #tpu.memory_space<vmem>> -> memref<1x128x128xf32, #tpu.memory_space<vmem>>
        %get3A_698 = tpu.memref_squeeze %get3A_697 : memref<1x128x128xf32, #tpu.memory_space<vmem>> -> memref<128x128xf32, #tpu.memory_space<vmem>>
        %get3A_699 = arith.index_cast %add3A_654 : i32 to index
        %get3A_700 = arith.index_cast %add3A_694 : i32 to index
        %get3A_701 = tpu.vector_load %get3A_698[%get3A_699, %get3A_700] {strides = array<i32>} : memref<128x128xf32, #tpu.memory_space<vmem>>, vector<1x16xf32>,
        %get3A_702 = vector.shape_cast %get3A_701 : vector<1x16xf32> to vector<16xf32>
        %mul3A_703 = arith.constant 8.000000e+00 : f32
        %mul3A_704 = vector.broadcast %mul3A_703 : f32 to vector<16xf32>
        %mul3A_705 = arith.mulf %get3A_702, %mul3A_704 : vector<16xf32>
        %add3A_706 = arith.constant 16 : i32
        %add3A_707 = arith.addi %mul3A_662, %add3A_706 : i32
        %get3A_708 = arith.index_cast %add3A_707 : i32 to index
        %get3A_709 = tpu.vector_load %arg9[%get3A_708] {strides = array<i32>} : memref<12800xf32, #tpu.memory_space<vmem>>, vector<16xf32>,
        %get3A_710 = vector.shape_cast %get3A_709 : vector<16xf32> to vector<16xf32>
        %add3A_711 = arith.addf %mul3A_705, %get3A_710 : vector<16xf32>
        %swap3A_712 = arith.constant 0 : i32
        %swap3A_713 = arith.constant 0 : i32
        %swap3A_714 = tpu.memref_slice %arg11[%scan3A_17, %swap3A_712, %swap3A_713] : memref<2x128x64xf32, #tpu.memory_space<vmem>> -> memref<1x128x64xf32, #tpu.memory_space<vmem>>
        %swap3A_715 = tpu.memref_squeeze %swap3A_714 : memref<1x128x64xf32, #tpu.memory_space<vmem>> -> memref<128x64xf32, #tpu.memory_space<vmem>>
        %swap3A_716 = arith.index_cast %add3A_654 : i32 to index
        %swap3A_717 = arith.constant 16 : index
        %swap3A_718 = tpu.vector_load %swap3A_715[%swap3A_716, %swap3A_717] {strides = array<i32>} : memref<128x64xf32, #tpu.memory_space<vmem>>, vector<1x16xf32>,
        %swap3A_719 = vector.shape_cast %swap3A_718 : vector<1x16xf32> to vector<16xf32>
        %swap3A_720 = vector.shape_cast %add3A_711 : vector<16xf32> to vector<1x16xf32>
        tpu.vector_store %swap3A_715[%swap3A_716, %swap3A_717], %swap3A_720 {strides = array<i32>} : memref<128x64xf32, #tpu.memory_space<vmem>>, vector<1x16xf32>,
        %add3A_721 = arith.constant 32 : i32
        %add3A_722 = arith.addi %squeeze3A_664, %add3A_721 : i32
        %get3A_723 = arith.constant 0 : i32
        %get3A_724 = arith.constant 0 : i32
        %get3A_725 = tpu.memref_slice %arg10[%scan3A_14, %get3A_723, %get3A_724] : memref<2x128x128xf32, #tpu.memory_space<vmem>> -> memref<1x128x128xf32, #tpu.memory_space<vmem>>
        %get3A_726 = tpu.memref_squeeze %get3A_725 : memref<1x128x128xf32, #tpu.memory_space<vmem>> -> memref<128x128xf32, #tpu.memory_space<vmem>>
        %get3A_727 = arith.index_cast %add3A_654 : i32 to index
        %get3A_728 = arith.index_cast %add3A_722 : i32 to index
        %get3A_729 = tpu.vector_load %get3A_726[%get3A_727, %get3A_728] {strides = array<i32>} : memref<128x128xf32, #tpu.memory_space<vmem>>, vector<1x16xf32>,
        %get3A_730 = vector.shape_cast %get3A_729 : vector<1x16xf32> to vector<16xf32>
        %mul3A_731 = arith.constant 8.000000e+00 : f32
        %mul3A_732 = vector.broadcast %mul3A_731 : f32 to vector<16xf32>
        %mul3A_733 = arith.mulf %get3A_730, %mul3A_732 : vector<16xf32>
        %add3A_734 = arith.constant 32 : i32
        %add3A_735 = arith.addi %mul3A_662, %add3A_734 : i32
        %get3A_736 = arith.index_cast %add3A_735 : i32 to index
        %get3A_737 = tpu.vector_load %arg9[%get3A_736] {strides = array<i32>} : memref<12800xf32, #tpu.memory_space<vmem>>, vector<16xf32>,
        %get3A_738 = vector.shape_cast %get3A_737 : vector<16xf32> to vector<16xf32>
        %add3A_739 = arith.addf %mul3A_733, %get3A_738 : vector<16xf32>
        %swap3A_740 = arith.constant 0 : i32
        %swap3A_741 = arith.constant 0 : i32
        %swap3A_742 = tpu.memref_slice %arg11[%scan3A_17, %swap3A_740, %swap3A_741] : memref<2x128x64xf32, #tpu.memory_space<vmem>> -> memref<1x128x64xf32, #tpu.memory_space<vmem>>
        %swap3A_743 = tpu.memref_squeeze %swap3A_742 : memref<1x128x64xf32, #tpu.memory_space<vmem>> -> memref<128x64xf32, #tpu.memory_space<vmem>>
        %swap3A_744 = arith.index_cast %add3A_654 : i32 to index
        %swap3A_745 = arith.constant 32 : index
        %swap3A_746 = tpu.vector_load %swap3A_743[%swap3A_744, %swap3A_745] {strides = array<i32>} : memref<128x64xf32, #tpu.memory_space<vmem>>, vector<1x16xf32>,
        %swap3A_747 = vector.shape_cast %swap3A_746 : vector<1x16xf32> to vector<16xf32>
        %swap3A_748 = vector.shape_cast %add3A_739 : vector<16xf32> to vector<1x16xf32>
        tpu.vector_store %swap3A_743[%swap3A_744, %swap3A_745], %swap3A_748 {strides = array<i32>} : memref<128x64xf32, #tpu.memory_space<vmem>>, vector<1x16xf32>,
        %add3A_749 = arith.constant 48 : i32
        %add3A_750 = arith.addi %squeeze3A_664, %add3A_749 : i32
        %get3A_751 = arith.constant 0 : i32
        %get3A_752 = arith.constant 0 : i32
        %get3A_753 = tpu.memref_slice %arg10[%scan3A_14, %get3A_751, %get3A_752] : memref<2x128x128xf32, #tpu.memory_space<vmem>> -> memref<1x128x128xf32, #tpu.memory_space<vmem>>
        %get3A_754 = tpu.memref_squeeze %get3A_753 : memref<1x128x128xf32, #tpu.memory_space<vmem>> -> memref<128x128xf32, #tpu.memory_space<vmem>>
        %get3A_755 = arith.index_cast %add3A_654 : i32 to index
        %get3A_756 = arith.index_cast %add3A_750 : i32 to index
        %get3A_757 = tpu.vector_load %get3A_754[%get3A_755, %get3A_756] {strides = array<i32>} : memref<128x128xf32, #tpu.memory_space<vmem>>, vector<1x16xf32>,
        %get3A_758 = vector.shape_cast %get3A_757 : vector<1x16xf32> to vector<16xf32>
        %mul3A_759 = arith.constant 8.000000e+00 : f32
        %mul3A_760 = vector.broadcast %mul3A_759 : f32 to vector<16xf32>
        %mul3A_761 = arith.mulf %get3A_758, %mul3A_760 : vector<16xf32>
        %add3A_762 = arith.constant 48 : i32
        %add3A_763 = arith.addi %mul3A_662, %add3A_762 : i32
        %get3A_764 = arith.index_cast %add3A_763 : i32 to index
        %get3A_765 = tpu.vector_load %arg9[%get3A_764] {strides = array<i32>} : memref<12800xf32, #tpu.memory_space<vmem>>, vector<16xf32>,
        %get3A_766 = vector.shape_cast %get3A_765 : vector<16xf32> to vector<16xf32>
        %add3A_767 = arith.addf %mul3A_761, %get3A_766 : vector<16xf32>
        %swap3A_768 = arith.constant 0 : i32
        %swap3A_769 = arith.constant 0 : i32
        %swap3A_770 = tpu.memref_slice %arg11[%scan3A_17, %swap3A_768, %swap3A_769] : memref<2x128x64xf32, #tpu.memory_space<vmem>> -> memref<1x128x64xf32, #tpu.memory_space<vmem>>
        %swap3A_771 = tpu.memref_squeeze %swap3A_770 : memref<1x128x64xf32, #tpu.memory_space<vmem>> -> memref<128x64xf32, #tpu.memory_space<vmem>>
        %swap3A_772 = arith.index_cast %add3A_654 : i32 to index
        %swap3A_773 = arith.constant 48 : index
        %swap3A_774 = tpu.vector_load %swap3A_771[%swap3A_772, %swap3A_773] {strides = array<i32>} : memref<128x64xf32, #tpu.memory_space<vmem>>, vector<1x16xf32>,
        %swap3A_775 = vector.shape_cast %swap3A_774 : vector<1x16xf32> to vector<16xf32>
        %swap3A_776 = vector.shape_cast %add3A_767 : vector<16xf32> to vector<1x16xf32>
        tpu.vector_store %swap3A_771[%swap3A_772, %swap3A_773], %swap3A_776 {strides = array<i32>} : memref<128x64xf32, #tpu.memory_space<vmem>>, vector<1x16xf32>,
        %add3A_777 = arith.constant 5 : i32
        %add3A_778 = arith.addi %mul3A_158, %add3A_777 : i32
        %add3A_779 = arith.addi %rem3A_134, %add3A_778 : i32
        %ge3A_780 = arith.constant 200 : i32
        %ge3A_781 = arith.cmpi sge, %add3A_779, %ge3A_780 : i32
        %sub3A_782 = arith.constant 200 : i32
        %sub3A_783 = arith.subi %add3A_779, %sub3A_782 : i32
        %select_n3A_784 = arith.select %ge3A_781, %sub3A_783, %add3A_779 : i32
        %mul3A_785 = arith.constant 64 : i32
        %mul3A_786 = arith.muli %select_n3A_784, %mul3A_785 : i32
        %slice3A_787 = vector.extract_strided_slice %get3A_161 {offsets = [5], sizes = [1], strides = [1]} : vector<16xi32> to vector<1xi32>
        %squeeze3A_788 = vector.extract %slice3A_787[0] : i32 from vector<1xi32>
        %add3A_789 = arith.constant 0 : i32
        %add3A_790 = arith.addi %squeeze3A_788, %add3A_789 : i32
        %get3A_791 = arith.constant 0 : i32
        %get3A_792 = arith.constant 0 : i32
        %get3A_793 = tpu.memref_slice %arg10[%scan3A_14, %get3A_791, %get3A_792] : memref<2x128x128xf32, #tpu.memory_space<vmem>> -> memref<1x128x128xf32, #tpu.memory_space<vmem>>
        %get3A_794 = tpu.memref_squeeze %get3A_793 : memref<1x128x128xf32, #tpu.memory_space<vmem>> -> memref<128x128xf32, #tpu.memory_space<vmem>>
        %get3A_795 = arith.index_cast %add3A_778 : i32 to index
        %get3A_796 = arith.index_cast %add3A_790 : i32 to index
        %get3A_797 = tpu.vector_load %get3A_794[%get3A_795, %get3A_796] {strides = array<i32>} : memref<128x128xf32, #tpu.memory_space<vmem>>, vector<1x16xf32>,
        %get3A_798 = vector.shape_cast %get3A_797 : vector<1x16xf32> to vector<16xf32>
        %mul3A_799 = arith.constant 8.000000e+00 : f32
        %mul3A_800 = vector.broadcast %mul3A_799 : f32 to vector<16xf32>
        %mul3A_801 = arith.mulf %get3A_798, %mul3A_800 : vector<16xf32>
        %add3A_802 = arith.constant 0 : i32
        %add3A_803 = arith.addi %mul3A_786, %add3A_802 : i32
        %get3A_804 = arith.index_cast %add3A_803 : i32 to index
        %get3A_805 = tpu.vector_load %arg9[%get3A_804] {strides = array<i32>} : memref<12800xf32, #tpu.memory_space<vmem>>, vector<16xf32>,
        %get3A_806 = vector.shape_cast %get3A_805 : vector<16xf32> to vector<16xf32>
        %add3A_807 = arith.addf %mul3A_801, %get3A_806 : vector<16xf32>
        %swap3A_808 = arith.constant 0 : i32
        %swap3A_809 = arith.constant 0 : i32
        %swap3A_810 = tpu.memref_slice %arg11[%scan3A_17, %swap3A_808, %swap3A_809] : memref<2x128x64xf32, #tpu.memory_space<vmem>> -> memref<1x128x64xf32, #tpu.memory_space<vmem>>
        %swap3A_811 = tpu.memref_squeeze %swap3A_810 : memref<1x128x64xf32, #tpu.memory_space<vmem>> -> memref<128x64xf32, #tpu.memory_space<vmem>>
        %swap3A_812 = arith.index_cast %add3A_778 : i32 to index
        %swap3A_813 = arith.constant 0 : index
        %swap3A_814 = tpu.vector_load %swap3A_811[%swap3A_812, %swap3A_813] {strides = array<i32>} : memref<128x64xf32, #tpu.memory_space<vmem>>, vector<1x16xf32>,
        %swap3A_815 = vector.shape_cast %swap3A_814 : vector<1x16xf32> to vector<16xf32>
        %swap3A_816 = vector.shape_cast %add3A_807 : vector<16xf32> to vector<1x16xf32>
        tpu.vector_store %swap3A_811[%swap3A_812, %swap3A_813], %swap3A_816 {strides = array<i32>} : memref<128x64xf32, #tpu.memory_space<vmem>>, vector<1x16xf32>,
        %add3A_817 = arith.constant 16 : i32
        %add3A_818 = arith.addi %squeeze3A_788, %add3A_817 : i32
        %get3A_819 = arith.constant 0 : i32
        %get3A_820 = arith.constant 0 : i32
        %get3A_821 = tpu.memref_slice %arg10[%scan3A_14, %get3A_819, %get3A_820] : memref<2x128x128xf32, #tpu.memory_space<vmem>> -> memref<1x128x128xf32, #tpu.memory_space<vmem>>
        %get3A_822 = tpu.memref_squeeze %get3A_821 : memref<1x128x128xf32, #tpu.memory_space<vmem>> -> memref<128x128xf32, #tpu.memory_space<vmem>>
        %get3A_823 = arith.index_cast %add3A_778 : i32 to index
        %get3A_824 = arith.index_cast %add3A_818 : i32 to index
        %get3A_825 = tpu.vector_load %get3A_822[%get3A_823, %get3A_824] {strides = array<i32>} : memref<128x128xf32, #tpu.memory_space<vmem>>, vector<1x16xf32>,
        %get3A_826 = vector.shape_cast %get3A_825 : vector<1x16xf32> to vector<16xf32>
        %mul3A_827 = arith.constant 8.000000e+00 : f32
        %mul3A_828 = vector.broadcast %mul3A_827 : f32 to vector<16xf32>
        %mul3A_829 = arith.mulf %get3A_826, %mul3A_828 : vector<16xf32>
        %add3A_830 = arith.constant 16 : i32
        %add3A_831 = arith.addi %mul3A_786, %add3A_830 : i32
        %get3A_832 = arith.index_cast %add3A_831 : i32 to index
        %get3A_833 = tpu.vector_load %arg9[%get3A_832] {strides = array<i32>} : memref<12800xf32, #tpu.memory_space<vmem>>, vector<16xf32>,
        %get3A_834 = vector.shape_cast %get3A_833 : vector<16xf32> to vector<16xf32>
        %add3A_835 = arith.addf %mul3A_829, %get3A_834 : vector<16xf32>
        %swap3A_836 = arith.constant 0 : i32
        %swap3A_837 = arith.constant 0 : i32
        %swap3A_838 = tpu.memref_slice %arg11[%scan3A_17, %swap3A_836, %swap3A_837] : memref<2x128x64xf32, #tpu.memory_space<vmem>> -> memref<1x128x64xf32, #tpu.memory_space<vmem>>
        %swap3A_839 = tpu.memref_squeeze %swap3A_838 : memref<1x128x64xf32, #tpu.memory_space<vmem>> -> memref<128x64xf32, #tpu.memory_space<vmem>>
        %swap3A_840 = arith.index_cast %add3A_778 : i32 to index
        %swap3A_841 = arith.constant 16 : index
        %swap3A_842 = tpu.vector_load %swap3A_839[%swap3A_840, %swap3A_841] {strides = array<i32>} : memref<128x64xf32, #tpu.memory_space<vmem>>, vector<1x16xf32>,
        %swap3A_843 = vector.shape_cast %swap3A_842 : vector<1x16xf32> to vector<16xf32>
        %swap3A_844 = vector.shape_cast %add3A_835 : vector<16xf32> to vector<1x16xf32>
        tpu.vector_store %swap3A_839[%swap3A_840, %swap3A_841], %swap3A_844 {strides = array<i32>} : memref<128x64xf32, #tpu.memory_space<vmem>>, vector<1x16xf32>,
        %add3A_845 = arith.constant 32 : i32
        %add3A_846 = arith.addi %squeeze3A_788, %add3A_845 : i32
        %get3A_847 = arith.constant 0 : i32
        %get3A_848 = arith.constant 0 : i32
        %get3A_849 = tpu.memref_slice %arg10[%scan3A_14, %get3A_847, %get3A_848] : memref<2x128x128xf32, #tpu.memory_space<vmem>> -> memref<1x128x128xf32, #tpu.memory_space<vmem>>
        %get3A_850 = tpu.memref_squeeze %get3A_849 : memref<1x128x128xf32, #tpu.memory_space<vmem>> -> memref<128x128xf32, #tpu.memory_space<vmem>>
        %get3A_851 = arith.index_cast %add3A_778 : i32 to index
        %get3A_852 = arith.index_cast %add3A_846 : i32 to index
        %get3A_853 = tpu.vector_load %get3A_850[%get3A_851, %get3A_852] {strides = array<i32>} : memref<128x128xf32, #tpu.memory_space<vmem>>, vector<1x16xf32>,
        %get3A_854 = vector.shape_cast %get3A_853 : vector<1x16xf32> to vector<16xf32>
        %mul3A_855 = arith.constant 8.000000e+00 : f32
        %mul3A_856 = vector.broadcast %mul3A_855 : f32 to vector<16xf32>
        %mul3A_857 = arith.mulf %get3A_854, %mul3A_856 : vector<16xf32>
        %add3A_858 = arith.constant 32 : i32
        %add3A_859 = arith.addi %mul3A_786, %add3A_858 : i32
        %get3A_860 = arith.index_cast %add3A_859 : i32 to index
        %get3A_861 = tpu.vector_load %arg9[%get3A_860] {strides = array<i32>} : memref<12800xf32, #tpu.memory_space<vmem>>, vector<16xf32>,
        %get3A_862 = vector.shape_cast %get3A_861 : vector<16xf32> to vector<16xf32>
        %add3A_863 = arith.addf %mul3A_857, %get3A_862 : vector<16xf32>
        %swap3A_864 = arith.constant 0 : i32
        %swap3A_865 = arith.constant 0 : i32
        %swap3A_866 = tpu.memref_slice %arg11[%scan3A_17, %swap3A_864, %swap3A_865] : memref<2x128x64xf32, #tpu.memory_space<vmem>> -> memref<1x128x64xf32, #tpu.memory_space<vmem>>
        %swap3A_867 = tpu.memref_squeeze %swap3A_866 : memref<1x128x64xf32, #tpu.memory_space<vmem>> -> memref<128x64xf32, #tpu.memory_space<vmem>>
        %swap3A_868 = arith.index_cast %add3A_778 : i32 to index
        %swap3A_869 = arith.constant 32 : index
        %swap3A_870 = tpu.vector_load %swap3A_867[%swap3A_868, %swap3A_869] {strides = array<i32>} : memref<128x64xf32, #tpu.memory_space<vmem>>, vector<1x16xf32>,
        %swap3A_871 = vector.shape_cast %swap3A_870 : vector<1x16xf32> to vector<16xf32>
        %swap3A_872 = vector.shape_cast %add3A_863 : vector<16xf32> to vector<1x16xf32>
        tpu.vector_store %swap3A_867[%swap3A_868, %swap3A_869], %swap3A_872 {strides = array<i32>} : memref<128x64xf32, #tpu.memory_space<vmem>>, vector<1x16xf32>,
        %add3A_873 = arith.constant 48 : i32
        %add3A_874 = arith.addi %squeeze3A_788, %add3A_873 : i32
        %get3A_875 = arith.constant 0 : i32
        %get3A_876 = arith.constant 0 : i32
        %get3A_877 = tpu.memref_slice %arg10[%scan3A_14, %get3A_875, %get3A_876] : memref<2x128x128xf32, #tpu.memory_space<vmem>> -> memref<1x128x128xf32, #tpu.memory_space<vmem>>
        %get3A_878 = tpu.memref_squeeze %get3A_877 : memref<1x128x128xf32, #tpu.memory_space<vmem>> -> memref<128x128xf32, #tpu.memory_space<vmem>>
        %get3A_879 = arith.index_cast %add3A_778 : i32 to index
        %get3A_880 = arith.index_cast %add3A_874 : i32 to index
        %get3A_881 = tpu.vector_load %get3A_878[%get3A_879, %get3A_880] {strides = array<i32>} : memref<128x128xf32, #tpu.memory_space<vmem>>, vector<1x16xf32>,
        %get3A_882 = vector.shape_cast %get3A_881 : vector<1x16xf32> to vector<16xf32>
        %mul3A_883 = arith.constant 8.000000e+00 : f32
        %mul3A_884 = vector.broadcast %mul3A_883 : f32 to vector<16xf32>
        %mul3A_885 = arith.mulf %get3A_882, %mul3A_884 : vector<16xf32>
        %add3A_886 = arith.constant 48 : i32
        %add3A_887 = arith.addi %mul3A_786, %add3A_886 : i32
        %get3A_888 = arith.index_cast %add3A_887 : i32 to index
        %get3A_889 = tpu.vector_load %arg9[%get3A_888] {strides = array<i32>} : memref<12800xf32, #tpu.memory_space<vmem>>, vector<16xf32>,
        %get3A_890 = vector.shape_cast %get3A_889 : vector<16xf32> to vector<16xf32>
        %add3A_891 = arith.addf %mul3A_885, %get3A_890 : vector<16xf32>
        %swap3A_892 = arith.constant 0 : i32
        %swap3A_893 = arith.constant 0 : i32
        %swap3A_894 = tpu.memref_slice %arg11[%scan3A_17, %swap3A_892, %swap3A_893] : memref<2x128x64xf32, #tpu.memory_space<vmem>> -> memref<1x128x64xf32, #tpu.memory_space<vmem>>
        %swap3A_895 = tpu.memref_squeeze %swap3A_894 : memref<1x128x64xf32, #tpu.memory_space<vmem>> -> memref<128x64xf32, #tpu.memory_space<vmem>>
        %swap3A_896 = arith.index_cast %add3A_778 : i32 to index
        %swap3A_897 = arith.constant 48 : index
        %swap3A_898 = tpu.vector_load %swap3A_895[%swap3A_896, %swap3A_897] {strides = array<i32>} : memref<128x64xf32, #tpu.memory_space<vmem>>, vector<1x16xf32>,
        %swap3A_899 = vector.shape_cast %swap3A_898 : vector<1x16xf32> to vector<16xf32>
        %swap3A_900 = vector.shape_cast %add3A_891 : vector<16xf32> to vector<1x16xf32>
        tpu.vector_store %swap3A_895[%swap3A_896, %swap3A_897], %swap3A_900 {strides = array<i32>} : memref<128x64xf32, #tpu.memory_space<vmem>>, vector<1x16xf32>,
        %add3A_901 = arith.constant 6 : i32
        %add3A_902 = arith.addi %mul3A_158, %add3A_901 : i32
        %add3A_903 = arith.addi %rem3A_134, %add3A_902 : i32
        %ge3A_904 = arith.constant 200 : i32
        %ge3A_905 = arith.cmpi sge, %add3A_903, %ge3A_904 : i32
        %sub3A_906 = arith.constant 200 : i32
        %sub3A_907 = arith.subi %add3A_903, %sub3A_906 : i32
        %select_n3A_908 = arith.select %ge3A_905, %sub3A_907, %add3A_903 : i32
        %mul3A_909 = arith.constant 64 : i32
        %mul3A_910 = arith.muli %select_n3A_908, %mul3A_909 : i32
        %slice3A_911 = vector.extract_strided_slice %get3A_161 {offsets = [6], sizes = [1], strides = [1]} : vector<16xi32> to vector<1xi32>
        %squeeze3A_912 = vector.extract %slice3A_911[0] : i32 from vector<1xi32>
        %add3A_913 = arith.constant 0 : i32
        %add3A_914 = arith.addi %squeeze3A_912, %add3A_913 : i32
        %get3A_915 = arith.constant 0 : i32
        %get3A_916 = arith.constant 0 : i32
        %get3A_917 = tpu.memref_slice %arg10[%scan3A_14, %get3A_915, %get3A_916] : memref<2x128x128xf32, #tpu.memory_space<vmem>> -> memref<1x128x128xf32, #tpu.memory_space<vmem>>
        %get3A_918 = tpu.memref_squeeze %get3A_917 : memref<1x128x128xf32, #tpu.memory_space<vmem>> -> memref<128x128xf32, #tpu.memory_space<vmem>>
        %get3A_919 = arith.index_cast %add3A_902 : i32 to index
        %get3A_920 = arith.index_cast %add3A_914 : i32 to index
        %get3A_921 = tpu.vector_load %get3A_918[%get3A_919, %get3A_920] {strides = array<i32>} : memref<128x128xf32, #tpu.memory_space<vmem>>, vector<1x16xf32>,
        %get3A_922 = vector.shape_cast %get3A_921 : vector<1x16xf32> to vector<16xf32>
        %mul3A_923 = arith.constant 8.000000e+00 : f32
        %mul3A_924 = vector.broadcast %mul3A_923 : f32 to vector<16xf32>
        %mul3A_925 = arith.mulf %get3A_922, %mul3A_924 : vector<16xf32>
        %add3A_926 = arith.constant 0 : i32
        %add3A_927 = arith.addi %mul3A_910, %add3A_926 : i32
        %get3A_928 = arith.index_cast %add3A_927 : i32 to index
        %get3A_929 = tpu.vector_load %arg9[%get3A_928] {strides = array<i32>} : memref<12800xf32, #tpu.memory_space<vmem>>, vector<16xf32>,
        %get3A_930 = vector.shape_cast %get3A_929 : vector<16xf32> to vector<16xf32>
        %add3A_931 = arith.addf %mul3A_925, %get3A_930 : vector<16xf32>
        %swap3A_932 = arith.constant 0 : i32
        %swap3A_933 = arith.constant 0 : i32
        %swap3A_934 = tpu.memref_slice %arg11[%scan3A_17, %swap3A_932, %swap3A_933] : memref<2x128x64xf32, #tpu.memory_space<vmem>> -> memref<1x128x64xf32, #tpu.memory_space<vmem>>
        %swap3A_935 = tpu.memref_squeeze %swap3A_934 : memref<1x128x64xf32, #tpu.memory_space<vmem>> -> memref<128x64xf32, #tpu.memory_space<vmem>>
        %swap3A_936 = arith.index_cast %add3A_902 : i32 to index
        %swap3A_937 = arith.constant 0 : index
        %swap3A_938 = tpu.vector_load %swap3A_935[%swap3A_936, %swap3A_937] {strides = array<i32>} : memref<128x64xf32, #tpu.memory_space<vmem>>, vector<1x16xf32>,
        %swap3A_939 = vector.shape_cast %swap3A_938 : vector<1x16xf32> to vector<16xf32>
        %swap3A_940 = vector.shape_cast %add3A_931 : vector<16xf32> to vector<1x16xf32>
        tpu.vector_store %swap3A_935[%swap3A_936, %swap3A_937], %swap3A_940 {strides = array<i32>} : memref<128x64xf32, #tpu.memory_space<vmem>>, vector<1x16xf32>,
        %add3A_941 = arith.constant 16 : i32
        %add3A_942 = arith.addi %squeeze3A_912, %add3A_941 : i32
        %get3A_943 = arith.constant 0 : i32
        %get3A_944 = arith.constant 0 : i32
        %get3A_945 = tpu.memref_slice %arg10[%scan3A_14, %get3A_943, %get3A_944] : memref<2x128x128xf32, #tpu.memory_space<vmem>> -> memref<1x128x128xf32, #tpu.memory_space<vmem>>
        %get3A_946 = tpu.memref_squeeze %get3A_945 : memref<1x128x128xf32, #tpu.memory_space<vmem>> -> memref<128x128xf32, #tpu.memory_space<vmem>>
        %get3A_947 = arith.index_cast %add3A_902 : i32 to index
        %get3A_948 = arith.index_cast %add3A_942 : i32 to index
        %get3A_949 = tpu.vector_load %get3A_946[%get3A_947, %get3A_948] {strides = array<i32>} : memref<128x128xf32, #tpu.memory_space<vmem>>, vector<1x16xf32>,
        %get3A_950 = vector.shape_cast %get3A_949 : vector<1x16xf32> to vector<16xf32>
        %mul3A_951 = arith.constant 8.000000e+00 : f32
        %mul3A_952 = vector.broadcast %mul3A_951 : f32 to vector<16xf32>
        %mul3A_953 = arith.mulf %get3A_950, %mul3A_952 : vector<16xf32>
        %add3A_954 = arith.constant 16 : i32
        %add3A_955 = arith.addi %mul3A_910, %add3A_954 : i32
        %get3A_956 = arith.index_cast %add3A_955 : i32 to index
        %get3A_957 = tpu.vector_load %arg9[%get3A_956] {strides = array<i32>} : memref<12800xf32, #tpu.memory_space<vmem>>, vector<16xf32>,
        %get3A_958 = vector.shape_cast %get3A_957 : vector<16xf32> to vector<16xf32>
        %add3A_959 = arith.addf %mul3A_953, %get3A_958 : vector<16xf32>
        %swap3A_960 = arith.constant 0 : i32
        %swap3A_961 = arith.constant 0 : i32
        %swap3A_962 = tpu.memref_slice %arg11[%scan3A_17, %swap3A_960, %swap3A_961] : memref<2x128x64xf32, #tpu.memory_space<vmem>> -> memref<1x128x64xf32, #tpu.memory_space<vmem>>
        %swap3A_963 = tpu.memref_squeeze %swap3A_962 : memref<1x128x64xf32, #tpu.memory_space<vmem>> -> memref<128x64xf32, #tpu.memory_space<vmem>>
        %swap3A_964 = arith.index_cast %add3A_902 : i32 to index
        %swap3A_965 = arith.constant 16 : index
        %swap3A_966 = tpu.vector_load %swap3A_963[%swap3A_964, %swap3A_965] {strides = array<i32>} : memref<128x64xf32, #tpu.memory_space<vmem>>, vector<1x16xf32>,
        %swap3A_967 = vector.shape_cast %swap3A_966 : vector<1x16xf32> to vector<16xf32>
        %swap3A_968 = vector.shape_cast %add3A_959 : vector<16xf32> to vector<1x16xf32>
        tpu.vector_store %swap3A_963[%swap3A_964, %swap3A_965], %swap3A_968 {strides = array<i32>} : memref<128x64xf32, #tpu.memory_space<vmem>>, vector<1x16xf32>,
        %add3A_969 = arith.constant 32 : i32
        %add3A_970 = arith.addi %squeeze3A_912, %add3A_969 : i32
        %get3A_971 = arith.constant 0 : i32
        %get3A_972 = arith.constant 0 : i32
        %get3A_973 = tpu.memref_slice %arg10[%scan3A_14, %get3A_971, %get3A_972] : memref<2x128x128xf32, #tpu.memory_space<vmem>> -> memref<1x128x128xf32, #tpu.memory_space<vmem>>
        %get3A_974 = tpu.memref_squeeze %get3A_973 : memref<1x128x128xf32, #tpu.memory_space<vmem>> -> memref<128x128xf32, #tpu.memory_space<vmem>>
        %get3A_975 = arith.index_cast %add3A_902 : i32 to index
        %get3A_976 = arith.index_cast %add3A_970 : i32 to index
        %get3A_977 = tpu.vector_load %get3A_974[%get3A_975, %get3A_976] {strides = array<i32>} : memref<128x128xf32, #tpu.memory_space<vmem>>, vector<1x16xf32>,
        %get3A_978 = vector.shape_cast %get3A_977 : vector<1x16xf32> to vector<16xf32>
        %mul3A_979 = arith.constant 8.000000e+00 : f32
        %mul3A_980 = vector.broadcast %mul3A_979 : f32 to vector<16xf32>
        %mul3A_981 = arith.mulf %get3A_978, %mul3A_980 : vector<16xf32>
        %add3A_982 = arith.constant 32 : i32
        %add3A_983 = arith.addi %mul3A_910, %add3A_982 : i32
        %get3A_984 = arith.index_cast %add3A_983 : i32 to index
        %get3A_985 = tpu.vector_load %arg9[%get3A_984] {strides = array<i32>} : memref<12800xf32, #tpu.memory_space<vmem>>, vector<16xf32>,
        %get3A_986 = vector.shape_cast %get3A_985 : vector<16xf32> to vector<16xf32>
        %add3A_987 = arith.addf %mul3A_981, %get3A_986 : vector<16xf32>
        %swap3A_988 = arith.constant 0 : i32
        %swap3A_989 = arith.constant 0 : i32
        %swap3A_990 = tpu.memref_slice %arg11[%scan3A_17, %swap3A_988, %swap3A_989] : memref<2x128x64xf32, #tpu.memory_space<vmem>> -> memref<1x128x64xf32, #tpu.memory_space<vmem>>
        %swap3A_991 = tpu.memref_squeeze %swap3A_990 : memref<1x128x64xf32, #tpu.memory_space<vmem>> -> memref<128x64xf32, #tpu.memory_space<vmem>>
        %swap3A_992 = arith.index_cast %add3A_902 : i32 to index
        %swap3A_993 = arith.constant 32 : index
        %swap3A_994 = tpu.vector_load %swap3A_991[%swap3A_992, %swap3A_993] {strides = array<i32>} : memref<128x64xf32, #tpu.memory_space<vmem>>, vector<1x16xf32>,
        %swap3A_995 = vector.shape_cast %swap3A_994 : vector<1x16xf32> to vector<16xf32>
        %swap3A_996 = vector.shape_cast %add3A_987 : vector<16xf32> to vector<1x16xf32>
        tpu.vector_store %swap3A_991[%swap3A_992, %swap3A_993], %swap3A_996 {strides = array<i32>} : memref<128x64xf32, #tpu.memory_space<vmem>>, vector<1x16xf32>,
        %add3A_997 = arith.constant 48 : i32
        %add3A_998 = arith.addi %squeeze3A_912, %add3A_997 : i32
        %get3A_999 = arith.constant 0 : i32
        %get3A_1000 = arith.constant 0 : i32
        %get3A_1001 = tpu.memref_slice %arg10[%scan3A_14, %get3A_999, %get3A_1000] : memref<2x128x128xf32, #tpu.memory_space<vmem>> -> memref<1x128x128xf32, #tpu.memory_space<vmem>>
        %get3A_1002 = tpu.memref_squeeze %get3A_1001 : memref<1x128x128xf32, #tpu.memory_space<vmem>> -> memref<128x128xf32, #tpu.memory_space<vmem>>
        %get3A_1003 = arith.index_cast %add3A_902 : i32 to index
        %get3A_1004 = arith.index_cast %add3A_998 : i32 to index
        %get3A_1005 = tpu.vector_load %get3A_1002[%get3A_1003, %get3A_1004] {strides = array<i32>} : memref<128x128xf32, #tpu.memory_space<vmem>>, vector<1x16xf32>,
        %get3A_1006 = vector.shape_cast %get3A_1005 : vector<1x16xf32> to vector<16xf32>
        %mul3A_1007 = arith.constant 8.000000e+00 : f32
        %mul3A_1008 = vector.broadcast %mul3A_1007 : f32 to vector<16xf32>
        %mul3A_1009 = arith.mulf %get3A_1006, %mul3A_1008 : vector<16xf32>
        %add3A_1010 = arith.constant 48 : i32
        %add3A_1011 = arith.addi %mul3A_910, %add3A_1010 : i32
        %get3A_1012 = arith.index_cast %add3A_1011 : i32 to index
        %get3A_1013 = tpu.vector_load %arg9[%get3A_1012] {strides = array<i32>} : memref<12800xf32, #tpu.memory_space<vmem>>, vector<16xf32>,
        %get3A_1014 = vector.shape_cast %get3A_1013 : vector<16xf32> to vector<16xf32>
        %add3A_1015 = arith.addf %mul3A_1009, %get3A_1014 : vector<16xf32>
        %swap3A_1016 = arith.constant 0 : i32
        %swap3A_1017 = arith.constant 0 : i32
        %swap3A_1018 = tpu.memref_slice %arg11[%scan3A_17, %swap3A_1016, %swap3A_1017] : memref<2x128x64xf32, #tpu.memory_space<vmem>> -> memref<1x128x64xf32, #tpu.memory_space<vmem>>
        %swap3A_1019 = tpu.memref_squeeze %swap3A_1018 : memref<1x128x64xf32, #tpu.memory_space<vmem>> -> memref<128x64xf32, #tpu.memory_space<vmem>>
        %swap3A_1020 = arith.index_cast %add3A_902 : i32 to index
        %swap3A_1021 = arith.constant 48 : index
        %swap3A_1022 = tpu.vector_load %swap3A_1019[%swap3A_1020, %swap3A_1021] {strides = array<i32>} : memref<128x64xf32, #tpu.memory_space<vmem>>, vector<1x16xf32>,
        %swap3A_1023 = vector.shape_cast %swap3A_1022 : vector<1x16xf32> to vector<16xf32>
        %swap3A_1024 = vector.shape_cast %add3A_1015 : vector<16xf32> to vector<1x16xf32>
        tpu.vector_store %swap3A_1019[%swap3A_1020, %swap3A_1021], %swap3A_1024 {strides = array<i32>} : memref<128x64xf32, #tpu.memory_space<vmem>>, vector<1x16xf32>,
        %add3A_1025 = arith.constant 7 : i32
        %add3A_1026 = arith.addi %mul3A_158, %add3A_1025 : i32
        %add3A_1027 = arith.addi %rem3A_134, %add3A_1026 : i32
        %ge3A_1028 = arith.constant 200 : i32
        %ge3A_1029 = arith.cmpi sge, %add3A_1027, %ge3A_1028 : i32
        %sub3A_1030 = arith.constant 200 : i32
        %sub3A_1031 = arith.subi %add3A_1027, %sub3A_1030 : i32
        %select_n3A_1032 = arith.select %ge3A_1029, %sub3A_1031, %add3A_1027 : i32
        %mul3A_1033 = arith.constant 64 : i32
        %mul3A_1034 = arith.muli %select_n3A_1032, %mul3A_1033 : i32
        %slice3A_1035 = vector.extract_strided_slice %get3A_161 {offsets = [7], sizes = [1], strides = [1]} : vector<16xi32> to vector<1xi32>
        %squeeze3A_1036 = vector.extract %slice3A_1035[0] : i32 from vector<1xi32>
        %add3A_1037 = arith.constant 0 : i32
        %add3A_1038 = arith.addi %squeeze3A_1036, %add3A_1037 : i32
        %get3A_1039 = arith.constant 0 : i32
        %get3A_1040 = arith.constant 0 : i32
        %get3A_1041 = tpu.memref_slice %arg10[%scan3A_14, %get3A_1039, %get3A_1040] : memref<2x128x128xf32, #tpu.memory_space<vmem>> -> memref<1x128x128xf32, #tpu.memory_space<vmem>>
        %get3A_1042 = tpu.memref_squeeze %get3A_1041 : memref<1x128x128xf32, #tpu.memory_space<vmem>> -> memref<128x128xf32, #tpu.memory_space<vmem>>
        %get3A_1043 = arith.index_cast %add3A_1026 : i32 to index
        %get3A_1044 = arith.index_cast %add3A_1038 : i32 to index
        %get3A_1045 = tpu.vector_load %get3A_1042[%get3A_1043, %get3A_1044] {strides = array<i32>} : memref<128x128xf32, #tpu.memory_space<vmem>>, vector<1x16xf32>,
        %get3A_1046 = vector.shape_cast %get3A_1045 : vector<1x16xf32> to vector<16xf32>
        %mul3A_1047 = arith.constant 8.000000e+00 : f32
        %mul3A_1048 = vector.broadcast %mul3A_1047 : f32 to vector<16xf32>
        %mul3A_1049 = arith.mulf %get3A_1046, %mul3A_1048 : vector<16xf32>
        %add3A_1050 = arith.constant 0 : i32
        %add3A_1051 = arith.addi %mul3A_1034, %add3A_1050 : i32
        %get3A_1052 = arith.index_cast %add3A_1051 : i32 to index
        %get3A_1053 = tpu.vector_load %arg9[%get3A_1052] {strides = array<i32>} : memref<12800xf32, #tpu.memory_space<vmem>>, vector<16xf32>,
        %get3A_1054 = vector.shape_cast %get3A_1053 : vector<16xf32> to vector<16xf32>
        %add3A_1055 = arith.addf %mul3A_1049, %get3A_1054 : vector<16xf32>
        %swap3A_1056 = arith.constant 0 : i32
        %swap3A_1057 = arith.constant 0 : i32
        %swap3A_1058 = tpu.memref_slice %arg11[%scan3A_17, %swap3A_1056, %swap3A_1057] : memref<2x128x64xf32, #tpu.memory_space<vmem>> -> memref<1x128x64xf32, #tpu.memory_space<vmem>>
        %swap3A_1059 = tpu.memref_squeeze %swap3A_1058 : memref<1x128x64xf32, #tpu.memory_space<vmem>> -> memref<128x64xf32, #tpu.memory_space<vmem>>
        %swap3A_1060 = arith.index_cast %add3A_1026 : i32 to index
        %swap3A_1061 = arith.constant 0 : index
        %swap3A_1062 = tpu.vector_load %swap3A_1059[%swap3A_1060, %swap3A_1061] {strides = array<i32>} : memref<128x64xf32, #tpu.memory_space<vmem>>, vector<1x16xf32>,
        %swap3A_1063 = vector.shape_cast %swap3A_1062 : vector<1x16xf32> to vector<16xf32>
        %swap3A_1064 = vector.shape_cast %add3A_1055 : vector<16xf32> to vector<1x16xf32>
        tpu.vector_store %swap3A_1059[%swap3A_1060, %swap3A_1061], %swap3A_1064 {strides = array<i32>} : memref<128x64xf32, #tpu.memory_space<vmem>>, vector<1x16xf32>,
        %add3A_1065 = arith.constant 16 : i32
        %add3A_1066 = arith.addi %squeeze3A_1036, %add3A_1065 : i32
        %get3A_1067 = arith.constant 0 : i32
        %get3A_1068 = arith.constant 0 : i32
        %get3A_1069 = tpu.memref_slice %arg10[%scan3A_14, %get3A_1067, %get3A_1068] : memref<2x128x128xf32, #tpu.memory_space<vmem>> -> memref<1x128x128xf32, #tpu.memory_space<vmem>>
        %get3A_1070 = tpu.memref_squeeze %get3A_1069 : memref<1x128x128xf32, #tpu.memory_space<vmem>> -> memref<128x128xf32, #tpu.memory_space<vmem>>
        %get3A_1071 = arith.index_cast %add3A_1026 : i32 to index
        %get3A_1072 = arith.index_cast %add3A_1066 : i32 to index
        %get3A_1073 = tpu.vector_load %get3A_1070[%get3A_1071, %get3A_1072] {strides = array<i32>} : memref<128x128xf32, #tpu.memory_space<vmem>>, vector<1x16xf32>,
        %get3A_1074 = vector.shape_cast %get3A_1073 : vector<1x16xf32> to vector<16xf32>
        %mul3A_1075 = arith.constant 8.000000e+00 : f32
        %mul3A_1076 = vector.broadcast %mul3A_1075 : f32 to vector<16xf32>
        %mul3A_1077 = arith.mulf %get3A_1074, %mul3A_1076 : vector<16xf32>
        %add3A_1078 = arith.constant 16 : i32
        %add3A_1079 = arith.addi %mul3A_1034, %add3A_1078 : i32
        %get3A_1080 = arith.index_cast %add3A_1079 : i32 to index
        %get3A_1081 = tpu.vector_load %arg9[%get3A_1080] {strides = array<i32>} : memref<12800xf32, #tpu.memory_space<vmem>>, vector<16xf32>,
        %get3A_1082 = vector.shape_cast %get3A_1081 : vector<16xf32> to vector<16xf32>
        %add3A_1083 = arith.addf %mul3A_1077, %get3A_1082 : vector<16xf32>
        %swap3A_1084 = arith.constant 0 : i32
        %swap3A_1085 = arith.constant 0 : i32
        %swap3A_1086 = tpu.memref_slice %arg11[%scan3A_17, %swap3A_1084, %swap3A_1085] : memref<2x128x64xf32, #tpu.memory_space<vmem>> -> memref<1x128x64xf32, #tpu.memory_space<vmem>>
        %swap3A_1087 = tpu.memref_squeeze %swap3A_1086 : memref<1x128x64xf32, #tpu.memory_space<vmem>> -> memref<128x64xf32, #tpu.memory_space<vmem>>
        %swap3A_1088 = arith.index_cast %add3A_1026 : i32 to index
        %swap3A_1089 = arith.constant 16 : index
        %swap3A_1090 = tpu.vector_load %swap3A_1087[%swap3A_1088, %swap3A_1089] {strides = array<i32>} : memref<128x64xf32, #tpu.memory_space<vmem>>, vector<1x16xf32>,
        %swap3A_1091 = vector.shape_cast %swap3A_1090 : vector<1x16xf32> to vector<16xf32>
        %swap3A_1092 = vector.shape_cast %add3A_1083 : vector<16xf32> to vector<1x16xf32>
        tpu.vector_store %swap3A_1087[%swap3A_1088, %swap3A_1089], %swap3A_1092 {strides = array<i32>} : memref<128x64xf32, #tpu.memory_space<vmem>>, vector<1x16xf32>,
        %add3A_1093 = arith.constant 32 : i32
        %add3A_1094 = arith.addi %squeeze3A_1036, %add3A_1093 : i32
        %get3A_1095 = arith.constant 0 : i32
        %get3A_1096 = arith.constant 0 : i32
        %get3A_1097 = tpu.memref_slice %arg10[%scan3A_14, %get3A_1095, %get3A_1096] : memref<2x128x128xf32, #tpu.memory_space<vmem>> -> memref<1x128x128xf32, #tpu.memory_space<vmem>>
        %get3A_1098 = tpu.memref_squeeze %get3A_1097 : memref<1x128x128xf32, #tpu.memory_space<vmem>> -> memref<128x128xf32, #tpu.memory_space<vmem>>
        %get3A_1099 = arith.index_cast %add3A_1026 : i32 to index
        %get3A_1100 = arith.index_cast %add3A_1094 : i32 to index
        %get3A_1101 = tpu.vector_load %get3A_1098[%get3A_1099, %get3A_1100] {strides = array<i32>} : memref<128x128xf32, #tpu.memory_space<vmem>>, vector<1x16xf32>,
        %get3A_1102 = vector.shape_cast %get3A_1101 : vector<1x16xf32> to vector<16xf32>
        %mul3A_1103 = arith.constant 8.000000e+00 : f32
        %mul3A_1104 = vector.broadcast %mul3A_1103 : f32 to vector<16xf32>
        %mul3A_1105 = arith.mulf %get3A_1102, %mul3A_1104 : vector<16xf32>
        %add3A_1106 = arith.constant 32 : i32
        %add3A_1107 = arith.addi %mul3A_1034, %add3A_1106 : i32
        %get3A_1108 = arith.index_cast %add3A_1107 : i32 to index
        %get3A_1109 = tpu.vector_load %arg9[%get3A_1108] {strides = array<i32>} : memref<12800xf32, #tpu.memory_space<vmem>>, vector<16xf32>,
        %get3A_1110 = vector.shape_cast %get3A_1109 : vector<16xf32> to vector<16xf32>
        %add3A_1111 = arith.addf %mul3A_1105, %get3A_1110 : vector<16xf32>
        %swap3A_1112 = arith.constant 0 : i32
        %swap3A_1113 = arith.constant 0 : i32
        %swap3A_1114 = tpu.memref_slice %arg11[%scan3A_17, %swap3A_1112, %swap3A_1113] : memref<2x128x64xf32, #tpu.memory_space<vmem>> -> memref<1x128x64xf32, #tpu.memory_space<vmem>>
        %swap3A_1115 = tpu.memref_squeeze %swap3A_1114 : memref<1x128x64xf32, #tpu.memory_space<vmem>> -> memref<128x64xf32, #tpu.memory_space<vmem>>
        %swap3A_1116 = arith.index_cast %add3A_1026 : i32 to index
        %swap3A_1117 = arith.constant 32 : index
        %swap3A_1118 = tpu.vector_load %swap3A_1115[%swap3A_1116, %swap3A_1117] {strides = array<i32>} : memref<128x64xf32, #tpu.memory_space<vmem>>, vector<1x16xf32>,
        %swap3A_1119 = vector.shape_cast %swap3A_1118 : vector<1x16xf32> to vector<16xf32>
        %swap3A_1120 = vector.shape_cast %add3A_1111 : vector<16xf32> to vector<1x16xf32>
        tpu.vector_store %swap3A_1115[%swap3A_1116, %swap3A_1117], %swap3A_1120 {strides = array<i32>} : memref<128x64xf32, #tpu.memory_space<vmem>>, vector<1x16xf32>,
        %add3A_1121 = arith.constant 48 : i32
        %add3A_1122 = arith.addi %squeeze3A_1036, %add3A_1121 : i32
        %get3A_1123 = arith.constant 0 : i32
        %get3A_1124 = arith.constant 0 : i32
        %get3A_1125 = tpu.memref_slice %arg10[%scan3A_14, %get3A_1123, %get3A_1124] : memref<2x128x128xf32, #tpu.memory_space<vmem>> -> memref<1x128x128xf32, #tpu.memory_space<vmem>>
        %get3A_1126 = tpu.memref_squeeze %get3A_1125 : memref<1x128x128xf32, #tpu.memory_space<vmem>> -> memref<128x128xf32, #tpu.memory_space<vmem>>
        %get3A_1127 = arith.index_cast %add3A_1026 : i32 to index
        %get3A_1128 = arith.index_cast %add3A_1122 : i32 to index
        %get3A_1129 = tpu.vector_load %get3A_1126[%get3A_1127, %get3A_1128] {strides = array<i32>} : memref<128x128xf32, #tpu.memory_space<vmem>>, vector<1x16xf32>,
        %get3A_1130 = vector.shape_cast %get3A_1129 : vector<1x16xf32> to vector<16xf32>
        %mul3A_1131 = arith.constant 8.000000e+00 : f32
        %mul3A_1132 = vector.broadcast %mul3A_1131 : f32 to vector<16xf32>
        %mul3A_1133 = arith.mulf %get3A_1130, %mul3A_1132 : vector<16xf32>
        %add3A_1134 = arith.constant 48 : i32
        %add3A_1135 = arith.addi %mul3A_1034, %add3A_1134 : i32
        %get3A_1136 = arith.index_cast %add3A_1135 : i32 to index
        %get3A_1137 = tpu.vector_load %arg9[%get3A_1136] {strides = array<i32>} : memref<12800xf32, #tpu.memory_space<vmem>>, vector<16xf32>,
        %get3A_1138 = vector.shape_cast %get3A_1137 : vector<16xf32> to vector<16xf32>
        %add3A_1139 = arith.addf %mul3A_1133, %get3A_1138 : vector<16xf32>
        %swap3A_1140 = arith.constant 0 : i32
        %swap3A_1141 = arith.constant 0 : i32
        %swap3A_1142 = tpu.memref_slice %arg11[%scan3A_17, %swap3A_1140, %swap3A_1141] : memref<2x128x64xf32, #tpu.memory_space<vmem>> -> memref<1x128x64xf32, #tpu.memory_space<vmem>>
        %swap3A_1143 = tpu.memref_squeeze %swap3A_1142 : memref<1x128x64xf32, #tpu.memory_space<vmem>> -> memref<128x64xf32, #tpu.memory_space<vmem>>
        %swap3A_1144 = arith.index_cast %add3A_1026 : i32 to index
        %swap3A_1145 = arith.constant 48 : index
        %swap3A_1146 = tpu.vector_load %swap3A_1143[%swap3A_1144, %swap3A_1145] {strides = array<i32>} : memref<128x64xf32, #tpu.memory_space<vmem>>, vector<1x16xf32>,
        %swap3A_1147 = vector.shape_cast %swap3A_1146 : vector<1x16xf32> to vector<16xf32>
        %swap3A_1148 = vector.shape_cast %add3A_1139 : vector<16xf32> to vector<1x16xf32>
        tpu.vector_store %swap3A_1143[%swap3A_1144, %swap3A_1145], %swap3A_1148 {strides = array<i32>} : memref<128x64xf32, #tpu.memory_space<vmem>>, vector<1x16xf32>,
        %add3A_1149 = arith.constant 8 : i32
        %add3A_1150 = arith.addi %mul3A_158, %add3A_1149 : i32
        %add3A_1151 = arith.addi %rem3A_134, %add3A_1150 : i32
        %ge3A_1152 = arith.constant 200 : i32
        %ge3A_1153 = arith.cmpi sge, %add3A_1151, %ge3A_1152 : i32
        %sub3A_1154 = arith.constant 200 : i32
        %sub3A_1155 = arith.subi %add3A_1151, %sub3A_1154 : i32
        %select_n3A_1156 = arith.select %ge3A_1153, %sub3A_1155, %add3A_1151 : i32
        %mul3A_1157 = arith.constant 64 : i32
        %mul3A_1158 = arith.muli %select_n3A_1156, %mul3A_1157 : i32
        %slice3A_1159 = vector.extract_strided_slice %get3A_161 {offsets = [8], sizes = [1], strides = [1]} : vector<16xi32> to vector<1xi32>
        %squeeze3A_1160 = vector.extract %slice3A_1159[0] : i32 from vector<1xi32>
        %add3A_1161 = arith.constant 0 : i32
        %add3A_1162 = arith.addi %squeeze3A_1160, %add3A_1161 : i32
        %get3A_1163 = arith.constant 0 : i32
        %get3A_1164 = arith.constant 0 : i32
        %get3A_1165 = tpu.memref_slice %arg10[%scan3A_14, %get3A_1163, %get3A_1164] : memref<2x128x128xf32, #tpu.memory_space<vmem>> -> memref<1x128x128xf32, #tpu.memory_space<vmem>>
        %get3A_1166 = tpu.memref_squeeze %get3A_1165 : memref<1x128x128xf32, #tpu.memory_space<vmem>> -> memref<128x128xf32, #tpu.memory_space<vmem>>
        %get3A_1167 = arith.index_cast %add3A_1150 : i32 to index
        %get3A_1168 = arith.index_cast %add3A_1162 : i32 to index
        %get3A_1169 = tpu.vector_load %get3A_1166[%get3A_1167, %get3A_1168] {strides = array<i32>} : memref<128x128xf32, #tpu.memory_space<vmem>>, vector<1x16xf32>,
        %get3A_1170 = vector.shape_cast %get3A_1169 : vector<1x16xf32> to vector<16xf32>
        %mul3A_1171 = arith.constant 8.000000e+00 : f32
        %mul3A_1172 = vector.broadcast %mul3A_1171 : f32 to vector<16xf32>
        %mul3A_1173 = arith.mulf %get3A_1170, %mul3A_1172 : vector<16xf32>
        %add3A_1174 = arith.constant 0 : i32
        %add3A_1175 = arith.addi %mul3A_1158, %add3A_1174 : i32
        %get3A_1176 = arith.index_cast %add3A_1175 : i32 to index
        %get3A_1177 = tpu.vector_load %arg9[%get3A_1176] {strides = array<i32>} : memref<12800xf32, #tpu.memory_space<vmem>>, vector<16xf32>,
        %get3A_1178 = vector.shape_cast %get3A_1177 : vector<16xf32> to vector<16xf32>
        %add3A_1179 = arith.addf %mul3A_1173, %get3A_1178 : vector<16xf32>
        %swap3A_1180 = arith.constant 0 : i32
        %swap3A_1181 = arith.constant 0 : i32
        %swap3A_1182 = tpu.memref_slice %arg11[%scan3A_17, %swap3A_1180, %swap3A_1181] : memref<2x128x64xf32, #tpu.memory_space<vmem>> -> memref<1x128x64xf32, #tpu.memory_space<vmem>>
        %swap3A_1183 = tpu.memref_squeeze %swap3A_1182 : memref<1x128x64xf32, #tpu.memory_space<vmem>> -> memref<128x64xf32, #tpu.memory_space<vmem>>
        %swap3A_1184 = arith.index_cast %add3A_1150 : i32 to index
        %swap3A_1185 = arith.constant 0 : index
        %swap3A_1186 = tpu.vector_load %swap3A_1183[%swap3A_1184, %swap3A_1185] {strides = array<i32>} : memref<128x64xf32, #tpu.memory_space<vmem>>, vector<1x16xf32>,
        %swap3A_1187 = vector.shape_cast %swap3A_1186 : vector<1x16xf32> to vector<16xf32>
        %swap3A_1188 = vector.shape_cast %add3A_1179 : vector<16xf32> to vector<1x16xf32>
        tpu.vector_store %swap3A_1183[%swap3A_1184, %swap3A_1185], %swap3A_1188 {strides = array<i32>} : memref<128x64xf32, #tpu.memory_space<vmem>>, vector<1x16xf32>,
        %add3A_1189 = arith.constant 16 : i32
        %add3A_1190 = arith.addi %squeeze3A_1160, %add3A_1189 : i32
        %get3A_1191 = arith.constant 0 : i32
        %get3A_1192 = arith.constant 0 : i32
        %get3A_1193 = tpu.memref_slice %arg10[%scan3A_14, %get3A_1191, %get3A_1192] : memref<2x128x128xf32, #tpu.memory_space<vmem>> -> memref<1x128x128xf32, #tpu.memory_space<vmem>>
        %get3A_1194 = tpu.memref_squeeze %get3A_1193 : memref<1x128x128xf32, #tpu.memory_space<vmem>> -> memref<128x128xf32, #tpu.memory_space<vmem>>
        %get3A_1195 = arith.index_cast %add3A_1150 : i32 to index
        %get3A_1196 = arith.index_cast %add3A_1190 : i32 to index
        %get3A_1197 = tpu.vector_load %get3A_1194[%get3A_1195, %get3A_1196] {strides = array<i32>} : memref<128x128xf32, #tpu.memory_space<vmem>>, vector<1x16xf32>,
        %get3A_1198 = vector.shape_cast %get3A_1197 : vector<1x16xf32> to vector<16xf32>
        %mul3A_1199 = arith.constant 8.000000e+00 : f32
        %mul3A_1200 = vector.broadcast %mul3A_1199 : f32 to vector<16xf32>
        %mul3A_1201 = arith.mulf %get3A_1198, %mul3A_1200 : vector<16xf32>
        %add3A_1202 = arith.constant 16 : i32
        %add3A_1203 = arith.addi %mul3A_1158, %add3A_1202 : i32
        %get3A_1204 = arith.index_cast %add3A_1203 : i32 to index
        %get3A_1205 = tpu.vector_load %arg9[%get3A_1204] {strides = array<i32>} : memref<12800xf32, #tpu.memory_space<vmem>>, vector<16xf32>,
        %get3A_1206 = vector.shape_cast %get3A_1205 : vector<16xf32> to vector<16xf32>
        %add3A_1207 = arith.addf %mul3A_1201, %get3A_1206 : vector<16xf32>
        %swap3A_1208 = arith.constant 0 : i32
        %swap3A_1209 = arith.constant 0 : i32
        %swap3A_1210 = tpu.memref_slice %arg11[%scan3A_17, %swap3A_1208, %swap3A_1209] : memref<2x128x64xf32, #tpu.memory_space<vmem>> -> memref<1x128x64xf32, #tpu.memory_space<vmem>>
        %swap3A_1211 = tpu.memref_squeeze %swap3A_1210 : memref<1x128x64xf32, #tpu.memory_space<vmem>> -> memref<128x64xf32, #tpu.memory_space<vmem>>
        %swap3A_1212 = arith.index_cast %add3A_1150 : i32 to index
        %swap3A_1213 = arith.constant 16 : index
        %swap3A_1214 = tpu.vector_load %swap3A_1211[%swap3A_1212, %swap3A_1213] {strides = array<i32>} : memref<128x64xf32, #tpu.memory_space<vmem>>, vector<1x16xf32>,
        %swap3A_1215 = vector.shape_cast %swap3A_1214 : vector<1x16xf32> to vector<16xf32>
        %swap3A_1216 = vector.shape_cast %add3A_1207 : vector<16xf32> to vector<1x16xf32>
        tpu.vector_store %swap3A_1211[%swap3A_1212, %swap3A_1213], %swap3A_1216 {strides = array<i32>} : memref<128x64xf32, #tpu.memory_space<vmem>>, vector<1x16xf32>,
        %add3A_1217 = arith.constant 32 : i32
        %add3A_1218 = arith.addi %squeeze3A_1160, %add3A_1217 : i32
        %get3A_1219 = arith.constant 0 : i32
        %get3A_1220 = arith.constant 0 : i32
        %get3A_1221 = tpu.memref_slice %arg10[%scan3A_14, %get3A_1219, %get3A_1220] : memref<2x128x128xf32, #tpu.memory_space<vmem>> -> memref<1x128x128xf32, #tpu.memory_space<vmem>>
        %get3A_1222 = tpu.memref_squeeze %get3A_1221 : memref<1x128x128xf32, #tpu.memory_space<vmem>> -> memref<128x128xf32, #tpu.memory_space<vmem>>
        %get3A_1223 = arith.index_cast %add3A_1150 : i32 to index
        %get3A_1224 = arith.index_cast %add3A_1218 : i32 to index
        %get3A_1225 = tpu.vector_load %get3A_1222[%get3A_1223, %get3A_1224] {strides = array<i32>} : memref<128x128xf32, #tpu.memory_space<vmem>>, vector<1x16xf32>,
        %get3A_1226 = vector.shape_cast %get3A_1225 : vector<1x16xf32> to vector<16xf32>
        %mul3A_1227 = arith.constant 8.000000e+00 : f32
        %mul3A_1228 = vector.broadcast %mul3A_1227 : f32 to vector<16xf32>
        %mul3A_1229 = arith.mulf %get3A_1226, %mul3A_1228 : vector<16xf32>
        %add3A_1230 = arith.constant 32 : i32
        %add3A_1231 = arith.addi %mul3A_1158, %add3A_1230 : i32
        %get3A_1232 = arith.index_cast %add3A_1231 : i32 to index
        %get3A_1233 = tpu.vector_load %arg9[%get3A_1232] {strides = array<i32>} : memref<12800xf32, #tpu.memory_space<vmem>>, vector<16xf32>,
        %get3A_1234 = vector.shape_cast %get3A_1233 : vector<16xf32> to vector<16xf32>
        %add3A_1235 = arith.addf %mul3A_1229, %get3A_1234 : vector<16xf32>
        %swap3A_1236 = arith.constant 0 : i32
        %swap3A_1237 = arith.constant 0 : i32
        %swap3A_1238 = tpu.memref_slice %arg11[%scan3A_17, %swap3A_1236, %swap3A_1237] : memref<2x128x64xf32, #tpu.memory_space<vmem>> -> memref<1x128x64xf32, #tpu.memory_space<vmem>>
        %swap3A_1239 = tpu.memref_squeeze %swap3A_1238 : memref<1x128x64xf32, #tpu.memory_space<vmem>> -> memref<128x64xf32, #tpu.memory_space<vmem>>
        %swap3A_1240 = arith.index_cast %add3A_1150 : i32 to index
        %swap3A_1241 = arith.constant 32 : index
        %swap3A_1242 = tpu.vector_load %swap3A_1239[%swap3A_1240, %swap3A_1241] {strides = array<i32>} : memref<128x64xf32, #tpu.memory_space<vmem>>, vector<1x16xf32>,
        %swap3A_1243 = vector.shape_cast %swap3A_1242 : vector<1x16xf32> to vector<16xf32>
        %swap3A_1244 = vector.shape_cast %add3A_1235 : vector<16xf32> to vector<1x16xf32>
        tpu.vector_store %swap3A_1239[%swap3A_1240, %swap3A_1241], %swap3A_1244 {strides = array<i32>} : memref<128x64xf32, #tpu.memory_space<vmem>>, vector<1x16xf32>,
        %add3A_1245 = arith.constant 48 : i32
        %add3A_1246 = arith.addi %squeeze3A_1160, %add3A_1245 : i32
        %get3A_1247 = arith.constant 0 : i32
        %get3A_1248 = arith.constant 0 : i32
        %get3A_1249 = tpu.memref_slice %arg10[%scan3A_14, %get3A_1247, %get3A_1248] : memref<2x128x128xf32, #tpu.memory_space<vmem>> -> memref<1x128x128xf32, #tpu.memory_space<vmem>>
        %get3A_1250 = tpu.memref_squeeze %get3A_1249 : memref<1x128x128xf32, #tpu.memory_space<vmem>> -> memref<128x128xf32, #tpu.memory_space<vmem>>
        %get3A_1251 = arith.index_cast %add3A_1150 : i32 to index
        %get3A_1252 = arith.index_cast %add3A_1246 : i32 to index
        %get3A_1253 = tpu.vector_load %get3A_1250[%get3A_1251, %get3A_1252] {strides = array<i32>} : memref<128x128xf32, #tpu.memory_space<vmem>>, vector<1x16xf32>,
        %get3A_1254 = vector.shape_cast %get3A_1253 : vector<1x16xf32> to vector<16xf32>
        %mul3A_1255 = arith.constant 8.000000e+00 : f32
        %mul3A_1256 = vector.broadcast %mul3A_1255 : f32 to vector<16xf32>
        %mul3A_1257 = arith.mulf %get3A_1254, %mul3A_1256 : vector<16xf32>
        %add3A_1258 = arith.constant 48 : i32
        %add3A_1259 = arith.addi %mul3A_1158, %add3A_1258 : i32
        %get3A_1260 = arith.index_cast %add3A_1259 : i32 to index
        %get3A_1261 = tpu.vector_load %arg9[%get3A_1260] {strides = array<i32>} : memref<12800xf32, #tpu.memory_space<vmem>>, vector<16xf32>,
        %get3A_1262 = vector.shape_cast %get3A_1261 : vector<16xf32> to vector<16xf32>
        %add3A_1263 = arith.addf %mul3A_1257, %get3A_1262 : vector<16xf32>
        %swap3A_1264 = arith.constant 0 : i32
        %swap3A_1265 = arith.constant 0 : i32
        %swap3A_1266 = tpu.memref_slice %arg11[%scan3A_17, %swap3A_1264, %swap3A_1265] : memref<2x128x64xf32, #tpu.memory_space<vmem>> -> memref<1x128x64xf32, #tpu.memory_space<vmem>>
        %swap3A_1267 = tpu.memref_squeeze %swap3A_1266 : memref<1x128x64xf32, #tpu.memory_space<vmem>> -> memref<128x64xf32, #tpu.memory_space<vmem>>
        %swap3A_1268 = arith.index_cast %add3A_1150 : i32 to index
        %swap3A_1269 = arith.constant 48 : index
        %swap3A_1270 = tpu.vector_load %swap3A_1267[%swap3A_1268, %swap3A_1269] {strides = array<i32>} : memref<128x64xf32, #tpu.memory_space<vmem>>, vector<1x16xf32>,
        %swap3A_1271 = vector.shape_cast %swap3A_1270 : vector<1x16xf32> to vector<16xf32>
        %swap3A_1272 = vector.shape_cast %add3A_1263 : vector<16xf32> to vector<1x16xf32>
        tpu.vector_store %swap3A_1267[%swap3A_1268, %swap3A_1269], %swap3A_1272 {strides = array<i32>} : memref<128x64xf32, #tpu.memory_space<vmem>>, vector<1x16xf32>,
        %add3A_1273 = arith.constant 9 : i32
        %add3A_1274 = arith.addi %mul3A_158, %add3A_1273 : i32
        %add3A_1275 = arith.addi %rem3A_134, %add3A_1274 : i32
        %ge3A_1276 = arith.constant 200 : i32
        %ge3A_1277 = arith.cmpi sge, %add3A_1275, %ge3A_1276 : i32
        %sub3A_1278 = arith.constant 200 : i32
        %sub3A_1279 = arith.subi %add3A_1275, %sub3A_1278 : i32
        %select_n3A_1280 = arith.select %ge3A_1277, %sub3A_1279, %add3A_1275 : i32
        %mul3A_1281 = arith.constant 64 : i32
        %mul3A_1282 = arith.muli %select_n3A_1280, %mul3A_1281 : i32
        %slice3A_1283 = vector.extract_strided_slice %get3A_161 {offsets = [9], sizes = [1], strides = [1]} : vector<16xi32> to vector<1xi32>
        %squeeze3A_1284 = vector.extract %slice3A_1283[0] : i32 from vector<1xi32>
        %add3A_1285 = arith.constant 0 : i32
        %add3A_1286 = arith.addi %squeeze3A_1284, %add3A_1285 : i32
        %get3A_1287 = arith.constant 0 : i32
        %get3A_1288 = arith.constant 0 : i32
        %get3A_1289 = tpu.memref_slice %arg10[%scan3A_14, %get3A_1287, %get3A_1288] : memref<2x128x128xf32, #tpu.memory_space<vmem>> -> memref<1x128x128xf32, #tpu.memory_space<vmem>>
        %get3A_1290 = tpu.memref_squeeze %get3A_1289 : memref<1x128x128xf32, #tpu.memory_space<vmem>> -> memref<128x128xf32, #tpu.memory_space<vmem>>
        %get3A_1291 = arith.index_cast %add3A_1274 : i32 to index
        %get3A_1292 = arith.index_cast %add3A_1286 : i32 to index
        %get3A_1293 = tpu.vector_load %get3A_1290[%get3A_1291, %get3A_1292] {strides = array<i32>} : memref<128x128xf32, #tpu.memory_space<vmem>>, vector<1x16xf32>,
        %get3A_1294 = vector.shape_cast %get3A_1293 : vector<1x16xf32> to vector<16xf32>
        %mul3A_1295 = arith.constant 8.000000e+00 : f32
        %mul3A_1296 = vector.broadcast %mul3A_1295 : f32 to vector<16xf32>
        %mul3A_1297 = arith.mulf %get3A_1294, %mul3A_1296 : vector<16xf32>
        %add3A_1298 = arith.constant 0 : i32
        %add3A_1299 = arith.addi %mul3A_1282, %add3A_1298 : i32
        %get3A_1300 = arith.index_cast %add3A_1299 : i32 to index
        %get3A_1301 = tpu.vector_load %arg9[%get3A_1300] {strides = array<i32>} : memref<12800xf32, #tpu.memory_space<vmem>>, vector<16xf32>,
        %get3A_1302 = vector.shape_cast %get3A_1301 : vector<16xf32> to vector<16xf32>
        %add3A_1303 = arith.addf %mul3A_1297, %get3A_1302 : vector<16xf32>
        %swap3A_1304 = arith.constant 0 : i32
        %swap3A_1305 = arith.constant 0 : i32
        %swap3A_1306 = tpu.memref_slice %arg11[%scan3A_17, %swap3A_1304, %swap3A_1305] : memref<2x128x64xf32, #tpu.memory_space<vmem>> -> memref<1x128x64xf32, #tpu.memory_space<vmem>>
        %swap3A_1307 = tpu.memref_squeeze %swap3A_1306 : memref<1x128x64xf32, #tpu.memory_space<vmem>> -> memref<128x64xf32, #tpu.memory_space<vmem>>
        %swap3A_1308 = arith.index_cast %add3A_1274 : i32 to index
        %swap3A_1309 = arith.constant 0 : index
        %swap3A_1310 = tpu.vector_load %swap3A_1307[%swap3A_1308, %swap3A_1309] {strides = array<i32>} : memref<128x64xf32, #tpu.memory_space<vmem>>, vector<1x16xf32>,
        %swap3A_1311 = vector.shape_cast %swap3A_1310 : vector<1x16xf32> to vector<16xf32>
        %swap3A_1312 = vector.shape_cast %add3A_1303 : vector<16xf32> to vector<1x16xf32>
        tpu.vector_store %swap3A_1307[%swap3A_1308, %swap3A_1309], %swap3A_1312 {strides = array<i32>} : memref<128x64xf32, #tpu.memory_space<vmem>>, vector<1x16xf32>,
        %add3A_1313 = arith.constant 16 : i32
        %add3A_1314 = arith.addi %squeeze3A_1284, %add3A_1313 : i32
        %get3A_1315 = arith.constant 0 : i32
        %get3A_1316 = arith.constant 0 : i32
        %get3A_1317 = tpu.memref_slice %arg10[%scan3A_14, %get3A_1315, %get3A_1316] : memref<2x128x128xf32, #tpu.memory_space<vmem>> -> memref<1x128x128xf32, #tpu.memory_space<vmem>>
        %get3A_1318 = tpu.memref_squeeze %get3A_1317 : memref<1x128x128xf32, #tpu.memory_space<vmem>> -> memref<128x128xf32, #tpu.memory_space<vmem>>
        %get3A_1319 = arith.index_cast %add3A_1274 : i32 to index
        %get3A_1320 = arith.index_cast %add3A_1314 : i32 to index
        %get3A_1321 = tpu.vector_load %get3A_1318[%get3A_1319, %get3A_1320] {strides = array<i32>} : memref<128x128xf32, #tpu.memory_space<vmem>>, vector<1x16xf32>,
        %get3A_1322 = vector.shape_cast %get3A_1321 : vector<1x16xf32> to vector<16xf32>
        %mul3A_1323 = arith.constant 8.000000e+00 : f32
        %mul3A_1324 = vector.broadcast %mul3A_1323 : f32 to vector<16xf32>
        %mul3A_1325 = arith.mulf %get3A_1322, %mul3A_1324 : vector<16xf32>
        %add3A_1326 = arith.constant 16 : i32
        %add3A_1327 = arith.addi %mul3A_1282, %add3A_1326 : i32
        %get3A_1328 = arith.index_cast %add3A_1327 : i32 to index
        %get3A_1329 = tpu.vector_load %arg9[%get3A_1328] {strides = array<i32>} : memref<12800xf32, #tpu.memory_space<vmem>>, vector<16xf32>,
        %get3A_1330 = vector.shape_cast %get3A_1329 : vector<16xf32> to vector<16xf32>
        %add3A_1331 = arith.addf %mul3A_1325, %get3A_1330 : vector<16xf32>
        %swap3A_1332 = arith.constant 0 : i32
        %swap3A_1333 = arith.constant 0 : i32
        %swap3A_1334 = tpu.memref_slice %arg11[%scan3A_17, %swap3A_1332, %swap3A_1333] : memref<2x128x64xf32, #tpu.memory_space<vmem>> -> memref<1x128x64xf32, #tpu.memory_space<vmem>>
        %swap3A_1335 = tpu.memref_squeeze %swap3A_1334 : memref<1x128x64xf32, #tpu.memory_space<vmem>> -> memref<128x64xf32, #tpu.memory_space<vmem>>
        %swap3A_1336 = arith.index_cast %add3A_1274 : i32 to index
        %swap3A_1337 = arith.constant 16 : index
        %swap3A_1338 = tpu.vector_load %swap3A_1335[%swap3A_1336, %swap3A_1337] {strides = array<i32>} : memref<128x64xf32, #tpu.memory_space<vmem>>, vector<1x16xf32>,
        %swap3A_1339 = vector.shape_cast %swap3A_1338 : vector<1x16xf32> to vector<16xf32>
        %swap3A_1340 = vector.shape_cast %add3A_1331 : vector<16xf32> to vector<1x16xf32>
        tpu.vector_store %swap3A_1335[%swap3A_1336, %swap3A_1337], %swap3A_1340 {strides = array<i32>} : memref<128x64xf32, #tpu.memory_space<vmem>>, vector<1x16xf32>,
        %add3A_1341 = arith.constant 32 : i32
        %add3A_1342 = arith.addi %squeeze3A_1284, %add3A_1341 : i32
        %get3A_1343 = arith.constant 0 : i32
        %get3A_1344 = arith.constant 0 : i32
        %get3A_1345 = tpu.memref_slice %arg10[%scan3A_14, %get3A_1343, %get3A_1344] : memref<2x128x128xf32, #tpu.memory_space<vmem>> -> memref<1x128x128xf32, #tpu.memory_space<vmem>>
        %get3A_1346 = tpu.memref_squeeze %get3A_1345 : memref<1x128x128xf32, #tpu.memory_space<vmem>> -> memref<128x128xf32, #tpu.memory_space<vmem>>
        %get3A_1347 = arith.index_cast %add3A_1274 : i32 to index
        %get3A_1348 = arith.index_cast %add3A_1342 : i32 to index
        %get3A_1349 = tpu.vector_load %get3A_1346[%get3A_1347, %get3A_1348] {strides = array<i32>} : memref<128x128xf32, #tpu.memory_space<vmem>>, vector<1x16xf32>,
        %get3A_1350 = vector.shape_cast %get3A_1349 : vector<1x16xf32> to vector<16xf32>
        %mul3A_1351 = arith.constant 8.000000e+00 : f32
        %mul3A_1352 = vector.broadcast %mul3A_1351 : f32 to vector<16xf32>
        %mul3A_1353 = arith.mulf %get3A_1350, %mul3A_1352 : vector<16xf32>
        %add3A_1354 = arith.constant 32 : i32
        %add3A_1355 = arith.addi %mul3A_1282, %add3A_1354 : i32
        %get3A_1356 = arith.index_cast %add3A_1355 : i32 to index
        %get3A_1357 = tpu.vector_load %arg9[%get3A_1356] {strides = array<i32>} : memref<12800xf32, #tpu.memory_space<vmem>>, vector<16xf32>,
        %get3A_1358 = vector.shape_cast %get3A_1357 : vector<16xf32> to vector<16xf32>
        %add3A_1359 = arith.addf %mul3A_1353, %get3A_1358 : vector<16xf32>
        %swap3A_1360 = arith.constant 0 : i32
        %swap3A_1361 = arith.constant 0 : i32
        %swap3A_1362 = tpu.memref_slice %arg11[%scan3A_17, %swap3A_1360, %swap3A_1361] : memref<2x128x64xf32, #tpu.memory_space<vmem>> -> memref<1x128x64xf32, #tpu.memory_space<vmem>>
        %swap3A_1363 = tpu.memref_squeeze %swap3A_1362 : memref<1x128x64xf32, #tpu.memory_space<vmem>> -> memref<128x64xf32, #tpu.memory_space<vmem>>
        %swap3A_1364 = arith.index_cast %add3A_1274 : i32 to index
        %swap3A_1365 = arith.constant 32 : index
        %swap3A_1366 = tpu.vector_load %swap3A_1363[%swap3A_1364, %swap3A_1365] {strides = array<i32>} : memref<128x64xf32, #tpu.memory_space<vmem>>, vector<1x16xf32>,
        %swap3A_1367 = vector.shape_cast %swap3A_1366 : vector<1x16xf32> to vector<16xf32>
        %swap3A_1368 = vector.shape_cast %add3A_1359 : vector<16xf32> to vector<1x16xf32>
        tpu.vector_store %swap3A_1363[%swap3A_1364, %swap3A_1365], %swap3A_1368 {strides = array<i32>} : memref<128x64xf32, #tpu.memory_space<vmem>>, vector<1x16xf32>,
        %add3A_1369 = arith.constant 48 : i32
        %add3A_1370 = arith.addi %squeeze3A_1284, %add3A_1369 : i32
        %get3A_1371 = arith.constant 0 : i32
        %get3A_1372 = arith.constant 0 : i32
        %get3A_1373 = tpu.memref_slice %arg10[%scan3A_14, %get3A_1371, %get3A_1372] : memref<2x128x128xf32, #tpu.memory_space<vmem>> -> memref<1x128x128xf32, #tpu.memory_space<vmem>>
        %get3A_1374 = tpu.memref_squeeze %get3A_1373 : memref<1x128x128xf32, #tpu.memory_space<vmem>> -> memref<128x128xf32, #tpu.memory_space<vmem>>
        %get3A_1375 = arith.index_cast %add3A_1274 : i32 to index
        %get3A_1376 = arith.index_cast %add3A_1370 : i32 to index
        %get3A_1377 = tpu.vector_load %get3A_1374[%get3A_1375, %get3A_1376] {strides = array<i32>} : memref<128x128xf32, #tpu.memory_space<vmem>>, vector<1x16xf32>,
        %get3A_1378 = vector.shape_cast %get3A_1377 : vector<1x16xf32> to vector<16xf32>
        %mul3A_1379 = arith.constant 8.000000e+00 : f32
        %mul3A_1380 = vector.broadcast %mul3A_1379 : f32 to vector<16xf32>
        %mul3A_1381 = arith.mulf %get3A_1378, %mul3A_1380 : vector<16xf32>
        %add3A_1382 = arith.constant 48 : i32
        %add3A_1383 = arith.addi %mul3A_1282, %add3A_1382 : i32
        %get3A_1384 = arith.index_cast %add3A_1383 : i32 to index
        %get3A_1385 = tpu.vector_load %arg9[%get3A_1384] {strides = array<i32>} : memref<12800xf32, #tpu.memory_space<vmem>>, vector<16xf32>,
        %get3A_1386 = vector.shape_cast %get3A_1385 : vector<16xf32> to vector<16xf32>
        %add3A_1387 = arith.addf %mul3A_1381, %get3A_1386 : vector<16xf32>
        %swap3A_1388 = arith.constant 0 : i32
        %swap3A_1389 = arith.constant 0 : i32
        %swap3A_1390 = tpu.memref_slice %arg11[%scan3A_17, %swap3A_1388, %swap3A_1389] : memref<2x128x64xf32, #tpu.memory_space<vmem>> -> memref<1x128x64xf32, #tpu.memory_space<vmem>>
        %swap3A_1391 = tpu.memref_squeeze %swap3A_1390 : memref<1x128x64xf32, #tpu.memory_space<vmem>> -> memref<128x64xf32, #tpu.memory_space<vmem>>
        %swap3A_1392 = arith.index_cast %add3A_1274 : i32 to index
        %swap3A_1393 = arith.constant 48 : index
        %swap3A_1394 = tpu.vector_load %swap3A_1391[%swap3A_1392, %swap3A_1393] {strides = array<i32>} : memref<128x64xf32, #tpu.memory_space<vmem>>, vector<1x16xf32>,
        %swap3A_1395 = vector.shape_cast %swap3A_1394 : vector<1x16xf32> to vector<16xf32>
        %swap3A_1396 = vector.shape_cast %add3A_1387 : vector<16xf32> to vector<1x16xf32>
        tpu.vector_store %swap3A_1391[%swap3A_1392, %swap3A_1393], %swap3A_1396 {strides = array<i32>} : memref<128x64xf32, #tpu.memory_space<vmem>>, vector<1x16xf32>,
        %add3A_1397 = arith.constant 10 : i32
        %add3A_1398 = arith.addi %mul3A_158, %add3A_1397 : i32
        %add3A_1399 = arith.addi %rem3A_134, %add3A_1398 : i32
        %ge3A_1400 = arith.constant 200 : i32
        %ge3A_1401 = arith.cmpi sge, %add3A_1399, %ge3A_1400 : i32
        %sub3A_1402 = arith.constant 200 : i32
        %sub3A_1403 = arith.subi %add3A_1399, %sub3A_1402 : i32
        %select_n3A_1404 = arith.select %ge3A_1401, %sub3A_1403, %add3A_1399 : i32
        %mul3A_1405 = arith.constant 64 : i32
        %mul3A_1406 = arith.muli %select_n3A_1404, %mul3A_1405 : i32
        %slice3A_1407 = vector.extract_strided_slice %get3A_161 {offsets = [10], sizes = [1], strides = [1]} : vector<16xi32> to vector<1xi32>
        %squeeze3A_1408 = vector.extract %slice3A_1407[0] : i32 from vector<1xi32>
        %add3A_1409 = arith.constant 0 : i32
        %add3A_1410 = arith.addi %squeeze3A_1408, %add3A_1409 : i32
        %get3A_1411 = arith.constant 0 : i32
        %get3A_1412 = arith.constant 0 : i32
        %get3A_1413 = tpu.memref_slice %arg10[%scan3A_14, %get3A_1411, %get3A_1412] : memref<2x128x128xf32, #tpu.memory_space<vmem>> -> memref<1x128x128xf32, #tpu.memory_space<vmem>>
        %get3A_1414 = tpu.memref_squeeze %get3A_1413 : memref<1x128x128xf32, #tpu.memory_space<vmem>> -> memref<128x128xf32, #tpu.memory_space<vmem>>
        %get3A_1415 = arith.index_cast %add3A_1398 : i32 to index
        %get3A_1416 = arith.index_cast %add3A_1410 : i32 to index
        %get3A_1417 = tpu.vector_load %get3A_1414[%get3A_1415, %get3A_1416] {strides = array<i32>} : memref<128x128xf32, #tpu.memory_space<vmem>>, vector<1x16xf32>,
        %get3A_1418 = vector.shape_cast %get3A_1417 : vector<1x16xf32> to vector<16xf32>
        %mul3A_1419 = arith.constant 8.000000e+00 : f32
        %mul3A_1420 = vector.broadcast %mul3A_1419 : f32 to vector<16xf32>
        %mul3A_1421 = arith.mulf %get3A_1418, %mul3A_1420 : vector<16xf32>
        %add3A_1422 = arith.constant 0 : i32
        %add3A_1423 = arith.addi %mul3A_1406, %add3A_1422 : i32
        %get3A_1424 = arith.index_cast %add3A_1423 : i32 to index
        %get3A_1425 = tpu.vector_load %arg9[%get3A_1424] {strides = array<i32>} : memref<12800xf32, #tpu.memory_space<vmem>>, vector<16xf32>,
        %get3A_1426 = vector.shape_cast %get3A_1425 : vector<16xf32> to vector<16xf32>
        %add3A_1427 = arith.addf %mul3A_1421, %get3A_1426 : vector<16xf32>
        %swap3A_1428 = arith.constant 0 : i32
        %swap3A_1429 = arith.constant 0 : i32
        %swap3A_1430 = tpu.memref_slice %arg11[%scan3A_17, %swap3A_1428, %swap3A_1429] : memref<2x128x64xf32, #tpu.memory_space<vmem>> -> memref<1x128x64xf32, #tpu.memory_space<vmem>>
        %swap3A_1431 = tpu.memref_squeeze %swap3A_1430 : memref<1x128x64xf32, #tpu.memory_space<vmem>> -> memref<128x64xf32, #tpu.memory_space<vmem>>
        %swap3A_1432 = arith.index_cast %add3A_1398 : i32 to index
        %swap3A_1433 = arith.constant 0 : index
        %swap3A_1434 = tpu.vector_load %swap3A_1431[%swap3A_1432, %swap3A_1433] {strides = array<i32>} : memref<128x64xf32, #tpu.memory_space<vmem>>, vector<1x16xf32>,
        %swap3A_1435 = vector.shape_cast %swap3A_1434 : vector<1x16xf32> to vector<16xf32>
        %swap3A_1436 = vector.shape_cast %add3A_1427 : vector<16xf32> to vector<1x16xf32>
        tpu.vector_store %swap3A_1431[%swap3A_1432, %swap3A_1433], %swap3A_1436 {strides = array<i32>} : memref<128x64xf32, #tpu.memory_space<vmem>>, vector<1x16xf32>,
        %add3A_1437 = arith.constant 16 : i32
        %add3A_1438 = arith.addi %squeeze3A_1408, %add3A_1437 : i32
        %get3A_1439 = arith.constant 0 : i32
        %get3A_1440 = arith.constant 0 : i32
        %get3A_1441 = tpu.memref_slice %arg10[%scan3A_14, %get3A_1439, %get3A_1440] : memref<2x128x128xf32, #tpu.memory_space<vmem>> -> memref<1x128x128xf32, #tpu.memory_space<vmem>>
        %get3A_1442 = tpu.memref_squeeze %get3A_1441 : memref<1x128x128xf32, #tpu.memory_space<vmem>> -> memref<128x128xf32, #tpu.memory_space<vmem>>
        %get3A_1443 = arith.index_cast %add3A_1398 : i32 to index
        %get3A_1444 = arith.index_cast %add3A_1438 : i32 to index
        %get3A_1445 = tpu.vector_load %get3A_1442[%get3A_1443, %get3A_1444] {strides = array<i32>} : memref<128x128xf32, #tpu.memory_space<vmem>>, vector<1x16xf32>,
        %get3A_1446 = vector.shape_cast %get3A_1445 : vector<1x16xf32> to vector<16xf32>
        %mul3A_1447 = arith.constant 8.000000e+00 : f32
        %mul3A_1448 = vector.broadcast %mul3A_1447 : f32 to vector<16xf32>
        %mul3A_1449 = arith.mulf %get3A_1446, %mul3A_1448 : vector<16xf32>
        %add3A_1450 = arith.constant 16 : i32
        %add3A_1451 = arith.addi %mul3A_1406, %add3A_1450 : i32
        %get3A_1452 = arith.index_cast %add3A_1451 : i32 to index
        %get3A_1453 = tpu.vector_load %arg9[%get3A_1452] {strides = array<i32>} : memref<12800xf32, #tpu.memory_space<vmem>>, vector<16xf32>,
        %get3A_1454 = vector.shape_cast %get3A_1453 : vector<16xf32> to vector<16xf32>
        %add3A_1455 = arith.addf %mul3A_1449, %get3A_1454 : vector<16xf32>
        %swap3A_1456 = arith.constant 0 : i32
        %swap3A_1457 = arith.constant 0 : i32
        %swap3A_1458 = tpu.memref_slice %arg11[%scan3A_17, %swap3A_1456, %swap3A_1457] : memref<2x128x64xf32, #tpu.memory_space<vmem>> -> memref<1x128x64xf32, #tpu.memory_space<vmem>>
        %swap3A_1459 = tpu.memref_squeeze %swap3A_1458 : memref<1x128x64xf32, #tpu.memory_space<vmem>> -> memref<128x64xf32, #tpu.memory_space<vmem>>
        %swap3A_1460 = arith.index_cast %add3A_1398 : i32 to index
        %swap3A_1461 = arith.constant 16 : index
        %swap3A_1462 = tpu.vector_load %swap3A_1459[%swap3A_1460, %swap3A_1461] {strides = array<i32>} : memref<128x64xf32, #tpu.memory_space<vmem>>, vector<1x16xf32>,
        %swap3A_1463 = vector.shape_cast %swap3A_1462 : vector<1x16xf32> to vector<16xf32>
        %swap3A_1464 = vector.shape_cast %add3A_1455 : vector<16xf32> to vector<1x16xf32>
        tpu.vector_store %swap3A_1459[%swap3A_1460, %swap3A_1461], %swap3A_1464 {strides = array<i32>} : memref<128x64xf32, #tpu.memory_space<vmem>>, vector<1x16xf32>,
        %add3A_1465 = arith.constant 32 : i32
        %add3A_1466 = arith.addi %squeeze3A_1408, %add3A_1465 : i32
        %get3A_1467 = arith.constant 0 : i32
        %get3A_1468 = arith.constant 0 : i32
        %get3A_1469 = tpu.memref_slice %arg10[%scan3A_14, %get3A_1467, %get3A_1468] : memref<2x128x128xf32, #tpu.memory_space<vmem>> -> memref<1x128x128xf32, #tpu.memory_space<vmem>>
        %get3A_1470 = tpu.memref_squeeze %get3A_1469 : memref<1x128x128xf32, #tpu.memory_space<vmem>> -> memref<128x128xf32, #tpu.memory_space<vmem>>
        %get3A_1471 = arith.index_cast %add3A_1398 : i32 to index
        %get3A_1472 = arith.index_cast %add3A_1466 : i32 to index
        %get3A_1473 = tpu.vector_load %get3A_1470[%get3A_1471, %get3A_1472] {strides = array<i32>} : memref<128x128xf32, #tpu.memory_space<vmem>>, vector<1x16xf32>,
        %get3A_1474 = vector.shape_cast %get3A_1473 : vector<1x16xf32> to vector<16xf32>
        %mul3A_1475 = arith.constant 8.000000e+00 : f32
        %mul3A_1476 = vector.broadcast %mul3A_1475 : f32 to vector<16xf32>
        %mul3A_1477 = arith.mulf %get3A_1474, %mul3A_1476 : vector<16xf32>
        %add3A_1478 = arith.constant 32 : i32
        %add3A_1479 = arith.addi %mul3A_1406, %add3A_1478 : i32
        %get3A_1480 = arith.index_cast %add3A_1479 : i32 to index
        %get3A_1481 = tpu.vector_load %arg9[%get3A_1480] {strides = array<i32>} : memref<12800xf32, #tpu.memory_space<vmem>>, vector<16xf32>,
        %get3A_1482 = vector.shape_cast %get3A_1481 : vector<16xf32> to vector<16xf32>
        %add3A_1483 = arith.addf %mul3A_1477, %get3A_1482 : vector<16xf32>
        %swap3A_1484 = arith.constant 0 : i32
        %swap3A_1485 = arith.constant 0 : i32
        %swap3A_1486 = tpu.memref_slice %arg11[%scan3A_17, %swap3A_1484, %swap3A_1485] : memref<2x128x64xf32, #tpu.memory_space<vmem>> -> memref<1x128x64xf32, #tpu.memory_space<vmem>>
        %swap3A_1487 = tpu.memref_squeeze %swap3A_1486 : memref<1x128x64xf32, #tpu.memory_space<vmem>> -> memref<128x64xf32, #tpu.memory_space<vmem>>
        %swap3A_1488 = arith.index_cast %add3A_1398 : i32 to index
        %swap3A_1489 = arith.constant 32 : index
        %swap3A_1490 = tpu.vector_load %swap3A_1487[%swap3A_1488, %swap3A_1489] {strides = array<i32>} : memref<128x64xf32, #tpu.memory_space<vmem>>, vector<1x16xf32>,
        %swap3A_1491 = vector.shape_cast %swap3A_1490 : vector<1x16xf32> to vector<16xf32>
        %swap3A_1492 = vector.shape_cast %add3A_1483 : vector<16xf32> to vector<1x16xf32>
        tpu.vector_store %swap3A_1487[%swap3A_1488, %swap3A_1489], %swap3A_1492 {strides = array<i32>} : memref<128x64xf32, #tpu.memory_space<vmem>>, vector<1x16xf32>,
        %add3A_1493 = arith.constant 48 : i32
        %add3A_1494 = arith.addi %squeeze3A_1408, %add3A_1493 : i32
        %get3A_1495 = arith.constant 0 : i32
        %get3A_1496 = arith.constant 0 : i32
        %get3A_1497 = tpu.memref_slice %arg10[%scan3A_14, %get3A_1495, %get3A_1496] : memref<2x128x128xf32, #tpu.memory_space<vmem>> -> memref<1x128x128xf32, #tpu.memory_space<vmem>>
        %get3A_1498 = tpu.memref_squeeze %get3A_1497 : memref<1x128x128xf32, #tpu.memory_space<vmem>> -> memref<128x128xf32, #tpu.memory_space<vmem>>
        %get3A_1499 = arith.index_cast %add3A_1398 : i32 to index
        %get3A_1500 = arith.index_cast %add3A_1494 : i32 to index
        %get3A_1501 = tpu.vector_load %get3A_1498[%get3A_1499, %get3A_1500] {strides = array<i32>} : memref<128x128xf32, #tpu.memory_space<vmem>>, vector<1x16xf32>,
        %get3A_1502 = vector.shape_cast %get3A_1501 : vector<1x16xf32> to vector<16xf32>
        %mul3A_1503 = arith.constant 8.000000e+00 : f32
        %mul3A_1504 = vector.broadcast %mul3A_1503 : f32 to vector<16xf32>
        %mul3A_1505 = arith.mulf %get3A_1502, %mul3A_1504 : vector<16xf32>
        %add3A_1506 = arith.constant 48 : i32
        %add3A_1507 = arith.addi %mul3A_1406, %add3A_1506 : i32
        %get3A_1508 = arith.index_cast %add3A_1507 : i32 to index
        %get3A_1509 = tpu.vector_load %arg9[%get3A_1508] {strides = array<i32>} : memref<12800xf32, #tpu.memory_space<vmem>>, vector<16xf32>,
        %get3A_1510 = vector.shape_cast %get3A_1509 : vector<16xf32> to vector<16xf32>
        %add3A_1511 = arith.addf %mul3A_1505, %get3A_1510 : vector<16xf32>
        %swap3A_1512 = arith.constant 0 : i32
        %swap3A_1513 = arith.constant 0 : i32
        %swap3A_1514 = tpu.memref_slice %arg11[%scan3A_17, %swap3A_1512, %swap3A_1513] : memref<2x128x64xf32, #tpu.memory_space<vmem>> -> memref<1x128x64xf32, #tpu.memory_space<vmem>>
        %swap3A_1515 = tpu.memref_squeeze %swap3A_1514 : memref<1x128x64xf32, #tpu.memory_space<vmem>> -> memref<128x64xf32, #tpu.memory_space<vmem>>
        %swap3A_1516 = arith.index_cast %add3A_1398 : i32 to index
        %swap3A_1517 = arith.constant 48 : index
        %swap3A_1518 = tpu.vector_load %swap3A_1515[%swap3A_1516, %swap3A_1517] {strides = array<i32>} : memref<128x64xf32, #tpu.memory_space<vmem>>, vector<1x16xf32>,
        %swap3A_1519 = vector.shape_cast %swap3A_1518 : vector<1x16xf32> to vector<16xf32>
        %swap3A_1520 = vector.shape_cast %add3A_1511 : vector<16xf32> to vector<1x16xf32>
        tpu.vector_store %swap3A_1515[%swap3A_1516, %swap3A_1517], %swap3A_1520 {strides = array<i32>} : memref<128x64xf32, #tpu.memory_space<vmem>>, vector<1x16xf32>,
        %add3A_1521 = arith.constant 11 : i32
        %add3A_1522 = arith.addi %mul3A_158, %add3A_1521 : i32
        %add3A_1523 = arith.addi %rem3A_134, %add3A_1522 : i32
        %ge3A_1524 = arith.constant 200 : i32
        %ge3A_1525 = arith.cmpi sge, %add3A_1523, %ge3A_1524 : i32
        %sub3A_1526 = arith.constant 200 : i32
        %sub3A_1527 = arith.subi %add3A_1523, %sub3A_1526 : i32
        %select_n3A_1528 = arith.select %ge3A_1525, %sub3A_1527, %add3A_1523 : i32
        %mul3A_1529 = arith.constant 64 : i32
        %mul3A_1530 = arith.muli %select_n3A_1528, %mul3A_1529 : i32
        %slice3A_1531 = vector.extract_strided_slice %get3A_161 {offsets = [11], sizes = [1], strides = [1]} : vector<16xi32> to vector<1xi32>
        %squeeze3A_1532 = vector.extract %slice3A_1531[0] : i32 from vector<1xi32>
        %add3A_1533 = arith.constant 0 : i32
        %add3A_1534 = arith.addi %squeeze3A_1532, %add3A_1533 : i32
        %get3A_1535 = arith.constant 0 : i32
        %get3A_1536 = arith.constant 0 : i32
        %get3A_1537 = tpu.memref_slice %arg10[%scan3A_14, %get3A_1535, %get3A_1536] : memref<2x128x128xf32, #tpu.memory_space<vmem>> -> memref<1x128x128xf32, #tpu.memory_space<vmem>>
        %get3A_1538 = tpu.memref_squeeze %get3A_1537 : memref<1x128x128xf32, #tpu.memory_space<vmem>> -> memref<128x128xf32, #tpu.memory_space<vmem>>
        %get3A_1539 = arith.index_cast %add3A_1522 : i32 to index
        %get3A_1540 = arith.index_cast %add3A_1534 : i32 to index
        %get3A_1541 = tpu.vector_load %get3A_1538[%get3A_1539, %get3A_1540] {strides = array<i32>} : memref<128x128xf32, #tpu.memory_space<vmem>>, vector<1x16xf32>,
        %get3A_1542 = vector.shape_cast %get3A_1541 : vector<1x16xf32> to vector<16xf32>
        %mul3A_1543 = arith.constant 8.000000e+00 : f32
        %mul3A_1544 = vector.broadcast %mul3A_1543 : f32 to vector<16xf32>
        %mul3A_1545 = arith.mulf %get3A_1542, %mul3A_1544 : vector<16xf32>
        %add3A_1546 = arith.constant 0 : i32
        %add3A_1547 = arith.addi %mul3A_1530, %add3A_1546 : i32
        %get3A_1548 = arith.index_cast %add3A_1547 : i32 to index
        %get3A_1549 = tpu.vector_load %arg9[%get3A_1548] {strides = array<i32>} : memref<12800xf32, #tpu.memory_space<vmem>>, vector<16xf32>,
        %get3A_1550 = vector.shape_cast %get3A_1549 : vector<16xf32> to vector<16xf32>
        %add3A_1551 = arith.addf %mul3A_1545, %get3A_1550 : vector<16xf32>
        %swap3A_1552 = arith.constant 0 : i32
        %swap3A_1553 = arith.constant 0 : i32
        %swap3A_1554 = tpu.memref_slice %arg11[%scan3A_17, %swap3A_1552, %swap3A_1553] : memref<2x128x64xf32, #tpu.memory_space<vmem>> -> memref<1x128x64xf32, #tpu.memory_space<vmem>>
        %swap3A_1555 = tpu.memref_squeeze %swap3A_1554 : memref<1x128x64xf32, #tpu.memory_space<vmem>> -> memref<128x64xf32, #tpu.memory_space<vmem>>
        %swap3A_1556 = arith.index_cast %add3A_1522 : i32 to index
        %swap3A_1557 = arith.constant 0 : index
        %swap3A_1558 = tpu.vector_load %swap3A_1555[%swap3A_1556, %swap3A_1557] {strides = array<i32>} : memref<128x64xf32, #tpu.memory_space<vmem>>, vector<1x16xf32>,
        %swap3A_1559 = vector.shape_cast %swap3A_1558 : vector<1x16xf32> to vector<16xf32>
        %swap3A_1560 = vector.shape_cast %add3A_1551 : vector<16xf32> to vector<1x16xf32>
        tpu.vector_store %swap3A_1555[%swap3A_1556, %swap3A_1557], %swap3A_1560 {strides = array<i32>} : memref<128x64xf32, #tpu.memory_space<vmem>>, vector<1x16xf32>,
        %add3A_1561 = arith.constant 16 : i32
        %add3A_1562 = arith.addi %squeeze3A_1532, %add3A_1561 : i32
        %get3A_1563 = arith.constant 0 : i32
        %get3A_1564 = arith.constant 0 : i32
        %get3A_1565 = tpu.memref_slice %arg10[%scan3A_14, %get3A_1563, %get3A_1564] : memref<2x128x128xf32, #tpu.memory_space<vmem>> -> memref<1x128x128xf32, #tpu.memory_space<vmem>>
        %get3A_1566 = tpu.memref_squeeze %get3A_1565 : memref<1x128x128xf32, #tpu.memory_space<vmem>> -> memref<128x128xf32, #tpu.memory_space<vmem>>
        %get3A_1567 = arith.index_cast %add3A_1522 : i32 to index
        %get3A_1568 = arith.index_cast %add3A_1562 : i32 to index
        %get3A_1569 = tpu.vector_load %get3A_1566[%get3A_1567, %get3A_1568] {strides = array<i32>} : memref<128x128xf32, #tpu.memory_space<vmem>>, vector<1x16xf32>,
        %get3A_1570 = vector.shape_cast %get3A_1569 : vector<1x16xf32> to vector<16xf32>
        %mul3A_1571 = arith.constant 8.000000e+00 : f32
        %mul3A_1572 = vector.broadcast %mul3A_1571 : f32 to vector<16xf32>
        %mul3A_1573 = arith.mulf %get3A_1570, %mul3A_1572 : vector<16xf32>
        %add3A_1574 = arith.constant 16 : i32
        %add3A_1575 = arith.addi %mul3A_1530, %add3A_1574 : i32
        %get3A_1576 = arith.index_cast %add3A_1575 : i32 to index
        %get3A_1577 = tpu.vector_load %arg9[%get3A_1576] {strides = array<i32>} : memref<12800xf32, #tpu.memory_space<vmem>>, vector<16xf32>,
        %get3A_1578 = vector.shape_cast %get3A_1577 : vector<16xf32> to vector<16xf32>
        %add3A_1579 = arith.addf %mul3A_1573, %get3A_1578 : vector<16xf32>
        %swap3A_1580 = arith.constant 0 : i32
        %swap3A_1581 = arith.constant 0 : i32
        %swap3A_1582 = tpu.memref_slice %arg11[%scan3A_17, %swap3A_1580, %swap3A_1581] : memref<2x128x64xf32, #tpu.memory_space<vmem>> -> memref<1x128x64xf32, #tpu.memory_space<vmem>>
        %swap3A_1583 = tpu.memref_squeeze %swap3A_1582 : memref<1x128x64xf32, #tpu.memory_space<vmem>> -> memref<128x64xf32, #tpu.memory_space<vmem>>
        %swap3A_1584 = arith.index_cast %add3A_1522 : i32 to index
        %swap3A_1585 = arith.constant 16 : index
        %swap3A_1586 = tpu.vector_load %swap3A_1583[%swap3A_1584, %swap3A_1585] {strides = array<i32>} : memref<128x64xf32, #tpu.memory_space<vmem>>, vector<1x16xf32>,
        %swap3A_1587 = vector.shape_cast %swap3A_1586 : vector<1x16xf32> to vector<16xf32>
        %swap3A_1588 = vector.shape_cast %add3A_1579 : vector<16xf32> to vector<1x16xf32>
        tpu.vector_store %swap3A_1583[%swap3A_1584, %swap3A_1585], %swap3A_1588 {strides = array<i32>} : memref<128x64xf32, #tpu.memory_space<vmem>>, vector<1x16xf32>,
        %add3A_1589 = arith.constant 32 : i32
        %add3A_1590 = arith.addi %squeeze3A_1532, %add3A_1589 : i32
        %get3A_1591 = arith.constant 0 : i32
        %get3A_1592 = arith.constant 0 : i32
        %get3A_1593 = tpu.memref_slice %arg10[%scan3A_14, %get3A_1591, %get3A_1592] : memref<2x128x128xf32, #tpu.memory_space<vmem>> -> memref<1x128x128xf32, #tpu.memory_space<vmem>>
        %get3A_1594 = tpu.memref_squeeze %get3A_1593 : memref<1x128x128xf32, #tpu.memory_space<vmem>> -> memref<128x128xf32, #tpu.memory_space<vmem>>
        %get3A_1595 = arith.index_cast %add3A_1522 : i32 to index
        %get3A_1596 = arith.index_cast %add3A_1590 : i32 to index
        %get3A_1597 = tpu.vector_load %get3A_1594[%get3A_1595, %get3A_1596] {strides = array<i32>} : memref<128x128xf32, #tpu.memory_space<vmem>>, vector<1x16xf32>,
        %get3A_1598 = vector.shape_cast %get3A_1597 : vector<1x16xf32> to vector<16xf32>
        %mul3A_1599 = arith.constant 8.000000e+00 : f32
        %mul3A_1600 = vector.broadcast %mul3A_1599 : f32 to vector<16xf32>
        %mul3A_1601 = arith.mulf %get3A_1598, %mul3A_1600 : vector<16xf32>
        %add3A_1602 = arith.constant 32 : i32
        %add3A_1603 = arith.addi %mul3A_1530, %add3A_1602 : i32
        %get3A_1604 = arith.index_cast %add3A_1603 : i32 to index
        %get3A_1605 = tpu.vector_load %arg9[%get3A_1604] {strides = array<i32>} : memref<12800xf32, #tpu.memory_space<vmem>>, vector<16xf32>,
        %get3A_1606 = vector.shape_cast %get3A_1605 : vector<16xf32> to vector<16xf32>
        %add3A_1607 = arith.addf %mul3A_1601, %get3A_1606 : vector<16xf32>
        %swap3A_1608 = arith.constant 0 : i32
        %swap3A_1609 = arith.constant 0 : i32
        %swap3A_1610 = tpu.memref_slice %arg11[%scan3A_17, %swap3A_1608, %swap3A_1609] : memref<2x128x64xf32, #tpu.memory_space<vmem>> -> memref<1x128x64xf32, #tpu.memory_space<vmem>>
        %swap3A_1611 = tpu.memref_squeeze %swap3A_1610 : memref<1x128x64xf32, #tpu.memory_space<vmem>> -> memref<128x64xf32, #tpu.memory_space<vmem>>
        %swap3A_1612 = arith.index_cast %add3A_1522 : i32 to index
        %swap3A_1613 = arith.constant 32 : index
        %swap3A_1614 = tpu.vector_load %swap3A_1611[%swap3A_1612, %swap3A_1613] {strides = array<i32>} : memref<128x64xf32, #tpu.memory_space<vmem>>, vector<1x16xf32>,
        %swap3A_1615 = vector.shape_cast %swap3A_1614 : vector<1x16xf32> to vector<16xf32>
        %swap3A_1616 = vector.shape_cast %add3A_1607 : vector<16xf32> to vector<1x16xf32>
        tpu.vector_store %swap3A_1611[%swap3A_1612, %swap3A_1613], %swap3A_1616 {strides = array<i32>} : memref<128x64xf32, #tpu.memory_space<vmem>>, vector<1x16xf32>,
        %add3A_1617 = arith.constant 48 : i32
        %add3A_1618 = arith.addi %squeeze3A_1532, %add3A_1617 : i32
        %get3A_1619 = arith.constant 0 : i32
        %get3A_1620 = arith.constant 0 : i32
        %get3A_1621 = tpu.memref_slice %arg10[%scan3A_14, %get3A_1619, %get3A_1620] : memref<2x128x128xf32, #tpu.memory_space<vmem>> -> memref<1x128x128xf32, #tpu.memory_space<vmem>>
        %get3A_1622 = tpu.memref_squeeze %get3A_1621 : memref<1x128x128xf32, #tpu.memory_space<vmem>> -> memref<128x128xf32, #tpu.memory_space<vmem>>
        %get3A_1623 = arith.index_cast %add3A_1522 : i32 to index
        %get3A_1624 = arith.index_cast %add3A_1618 : i32 to index
        %get3A_1625 = tpu.vector_load %get3A_1622[%get3A_1623, %get3A_1624] {strides = array<i32>} : memref<128x128xf32, #tpu.memory_space<vmem>>, vector<1x16xf32>,
        %get3A_1626 = vector.shape_cast %get3A_1625 : vector<1x16xf32> to vector<16xf32>
        %mul3A_1627 = arith.constant 8.000000e+00 : f32
        %mul3A_1628 = vector.broadcast %mul3A_1627 : f32 to vector<16xf32>
        %mul3A_1629 = arith.mulf %get3A_1626, %mul3A_1628 : vector<16xf32>
        %add3A_1630 = arith.constant 48 : i32
        %add3A_1631 = arith.addi %mul3A_1530, %add3A_1630 : i32
        %get3A_1632 = arith.index_cast %add3A_1631 : i32 to index
        %get3A_1633 = tpu.vector_load %arg9[%get3A_1632] {strides = array<i32>} : memref<12800xf32, #tpu.memory_space<vmem>>, vector<16xf32>,
        %get3A_1634 = vector.shape_cast %get3A_1633 : vector<16xf32> to vector<16xf32>
        %add3A_1635 = arith.addf %mul3A_1629, %get3A_1634 : vector<16xf32>
        %swap3A_1636 = arith.constant 0 : i32
        %swap3A_1637 = arith.constant 0 : i32
        %swap3A_1638 = tpu.memref_slice %arg11[%scan3A_17, %swap3A_1636, %swap3A_1637] : memref<2x128x64xf32, #tpu.memory_space<vmem>> -> memref<1x128x64xf32, #tpu.memory_space<vmem>>
        %swap3A_1639 = tpu.memref_squeeze %swap3A_1638 : memref<1x128x64xf32, #tpu.memory_space<vmem>> -> memref<128x64xf32, #tpu.memory_space<vmem>>
        %swap3A_1640 = arith.index_cast %add3A_1522 : i32 to index
        %swap3A_1641 = arith.constant 48 : index
        %swap3A_1642 = tpu.vector_load %swap3A_1639[%swap3A_1640, %swap3A_1641] {strides = array<i32>} : memref<128x64xf32, #tpu.memory_space<vmem>>, vector<1x16xf32>,
        %swap3A_1643 = vector.shape_cast %swap3A_1642 : vector<1x16xf32> to vector<16xf32>
        %swap3A_1644 = vector.shape_cast %add3A_1635 : vector<16xf32> to vector<1x16xf32>
        tpu.vector_store %swap3A_1639[%swap3A_1640, %swap3A_1641], %swap3A_1644 {strides = array<i32>} : memref<128x64xf32, #tpu.memory_space<vmem>>, vector<1x16xf32>,
        %add3A_1645 = arith.constant 12 : i32
        %add3A_1646 = arith.addi %mul3A_158, %add3A_1645 : i32
        %add3A_1647 = arith.addi %rem3A_134, %add3A_1646 : i32
        %ge3A_1648 = arith.constant 200 : i32
        %ge3A_1649 = arith.cmpi sge, %add3A_1647, %ge3A_1648 : i32
        %sub3A_1650 = arith.constant 200 : i32
        %sub3A_1651 = arith.subi %add3A_1647, %sub3A_1650 : i32
        %select_n3A_1652 = arith.select %ge3A_1649, %sub3A_1651, %add3A_1647 : i32
        %mul3A_1653 = arith.constant 64 : i32
        %mul3A_1654 = arith.muli %select_n3A_1652, %mul3A_1653 : i32
        %slice3A_1655 = vector.extract_strided_slice %get3A_161 {offsets = [12], sizes = [1], strides = [1]} : vector<16xi32> to vector<1xi32>
        %squeeze3A_1656 = vector.extract %slice3A_1655[0] : i32 from vector<1xi32>
        %add3A_1657 = arith.constant 0 : i32
        %add3A_1658 = arith.addi %squeeze3A_1656, %add3A_1657 : i32
        %get3A_1659 = arith.constant 0 : i32
        %get3A_1660 = arith.constant 0 : i32
        %get3A_1661 = tpu.memref_slice %arg10[%scan3A_14, %get3A_1659, %get3A_1660] : memref<2x128x128xf32, #tpu.memory_space<vmem>> -> memref<1x128x128xf32, #tpu.memory_space<vmem>>
        %get3A_1662 = tpu.memref_squeeze %get3A_1661 : memref<1x128x128xf32, #tpu.memory_space<vmem>> -> memref<128x128xf32, #tpu.memory_space<vmem>>
        %get3A_1663 = arith.index_cast %add3A_1646 : i32 to index
        %get3A_1664 = arith.index_cast %add3A_1658 : i32 to index
        %get3A_1665 = tpu.vector_load %get3A_1662[%get3A_1663, %get3A_1664] {strides = array<i32>} : memref<128x128xf32, #tpu.memory_space<vmem>>, vector<1x16xf32>,
        %get3A_1666 = vector.shape_cast %get3A_1665 : vector<1x16xf32> to vector<16xf32>
        %mul3A_1667 = arith.constant 8.000000e+00 : f32
        %mul3A_1668 = vector.broadcast %mul3A_1667 : f32 to vector<16xf32>
        %mul3A_1669 = arith.mulf %get3A_1666, %mul3A_1668 : vector<16xf32>
        %add3A_1670 = arith.constant 0 : i32
        %add3A_1671 = arith.addi %mul3A_1654, %add3A_1670 : i32
        %get3A_1672 = arith.index_cast %add3A_1671 : i32 to index
        %get3A_1673 = tpu.vector_load %arg9[%get3A_1672] {strides = array<i32>} : memref<12800xf32, #tpu.memory_space<vmem>>, vector<16xf32>,
        %get3A_1674 = vector.shape_cast %get3A_1673 : vector<16xf32> to vector<16xf32>
        %add3A_1675 = arith.addf %mul3A_1669, %get3A_1674 : vector<16xf32>
        %swap3A_1676 = arith.constant 0 : i32
        %swap3A_1677 = arith.constant 0 : i32
        %swap3A_1678 = tpu.memref_slice %arg11[%scan3A_17, %swap3A_1676, %swap3A_1677] : memref<2x128x64xf32, #tpu.memory_space<vmem>> -> memref<1x128x64xf32, #tpu.memory_space<vmem>>
        %swap3A_1679 = tpu.memref_squeeze %swap3A_1678 : memref<1x128x64xf32, #tpu.memory_space<vmem>> -> memref<128x64xf32, #tpu.memory_space<vmem>>
        %swap3A_1680 = arith.index_cast %add3A_1646 : i32 to index
        %swap3A_1681 = arith.constant 0 : index
        %swap3A_1682 = tpu.vector_load %swap3A_1679[%swap3A_1680, %swap3A_1681] {strides = array<i32>} : memref<128x64xf32, #tpu.memory_space<vmem>>, vector<1x16xf32>,
        %swap3A_1683 = vector.shape_cast %swap3A_1682 : vector<1x16xf32> to vector<16xf32>
        %swap3A_1684 = vector.shape_cast %add3A_1675 : vector<16xf32> to vector<1x16xf32>
        tpu.vector_store %swap3A_1679[%swap3A_1680, %swap3A_1681], %swap3A_1684 {strides = array<i32>} : memref<128x64xf32, #tpu.memory_space<vmem>>, vector<1x16xf32>,
        %add3A_1685 = arith.constant 16 : i32
        %add3A_1686 = arith.addi %squeeze3A_1656, %add3A_1685 : i32
        %get3A_1687 = arith.constant 0 : i32
        %get3A_1688 = arith.constant 0 : i32
        %get3A_1689 = tpu.memref_slice %arg10[%scan3A_14, %get3A_1687, %get3A_1688] : memref<2x128x128xf32, #tpu.memory_space<vmem>> -> memref<1x128x128xf32, #tpu.memory_space<vmem>>
        %get3A_1690 = tpu.memref_squeeze %get3A_1689 : memref<1x128x128xf32, #tpu.memory_space<vmem>> -> memref<128x128xf32, #tpu.memory_space<vmem>>
        %get3A_1691 = arith.index_cast %add3A_1646 : i32 to index
        %get3A_1692 = arith.index_cast %add3A_1686 : i32 to index
        %get3A_1693 = tpu.vector_load %get3A_1690[%get3A_1691, %get3A_1692] {strides = array<i32>} : memref<128x128xf32, #tpu.memory_space<vmem>>, vector<1x16xf32>,
        %get3A_1694 = vector.shape_cast %get3A_1693 : vector<1x16xf32> to vector<16xf32>
        %mul3A_1695 = arith.constant 8.000000e+00 : f32
        %mul3A_1696 = vector.broadcast %mul3A_1695 : f32 to vector<16xf32>
        %mul3A_1697 = arith.mulf %get3A_1694, %mul3A_1696 : vector<16xf32>
        %add3A_1698 = arith.constant 16 : i32
        %add3A_1699 = arith.addi %mul3A_1654, %add3A_1698 : i32
        %get3A_1700 = arith.index_cast %add3A_1699 : i32 to index
        %get3A_1701 = tpu.vector_load %arg9[%get3A_1700] {strides = array<i32>} : memref<12800xf32, #tpu.memory_space<vmem>>, vector<16xf32>,
        %get3A_1702 = vector.shape_cast %get3A_1701 : vector<16xf32> to vector<16xf32>
        %add3A_1703 = arith.addf %mul3A_1697, %get3A_1702 : vector<16xf32>
        %swap3A_1704 = arith.constant 0 : i32
        %swap3A_1705 = arith.constant 0 : i32
        %swap3A_1706 = tpu.memref_slice %arg11[%scan3A_17, %swap3A_1704, %swap3A_1705] : memref<2x128x64xf32, #tpu.memory_space<vmem>> -> memref<1x128x64xf32, #tpu.memory_space<vmem>>
        %swap3A_1707 = tpu.memref_squeeze %swap3A_1706 : memref<1x128x64xf32, #tpu.memory_space<vmem>> -> memref<128x64xf32, #tpu.memory_space<vmem>>
        %swap3A_1708 = arith.index_cast %add3A_1646 : i32 to index
        %swap3A_1709 = arith.constant 16 : index
        %swap3A_1710 = tpu.vector_load %swap3A_1707[%swap3A_1708, %swap3A_1709] {strides = array<i32>} : memref<128x64xf32, #tpu.memory_space<vmem>>, vector<1x16xf32>,
        %swap3A_1711 = vector.shape_cast %swap3A_1710 : vector<1x16xf32> to vector<16xf32>
        %swap3A_1712 = vector.shape_cast %add3A_1703 : vector<16xf32> to vector<1x16xf32>
        tpu.vector_store %swap3A_1707[%swap3A_1708, %swap3A_1709], %swap3A_1712 {strides = array<i32>} : memref<128x64xf32, #tpu.memory_space<vmem>>, vector<1x16xf32>,
        %add3A_1713 = arith.constant 32 : i32
        %add3A_1714 = arith.addi %squeeze3A_1656, %add3A_1713 : i32
        %get3A_1715 = arith.constant 0 : i32
        %get3A_1716 = arith.constant 0 : i32
        %get3A_1717 = tpu.memref_slice %arg10[%scan3A_14, %get3A_1715, %get3A_1716] : memref<2x128x128xf32, #tpu.memory_space<vmem>> -> memref<1x128x128xf32, #tpu.memory_space<vmem>>
        %get3A_1718 = tpu.memref_squeeze %get3A_1717 : memref<1x128x128xf32, #tpu.memory_space<vmem>> -> memref<128x128xf32, #tpu.memory_space<vmem>>
        %get3A_1719 = arith.index_cast %add3A_1646 : i32 to index
        %get3A_1720 = arith.index_cast %add3A_1714 : i32 to index
        %get3A_1721 = tpu.vector_load %get3A_1718[%get3A_1719, %get3A_1720] {strides = array<i32>} : memref<128x128xf32, #tpu.memory_space<vmem>>, vector<1x16xf32>,
        %get3A_1722 = vector.shape_cast %get3A_1721 : vector<1x16xf32> to vector<16xf32>
        %mul3A_1723 = arith.constant 8.000000e+00 : f32
        %mul3A_1724 = vector.broadcast %mul3A_1723 : f32 to vector<16xf32>
        %mul3A_1725 = arith.mulf %get3A_1722, %mul3A_1724 : vector<16xf32>
        %add3A_1726 = arith.constant 32 : i32
        %add3A_1727 = arith.addi %mul3A_1654, %add3A_1726 : i32
        %get3A_1728 = arith.index_cast %add3A_1727 : i32 to index
        %get3A_1729 = tpu.vector_load %arg9[%get3A_1728] {strides = array<i32>} : memref<12800xf32, #tpu.memory_space<vmem>>, vector<16xf32>,
        %get3A_1730 = vector.shape_cast %get3A_1729 : vector<16xf32> to vector<16xf32>
        %add3A_1731 = arith.addf %mul3A_1725, %get3A_1730 : vector<16xf32>
        %swap3A_1732 = arith.constant 0 : i32
        %swap3A_1733 = arith.constant 0 : i32
        %swap3A_1734 = tpu.memref_slice %arg11[%scan3A_17, %swap3A_1732, %swap3A_1733] : memref<2x128x64xf32, #tpu.memory_space<vmem>> -> memref<1x128x64xf32, #tpu.memory_space<vmem>>
        %swap3A_1735 = tpu.memref_squeeze %swap3A_1734 : memref<1x128x64xf32, #tpu.memory_space<vmem>> -> memref<128x64xf32, #tpu.memory_space<vmem>>
        %swap3A_1736 = arith.index_cast %add3A_1646 : i32 to index
        %swap3A_1737 = arith.constant 32 : index
        %swap3A_1738 = tpu.vector_load %swap3A_1735[%swap3A_1736, %swap3A_1737] {strides = array<i32>} : memref<128x64xf32, #tpu.memory_space<vmem>>, vector<1x16xf32>,
        %swap3A_1739 = vector.shape_cast %swap3A_1738 : vector<1x16xf32> to vector<16xf32>
        %swap3A_1740 = vector.shape_cast %add3A_1731 : vector<16xf32> to vector<1x16xf32>
        tpu.vector_store %swap3A_1735[%swap3A_1736, %swap3A_1737], %swap3A_1740 {strides = array<i32>} : memref<128x64xf32, #tpu.memory_space<vmem>>, vector<1x16xf32>,
        %add3A_1741 = arith.constant 48 : i32
        %add3A_1742 = arith.addi %squeeze3A_1656, %add3A_1741 : i32
        %get3A_1743 = arith.constant 0 : i32
        %get3A_1744 = arith.constant 0 : i32
        %get3A_1745 = tpu.memref_slice %arg10[%scan3A_14, %get3A_1743, %get3A_1744] : memref<2x128x128xf32, #tpu.memory_space<vmem>> -> memref<1x128x128xf32, #tpu.memory_space<vmem>>
        %get3A_1746 = tpu.memref_squeeze %get3A_1745 : memref<1x128x128xf32, #tpu.memory_space<vmem>> -> memref<128x128xf32, #tpu.memory_space<vmem>>
        %get3A_1747 = arith.index_cast %add3A_1646 : i32 to index
        %get3A_1748 = arith.index_cast %add3A_1742 : i32 to index
        %get3A_1749 = tpu.vector_load %get3A_1746[%get3A_1747, %get3A_1748] {strides = array<i32>} : memref<128x128xf32, #tpu.memory_space<vmem>>, vector<1x16xf32>,
        %get3A_1750 = vector.shape_cast %get3A_1749 : vector<1x16xf32> to vector<16xf32>
        %mul3A_1751 = arith.constant 8.000000e+00 : f32
        %mul3A_1752 = vector.broadcast %mul3A_1751 : f32 to vector<16xf32>
        %mul3A_1753 = arith.mulf %get3A_1750, %mul3A_1752 : vector<16xf32>
        %add3A_1754 = arith.constant 48 : i32
        %add3A_1755 = arith.addi %mul3A_1654, %add3A_1754 : i32
        %get3A_1756 = arith.index_cast %add3A_1755 : i32 to index
        %get3A_1757 = tpu.vector_load %arg9[%get3A_1756] {strides = array<i32>} : memref<12800xf32, #tpu.memory_space<vmem>>, vector<16xf32>,
        %get3A_1758 = vector.shape_cast %get3A_1757 : vector<16xf32> to vector<16xf32>
        %add3A_1759 = arith.addf %mul3A_1753, %get3A_1758 : vector<16xf32>
        %swap3A_1760 = arith.constant 0 : i32
        %swap3A_1761 = arith.constant 0 : i32
        %swap3A_1762 = tpu.memref_slice %arg11[%scan3A_17, %swap3A_1760, %swap3A_1761] : memref<2x128x64xf32, #tpu.memory_space<vmem>> -> memref<1x128x64xf32, #tpu.memory_space<vmem>>
        %swap3A_1763 = tpu.memref_squeeze %swap3A_1762 : memref<1x128x64xf32, #tpu.memory_space<vmem>> -> memref<128x64xf32, #tpu.memory_space<vmem>>
        %swap3A_1764 = arith.index_cast %add3A_1646 : i32 to index
        %swap3A_1765 = arith.constant 48 : index
        %swap3A_1766 = tpu.vector_load %swap3A_1763[%swap3A_1764, %swap3A_1765] {strides = array<i32>} : memref<128x64xf32, #tpu.memory_space<vmem>>, vector<1x16xf32>,
        %swap3A_1767 = vector.shape_cast %swap3A_1766 : vector<1x16xf32> to vector<16xf32>
        %swap3A_1768 = vector.shape_cast %add3A_1759 : vector<16xf32> to vector<1x16xf32>
        tpu.vector_store %swap3A_1763[%swap3A_1764, %swap3A_1765], %swap3A_1768 {strides = array<i32>} : memref<128x64xf32, #tpu.memory_space<vmem>>, vector<1x16xf32>,
        %add3A_1769 = arith.constant 13 : i32
        %add3A_1770 = arith.addi %mul3A_158, %add3A_1769 : i32
        %add3A_1771 = arith.addi %rem3A_134, %add3A_1770 : i32
        %ge3A_1772 = arith.constant 200 : i32
        %ge3A_1773 = arith.cmpi sge, %add3A_1771, %ge3A_1772 : i32
        %sub3A_1774 = arith.constant 200 : i32
        %sub3A_1775 = arith.subi %add3A_1771, %sub3A_1774 : i32
        %select_n3A_1776 = arith.select %ge3A_1773, %sub3A_1775, %add3A_1771 : i32
        %mul3A_1777 = arith.constant 64 : i32
        %mul3A_1778 = arith.muli %select_n3A_1776, %mul3A_1777 : i32
        %slice3A_1779 = vector.extract_strided_slice %get3A_161 {offsets = [13], sizes = [1], strides = [1]} : vector<16xi32> to vector<1xi32>
        %squeeze3A_1780 = vector.extract %slice3A_1779[0] : i32 from vector<1xi32>
        %add3A_1781 = arith.constant 0 : i32
        %add3A_1782 = arith.addi %squeeze3A_1780, %add3A_1781 : i32
        %get3A_1783 = arith.constant 0 : i32
        %get3A_1784 = arith.constant 0 : i32
        %get3A_1785 = tpu.memref_slice %arg10[%scan3A_14, %get3A_1783, %get3A_1784] : memref<2x128x128xf32, #tpu.memory_space<vmem>> -> memref<1x128x128xf32, #tpu.memory_space<vmem>>
        %get3A_1786 = tpu.memref_squeeze %get3A_1785 : memref<1x128x128xf32, #tpu.memory_space<vmem>> -> memref<128x128xf32, #tpu.memory_space<vmem>>
        %get3A_1787 = arith.index_cast %add3A_1770 : i32 to index
        %get3A_1788 = arith.index_cast %add3A_1782 : i32 to index
        %get3A_1789 = tpu.vector_load %get3A_1786[%get3A_1787, %get3A_1788] {strides = array<i32>} : memref<128x128xf32, #tpu.memory_space<vmem>>, vector<1x16xf32>,
        %get3A_1790 = vector.shape_cast %get3A_1789 : vector<1x16xf32> to vector<16xf32>
        %mul3A_1791 = arith.constant 8.000000e+00 : f32
        %mul3A_1792 = vector.broadcast %mul3A_1791 : f32 to vector<16xf32>
        %mul3A_1793 = arith.mulf %get3A_1790, %mul3A_1792 : vector<16xf32>
        %add3A_1794 = arith.constant 0 : i32
        %add3A_1795 = arith.addi %mul3A_1778, %add3A_1794 : i32
        %get3A_1796 = arith.index_cast %add3A_1795 : i32 to index
        %get3A_1797 = tpu.vector_load %arg9[%get3A_1796] {strides = array<i32>} : memref<12800xf32, #tpu.memory_space<vmem>>, vector<16xf32>,
        %get3A_1798 = vector.shape_cast %get3A_1797 : vector<16xf32> to vector<16xf32>
        %add3A_1799 = arith.addf %mul3A_1793, %get3A_1798 : vector<16xf32>
        %swap3A_1800 = arith.constant 0 : i32
        %swap3A_1801 = arith.constant 0 : i32
        %swap3A_1802 = tpu.memref_slice %arg11[%scan3A_17, %swap3A_1800, %swap3A_1801] : memref<2x128x64xf32, #tpu.memory_space<vmem>> -> memref<1x128x64xf32, #tpu.memory_space<vmem>>
        %swap3A_1803 = tpu.memref_squeeze %swap3A_1802 : memref<1x128x64xf32, #tpu.memory_space<vmem>> -> memref<128x64xf32, #tpu.memory_space<vmem>>
        %swap3A_1804 = arith.index_cast %add3A_1770 : i32 to index
        %swap3A_1805 = arith.constant 0 : index
        %swap3A_1806 = tpu.vector_load %swap3A_1803[%swap3A_1804, %swap3A_1805] {strides = array<i32>} : memref<128x64xf32, #tpu.memory_space<vmem>>, vector<1x16xf32>,
        %swap3A_1807 = vector.shape_cast %swap3A_1806 : vector<1x16xf32> to vector<16xf32>
        %swap3A_1808 = vector.shape_cast %add3A_1799 : vector<16xf32> to vector<1x16xf32>
        tpu.vector_store %swap3A_1803[%swap3A_1804, %swap3A_1805], %swap3A_1808 {strides = array<i32>} : memref<128x64xf32, #tpu.memory_space<vmem>>, vector<1x16xf32>,
        %add3A_1809 = arith.constant 16 : i32
        %add3A_1810 = arith.addi %squeeze3A_1780, %add3A_1809 : i32
        %get3A_1811 = arith.constant 0 : i32
        %get3A_1812 = arith.constant 0 : i32
        %get3A_1813 = tpu.memref_slice %arg10[%scan3A_14, %get3A_1811, %get3A_1812] : memref<2x128x128xf32, #tpu.memory_space<vmem>> -> memref<1x128x128xf32, #tpu.memory_space<vmem>>
        %get3A_1814 = tpu.memref_squeeze %get3A_1813 : memref<1x128x128xf32, #tpu.memory_space<vmem>> -> memref<128x128xf32, #tpu.memory_space<vmem>>
        %get3A_1815 = arith.index_cast %add3A_1770 : i32 to index
        %get3A_1816 = arith.index_cast %add3A_1810 : i32 to index
        %get3A_1817 = tpu.vector_load %get3A_1814[%get3A_1815, %get3A_1816] {strides = array<i32>} : memref<128x128xf32, #tpu.memory_space<vmem>>, vector<1x16xf32>,
        %get3A_1818 = vector.shape_cast %get3A_1817 : vector<1x16xf32> to vector<16xf32>
        %mul3A_1819 = arith.constant 8.000000e+00 : f32
        %mul3A_1820 = vector.broadcast %mul3A_1819 : f32 to vector<16xf32>
        %mul3A_1821 = arith.mulf %get3A_1818, %mul3A_1820 : vector<16xf32>
        %add3A_1822 = arith.constant 16 : i32
        %add3A_1823 = arith.addi %mul3A_1778, %add3A_1822 : i32
        %get3A_1824 = arith.index_cast %add3A_1823 : i32 to index
        %get3A_1825 = tpu.vector_load %arg9[%get3A_1824] {strides = array<i32>} : memref<12800xf32, #tpu.memory_space<vmem>>, vector<16xf32>,
        %get3A_1826 = vector.shape_cast %get3A_1825 : vector<16xf32> to vector<16xf32>
        %add3A_1827 = arith.addf %mul3A_1821, %get3A_1826 : vector<16xf32>
        %swap3A_1828 = arith.constant 0 : i32
        %swap3A_1829 = arith.constant 0 : i32
        %swap3A_1830 = tpu.memref_slice %arg11[%scan3A_17, %swap3A_1828, %swap3A_1829] : memref<2x128x64xf32, #tpu.memory_space<vmem>> -> memref<1x128x64xf32, #tpu.memory_space<vmem>>
        %swap3A_1831 = tpu.memref_squeeze %swap3A_1830 : memref<1x128x64xf32, #tpu.memory_space<vmem>> -> memref<128x64xf32, #tpu.memory_space<vmem>>
        %swap3A_1832 = arith.index_cast %add3A_1770 : i32 to index
        %swap3A_1833 = arith.constant 16 : index
        %swap3A_1834 = tpu.vector_load %swap3A_1831[%swap3A_1832, %swap3A_1833] {strides = array<i32>} : memref<128x64xf32, #tpu.memory_space<vmem>>, vector<1x16xf32>,
        %swap3A_1835 = vector.shape_cast %swap3A_1834 : vector<1x16xf32> to vector<16xf32>
        %swap3A_1836 = vector.shape_cast %add3A_1827 : vector<16xf32> to vector<1x16xf32>
        tpu.vector_store %swap3A_1831[%swap3A_1832, %swap3A_1833], %swap3A_1836 {strides = array<i32>} : memref<128x64xf32, #tpu.memory_space<vmem>>, vector<1x16xf32>,
        %add3A_1837 = arith.constant 32 : i32
        %add3A_1838 = arith.addi %squeeze3A_1780, %add3A_1837 : i32
        %get3A_1839 = arith.constant 0 : i32
        %get3A_1840 = arith.constant 0 : i32
        %get3A_1841 = tpu.memref_slice %arg10[%scan3A_14, %get3A_1839, %get3A_1840] : memref<2x128x128xf32, #tpu.memory_space<vmem>> -> memref<1x128x128xf32, #tpu.memory_space<vmem>>
        %get3A_1842 = tpu.memref_squeeze %get3A_1841 : memref<1x128x128xf32, #tpu.memory_space<vmem>> -> memref<128x128xf32, #tpu.memory_space<vmem>>
        %get3A_1843 = arith.index_cast %add3A_1770 : i32 to index
        %get3A_1844 = arith.index_cast %add3A_1838 : i32 to index
        %get3A_1845 = tpu.vector_load %get3A_1842[%get3A_1843, %get3A_1844] {strides = array<i32>} : memref<128x128xf32, #tpu.memory_space<vmem>>, vector<1x16xf32>,
        %get3A_1846 = vector.shape_cast %get3A_1845 : vector<1x16xf32> to vector<16xf32>
        %mul3A_1847 = arith.constant 8.000000e+00 : f32
        %mul3A_1848 = vector.broadcast %mul3A_1847 : f32 to vector<16xf32>
        %mul3A_1849 = arith.mulf %get3A_1846, %mul3A_1848 : vector<16xf32>
        %add3A_1850 = arith.constant 32 : i32
        %add3A_1851 = arith.addi %mul3A_1778, %add3A_1850 : i32
        %get3A_1852 = arith.index_cast %add3A_1851 : i32 to index
        %get3A_1853 = tpu.vector_load %arg9[%get3A_1852] {strides = array<i32>} : memref<12800xf32, #tpu.memory_space<vmem>>, vector<16xf32>,
        %get3A_1854 = vector.shape_cast %get3A_1853 : vector<16xf32> to vector<16xf32>
        %add3A_1855 = arith.addf %mul3A_1849, %get3A_1854 : vector<16xf32>
        %swap3A_1856 = arith.constant 0 : i32
        %swap3A_1857 = arith.constant 0 : i32
        %swap3A_1858 = tpu.memref_slice %arg11[%scan3A_17, %swap3A_1856, %swap3A_1857] : memref<2x128x64xf32, #tpu.memory_space<vmem>> -> memref<1x128x64xf32, #tpu.memory_space<vmem>>
        %swap3A_1859 = tpu.memref_squeeze %swap3A_1858 : memref<1x128x64xf32, #tpu.memory_space<vmem>> -> memref<128x64xf32, #tpu.memory_space<vmem>>
        %swap3A_1860 = arith.index_cast %add3A_1770 : i32 to index
        %swap3A_1861 = arith.constant 32 : index
        %swap3A_1862 = tpu.vector_load %swap3A_1859[%swap3A_1860, %swap3A_1861] {strides = array<i32>} : memref<128x64xf32, #tpu.memory_space<vmem>>, vector<1x16xf32>,
        %swap3A_1863 = vector.shape_cast %swap3A_1862 : vector<1x16xf32> to vector<16xf32>
        %swap3A_1864 = vector.shape_cast %add3A_1855 : vector<16xf32> to vector<1x16xf32>
        tpu.vector_store %swap3A_1859[%swap3A_1860, %swap3A_1861], %swap3A_1864 {strides = array<i32>} : memref<128x64xf32, #tpu.memory_space<vmem>>, vector<1x16xf32>,
        %add3A_1865 = arith.constant 48 : i32
        %add3A_1866 = arith.addi %squeeze3A_1780, %add3A_1865 : i32
        %get3A_1867 = arith.constant 0 : i32
        %get3A_1868 = arith.constant 0 : i32
        %get3A_1869 = tpu.memref_slice %arg10[%scan3A_14, %get3A_1867, %get3A_1868] : memref<2x128x128xf32, #tpu.memory_space<vmem>> -> memref<1x128x128xf32, #tpu.memory_space<vmem>>
        %get3A_1870 = tpu.memref_squeeze %get3A_1869 : memref<1x128x128xf32, #tpu.memory_space<vmem>> -> memref<128x128xf32, #tpu.memory_space<vmem>>
        %get3A_1871 = arith.index_cast %add3A_1770 : i32 to index
        %get3A_1872 = arith.index_cast %add3A_1866 : i32 to index
        %get3A_1873 = tpu.vector_load %get3A_1870[%get3A_1871, %get3A_1872] {strides = array<i32>} : memref<128x128xf32, #tpu.memory_space<vmem>>, vector<1x16xf32>,
        %get3A_1874 = vector.shape_cast %get3A_1873 : vector<1x16xf32> to vector<16xf32>
        %mul3A_1875 = arith.constant 8.000000e+00 : f32
        %mul3A_1876 = vector.broadcast %mul3A_1875 : f32 to vector<16xf32>
        %mul3A_1877 = arith.mulf %get3A_1874, %mul3A_1876 : vector<16xf32>
        %add3A_1878 = arith.constant 48 : i32
        %add3A_1879 = arith.addi %mul3A_1778, %add3A_1878 : i32
        %get3A_1880 = arith.index_cast %add3A_1879 : i32 to index
        %get3A_1881 = tpu.vector_load %arg9[%get3A_1880] {strides = array<i32>} : memref<12800xf32, #tpu.memory_space<vmem>>, vector<16xf32>,
        %get3A_1882 = vector.shape_cast %get3A_1881 : vector<16xf32> to vector<16xf32>
        %add3A_1883 = arith.addf %mul3A_1877, %get3A_1882 : vector<16xf32>
        %swap3A_1884 = arith.constant 0 : i32
        %swap3A_1885 = arith.constant 0 : i32
        %swap3A_1886 = tpu.memref_slice %arg11[%scan3A_17, %swap3A_1884, %swap3A_1885] : memref<2x128x64xf32, #tpu.memory_space<vmem>> -> memref<1x128x64xf32, #tpu.memory_space<vmem>>
        %swap3A_1887 = tpu.memref_squeeze %swap3A_1886 : memref<1x128x64xf32, #tpu.memory_space<vmem>> -> memref<128x64xf32, #tpu.memory_space<vmem>>
        %swap3A_1888 = arith.index_cast %add3A_1770 : i32 to index
        %swap3A_1889 = arith.constant 48 : index
        %swap3A_1890 = tpu.vector_load %swap3A_1887[%swap3A_1888, %swap3A_1889] {strides = array<i32>} : memref<128x64xf32, #tpu.memory_space<vmem>>, vector<1x16xf32>,
        %swap3A_1891 = vector.shape_cast %swap3A_1890 : vector<1x16xf32> to vector<16xf32>
        %swap3A_1892 = vector.shape_cast %add3A_1883 : vector<16xf32> to vector<1x16xf32>
        tpu.vector_store %swap3A_1887[%swap3A_1888, %swap3A_1889], %swap3A_1892 {strides = array<i32>} : memref<128x64xf32, #tpu.memory_space<vmem>>, vector<1x16xf32>,
        %add3A_1893 = arith.constant 14 : i32
        %add3A_1894 = arith.addi %mul3A_158, %add3A_1893 : i32
        %add3A_1895 = arith.addi %rem3A_134, %add3A_1894 : i32
        %ge3A_1896 = arith.constant 200 : i32
        %ge3A_1897 = arith.cmpi sge, %add3A_1895, %ge3A_1896 : i32
        %sub3A_1898 = arith.constant 200 : i32
        %sub3A_1899 = arith.subi %add3A_1895, %sub3A_1898 : i32
        %select_n3A_1900 = arith.select %ge3A_1897, %sub3A_1899, %add3A_1895 : i32
        %mul3A_1901 = arith.constant 64 : i32
        %mul3A_1902 = arith.muli %select_n3A_1900, %mul3A_1901 : i32
        %slice3A_1903 = vector.extract_strided_slice %get3A_161 {offsets = [14], sizes = [1], strides = [1]} : vector<16xi32> to vector<1xi32>
        %squeeze3A_1904 = vector.extract %slice3A_1903[0] : i32 from vector<1xi32>
        %add3A_1905 = arith.constant 0 : i32
        %add3A_1906 = arith.addi %squeeze3A_1904, %add3A_1905 : i32
        %get3A_1907 = arith.constant 0 : i32
        %get3A_1908 = arith.constant 0 : i32
        %get3A_1909 = tpu.memref_slice %arg10[%scan3A_14, %get3A_1907, %get3A_1908] : memref<2x128x128xf32, #tpu.memory_space<vmem>> -> memref<1x128x128xf32, #tpu.memory_space<vmem>>
        %get3A_1910 = tpu.memref_squeeze %get3A_1909 : memref<1x128x128xf32, #tpu.memory_space<vmem>> -> memref<128x128xf32, #tpu.memory_space<vmem>>
        %get3A_1911 = arith.index_cast %add3A_1894 : i32 to index
        %get3A_1912 = arith.index_cast %add3A_1906 : i32 to index
        %get3A_1913 = tpu.vector_load %get3A_1910[%get3A_1911, %get3A_1912] {strides = array<i32>} : memref<128x128xf32, #tpu.memory_space<vmem>>, vector<1x16xf32>,
        %get3A_1914 = vector.shape_cast %get3A_1913 : vector<1x16xf32> to vector<16xf32>
        %mul3A_1915 = arith.constant 8.000000e+00 : f32
        %mul3A_1916 = vector.broadcast %mul3A_1915 : f32 to vector<16xf32>
        %mul3A_1917 = arith.mulf %get3A_1914, %mul3A_1916 : vector<16xf32>
        %add3A_1918 = arith.constant 0 : i32
        %add3A_1919 = arith.addi %mul3A_1902, %add3A_1918 : i32
        %get3A_1920 = arith.index_cast %add3A_1919 : i32 to index
        %get3A_1921 = tpu.vector_load %arg9[%get3A_1920] {strides = array<i32>} : memref<12800xf32, #tpu.memory_space<vmem>>, vector<16xf32>,
        %get3A_1922 = vector.shape_cast %get3A_1921 : vector<16xf32> to vector<16xf32>
        %add3A_1923 = arith.addf %mul3A_1917, %get3A_1922 : vector<16xf32>
        %swap3A_1924 = arith.constant 0 : i32
        %swap3A_1925 = arith.constant 0 : i32
        %swap3A_1926 = tpu.memref_slice %arg11[%scan3A_17, %swap3A_1924, %swap3A_1925] : memref<2x128x64xf32, #tpu.memory_space<vmem>> -> memref<1x128x64xf32, #tpu.memory_space<vmem>>
        %swap3A_1927 = tpu.memref_squeeze %swap3A_1926 : memref<1x128x64xf32, #tpu.memory_space<vmem>> -> memref<128x64xf32, #tpu.memory_space<vmem>>
        %swap3A_1928 = arith.index_cast %add3A_1894 : i32 to index
        %swap3A_1929 = arith.constant 0 : index
        %swap3A_1930 = tpu.vector_load %swap3A_1927[%swap3A_1928, %swap3A_1929] {strides = array<i32>} : memref<128x64xf32, #tpu.memory_space<vmem>>, vector<1x16xf32>,
        %swap3A_1931 = vector.shape_cast %swap3A_1930 : vector<1x16xf32> to vector<16xf32>
        %swap3A_1932 = vector.shape_cast %add3A_1923 : vector<16xf32> to vector<1x16xf32>
        tpu.vector_store %swap3A_1927[%swap3A_1928, %swap3A_1929], %swap3A_1932 {strides = array<i32>} : memref<128x64xf32, #tpu.memory_space<vmem>>, vector<1x16xf32>,
        %add3A_1933 = arith.constant 16 : i32
        %add3A_1934 = arith.addi %squeeze3A_1904, %add3A_1933 : i32
        %get3A_1935 = arith.constant 0 : i32
        %get3A_1936 = arith.constant 0 : i32
        %get3A_1937 = tpu.memref_slice %arg10[%scan3A_14, %get3A_1935, %get3A_1936] : memref<2x128x128xf32, #tpu.memory_space<vmem>> -> memref<1x128x128xf32, #tpu.memory_space<vmem>>
        %get3A_1938 = tpu.memref_squeeze %get3A_1937 : memref<1x128x128xf32, #tpu.memory_space<vmem>> -> memref<128x128xf32, #tpu.memory_space<vmem>>
        %get3A_1939 = arith.index_cast %add3A_1894 : i32 to index
        %get3A_1940 = arith.index_cast %add3A_1934 : i32 to index
        %get3A_1941 = tpu.vector_load %get3A_1938[%get3A_1939, %get3A_1940] {strides = array<i32>} : memref<128x128xf32, #tpu.memory_space<vmem>>, vector<1x16xf32>,
        %get3A_1942 = vector.shape_cast %get3A_1941 : vector<1x16xf32> to vector<16xf32>
        %mul3A_1943 = arith.constant 8.000000e+00 : f32
        %mul3A_1944 = vector.broadcast %mul3A_1943 : f32 to vector<16xf32>
        %mul3A_1945 = arith.mulf %get3A_1942, %mul3A_1944 : vector<16xf32>
        %add3A_1946 = arith.constant 16 : i32
        %add3A_1947 = arith.addi %mul3A_1902, %add3A_1946 : i32
        %get3A_1948 = arith.index_cast %add3A_1947 : i32 to index
        %get3A_1949 = tpu.vector_load %arg9[%get3A_1948] {strides = array<i32>} : memref<12800xf32, #tpu.memory_space<vmem>>, vector<16xf32>,
        %get3A_1950 = vector.shape_cast %get3A_1949 : vector<16xf32> to vector<16xf32>
        %add3A_1951 = arith.addf %mul3A_1945, %get3A_1950 : vector<16xf32>
        %swap3A_1952 = arith.constant 0 : i32
        %swap3A_1953 = arith.constant 0 : i32
        %swap3A_1954 = tpu.memref_slice %arg11[%scan3A_17, %swap3A_1952, %swap3A_1953] : memref<2x128x64xf32, #tpu.memory_space<vmem>> -> memref<1x128x64xf32, #tpu.memory_space<vmem>>
        %swap3A_1955 = tpu.memref_squeeze %swap3A_1954 : memref<1x128x64xf32, #tpu.memory_space<vmem>> -> memref<128x64xf32, #tpu.memory_space<vmem>>
        %swap3A_1956 = arith.index_cast %add3A_1894 : i32 to index
        %swap3A_1957 = arith.constant 16 : index
        %swap3A_1958 = tpu.vector_load %swap3A_1955[%swap3A_1956, %swap3A_1957] {strides = array<i32>} : memref<128x64xf32, #tpu.memory_space<vmem>>, vector<1x16xf32>,
        %swap3A_1959 = vector.shape_cast %swap3A_1958 : vector<1x16xf32> to vector<16xf32>
        %swap3A_1960 = vector.shape_cast %add3A_1951 : vector<16xf32> to vector<1x16xf32>
        tpu.vector_store %swap3A_1955[%swap3A_1956, %swap3A_1957], %swap3A_1960 {strides = array<i32>} : memref<128x64xf32, #tpu.memory_space<vmem>>, vector<1x16xf32>,
        %add3A_1961 = arith.constant 32 : i32
        %add3A_1962 = arith.addi %squeeze3A_1904, %add3A_1961 : i32
        %get3A_1963 = arith.constant 0 : i32
        %get3A_1964 = arith.constant 0 : i32
        %get3A_1965 = tpu.memref_slice %arg10[%scan3A_14, %get3A_1963, %get3A_1964] : memref<2x128x128xf32, #tpu.memory_space<vmem>> -> memref<1x128x128xf32, #tpu.memory_space<vmem>>
        %get3A_1966 = tpu.memref_squeeze %get3A_1965 : memref<1x128x128xf32, #tpu.memory_space<vmem>> -> memref<128x128xf32, #tpu.memory_space<vmem>>
        %get3A_1967 = arith.index_cast %add3A_1894 : i32 to index
        %get3A_1968 = arith.index_cast %add3A_1962 : i32 to index
        %get3A_1969 = tpu.vector_load %get3A_1966[%get3A_1967, %get3A_1968] {strides = array<i32>} : memref<128x128xf32, #tpu.memory_space<vmem>>, vector<1x16xf32>,
        %get3A_1970 = vector.shape_cast %get3A_1969 : vector<1x16xf32> to vector<16xf32>
        %mul3A_1971 = arith.constant 8.000000e+00 : f32
        %mul3A_1972 = vector.broadcast %mul3A_1971 : f32 to vector<16xf32>
        %mul3A_1973 = arith.mulf %get3A_1970, %mul3A_1972 : vector<16xf32>
        %add3A_1974 = arith.constant 32 : i32
        %add3A_1975 = arith.addi %mul3A_1902, %add3A_1974 : i32
        %get3A_1976 = arith.index_cast %add3A_1975 : i32 to index
        %get3A_1977 = tpu.vector_load %arg9[%get3A_1976] {strides = array<i32>} : memref<12800xf32, #tpu.memory_space<vmem>>, vector<16xf32>,
        %get3A_1978 = vector.shape_cast %get3A_1977 : vector<16xf32> to vector<16xf32>
        %add3A_1979 = arith.addf %mul3A_1973, %get3A_1978 : vector<16xf32>
        %swap3A_1980 = arith.constant 0 : i32
        %swap3A_1981 = arith.constant 0 : i32
        %swap3A_1982 = tpu.memref_slice %arg11[%scan3A_17, %swap3A_1980, %swap3A_1981] : memref<2x128x64xf32, #tpu.memory_space<vmem>> -> memref<1x128x64xf32, #tpu.memory_space<vmem>>
        %swap3A_1983 = tpu.memref_squeeze %swap3A_1982 : memref<1x128x64xf32, #tpu.memory_space<vmem>> -> memref<128x64xf32, #tpu.memory_space<vmem>>
        %swap3A_1984 = arith.index_cast %add3A_1894 : i32 to index
        %swap3A_1985 = arith.constant 32 : index
        %swap3A_1986 = tpu.vector_load %swap3A_1983[%swap3A_1984, %swap3A_1985] {strides = array<i32>} : memref<128x64xf32, #tpu.memory_space<vmem>>, vector<1x16xf32>,
        %swap3A_1987 = vector.shape_cast %swap3A_1986 : vector<1x16xf32> to vector<16xf32>
        %swap3A_1988 = vector.shape_cast %add3A_1979 : vector<16xf32> to vector<1x16xf32>
        tpu.vector_store %swap3A_1983[%swap3A_1984, %swap3A_1985], %swap3A_1988 {strides = array<i32>} : memref<128x64xf32, #tpu.memory_space<vmem>>, vector<1x16xf32>,
        %add3A_1989 = arith.constant 48 : i32
        %add3A_1990 = arith.addi %squeeze3A_1904, %add3A_1989 : i32
        %get3A_1991 = arith.constant 0 : i32
        %get3A_1992 = arith.constant 0 : i32
        %get3A_1993 = tpu.memref_slice %arg10[%scan3A_14, %get3A_1991, %get3A_1992] : memref<2x128x128xf32, #tpu.memory_space<vmem>> -> memref<1x128x128xf32, #tpu.memory_space<vmem>>
        %get3A_1994 = tpu.memref_squeeze %get3A_1993 : memref<1x128x128xf32, #tpu.memory_space<vmem>> -> memref<128x128xf32, #tpu.memory_space<vmem>>
        %get3A_1995 = arith.index_cast %add3A_1894 : i32 to index
        %get3A_1996 = arith.index_cast %add3A_1990 : i32 to index
        %get3A_1997 = tpu.vector_load %get3A_1994[%get3A_1995, %get3A_1996] {strides = array<i32>} : memref<128x128xf32, #tpu.memory_space<vmem>>, vector<1x16xf32>,
        %get3A_1998 = vector.shape_cast %get3A_1997 : vector<1x16xf32> to vector<16xf32>
        %mul3A_1999 = arith.constant 8.000000e+00 : f32
        %mul3A_2000 = vector.broadcast %mul3A_1999 : f32 to vector<16xf32>
        %mul3A_2001 = arith.mulf %get3A_1998, %mul3A_2000 : vector<16xf32>
        %add3A_2002 = arith.constant 48 : i32
        %add3A_2003 = arith.addi %mul3A_1902, %add3A_2002 : i32
        %get3A_2004 = arith.index_cast %add3A_2003 : i32 to index
        %get3A_2005 = tpu.vector_load %arg9[%get3A_2004] {strides = array<i32>} : memref<12800xf32, #tpu.memory_space<vmem>>, vector<16xf32>,
        %get3A_2006 = vector.shape_cast %get3A_2005 : vector<16xf32> to vector<16xf32>
        %add3A_2007 = arith.addf %mul3A_2001, %get3A_2006 : vector<16xf32>
        %swap3A_2008 = arith.constant 0 : i32
        %swap3A_2009 = arith.constant 0 : i32
        %swap3A_2010 = tpu.memref_slice %arg11[%scan3A_17, %swap3A_2008, %swap3A_2009] : memref<2x128x64xf32, #tpu.memory_space<vmem>> -> memref<1x128x64xf32, #tpu.memory_space<vmem>>
        %swap3A_2011 = tpu.memref_squeeze %swap3A_2010 : memref<1x128x64xf32, #tpu.memory_space<vmem>> -> memref<128x64xf32, #tpu.memory_space<vmem>>
        %swap3A_2012 = arith.index_cast %add3A_1894 : i32 to index
        %swap3A_2013 = arith.constant 48 : index
        %swap3A_2014 = tpu.vector_load %swap3A_2011[%swap3A_2012, %swap3A_2013] {strides = array<i32>} : memref<128x64xf32, #tpu.memory_space<vmem>>, vector<1x16xf32>,
        %swap3A_2015 = vector.shape_cast %swap3A_2014 : vector<1x16xf32> to vector<16xf32>
        %swap3A_2016 = vector.shape_cast %add3A_2007 : vector<16xf32> to vector<1x16xf32>
        tpu.vector_store %swap3A_2011[%swap3A_2012, %swap3A_2013], %swap3A_2016 {strides = array<i32>} : memref<128x64xf32, #tpu.memory_space<vmem>>, vector<1x16xf32>,
        %add3A_2017 = arith.constant 15 : i32
        %add3A_2018 = arith.addi %mul3A_158, %add3A_2017 : i32
        %add3A_2019 = arith.addi %rem3A_134, %add3A_2018 : i32
        %ge3A_2020 = arith.constant 200 : i32
        %ge3A_2021 = arith.cmpi sge, %add3A_2019, %ge3A_2020 : i32
        %sub3A_2022 = arith.constant 200 : i32
        %sub3A_2023 = arith.subi %add3A_2019, %sub3A_2022 : i32
        %select_n3A_2024 = arith.select %ge3A_2021, %sub3A_2023, %add3A_2019 : i32
        %mul3A_2025 = arith.constant 64 : i32
        %mul3A_2026 = arith.muli %select_n3A_2024, %mul3A_2025 : i32
        %slice3A_2027 = vector.extract_strided_slice %get3A_161 {offsets = [15], sizes = [1], strides = [1]} : vector<16xi32> to vector<1xi32>
        %squeeze3A_2028 = vector.extract %slice3A_2027[0] : i32 from vector<1xi32>
        %add3A_2029 = arith.constant 0 : i32
        %add3A_2030 = arith.addi %squeeze3A_2028, %add3A_2029 : i32
        %get3A_2031 = arith.constant 0 : i32
        %get3A_2032 = arith.constant 0 : i32
        %get3A_2033 = tpu.memref_slice %arg10[%scan3A_14, %get3A_2031, %get3A_2032] : memref<2x128x128xf32, #tpu.memory_space<vmem>> -> memref<1x128x128xf32, #tpu.memory_space<vmem>>
        %get3A_2034 = tpu.memref_squeeze %get3A_2033 : memref<1x128x128xf32, #tpu.memory_space<vmem>> -> memref<128x128xf32, #tpu.memory_space<vmem>>
        %get3A_2035 = arith.index_cast %add3A_2018 : i32 to index
        %get3A_2036 = arith.index_cast %add3A_2030 : i32 to index
        %get3A_2037 = tpu.vector_load %get3A_2034[%get3A_2035, %get3A_2036] {strides = array<i32>} : memref<128x128xf32, #tpu.memory_space<vmem>>, vector<1x16xf32>,
        %get3A_2038 = vector.shape_cast %get3A_2037 : vector<1x16xf32> to vector<16xf32>
        %mul3A_2039 = arith.constant 8.000000e+00 : f32
        %mul3A_2040 = vector.broadcast %mul3A_2039 : f32 to vector<16xf32>
        %mul3A_2041 = arith.mulf %get3A_2038, %mul3A_2040 : vector<16xf32>
        %add3A_2042 = arith.constant 0 : i32
        %add3A_2043 = arith.addi %mul3A_2026, %add3A_2042 : i32
        %get3A_2044 = arith.index_cast %add3A_2043 : i32 to index
        %get3A_2045 = tpu.vector_load %arg9[%get3A_2044] {strides = array<i32>} : memref<12800xf32, #tpu.memory_space<vmem>>, vector<16xf32>,
        %get3A_2046 = vector.shape_cast %get3A_2045 : vector<16xf32> to vector<16xf32>
        %add3A_2047 = arith.addf %mul3A_2041, %get3A_2046 : vector<16xf32>
        %swap3A_2048 = arith.constant 0 : i32
        %swap3A_2049 = arith.constant 0 : i32
        %swap3A_2050 = tpu.memref_slice %arg11[%scan3A_17, %swap3A_2048, %swap3A_2049] : memref<2x128x64xf32, #tpu.memory_space<vmem>> -> memref<1x128x64xf32, #tpu.memory_space<vmem>>
        %swap3A_2051 = tpu.memref_squeeze %swap3A_2050 : memref<1x128x64xf32, #tpu.memory_space<vmem>> -> memref<128x64xf32, #tpu.memory_space<vmem>>
        %swap3A_2052 = arith.index_cast %add3A_2018 : i32 to index
        %swap3A_2053 = arith.constant 0 : index
        %swap3A_2054 = tpu.vector_load %swap3A_2051[%swap3A_2052, %swap3A_2053] {strides = array<i32>} : memref<128x64xf32, #tpu.memory_space<vmem>>, vector<1x16xf32>,
        %swap3A_2055 = vector.shape_cast %swap3A_2054 : vector<1x16xf32> to vector<16xf32>
        %swap3A_2056 = vector.shape_cast %add3A_2047 : vector<16xf32> to vector<1x16xf32>
        tpu.vector_store %swap3A_2051[%swap3A_2052, %swap3A_2053], %swap3A_2056 {strides = array<i32>} : memref<128x64xf32, #tpu.memory_space<vmem>>, vector<1x16xf32>,
        %add3A_2057 = arith.constant 16 : i32
        %add3A_2058 = arith.addi %squeeze3A_2028, %add3A_2057 : i32
        %get3A_2059 = arith.constant 0 : i32
        %get3A_2060 = arith.constant 0 : i32
        %get3A_2061 = tpu.memref_slice %arg10[%scan3A_14, %get3A_2059, %get3A_2060] : memref<2x128x128xf32, #tpu.memory_space<vmem>> -> memref<1x128x128xf32, #tpu.memory_space<vmem>>
        %get3A_2062 = tpu.memref_squeeze %get3A_2061 : memref<1x128x128xf32, #tpu.memory_space<vmem>> -> memref<128x128xf32, #tpu.memory_space<vmem>>
        %get3A_2063 = arith.index_cast %add3A_2018 : i32 to index
        %get3A_2064 = arith.index_cast %add3A_2058 : i32 to index
        %get3A_2065 = tpu.vector_load %get3A_2062[%get3A_2063, %get3A_2064] {strides = array<i32>} : memref<128x128xf32, #tpu.memory_space<vmem>>, vector<1x16xf32>,
        %get3A_2066 = vector.shape_cast %get3A_2065 : vector<1x16xf32> to vector<16xf32>
        %mul3A_2067 = arith.constant 8.000000e+00 : f32
        %mul3A_2068 = vector.broadcast %mul3A_2067 : f32 to vector<16xf32>
        %mul3A_2069 = arith.mulf %get3A_2066, %mul3A_2068 : vector<16xf32>
        %add3A_2070 = arith.constant 16 : i32
        %add3A_2071 = arith.addi %mul3A_2026, %add3A_2070 : i32
        %get3A_2072 = arith.index_cast %add3A_2071 : i32 to index
        %get3A_2073 = tpu.vector_load %arg9[%get3A_2072] {strides = array<i32>} : memref<12800xf32, #tpu.memory_space<vmem>>, vector<16xf32>,
        %get3A_2074 = vector.shape_cast %get3A_2073 : vector<16xf32> to vector<16xf32>
        %add3A_2075 = arith.addf %mul3A_2069, %get3A_2074 : vector<16xf32>
        %swap3A_2076 = arith.constant 0 : i32
        %swap3A_2077 = arith.constant 0 : i32
        %swap3A_2078 = tpu.memref_slice %arg11[%scan3A_17, %swap3A_2076, %swap3A_2077] : memref<2x128x64xf32, #tpu.memory_space<vmem>> -> memref<1x128x64xf32, #tpu.memory_space<vmem>>
        %swap3A_2079 = tpu.memref_squeeze %swap3A_2078 : memref<1x128x64xf32, #tpu.memory_space<vmem>> -> memref<128x64xf32, #tpu.memory_space<vmem>>
        %swap3A_2080 = arith.index_cast %add3A_2018 : i32 to index
        %swap3A_2081 = arith.constant 16 : index
        %swap3A_2082 = tpu.vector_load %swap3A_2079[%swap3A_2080, %swap3A_2081] {strides = array<i32>} : memref<128x64xf32, #tpu.memory_space<vmem>>, vector<1x16xf32>,
        %swap3A_2083 = vector.shape_cast %swap3A_2082 : vector<1x16xf32> to vector<16xf32>
        %swap3A_2084 = vector.shape_cast %add3A_2075 : vector<16xf32> to vector<1x16xf32>
        tpu.vector_store %swap3A_2079[%swap3A_2080, %swap3A_2081], %swap3A_2084 {strides = array<i32>} : memref<128x64xf32, #tpu.memory_space<vmem>>, vector<1x16xf32>,
        %add3A_2085 = arith.constant 32 : i32
        %add3A_2086 = arith.addi %squeeze3A_2028, %add3A_2085 : i32
        %get3A_2087 = arith.constant 0 : i32
        %get3A_2088 = arith.constant 0 : i32
        %get3A_2089 = tpu.memref_slice %arg10[%scan3A_14, %get3A_2087, %get3A_2088] : memref<2x128x128xf32, #tpu.memory_space<vmem>> -> memref<1x128x128xf32, #tpu.memory_space<vmem>>
        %get3A_2090 = tpu.memref_squeeze %get3A_2089 : memref<1x128x128xf32, #tpu.memory_space<vmem>> -> memref<128x128xf32, #tpu.memory_space<vmem>>
        %get3A_2091 = arith.index_cast %add3A_2018 : i32 to index
        %get3A_2092 = arith.index_cast %add3A_2086 : i32 to index
        %get3A_2093 = tpu.vector_load %get3A_2090[%get3A_2091, %get3A_2092] {strides = array<i32>} : memref<128x128xf32, #tpu.memory_space<vmem>>, vector<1x16xf32>,
        %get3A_2094 = vector.shape_cast %get3A_2093 : vector<1x16xf32> to vector<16xf32>
        %mul3A_2095 = arith.constant 8.000000e+00 : f32
        %mul3A_2096 = vector.broadcast %mul3A_2095 : f32 to vector<16xf32>
        %mul3A_2097 = arith.mulf %get3A_2094, %mul3A_2096 : vector<16xf32>
        %add3A_2098 = arith.constant 32 : i32
        %add3A_2099 = arith.addi %mul3A_2026, %add3A_2098 : i32
        %get3A_2100 = arith.index_cast %add3A_2099 : i32 to index
        %get3A_2101 = tpu.vector_load %arg9[%get3A_2100] {strides = array<i32>} : memref<12800xf32, #tpu.memory_space<vmem>>, vector<16xf32>,
        %get3A_2102 = vector.shape_cast %get3A_2101 : vector<16xf32> to vector<16xf32>
        %add3A_2103 = arith.addf %mul3A_2097, %get3A_2102 : vector<16xf32>
        %swap3A_2104 = arith.constant 0 : i32
        %swap3A_2105 = arith.constant 0 : i32
        %swap3A_2106 = tpu.memref_slice %arg11[%scan3A_17, %swap3A_2104, %swap3A_2105] : memref<2x128x64xf32, #tpu.memory_space<vmem>> -> memref<1x128x64xf32, #tpu.memory_space<vmem>>
        %swap3A_2107 = tpu.memref_squeeze %swap3A_2106 : memref<1x128x64xf32, #tpu.memory_space<vmem>> -> memref<128x64xf32, #tpu.memory_space<vmem>>
        %swap3A_2108 = arith.index_cast %add3A_2018 : i32 to index
        %swap3A_2109 = arith.constant 32 : index
        %swap3A_2110 = tpu.vector_load %swap3A_2107[%swap3A_2108, %swap3A_2109] {strides = array<i32>} : memref<128x64xf32, #tpu.memory_space<vmem>>, vector<1x16xf32>,
        %swap3A_2111 = vector.shape_cast %swap3A_2110 : vector<1x16xf32> to vector<16xf32>
        %swap3A_2112 = vector.shape_cast %add3A_2103 : vector<16xf32> to vector<1x16xf32>
        tpu.vector_store %swap3A_2107[%swap3A_2108, %swap3A_2109], %swap3A_2112 {strides = array<i32>} : memref<128x64xf32, #tpu.memory_space<vmem>>, vector<1x16xf32>,
        %add3A_2113 = arith.constant 48 : i32
        %add3A_2114 = arith.addi %squeeze3A_2028, %add3A_2113 : i32
        %get3A_2115 = arith.constant 0 : i32
        %get3A_2116 = arith.constant 0 : i32
        %get3A_2117 = tpu.memref_slice %arg10[%scan3A_14, %get3A_2115, %get3A_2116] : memref<2x128x128xf32, #tpu.memory_space<vmem>> -> memref<1x128x128xf32, #tpu.memory_space<vmem>>
        %get3A_2118 = tpu.memref_squeeze %get3A_2117 : memref<1x128x128xf32, #tpu.memory_space<vmem>> -> memref<128x128xf32, #tpu.memory_space<vmem>>
        %get3A_2119 = arith.index_cast %add3A_2018 : i32 to index
        %get3A_2120 = arith.index_cast %add3A_2114 : i32 to index
        %get3A_2121 = tpu.vector_load %get3A_2118[%get3A_2119, %get3A_2120] {strides = array<i32>} : memref<128x128xf32, #tpu.memory_space<vmem>>, vector<1x16xf32>,
        %get3A_2122 = vector.shape_cast %get3A_2121 : vector<1x16xf32> to vector<16xf32>
        %mul3A_2123 = arith.constant 8.000000e+00 : f32
        %mul3A_2124 = vector.broadcast %mul3A_2123 : f32 to vector<16xf32>
        %mul3A_2125 = arith.mulf %get3A_2122, %mul3A_2124 : vector<16xf32>
        %add3A_2126 = arith.constant 48 : i32
        %add3A_2127 = arith.addi %mul3A_2026, %add3A_2126 : i32
        %get3A_2128 = arith.index_cast %add3A_2127 : i32 to index
        %get3A_2129 = tpu.vector_load %arg9[%get3A_2128] {strides = array<i32>} : memref<12800xf32, #tpu.memory_space<vmem>>, vector<16xf32>,
        %get3A_2130 = vector.shape_cast %get3A_2129 : vector<16xf32> to vector<16xf32>
        %add3A_2131 = arith.addf %mul3A_2125, %get3A_2130 : vector<16xf32>
        %swap3A_2132 = arith.constant 0 : i32
        %swap3A_2133 = arith.constant 0 : i32
        %swap3A_2134 = tpu.memref_slice %arg11[%scan3A_17, %swap3A_2132, %swap3A_2133] : memref<2x128x64xf32, #tpu.memory_space<vmem>> -> memref<1x128x64xf32, #tpu.memory_space<vmem>>
        %swap3A_2135 = tpu.memref_squeeze %swap3A_2134 : memref<1x128x64xf32, #tpu.memory_space<vmem>> -> memref<128x64xf32, #tpu.memory_space<vmem>>
        %swap3A_2136 = arith.index_cast %add3A_2018 : i32 to index
        %swap3A_2137 = arith.constant 48 : index
        %swap3A_2138 = tpu.vector_load %swap3A_2135[%swap3A_2136, %swap3A_2137] {strides = array<i32>} : memref<128x64xf32, #tpu.memory_space<vmem>>, vector<1x16xf32>,
        %swap3A_2139 = vector.shape_cast %swap3A_2138 : vector<1x16xf32> to vector<16xf32>
        %swap3A_2140 = vector.shape_cast %add3A_2131 : vector<16xf32> to vector<1x16xf32>
        tpu.vector_store %swap3A_2135[%swap3A_2136, %swap3A_2137], %swap3A_2140 {strides = array<i32>} : memref<128x64xf32, #tpu.memory_space<vmem>>, vector<1x16xf32>,
      }
      %scan3A_140 = arith.constant 8 : i32
      %add3A_141 = arith.addi %mul3A_2, %add3A_107 : i32
      %mul3A_142 = arith.constant 128 : i32
      %mul3A_143 = arith.muli %add3A_141, %mul3A_142 : i32
      %dma_start3A_144 = arith.constant 0 : i32
      %dma_start3A_145 = arith.constant 0 : i32
      %dma_start3A_146 = tpu.memref_slice %arg11[%scan3A_17, %dma_start3A_144, %dma_start3A_145] : memref<2x128x64xf32, #tpu.memory_space<vmem>> -> memref<1x128x64xf32, #tpu.memory_space<vmem>>
      %dma_start3A_147 = tpu.memref_squeeze %dma_start3A_146 : memref<1x128x64xf32, #tpu.memory_space<vmem>> -> memref<128x64xf32, #tpu.memory_space<vmem>>
      %dma_start3A_148 = arith.constant 0 : i32
      %dma_start3A_149 = tpu.memref_slice %arg6[%mul3A_143, %dma_start3A_148] : memref<819200x64xf32, #tpu.memory_space<hbm>> -> memref<128x64xf32, #tpu.memory_space<hbm>>
      %dma_start3A_150 = arith.constant 0 : i32
      %dma_start3A_151 = tpu.memref_slice %arg6[%mul3A_143, %dma_start3A_150] : memref<819200x64xf32, #tpu.memory_space<hbm>> -> memref<128x64xf32, #tpu.memory_space<hbm>>
      %dma_start3A_152 = arith.constant 0 : i32
      %dma_start3A_153 = arith.constant 0 : i32
      %dma_start3A_154 = tpu.memref_slice %arg11[%scan3A_17, %dma_start3A_152, %dma_start3A_153] : memref<2x128x64xf32, #tpu.memory_space<vmem>> -> memref<1x128x64xf32, #tpu.memory_space<vmem>>
      %dma_start3A_155 = tpu.memref_squeeze %dma_start3A_154 : memref<1x128x64xf32, #tpu.memory_space<vmem>> -> memref<128x64xf32, #tpu.memory_space<vmem>>
      tpu.enqueue_dma source(%dma_start3A_155 : memref<128x64xf32, #tpu.memory_space<vmem>>) target(%dma_start3A_151 : memref<128x64xf32, #tpu.memory_space<hbm>>) target_semaphore(%arg15 : memref<!tpu.dma_semaphore, #tpu.memory_space<semaphore_mem>>)
    }
    %scan3A_22 = arith.constant 100 : i32
    %add3A_23 = arith.constant 198 : i32
    %add3A_24 = arith.addi %mul3A_2, %add3A_23 : i32
    %mul3A_25 = arith.constant 128 : i32
    %mul3A_26 = arith.muli %add3A_24, %mul3A_25 : i32
    %dma_wait3A = arith.constant 0 : i32
    %dma_wait3A_27 = arith.constant 0 : i32
    %dma_wait3A_28 = arith.constant 0 : i32
    %dma_wait3A_29 = tpu.memref_slice %arg11[%dma_wait3A, %dma_wait3A_27, %dma_wait3A_28] : memref<2x128x64xf32, #tpu.memory_space<vmem>> -> memref<1x128x64xf32, #tpu.memory_space<vmem>>
    %dma_wait3A_30 = tpu.memref_squeeze %dma_wait3A_29 : memref<1x128x64xf32, #tpu.memory_space<vmem>> -> memref<128x64xf32, #tpu.memory_space<vmem>>
    %dma_wait3A_31 = arith.constant 0 : i32
    %dma_wait3A_32 = tpu.memref_slice %arg6[%mul3A_26, %dma_wait3A_31] : memref<819200x64xf32, #tpu.memory_space<hbm>> -> memref<128x64xf32, #tpu.memory_space<hbm>>
    %dma_wait3A_33 = arith.constant 0 : i32
    %dma_wait3A_34 = tpu.memref_slice %arg6[%mul3A_26, %dma_wait3A_33] : memref<819200x64xf32, #tpu.memory_space<hbm>> -> memref<128x64xf32, #tpu.memory_space<hbm>>
    %dma_wait3A_35 = arith.constant 0 : i32
    %dma_wait3A_36 = arith.constant 0 : i32
    %dma_wait3A_37 = tpu.memref_slice %arg11[%dma_wait3A, %dma_wait3A_35, %dma_wait3A_36] : memref<2x128x64xf32, #tpu.memory_space<vmem>> -> memref<1x128x64xf32, #tpu.memory_space<vmem>>
    %dma_wait3A_38 = tpu.memref_squeeze %dma_wait3A_37 : memref<1x128x64xf32, #tpu.memory_space<vmem>> -> memref<128x64xf32, #tpu.memory_space<vmem>>
    tpu.wait_dma2 semaphore(%arg14 : memref<!tpu.dma_semaphore, #tpu.memory_space<semaphore_mem>>) src(%dma_wait3A_38 : memref<128x64xf32, #tpu.memory_space<vmem>>) dst(%dma_wait3A_34 : memref<128x64xf32, #tpu.memory_space<hbm>>)
    %add3A_39 = arith.constant 199 : i32
    %add3A_40 = arith.addi %mul3A_2, %add3A_39 : i32
    %mul3A_41 = arith.constant 128 : i32
    %mul3A_42 = arith.muli %add3A_40, %mul3A_41 : i32
    %dma_wait3A_43 = arith.constant 1 : i32
    %dma_wait3A_44 = arith.constant 0 : i32
    %dma_wait3A_45 = arith.constant 0 : i32
    %dma_wait3A_46 = tpu.memref_slice %arg11[%dma_wait3A_43, %dma_wait3A_44, %dma_wait3A_45] : memref<2x128x64xf32, #tpu.memory_space<vmem>> -> memref<1x128x64xf32, #tpu.memory_space<vmem>>
    %dma_wait3A_47 = tpu.memref_squeeze %dma_wait3A_46 : memref<1x128x64xf32, #tpu.memory_space<vmem>> -> memref<128x64xf32, #tpu.memory_space<vmem>>
    %dma_wait3A_48 = arith.constant 0 : i32
    %dma_wait3A_49 = tpu.memref_slice %arg6[%mul3A_42, %dma_wait3A_48] : memref<819200x64xf32, #tpu.memory_space<hbm>> -> memref<128x64xf32, #tpu.memory_space<hbm>>
    %dma_wait3A_50 = arith.constant 0 : i32
    %dma_wait3A_51 = tpu.memref_slice %arg6[%mul3A_42, %dma_wait3A_50] : memref<819200x64xf32, #tpu.memory_space<hbm>> -> memref<128x64xf32, #tpu.memory_space<hbm>>
    %dma_wait3A_52 = arith.constant 0 : i32
    %dma_wait3A_53 = arith.constant 0 : i32
    %dma_wait3A_54 = tpu.memref_slice %arg11[%dma_wait3A_43, %dma_wait3A_52, %dma_wait3A_53] : memref<2x128x64xf32, #tpu.memory_space<vmem>> -> memref<1x128x64xf32, #tpu.memory_space<vmem>>
    %dma_wait3A_55 = tpu.memref_squeeze %dma_wait3A_54 : memref<1x128x64xf32, #tpu.memory_space<vmem>> -> memref<128x64xf32, #tpu.memory_space<vmem>>
    tpu.wait_dma2 semaphore(%arg15 : memref<!tpu.dma_semaphore, #tpu.memory_space<semaphore_mem>>) src(%dma_wait3A_55 : memref<128x64xf32, #tpu.memory_space<vmem>>) dst(%dma_wait3A_51 : memref<128x64xf32, #tpu.memory_space<hbm>>)
    return
  }
}

</mosaic_0001>

<sc_bundles>
// kernel: kernel.3.cloned.1.call-start
scs
__scs_entry_jumppad:
0x0: {  	(pc) =	sbr.rel $0x88, $3  }
0x1: {  	(tag) =	ssettag $0x0;
	lr =	simm.s32 $0x1  }
0x2: {  	[smem:$0x3F9F] =	sst lr;
	_ =	strace $0xD0000000  }
0x3: {  	_ = 	snop  }
0x4: {  	_ = 	snop  }
0x5: {  	_ = 	snop  }
0x6: {  	_ = 	snop  }
0x7: {  	_ = 	snop  }
__scs_overlays_trampoline_lowered:
0x8: {  	[smem:$0x3FAE] =	sst s0  }
0x9: {  	[smem:$0x3FAF] =	sst s1  }
0xa: {  	[smem:$0x3FB0] =	sst s2  }
0xb: {  	[smem:$0x3FB1] =	sst s3  }
0xc: {  	[smem:$0x3FB2] =	sst s4  }
0xd: {  	[smem:$0x3FB3] =	sst s5  }
0xe: {  	[smem:$0x3FB4] =	sst s6  }
0xf: {  	[smem:$0x3FB5] =	sst s7  }
0x10: {  	[smem:$0x3FB6] =	sst s8  }
0x11: {  	[smem:$0x3FB7] =	sst s9;
	s0 =	simm.s32 @!p0 $0x0  }
0x12: {  	s1 =	sld [smem:$0x3F9D];
	s0 =	simm.s32 @p0 $0x1  }
0x13: {  	[smem:$0x3FB8] =	sst s0;
	s0 =	simm.s32 @!p1 $0x0  }
0x14: {  	s2 =	sld [smem:$0x3F9C];
	s0 =	simm.s32 @p1 $0x1  }
0x15: {  	[smem:$0x3FB9] =	sst s0;
	s0 =	simm.s32 @!p2 $0x0  }
0x16: {  	s3 =	sld [smem:$0x3FDB];
	s0 =	simm.s32 @p2 $0x1  }
0x17: {  	s4 =	simm.s32 $0x1BF5;
	[smem:$0x3FBB] =	sst s0  }
0x18: {  	s0 =	sld [smem:$0x3F9E];
	_ =	swait.ge [sflag:s4], $0x0  }
0x19: {  	s7 =	sld [smem:$0x3F9F]  }
0x1a: {  	s8 =	sadd.s32 $0xFFFFE003, lr  }
0x1b: {  	s9 =	sadd.s32 $0xFFFFFEF7, lr;
	s5 =	simm.s32 $0xFFFFFFFF;
	p2 =	slt.u32 s8, $0xFFFFF086  }
0x1c: {  	p1 =	slt.u32 s9, $0xF7A;
	s5 =	simm.s32 @!p2 $0x0  }
0x1d: {  	s5 =	simm.s32 @p1 $0x1;
	p0 =	seq.s32 s7, s2  }
0x1e: {  	s7 =	smul.u32 @!p0 $0xF7A, s2;
	p2 =	seq.s32 @!p0 s5, $0x0  }
0x1f: {  	s9 =	smul.u32 $0xF7A, s1;
	s8 =	simm.s32 @!p0 $0x1BF5;
	p2 =	por !p2, p0  }
0x20: {  	[sflag:s8] =	ssyncset.s32 @!p0 $0xFFFFF086;
	s6 =	sadd.s32 @!p0 s3, s7;
	s7 =	simm.s32 @!p0 $0x108  }
0x21: {  	s3 =	sadd.s32 s3, s9;
	s6 =	sadd.s32 @!p0 $0x88, s6;
	s7 =	simm.s32 @p2 $0x1082  }
0x22: {  	[simem:s7], [sflag:s8] =	dma.local @!p0 [hbm:s6], $0xF7A  }
0x23: {  	s9 =	sor.u32 $0xD0000000, s2;
	s6 =	simm.s32 $0x108;
	_ =	swait.ge @!p0 [sflag:s8], $0x0  }
0x24: {  	s3 =	sadd.s32 $0x88, s3;
	s6 =	simm.s32 @!p1 $0x1082;
	[sflag:s4] =	ssyncset.s32 $0xFFFFF086  }
0x25: {  	[simem:s6], [sflag:s4] =	dma.local [hbm:s3], $0xF7A  }
0x26: {  	[smem:$0x3F9F] =	sst s1;
	(tag) =	ssettag s2;
	_ =	strace s9  }
0x27: {  	s1 =	sld [smem:$0x3FAF]  }
0x28: {  	s2 =	sld [smem:$0x3FB0]  }
0x29: {  	s4 =	sld [smem:$0x3FB2]  }
0x2a: {  	p0 =	seq.s32 s5, $0x0;
	s5 =	sld [smem:$0x3FB3]  }
0x2b: {  	s6 =	sld [smem:$0x3FB4]  }
0x2c: {  	s7 =	sld [smem:$0x3FB5]  }
0x2d: {  	s3 =	simm.s32 $0x108;
	s8 =	sld [smem:$0x3FB6]  }
0x2e: {  	s3 =	simm.s32 @!p0 $0x1082;
	s9 =	sld [smem:$0x3FB7]  }
0x2f: {  	lr =	sadd.s32 s0, s3;
	s0 =	sld [smem:$0x3FAE]  }
0x30: {  	s3 =	sld [smem:$0x3FB1]  }
0x31: {  	[smem:$0x3FBA] =	sst s10  }
0x32: {  	s10 =	sld [smem:$0x3FB8];
	_ =	sdelay $0x3  }
0x33: {  	p0 =	seq.s32 s10, $0x1;
	s10 =	sld [smem:$0x3FBA];
	_ =	sdelay $0x3  }
0x34: {  	[smem:$0x3FBA] =	sst s10  }
0x35: {  	s10 =	sld [smem:$0x3FB9];
	_ =	sdelay $0x3  }
0x36: {  	p1 =	seq.s32 s10, $0x1;
	s10 =	sld [smem:$0x3FBA];
	_ =	sdelay $0x3  }
0x37: {  	[smem:$0x3FBA] =	sst s10  }
0x38: {  	s10 =	sld [smem:$0x3FBB]  }
0x39: {  	_ = 	snop;
	(pc) =	sbr.ind lr, $3  }
0x3a: {  	_ = 	snop  }
0x3b: {  	_ = 	snop  }
0x3c: {  	p2 =	seq.s32 s10, $0x1;
	s10 =	sld [smem:$0x3FBA]  }
0x3d: {  	_ =	shalt  }
0x3e: {  	_ =	shalt  }
0x3f: {  	_ =	shalt  }
0x40: {  	_ =	shalt  }
0x41: {  	_ =	shalt  }
0x42: {  	_ =	shalt  }
0x43: {  	_ =	shalt  }
0x44: {  	_ =	shalt  }
0x45: {  	_ =	shalt  }
0x46: {  	_ =	shalt  }
0x47: {  	_ =	shalt  }
0x48: {  	_ =	shalt  }
0x49: {  	_ =	shalt  }
0x4a: {  	_ =	shalt  }
0x4b: {  	_ =	shalt  }
0x4c: {  	_ =	shalt  }
0x4d: {  	_ =	shalt  }
0x4e: {  	_ =	shalt  }
0x4f: {  	_ =	shalt  }
0x50: {  	_ =	shalt  }
0x51: {  	_ =	shalt  }
0x52: {  	_ =	shalt  }
0x53: {  	_ =	shalt  }
0x54: {  	_ =	shalt  }
0x55: {  	_ =	shalt  }
0x56: {  	_ =	shalt  }
0x57: {  	_ =	shalt  }
0x58: {  	_ =	shalt  }
0x59: {  	_ =	shalt  }
0x5a: {  	_ =	shalt  }
0x5b: {  	_ =	shalt  }
0x5c: {  	_ =	shalt  }
0x5d: {  	_ =	shalt  }
0x5e: {  	_ =	shalt  }
0x5f: {  	_ =	shalt  }
0x60: {  	_ =	shalt  }
0x61: {  	_ =	shalt  }
0x62: {  	_ =	shalt  }
0x63: {  	_ =	shalt  }
0x64: {  	_ =	shalt  }
0x65: {  	_ =	shalt  }
0x66: {  	_ =	shalt  }
0x67: {  	_ =	shalt  }
0x68: {  	_ =	shalt  }
0x69: {  	_ =	shalt  }
0x6a: {  	_ =	shalt  }
0x6b: {  	_ =	shalt  }
0x6c: {  	_ =	shalt  }
0x6d: {  	_ =	shalt  }
0x6e: {  	_ =	shalt  }
0x6f: {  	_ =	shalt  }
0x70: {  	_ =	shalt  }
0x71: {  	_ =	shalt  }
0x72: {  	_ =	shalt  }
0x73: {  	_ =	shalt  }
0x74: {  	_ =	shalt  }
0x75: {  	_ =	shalt  }
0x76: {  	_ =	shalt  }
0x77: {  	_ =	shalt  }
0x78: {  	_ =	shalt  }
0x79: {  	_ =	shalt  }
0x7a: {  	_ =	shalt  }
0x7b: {  	_ =	shalt  }
0x7c: {  	_ =	shalt  }
0x7d: {  	_ =	shalt  }
0x7e: {  	_ =	shalt  }
0x7f: {  	_ =	shalt  }
0x80: {  	_ =	shalt  }
0x81: {  	_ =	shalt  }
0x82: {  	_ =	shalt  }
0x83: {  	_ =	shalt  }
0x84: {  	_ =	shalt  }
0x85: {  	_ =	shalt  }
0x86: {  	_ =	shalt  }
0x87: {  	_ =	shalt  }
.Lfunc_end0:
.L_simem_size_0:
called_computation.1_lowered:
.L_overlay_start_0:
0x88: {  	s2 =	sld [smem:$0x3FD9]  }
0x89: {  	s3 =	sld [smem:$0x3FFE];
	_ =	sdelay $0x1  }
0x8a: {  	s1 =	srdreg.scid  }
0x8b: {  	s0 =	sand.u32 $0x1, s1  }
0x8c: {  	s17 =	sshll.u32 s0, $0xA;
	s2 =	sadd.s32 s3, s2  }
0x8d: {  	s2 =	sadd.s32 s2, s17  }
0x8e: {  	[smem:$0x3FC6] =	sst s2  }
0x8f: {  	_ = 	snop  }
0x90: {  	s2 =	sld [smem:$0x3FD0];
	(tm) =	ssettm $0x1  }
0x91: {  	s18 =	sld [smem:$0x3FFB];
	_ =	sdelay $0x3  }
0x92: {  	_ =	strace s18  }
0x93: {  	s3 =	sld [smem:$0x3FFC];
	_ =	sdelay $0x3  }
0x94: {  	_ =	strace s3  }
0x95: {  	s3 =	sld [smem:$0x3FFD];
	_ =	sdelay $0x3  }
0x96: {  	_ =	strace s3  }
0x97: {  	_ =	strace $0x8FFFFFFF  }
0x98: {  	s19 =	sld [smem:$0x3FDB];
	_ =	sdelay $0x1  }
0x99: {  	s4 =	simm.s32 $_scs_section_size  }
0x9a: {  	s5 =	simm.s32 $_size__tile_overlayer_lowered;
	s6 =	simm.s32 $_tile_overlayer_lowered  }
0x9b: {  	s22 =	simm.s32 $0x1BFF;
	s21 =	sshll.u32 s6, $0x1;
	s3 =	sadd.s32 s4, s19  }
0x9c: {  	s7 =	simm.s32 $0x0;
	s20 =	sshll.u32 s5, $0x1;
	s5 =	sadd.s32 s21, s3  }
0x9d: {  	[timem:s7], [sflag:s22] =	dma.local [hbm:s5], s20  }
0x9e: {  	_ =	swait.ge [sflag:s22], s20  }
0x9f: {  	s4 =	ssub.s32 $0x0, s20;
	[sflag:s22] =	ssyncset.done $0x0  }
0xa0: {  	[sflag:s22] =	ssyncadd.s32 s4;
	_ =	sdelay $0x1  }
0xa1: {  	s23 =	simm.s32 $0x1B8B  }
0xa2: {  	_ =	swait.ge [sflag:s23], $0x1  }
0xa3: {  	[sflag:s23] =	ssyncset.done $0x0  }
0xa4: {  	s25 =	simm.s32 $0x1B8E;
	s24 =	sld [smem:$0x3FFE];
	[sflag:s23] =	ssyncadd.s32 $0xFFFFFFFF  }
0xa5: {  	s26 =	simm.s32 $execute0_lowered;
	[smem:$0x3FD2] =	sst s25  }
0xa6: {  	s5 =	sshll.u32 s26, $0x1;
	_ =	strace $0x80000046;
	[dreg:$0x1] =	wrdreg $0xFFFFFFFF  }
0xa7: {  	s28 =	simm.s32 $_size_execute0_lowered;
	s3 =	sadd.s32 s3, s5;
	[dreg:$0x0] =	wrdreg $0x0  }
0xa8: {  	s5 =	sshll.u32 s28, $0x1;
	[dreg:$0x2] =	wrdreg s3  }
0xa9: {  	[dreg:$0x3] =	wrdreg s5  }
0xaa: {  	[dreg:$0x4] =	wrdreg $0xC0  }
0xab: {  	_ =	task [dreg:s7], $0x5FFFF  }
0xac: {  	[dreg:$0x1] =	wrdreg $0xFFFFFFFF  }
0xad: {  	[dreg:$0x0] =	wrdreg $0x60  }
0xae: {  	[dreg:$0x2] =	wrdreg s2  }
0xaf: {  	[dreg:$0x3] =	wrdreg s24  }
0xb0: {  	[dreg:$0x4] =	wrdreg $0x9  }
0xb1: {  	_ =	task.clear_ibuf [dreg:s7], $0x5FFFF;
	_ =	strace $0x90000046  }
0xb2: {  	s29 =	simm.s32 $0x9;
	_ =	strace $0x80000048  }
0xb3: {  	_ =	swait.ge [sflag:s29], $0x1  }
0xb4: {  	[sflag:s29] =	ssyncadd.s32 $0xFFFFFFFF  }
0xb5: {  	_ =	strace $0x90000048  }
0xb6: {  	_ =	sfence  }
0xb7: {  	s30 =	sld [smem:$0x0];
	_ =	sdelay $0x2  }
0xb8: {  	s31 =	sshll.u32 s1, $0xD;
	s1 =	sshrl.u32 s1, $0x2  }
0xb9: {  	s3 =	sand.u32 $0x4000, s31;
	s1 =	sadd.s32 s1, s30  }
0xba: {  	s0 =	sor.u32 s3, s0;
	s1 =	sshll.u32 s1, $0x11  }
0xbb: {  	s0 =	sor.u32 s1, s0  }
0xbc: {  	s0 =	sadd.s32 $0x8F2B, s0  }
0xbd: {  	[sflag:s0] =	ssyncadd.remote.s32 $0x1  }
0xbe: {  	_ =	sfence.sel $0xFFFF  }
0xbf: {  	[dreg:$0x0] =	wrdreg $0xFFFFFFFF;
	(pc) =	sbr.abs _section_cstart, $3  }
0xc0: {  	[dreg:$0x1] =	wrdreg $0xFFFFFFFF  }
0xc1: {  	_ =	task.clear_ibuf [dreg:s7], $0x2FFFF;
	_ =	strace $0x9FFFFFFF  }
0xc2: {  	(tm) =	ssettm $0x7FFFFFFF  }
0xc3: {  	_ =	shalt  }
tec
execute0_lowered:
.L_overlay_start_1:
0x0: {  	(tag) =	ssettag $0x1  }
0x1: {  	s0 =	srdreg.scid;
	s14 =	stileid.u32  }
0x2: {  	s5 =	rddreg [dreg:$0x0];
	s21 =	smul.u32 $0xC800, s14  }
0x3: {  	s6 =	rddreg [dreg:$0x1];
	s3 =	simm.s32 $0x0;
	s10 =	smul.u32 $0x320000, s14  }
0x4: {  	s0 =	sand.u32 $0x1, s0;
	s1 =	sshll.u32 s14, $0x1;
	s14 =	smul.u32 $0x190, s14  }
0x5: {  	s18 =	simm.s32 $0x80;
	[smem:$0x7FF] =	sst s3;
	s8 =	smul.u32 $0x6400, s0  }
0x6: {  	s4 =	sadd.s32 $0xF5C000, s6;
	s13 =	sadd.s32 $0x19C00, s6;
	s12 =	smul.u32 $0x190000, s0  }
0x7: {  	s1 =	sor.u32 s0, s1;
	s11 =	ssub.s32 $0x2, s0;
	s0 =	smul.u32 $0xC8, s0  }
0x8: {  	_ =	strace $0x80000047;
	[dreg:$0x7] =	wrdreg s13;
	s7 =	smul.u32 $0xC80, s1  }
0x9: {  	s2 =	smul.u32 $0xC8, s1;
	s22 =	sshrl.u32 s11, $0x1;
	s25 =	sadd.s32 s8, s21  }
0xa: {  	s11 =	ssub.s32 s11, s22;
	s5 =	sadd.s32 s5, s7;
	[dreg:$0xb] =	wrdreg s25  }
0xb: {  	s1 =	simm.s32 $0x0;
	s24 =	smax.u32 s11, $0x1;
	[dreg:$0x8] =	wrdreg s5  }
0xc: {  	s26 =	sadd.s32 s12, s10;
	s28 =	sor.u32 $0xF, s25;
	[dreg:$0xa] =	wrdreg s24  }
0xd: {  	s0 =	sadd.s32 s0, s14;
	s29 =	sor.u32 $0x3C0, s26;
	[dreg:$0xc] =	wrdreg s28  }
0xe: {  	s21 =	simm.s32 $0x1;
	s30 =	sor.u32 $0x23C0, s26;
	[dreg:$0xd] =	wrdreg s29  }
0xf: {  	s9 =	sadd.s32 s7, s6;
	s31 =	sor.u32 $0x8F, s25;
	[dreg:$0xf] =	wrdreg s30  }
0x10: {  	s0 =	sshll.u32 s0, $0x7;
	s23 =	sadd.s32 $0xC00, s9;
	[dreg:$0x10] =	wrdreg s31  }
0x11: {  	s6 =	sadd.s32 $0x1A400, s6;
	s0 =	sor.u32 $0x80, s0;
	[dreg:$0x9] =	wrdreg s23  }
0x12: {  	s26 =	simm.s32 $0x4;
	[dreg:$0xe] =	wrdreg s0;
	s23 =	simm.s32 $0x2  }
.LBB2_1:
0x13: {  	[dreg:$0x11] =	wrdreg s1  }
0x14: {  	s0 =	rddreg [dreg:$0x8];
	s5 =	simm.s32 $0x5  }
0x15: {  	[tilespmem:s3], [sflag:$0x5] =	stream.linear.gather [hbm4b:s0+s3], $0x6400, $0x38;
	[tilespmem:$0x1FA00] =	vst v63  }
0x16: {  	_ =	swait.ge [sflag:s5], $0x6400  }
0x17: {  	[sflag:s5] =	ssyncset.done $0x0  }
0x18: {  	s0 =	simm.s32 $0x6400;
	s25 =	rddreg [dreg:$0x9];
	[sflag:s5] =	ssyncadd.s32 $0xFFFF9C00  }
0x19: {  	[tilespmem:s0], [sflag:$0x5] =	stream.linear.gather [hbm4b:s25+s3], $0x6400, $0x38;
	[tilespmem:$0x1FA00] =	vst v63  }
0x1a: {  	_ =	swait.ge [sflag:s5], $0x6400  }
0x1b: {  	[sflag:s5] =	ssyncset.done $0x0  }
0x1c: {  	s7 =	simm.s32 $0xC800;
	s28 =	rddreg [dreg:$0x7];
	[sflag:s5] =	ssyncadd.s32 $0xFFFF9C00  }
0x1d: {  	[tilespmem:s7], [sflag:$0x5] =	stream.linear.gather [hbm4b:s28+s3], $0x3200, $0x38;
	[tilespmem:$0x1FA00] =	vst v63  }
0x1e: {  	_ =	swait.ge [sflag:s5], $0x3200  }
0x1f: {  	s31 =	rddreg [dreg:$0x10]  }
0x20: {  	s14 =	rddreg [dreg:$0xf]  }
0x21: {  	s13 =	rddreg [dreg:$0xe]  }
0x22: {  	s29 =	simm.s32 $0xFA00;
	s1 =	rddreg [dreg:$0xd]  }
0x23: {  	s30 =	simm.s32 $0x6480;
	[sflag:s5] =	ssyncset.done $0x0;
	s15 =	rddreg [dreg:$0xc]  }
0x24: {  	s7 =	simm.s32 $0x0;
	s10 =	rddreg [dreg:$0xb];
	[sflag:s5] =	ssyncadd.s32 $0xFFFFCE00  }
0x25: {  	[tilespmem:s29], [sflag:$0x1] =	stream.indirect.gather [hbm4b:s4+s18], $0x80, s3, s18, $0xb8;
	[tilespmem:$0x1FA00] =	vst v63  }
.LBB2_2:
0x26: {  	s5 =	smulhi.u32 $0x51EB851F, s13;
	_ =	sdelay $0x1  }
0x27: {  	s8 =	smulhi.u32 $0x51EB851F, s10;
	s5 =	sshrl.u32 s5, $0x6  }
0x28: {  	s25 =	simm.s32 $0x13A00;
	s9 =	smul.u32 $0xFFFFCE00, s5  }
0x29: {  	s11 =	sshrl.u32 s8, $0x6;
	s8 =	sshllo.u32 s7, $0x1;
	s5 =	smul.u32 $0xFFFFFF38, s5  }
0x2a: {  	s20 =	smul.u32 $0xFFFFFF38, s11;
	s12 =	sshll.u32 s8, $0x7;
	[dreg:$0x5] =	wrdreg s9  }
0x2b: {  	s22 =	smul.u32 $0xFFFFCE00, s11;
	s24 =	sand.u32 $0x3FFFFF80, s12;
	[dreg:$0x6] =	wrdreg s5  }
0x2c: {  	[tilespmem:s25], [sflag:$0x2] =	stream.indirect.gather [hbm4b:s4+s18], $0x80, s24, s18, $0xb8;
	[tilespmem:$0x1FA00] =	vst v63  }
0x2d: {  	p0 =	seq.s32 s7, $0x0;
	[dreg:$0x3] =	wrdreg s20  }
0x2e: {  	[dreg:$0x4] =	wrdreg s22;
	s5 =	simm.s32 @!p0 $0x3  }
0x2f: {  	_ =	swait.ge @!p0 [sflag:s5], $0x4000  }
0x30: {  	[sflag:s5] =	ssyncset.done @!p0 $0x0  }
0x31: {  	s28 =	sshll.u32 s7, $0x1;
	[sflag:s5] =	ssyncadd.s32 @!p0 $0xFFFFC000  }
0x32: {  	s17 =	simm.s32 $0x0;
	s29 =	smov.u32 s0;
	_ =	swait.ge [sflag:s21], $0x4000  }
0x33: {  	s19 =	sadd.s32 s2, s28;
	s11 =	smov.u32 s15;
	[sflag:s21] =	ssyncset.done $0x0  }
0x34: {  	s12 =	smov.u32 s1;
	s9 =	sshll.u32 s7, $0xA;
	[sflag:s21] =	ssyncadd.s32 $0xFFFFC000  }
.LBB2_3:
0x35: {  	v0 =	vld [tilespmem:s29+$0x0];
	_ =	sdelay $0x4  }
0x36: {  	(v2sf) =	vpush v0, $0x0;
	_ =	sdelay $0xe  }
0x37: {  	s28 =	spop (v2sf)  }
0x38: {  	s16 =	sand.u32 $0x7F, s28;
	s25 =	sshll.u32 s28, $0x2  }
0x39: {  	s5 =	rddreg [dreg:$0x3];
	s25 =	sand.u32 $0xFFFFFE00, s25;
	s20 =	sshll.u32 s16, $0x2  }
0x3a: {  	s22 =	rddreg [dreg:$0x4];
	s16 =	sadd.s32 s11, s5;
	s20 =	sor.u32 s20, s25  }
0x3b: {  	s5 =	sshra.s32 s17, $0x2;
	s24 =	sadd.s32 $0xFFFFFFF1, s16;
	s25 =	sshra.s32 s20, $0x2  }
0x3c: {  	p0 =	sgt.u32 s24, $0xC7;
	s20 =	simm.s32 $0xFFFFCA40;
	s24 =	sadd.s32 s5, s25  }
0x3d: {  	s25 =	sadd.s32 s12, s22;
	s20 =	simm.s32 @!p0 $0xFFFFFC40;
	v1 =	vld [tilespmem:s24+$0xFA00]  }
0x3e: {  	s20 =	sadd.s32 s20, s25  }
0x3f: {  	v2 =	vld [tilespmem:s20+$0xC800];
	_ =	sdelay $0x1  }
0x40: {  	s22 =	sadd.s32 $0x10, s28  }
0x41: {  	s24 =	sand.u32 $0x7F, s22;
	s22 =	sshll.u32 s22, $0x2;
	v1 =	vmul.f32 $8.000000000e+00, v1  }
0x42: {  	s22 =	sand.u32 $0xFFFFFE00, s22;
	s24 =	sshll.u32 s24, $0x2  }
0x43: {  	s22 =	sor.u32 s24, s22;
	v1 =	vadd.f32 v2, v1  }
0x44: {  	s22 =	sshra.s32 s22, $0x2  }
0x45: {  	s22 =	sadd.s32 s5, s22;
	[tilespmem:s5+$0x17A00] =	vst v1  }
0x46: {  	v1 =	vld [tilespmem:s22+$0xFA00];
	_ =	sdelay $0x1  }
0x47: {  	v61 =	vld [tilespmem:s20+$0xC810];
	_ =	sdelay $0x1  }
0x48: {  	s22 =	sadd.s32 $0x20, s28  }
0x49: {  	s24 =	sand.u32 $0x7F, s22;
	s22 =	sshll.u32 s22, $0x2;
	v1 =	vmul.f32 $8.000000000e+00, v1  }
0x4a: {  	s22 =	sand.u32 $0xFFFFFE00, s22;
	s24 =	sshll.u32 s24, $0x2  }
0x4b: {  	s22 =	sor.u32 s24, s22;
	v1 =	vadd.f32 v61, v1  }
0x4c: {  	s22 =	sshra.s32 s22, $0x2  }
0x4d: {  	(v2sf) =	vpush v0, $0x1;
	s22 =	sadd.s32 s5, s22;
	[tilespmem:s5+$0x17A10] =	vst v1  }
0x4e: {  	v1 =	vld [tilespmem:s22+$0xFA00];
	_ =	sdelay $0x1  }
0x4f: {  	v62 =	vld [tilespmem:s20+$0xC820];
	_ =	sdelay $0x1  }
0x50: {  	s24 =	sadd.s32 $0x30, s28  }
0x51: {  	s28 =	sand.u32 $0x7F, s24;
	s22 =	sshll.u32 s24, $0x2;
	v1 =	vmul.f32 $8.000000000e+00, v1  }
0x52: {  	s24 =	sshll.u32 s28, $0x2;
	s22 =	sand.u32 $0xFFFFFE00, s22  }
0x53: {  	s22 =	sor.u32 s24, s22;
	v1 =	vadd.f32 v62, v1  }
0x54: {  	s22 =	sshra.s32 s22, $0x2  }
0x55: {  	s22 =	sadd.s32 s5, s22;
	[tilespmem:s5+$0x17A20] =	vst v1  }
0x56: {  	v1 =	vld [tilespmem:s22+$0xFA00];
	_ =	sdelay $0x1  }
0x57: {  	v63 =	vld [tilespmem:s20+$0xC830];
	_ =	sdelay $0x1  }
0x58: {  	s20 =	spop (v2sf)  }
0x59: {  	s22 =	sand.u32 $0x7F, s20;
	s28 =	sshll.u32 s20, $0x2;
	v1 =	vmul.f32 $8.000000000e+00, v1  }
0x5a: {  	s24 =	sand.u32 $0xFFFFFE00, s28;
	s22 =	sshll.u32 s22, $0x2  }
0x5b: {  	s22 =	sor.u32 s22, s24;
	v1 =	vadd.f32 v63, v1  }
0x5c: {  	s28 =	sadd.s32 $0xFFFFFFF2, s16;
	s22 =	sshra.s32 s22, $0x2  }
0x5d: {  	p0 =	sgt.u32 s28, $0xC7;
	s24 =	simm.s32 $0xFFFFCA80;
	s22 =	sadd.s32 s5, s22;
	[tilespmem:s5+$0x17A30] =	vst v1  }
0x5e: {  	s24 =	simm.s32 @!p0 $0xFFFFFC80;
	v1 =	vld [tilespmem:s22+$0xFA80]  }
0x5f: {  	s22 =	sadd.s32 s24, s25  }
0x60: {  	v4 =	vld [tilespmem:s22+$0xC800];
	_ =	sdelay $0x1  }
0x61: {  	s24 =	sadd.s32 $0x10, s20  }
0x62: {  	s28 =	sand.u32 $0x7F, s24;
	s24 =	sshll.u32 s24, $0x2;
	v1 =	vmul.f32 $8.000000000e+00, v1  }
0x63: {  	s24 =	sand.u32 $0xFFFFFE00, s24;
	s28 =	sshll.u32 s28, $0x2  }
0x64: {  	s24 =	sor.u32 s28, s24;
	v1 =	vadd.f32 v4, v1  }
0x65: {  	s24 =	sshra.s32 s24, $0x2  }
0x66: {  	s24 =	sadd.s32 s5, s24;
	[tilespmem:s5+$0x17A80] =	vst v1  }
0x67: {  	v1 =	vld [tilespmem:s24+$0xFA80];
	_ =	sdelay $0x1  }
0x68: {  	v5 =	vld [tilespmem:s22+$0xC810];
	_ =	sdelay $0x1  }
0x69: {  	s24 =	sadd.s32 $0x20, s20  }
0x6a: {  	s28 =	sand.u32 $0x7F, s24;
	s24 =	sshll.u32 s24, $0x2;
	v1 =	vmul.f32 $8.000000000e+00, v1  }
0x6b: {  	s24 =	sand.u32 $0xFFFFFE00, s24;
	s28 =	sshll.u32 s28, $0x2  }
0x6c: {  	s24 =	sor.u32 s28, s24;
	v1 =	vadd.f32 v5, v1  }
0x6d: {  	s24 =	sshra.s32 s24, $0x2  }
0x6e: {  	(v2sf) =	vpush v0, $0x2;
	s24 =	sadd.s32 s5, s24;
	[tilespmem:s5+$0x17A90] =	vst v1  }
0x6f: {  	v1 =	vld [tilespmem:s24+$0xFA80];
	_ =	sdelay $0x1  }
0x70: {  	v6 =	vld [tilespmem:s22+$0xC820];
	_ =	sdelay $0x1  }
0x71: {  	s20 =	sadd.s32 $0x30, s20  }
0x72: {  	s28 =	sand.u32 $0x7F, s20;
	s20 =	sshll.u32 s20, $0x2;
	v1 =	vmul.f32 $8.000000000e+00, v1  }
0x73: {  	s20 =	sand.u32 $0xFFFFFE00, s20;
	s24 =	sshll.u32 s28, $0x2  }
0x74: {  	s20 =	sor.u32 s24, s20;
	v1 =	vadd.f32 v6, v1  }
0x75: {  	s20 =	sshra.s32 s20, $0x2  }
0x76: {  	s20 =	sadd.s32 s5, s20;
	[tilespmem:s5+$0x17AA0] =	vst v1  }
0x77: {  	v1 =	vld [tilespmem:s20+$0xFA80];
	_ =	sdelay $0x1  }
0x78: {  	v7 =	vld [tilespmem:s22+$0xC830];
	_ =	sdelay $0x1  }
0x79: {  	s20 =	spop (v2sf)  }
0x7a: {  	s22 =	sand.u32 $0x7F, s20;
	s28 =	sshll.u32 s20, $0x2;
	v1 =	vmul.f32 $8.000000000e+00, v1  }
0x7b: {  	s24 =	sand.u32 $0xFFFFFE00, s28;
	s22 =	sshll.u32 s22, $0x2  }
0x7c: {  	s22 =	sor.u32 s22, s24;
	v1 =	vadd.f32 v7, v1  }
0x7d: {  	s28 =	sadd.s32 $0xFFFFFFF3, s16;
	s22 =	sshra.s32 s22, $0x2  }
0x7e: {  	p0 =	sgt.u32 s28, $0xC7;
	s24 =	simm.s32 $0xFFFFCAC0;
	s22 =	sadd.s32 s5, s22;
	[tilespmem:s5+$0x17AB0] =	vst v1  }
0x7f: {  	s24 =	simm.s32 @!p0 $0xFFFFFCC0;
	v1 =	vld [tilespmem:s22+$0xFB00]  }
0x80: {  	s22 =	sadd.s32 s24, s25  }
0x81: {  	v8 =	vld [tilespmem:s22+$0xC800];
	_ =	sdelay $0x1  }
0x82: {  	s24 =	sadd.s32 $0x10, s20  }
0x83: {  	s28 =	sand.u32 $0x7F, s24;
	s24 =	sshll.u32 s24, $0x2;
	v1 =	vmul.f32 $8.000000000e+00, v1  }
0x84: {  	s24 =	sand.u32 $0xFFFFFE00, s24;
	s28 =	sshll.u32 s28, $0x2  }
0x85: {  	s24 =	sor.u32 s28, s24;
	v1 =	vadd.f32 v8, v1  }
0x86: {  	s24 =	sshra.s32 s24, $0x2  }
0x87: {  	s24 =	sadd.s32 s5, s24;
	[tilespmem:s5+$0x17B00] =	vst v1  }
0x88: {  	v1 =	vld [tilespmem:s24+$0xFB00];
	_ =	sdelay $0x1  }
0x89: {  	v9 =	vld [tilespmem:s22+$0xC810];
	_ =	sdelay $0x1  }
0x8a: {  	s24 =	sadd.s32 $0x20, s20  }
0x8b: {  	s28 =	sand.u32 $0x7F, s24;
	s24 =	sshll.u32 s24, $0x2;
	v1 =	vmul.f32 $8.000000000e+00, v1  }
0x8c: {  	s24 =	sand.u32 $0xFFFFFE00, s24;
	s28 =	sshll.u32 s28, $0x2  }
0x8d: {  	s24 =	sor.u32 s28, s24;
	v1 =	vadd.f32 v9, v1  }
0x8e: {  	s24 =	sshra.s32 s24, $0x2  }
0x8f: {  	(v2sf) =	vpush v0, $0x3;
	s24 =	sadd.s32 s5, s24;
	[tilespmem:s5+$0x17B10] =	vst v1  }
0x90: {  	v1 =	vld [tilespmem:s24+$0xFB00];
	_ =	sdelay $0x1  }
0x91: {  	v10 =	vld [tilespmem:s22+$0xC820];
	_ =	sdelay $0x1  }
0x92: {  	s20 =	sadd.s32 $0x30, s20  }
0x93: {  	s28 =	sand.u32 $0x7F, s20;
	s20 =	sshll.u32 s20, $0x2;
	v1 =	vmul.f32 $8.000000000e+00, v1  }
0x94: {  	s20 =	sand.u32 $0xFFFFFE00, s20;
	s24 =	sshll.u32 s28, $0x2  }
0x95: {  	s20 =	sor.u32 s24, s20;
	v1 =	vadd.f32 v10, v1  }
0x96: {  	s20 =	sshra.s32 s20, $0x2  }
0x97: {  	s20 =	sadd.s32 s5, s20;
	[tilespmem:s5+$0x17B20] =	vst v1  }
0x98: {  	v1 =	vld [tilespmem:s20+$0xFB00];
	_ =	sdelay $0x1  }
0x99: {  	v11 =	vld [tilespmem:s22+$0xC830];
	_ =	sdelay $0x1  }
0x9a: {  	s20 =	spop (v2sf)  }
0x9b: {  	s22 =	sand.u32 $0x7F, s20;
	s28 =	sshll.u32 s20, $0x2;
	v1 =	vmul.f32 $8.000000000e+00, v1  }
0x9c: {  	s24 =	sand.u32 $0xFFFFFE00, s28;
	s22 =	sshll.u32 s22, $0x2  }
0x9d: {  	s22 =	sor.u32 s22, s24;
	v1 =	vadd.f32 v11, v1  }
0x9e: {  	s28 =	sadd.s32 $0xFFFFFFF4, s16;
	s22 =	sshra.s32 s22, $0x2  }
0x9f: {  	p0 =	sgt.u32 s28, $0xC7;
	s24 =	simm.s32 $0xFFFFCB00;
	s22 =	sadd.s32 s5, s22;
	[tilespmem:s5+$0x17B30] =	vst v1  }
0xa0: {  	s24 =	simm.s32 @!p0 $0xFFFFFD00;
	v1 =	vld [tilespmem:s22+$0xFB80]  }
0xa1: {  	s22 =	sadd.s32 s24, s25  }
0xa2: {  	v12 =	vld [tilespmem:s22+$0xC800];
	_ =	sdelay $0x1  }
0xa3: {  	s24 =	sadd.s32 $0x10, s20  }
0xa4: {  	s28 =	sand.u32 $0x7F, s24;
	s24 =	sshll.u32 s24, $0x2;
	v1 =	vmul.f32 $8.000000000e+00, v1  }
0xa5: {  	s24 =	sand.u32 $0xFFFFFE00, s24;
	s28 =	sshll.u32 s28, $0x2  }
0xa6: {  	s24 =	sor.u32 s28, s24;
	v1 =	vadd.f32 v12, v1  }
0xa7: {  	s24 =	sshra.s32 s24, $0x2  }
0xa8: {  	s24 =	sadd.s32 s5, s24;
	[tilespmem:s5+$0x17B80] =	vst v1  }
0xa9: {  	v1 =	vld [tilespmem:s24+$0xFB80];
	_ =	sdelay $0x1  }
0xaa: {  	v13 =	vld [tilespmem:s22+$0xC810];
	_ =	sdelay $0x1  }
0xab: {  	s24 =	sadd.s32 $0x20, s20  }
0xac: {  	s28 =	sand.u32 $0x7F, s24;
	s24 =	sshll.u32 s24, $0x2;
	v1 =	vmul.f32 $8.000000000e+00, v1  }
0xad: {  	s24 =	sand.u32 $0xFFFFFE00, s24;
	s28 =	sshll.u32 s28, $0x2  }
0xae: {  	s24 =	sor.u32 s28, s24;
	v1 =	vadd.f32 v13, v1  }
0xaf: {  	s24 =	sshra.s32 s24, $0x2  }
0xb0: {  	(v2sf) =	vpush v0, $0x4;
	s24 =	sadd.s32 s5, s24;
	[tilespmem:s5+$0x17B90] =	vst v1  }
0xb1: {  	v1 =	vld [tilespmem:s24+$0xFB80];
	_ =	sdelay $0x1  }
0xb2: {  	v14 =	vld [tilespmem:s22+$0xC820];
	_ =	sdelay $0x1  }
0xb3: {  	s20 =	sadd.s32 $0x30, s20  }
0xb4: {  	s28 =	sand.u32 $0x7F, s20;
	s20 =	sshll.u32 s20, $0x2;
	v1 =	vmul.f32 $8.000000000e+00, v1  }
0xb5: {  	s20 =	sand.u32 $0xFFFFFE00, s20;
	s24 =	sshll.u32 s28, $0x2  }
0xb6: {  	s20 =	sor.u32 s24, s20;
	v1 =	vadd.f32 v14, v1  }
0xb7: {  	s20 =	sshra.s32 s20, $0x2  }
0xb8: {  	s20 =	sadd.s32 s5, s20;
	[tilespmem:s5+$0x17BA0] =	vst v1  }
0xb9: {  	v1 =	vld [tilespmem:s20+$0xFB80];
	_ =	sdelay $0x1  }
0xba: {  	v15 =	vld [tilespmem:s22+$0xC830];
	_ =	sdelay $0x1  }
0xbb: {  	s20 =	spop (v2sf)  }
0xbc: {  	s22 =	sand.u32 $0x7F, s20;
	s28 =	sshll.u32 s20, $0x2;
	v1 =	vmul.f32 $8.000000000e+00, v1  }
0xbd: {  	s24 =	sand.u32 $0xFFFFFE00, s28;
	s22 =	sshll.u32 s22, $0x2  }
0xbe: {  	s22 =	sor.u32 s22, s24;
	v1 =	vadd.f32 v15, v1  }
0xbf: {  	s28 =	sadd.s32 $0xFFFFFFF5, s16;
	s22 =	sshra.s32 s22, $0x2  }
0xc0: {  	p0 =	sgt.u32 s28, $0xC7;
	s24 =	simm.s32 $0xFFFFCB40;
	s22 =	sadd.s32 s5, s22;
	[tilespmem:s5+$0x17BB0] =	vst v1  }
0xc1: {  	s24 =	simm.s32 @!p0 $0xFFFFFD40;
	v1 =	vld [tilespmem:s22+$0xFC00]  }
0xc2: {  	s22 =	sadd.s32 s24, s25  }
0xc3: {  	v16 =	vld [tilespmem:s22+$0xC800];
	_ =	sdelay $0x1  }
0xc4: {  	s24 =	sadd.s32 $0x10, s20  }
0xc5: {  	s28 =	sand.u32 $0x7F, s24;
	s24 =	sshll.u32 s24, $0x2;
	v1 =	vmul.f32 $8.000000000e+00, v1  }
0xc6: {  	s24 =	sand.u32 $0xFFFFFE00, s24;
	s28 =	sshll.u32 s28, $0x2  }
0xc7: {  	s24 =	sor.u32 s28, s24;
	v1 =	vadd.f32 v16, v1  }
0xc8: {  	s24 =	sshra.s32 s24, $0x2  }
0xc9: {  	s24 =	sadd.s32 s5, s24;
	[tilespmem:s5+$0x17C00] =	vst v1  }
0xca: {  	v1 =	vld [tilespmem:s24+$0xFC00];
	_ =	sdelay $0x1  }
0xcb: {  	v17 =	vld [tilespmem:s22+$0xC810];
	_ =	sdelay $0x1  }
0xcc: {  	s24 =	sadd.s32 $0x20, s20  }
0xcd: {  	s28 =	sand.u32 $0x7F, s24;
	s24 =	sshll.u32 s24, $0x2;
	v1 =	vmul.f32 $8.000000000e+00, v1  }
0xce: {  	s24 =	sand.u32 $0xFFFFFE00, s24;
	s28 =	sshll.u32 s28, $0x2  }
0xcf: {  	s24 =	sor.u32 s28, s24;
	v1 =	vadd.f32 v17, v1  }
0xd0: {  	s24 =	sshra.s32 s24, $0x2  }
0xd1: {  	(v2sf) =	vpush v0, $0x5;
	s24 =	sadd.s32 s5, s24;
	[tilespmem:s5+$0x17C10] =	vst v1  }
0xd2: {  	v1 =	vld [tilespmem:s24+$0xFC00];
	_ =	sdelay $0x1  }
0xd3: {  	v18 =	vld [tilespmem:s22+$0xC820];
	_ =	sdelay $0x1  }
0xd4: {  	s20 =	sadd.s32 $0x30, s20  }
0xd5: {  	s28 =	sand.u32 $0x7F, s20;
	s20 =	sshll.u32 s20, $0x2;
	v1 =	vmul.f32 $8.000000000e+00, v1  }
0xd6: {  	s20 =	sand.u32 $0xFFFFFE00, s20;
	s24 =	sshll.u32 s28, $0x2  }
0xd7: {  	s20 =	sor.u32 s24, s20;
	v1 =	vadd.f32 v18, v1  }
0xd8: {  	s20 =	sshra.s32 s20, $0x2  }
0xd9: {  	s20 =	sadd.s32 s5, s20;
	[tilespmem:s5+$0x17C20] =	vst v1  }
0xda: {  	v1 =	vld [tilespmem:s20+$0xFC00];
	_ =	sdelay $0x1  }
0xdb: {  	v19 =	vld [tilespmem:s22+$0xC830];
	_ =	sdelay $0x1  }
0xdc: {  	s20 =	spop (v2sf)  }
0xdd: {  	s22 =	sand.u32 $0x7F, s20;
	s28 =	sshll.u32 s20, $0x2;
	v1 =	vmul.f32 $8.000000000e+00, v1  }
0xde: {  	s24 =	sand.u32 $0xFFFFFE00, s28;
	s22 =	sshll.u32 s22, $0x2  }
0xdf: {  	s22 =	sor.u32 s22, s24;
	v1 =	vadd.f32 v19, v1  }
0xe0: {  	s28 =	sadd.s32 $0xFFFFFFF6, s16;
	s22 =	sshra.s32 s22, $0x2  }
0xe1: {  	p0 =	sgt.u32 s28, $0xC7;
	s24 =	simm.s32 $0xFFFFCB80;
	s22 =	sadd.s32 s5, s22;
	[tilespmem:s5+$0x17C30] =	vst v1  }
0xe2: {  	s24 =	simm.s32 @!p0 $0xFFFFFD80;
	v1 =	vld [tilespmem:s22+$0xFC80]  }
0xe3: {  	s22 =	sadd.s32 s24, s25  }
0xe4: {  	v20 =	vld [tilespmem:s22+$0xC800];
	_ =	sdelay $0x1  }
0xe5: {  	s24 =	sadd.s32 $0x10, s20  }
0xe6: {  	s28 =	sand.u32 $0x7F, s24;
	s24 =	sshll.u32 s24, $0x2;
	v1 =	vmul.f32 $8.000000000e+00, v1  }
0xe7: {  	s24 =	sand.u32 $0xFFFFFE00, s24;
	s28 =	sshll.u32 s28, $0x2  }
0xe8: {  	s24 =	sor.u32 s28, s24;
	v1 =	vadd.f32 v20, v1  }
0xe9: {  	s24 =	sshra.s32 s24, $0x2  }
0xea: {  	s24 =	sadd.s32 s5, s24;
	[tilespmem:s5+$0x17C80] =	vst v1  }
0xeb: {  	v1 =	vld [tilespmem:s24+$0xFC80];
	_ =	sdelay $0x1  }
0xec: {  	v21 =	vld [tilespmem:s22+$0xC810];
	_ =	sdelay $0x1  }
0xed: {  	s24 =	sadd.s32 $0x20, s20  }
0xee: {  	s28 =	sand.u32 $0x7F, s24;
	s24 =	sshll.u32 s24, $0x2;
	v1 =	vmul.f32 $8.000000000e+00, v1  }
0xef: {  	s24 =	sand.u32 $0xFFFFFE00, s24;
	s28 =	sshll.u32 s28, $0x2  }
0xf0: {  	s24 =	sor.u32 s28, s24;
	v1 =	vadd.f32 v21, v1  }
0xf1: {  	s24 =	sshra.s32 s24, $0x2  }
0xf2: {  	(v2sf) =	vpush v0, $0x6;
	s24 =	sadd.s32 s5, s24;
	[tilespmem:s5+$0x17C90] =	vst v1  }
0xf3: {  	v1 =	vld [tilespmem:s24+$0xFC80];
	_ =	sdelay $0x1  }
0xf4: {  	v22 =	vld [tilespmem:s22+$0xC820];
	_ =	sdelay $0x1  }
0xf5: {  	s20 =	sadd.s32 $0x30, s20  }
0xf6: {  	s28 =	sand.u32 $0x7F, s20;
	s20 =	sshll.u32 s20, $0x2;
	v1 =	vmul.f32 $8.000000000e+00, v1  }
0xf7: {  	s20 =	sand.u32 $0xFFFFFE00, s20;
	s24 =	sshll.u32 s28, $0x2  }
0xf8: {  	s20 =	sor.u32 s24, s20;
	v1 =	vadd.f32 v22, v1  }
0xf9: {  	s20 =	sshra.s32 s20, $0x2  }
0xfa: {  	s20 =	sadd.s32 s5, s20;
	[tilespmem:s5+$0x17CA0] =	vst v1  }
0xfb: {  	v1 =	vld [tilespmem:s20+$0xFC80];
	_ =	sdelay $0x1  }
0xfc: {  	v23 =	vld [tilespmem:s22+$0xC830];
	_ =	sdelay $0x1  }
0xfd: {  	s20 =	spop (v2sf)  }
0xfe: {  	s22 =	sand.u32 $0x7F, s20;
	s28 =	sshll.u32 s20, $0x2;
	v1 =	vmul.f32 $8.000000000e+00, v1  }
0xff: {  	s24 =	sand.u32 $0xFFFFFE00, s28;
	s22 =	sshll.u32 s22, $0x2  }
0x100: {  	s22 =	sor.u32 s22, s24;
	v1 =	vadd.f32 v23, v1  }
0x101: {  	s28 =	sadd.s32 $0xFFFFFFF7, s16;
	s22 =	sshra.s32 s22, $0x2  }
0x102: {  	p0 =	sgt.u32 s28, $0xC7;
	s24 =	simm.s32 $0xFFFFCBC0;
	s22 =	sadd.s32 s5, s22;
	[tilespmem:s5+$0x17CB0] =	vst v1  }
0x103: {  	s24 =	simm.s32 @!p0 $0xFFFFFDC0;
	v1 =	vld [tilespmem:s22+$0xFD00]  }
0x104: {  	s22 =	sadd.s32 s24, s25  }
0x105: {  	v24 =	vld [tilespmem:s22+$0xC800];
	_ =	sdelay $0x1  }
0x106: {  	s24 =	sadd.s32 $0x10, s20  }
0x107: {  	s28 =	sand.u32 $0x7F, s24;
	s24 =	sshll.u32 s24, $0x2;
	v1 =	vmul.f32 $8.000000000e+00, v1  }
0x108: {  	s24 =	sand.u32 $0xFFFFFE00, s24;
	s28 =	sshll.u32 s28, $0x2  }
0x109: {  	s24 =	sor.u32 s28, s24;
	v1 =	vadd.f32 v24, v1  }
0x10a: {  	s24 =	sshra.s32 s24, $0x2  }
0x10b: {  	s24 =	sadd.s32 s5, s24;
	[tilespmem:s5+$0x17D00] =	vst v1  }
0x10c: {  	v1 =	vld [tilespmem:s24+$0xFD00];
	_ =	sdelay $0x1  }
0x10d: {  	v25 =	vld [tilespmem:s22+$0xC810];
	_ =	sdelay $0x1  }
0x10e: {  	s24 =	sadd.s32 $0x20, s20  }
0x10f: {  	s28 =	sand.u32 $0x7F, s24;
	s24 =	sshll.u32 s24, $0x2;
	v1 =	vmul.f32 $8.000000000e+00, v1  }
0x110: {  	s24 =	sand.u32 $0xFFFFFE00, s24;
	s28 =	sshll.u32 s28, $0x2  }
0x111: {  	s24 =	sor.u32 s28, s24;
	v1 =	vadd.f32 v25, v1  }
0x112: {  	s24 =	sshra.s32 s24, $0x2  }
0x113: {  	(v2sf) =	vpush v0, $0x7;
	s24 =	sadd.s32 s5, s24;
	[tilespmem:s5+$0x17D10] =	vst v1  }
0x114: {  	v1 =	vld [tilespmem:s24+$0xFD00];
	_ =	sdelay $0x1  }
0x115: {  	v26 =	vld [tilespmem:s22+$0xC820];
	_ =	sdelay $0x1  }
0x116: {  	s20 =	sadd.s32 $0x30, s20  }
0x117: {  	s28 =	sand.u32 $0x7F, s20;
	s20 =	sshll.u32 s20, $0x2;
	v1 =	vmul.f32 $8.000000000e+00, v1  }
0x118: {  	s20 =	sand.u32 $0xFFFFFE00, s20;
	s24 =	sshll.u32 s28, $0x2  }
0x119: {  	s20 =	sor.u32 s24, s20;
	v1 =	vadd.f32 v26, v1  }
0x11a: {  	s20 =	sshra.s32 s20, $0x2  }
0x11b: {  	s20 =	sadd.s32 s5, s20;
	[tilespmem:s5+$0x17D20] =	vst v1  }
0x11c: {  	v1 =	vld [tilespmem:s20+$0xFD00];
	_ =	sdelay $0x1  }
0x11d: {  	v27 =	vld [tilespmem:s22+$0xC830];
	_ =	sdelay $0x1  }
0x11e: {  	s20 =	spop (v2sf)  }
0x11f: {  	s22 =	sand.u32 $0x7F, s20;
	s28 =	sshll.u32 s20, $0x2;
	v1 =	vmul.f32 $8.000000000e+00, v1  }
0x120: {  	s24 =	sand.u32 $0xFFFFFE00, s28;
	s22 =	sshll.u32 s22, $0x2  }
0x121: {  	s22 =	sor.u32 s22, s24;
	v1 =	vadd.f32 v27, v1  }
0x122: {  	s28 =	sadd.s32 $0xFFFFFFF8, s16;
	s22 =	sshra.s32 s22, $0x2  }
0x123: {  	p0 =	sgt.u32 s28, $0xC7;
	s24 =	simm.s32 $0xFFFFCC00;
	s22 =	sadd.s32 s5, s22;
	[tilespmem:s5+$0x17D30] =	vst v1  }
0x124: {  	s24 =	simm.s32 @!p0 $0xFFFFFE00;
	v1 =	vld [tilespmem:s22+$0xFD80]  }
0x125: {  	s22 =	sadd.s32 s24, s25  }
0x126: {  	v28 =	vld [tilespmem:s22+$0xC800];
	_ =	sdelay $0x1  }
0x127: {  	s24 =	sadd.s32 $0x10, s20  }
0x128: {  	s28 =	sand.u32 $0x7F, s24;
	s24 =	sshll.u32 s24, $0x2;
	v1 =	vmul.f32 $8.000000000e+00, v1  }
0x129: {  	s24 =	sand.u32 $0xFFFFFE00, s24;
	s28 =	sshll.u32 s28, $0x2  }
0x12a: {  	s24 =	sor.u32 s28, s24;
	v1 =	vadd.f32 v28, v1  }
0x12b: {  	s24 =	sshra.s32 s24, $0x2  }
0x12c: {  	s24 =	sadd.s32 s5, s24;
	[tilespmem:s5+$0x17D80] =	vst v1  }
0x12d: {  	v1 =	vld [tilespmem:s24+$0xFD80];
	_ =	sdelay $0x1  }
0x12e: {  	v29 =	vld [tilespmem:s22+$0xC810];
	_ =	sdelay $0x1  }
0x12f: {  	s24 =	sadd.s32 $0x20, s20  }
0x130: {  	s28 =	sand.u32 $0x7F, s24;
	s24 =	sshll.u32 s24, $0x2;
	v1 =	vmul.f32 $8.000000000e+00, v1  }
0x131: {  	s24 =	sand.u32 $0xFFFFFE00, s24;
	s28 =	sshll.u32 s28, $0x2  }
0x132: {  	s24 =	sor.u32 s28, s24;
	v1 =	vadd.f32 v29, v1  }
0x133: {  	s24 =	sshra.s32 s24, $0x2  }
0x134: {  	(v2sf) =	vpush v0, $0x8;
	s24 =	sadd.s32 s5, s24;
	[tilespmem:s5+$0x17D90] =	vst v1  }
0x135: {  	v1 =	vld [tilespmem:s24+$0xFD80];
	_ =	sdelay $0x1  }
0x136: {  	v30 =	vld [tilespmem:s22+$0xC820];
	_ =	sdelay $0x1  }
0x137: {  	s20 =	sadd.s32 $0x30, s20  }
0x138: {  	s28 =	sand.u32 $0x7F, s20;
	s20 =	sshll.u32 s20, $0x2;
	v1 =	vmul.f32 $8.000000000e+00, v1  }
0x139: {  	s20 =	sand.u32 $0xFFFFFE00, s20;
	s24 =	sshll.u32 s28, $0x2  }
0x13a: {  	s20 =	sor.u32 s24, s20;
	v1 =	vadd.f32 v30, v1  }
0x13b: {  	s20 =	sshra.s32 s20, $0x2  }
0x13c: {  	s20 =	sadd.s32 s5, s20;
	[tilespmem:s5+$0x17DA0] =	vst v1  }
0x13d: {  	v1 =	vld [tilespmem:s20+$0xFD80];
	_ =	sdelay $0x1  }
0x13e: {  	v31 =	vld [tilespmem:s22+$0xC830];
	_ =	sdelay $0x1  }
0x13f: {  	s20 =	spop (v2sf)  }
0x140: {  	s22 =	sand.u32 $0x7F, s20;
	s28 =	sshll.u32 s20, $0x2;
	v1 =	vmul.f32 $8.000000000e+00, v1  }
0x141: {  	s24 =	sand.u32 $0xFFFFFE00, s28;
	s22 =	sshll.u32 s22, $0x2  }
0x142: {  	s22 =	sor.u32 s22, s24;
	v1 =	vadd.f32 v31, v1  }
0x143: {  	s28 =	sadd.s32 $0xFFFFFFF9, s16;
	s22 =	sshra.s32 s22, $0x2  }
0x144: {  	p0 =	sgt.u32 s28, $0xC7;
	s24 =	simm.s32 $0xFFFFCC40;
	s22 =	sadd.s32 s5, s22;
	[tilespmem:s5+$0x17DB0] =	vst v1  }
0x145: {  	s24 =	simm.s32 @!p0 $0xFFFFFE40;
	v1 =	vld [tilespmem:s22+$0xFE00]  }
0x146: {  	s22 =	sadd.s32 s24, s25  }
0x147: {  	v32 =	vld [tilespmem:s22+$0xC800];
	_ =	sdelay $0x1  }
0x148: {  	s24 =	sadd.s32 $0x10, s20  }
0x149: {  	s28 =	sand.u32 $0x7F, s24;
	s24 =	sshll.u32 s24, $0x2;
	v1 =	vmul.f32 $8.000000000e+00, v1  }
0x14a: {  	s24 =	sand.u32 $0xFFFFFE00, s24;
	s28 =	sshll.u32 s28, $0x2  }
0x14b: {  	s24 =	sor.u32 s28, s24;
	v1 =	vadd.f32 v32, v1  }
0x14c: {  	s24 =	sshra.s32 s24, $0x2  }
0x14d: {  	s24 =	sadd.s32 s5, s24;
	[tilespmem:s5+$0x17E00] =	vst v1  }
0x14e: {  	v1 =	vld [tilespmem:s24+$0xFE00];
	_ =	sdelay $0x1  }
0x14f: {  	v33 =	vld [tilespmem:s22+$0xC810];
	_ =	sdelay $0x1  }
0x150: {  	s24 =	sadd.s32 $0x20, s20  }
0x151: {  	s28 =	sand.u32 $0x7F, s24;
	s24 =	sshll.u32 s24, $0x2;
	v1 =	vmul.f32 $8.000000000e+00, v1  }
0x152: {  	s24 =	sand.u32 $0xFFFFFE00, s24;
	s28 =	sshll.u32 s28, $0x2  }
0x153: {  	s24 =	sor.u32 s28, s24;
	v1 =	vadd.f32 v33, v1  }
0x154: {  	s24 =	sshra.s32 s24, $0x2  }
0x155: {  	(v2sf) =	vpush v0, $0x9;
	s24 =	sadd.s32 s5, s24;
	[tilespmem:s5+$0x17E10] =	vst v1  }
0x156: {  	v1 =	vld [tilespmem:s24+$0xFE00];
	_ =	sdelay $0x1  }
0x157: {  	v34 =	vld [tilespmem:s22+$0xC820];
	_ =	sdelay $0x1  }
0x158: {  	s20 =	sadd.s32 $0x30, s20  }
0x159: {  	s28 =	sand.u32 $0x7F, s20;
	s20 =	sshll.u32 s20, $0x2;
	v1 =	vmul.f32 $8.000000000e+00, v1  }
0x15a: {  	s20 =	sand.u32 $0xFFFFFE00, s20;
	s24 =	sshll.u32 s28, $0x2  }
0x15b: {  	s20 =	sor.u32 s24, s20;
	v1 =	vadd.f32 v34, v1  }
0x15c: {  	s20 =	sshra.s32 s20, $0x2  }
0x15d: {  	s20 =	sadd.s32 s5, s20;
	[tilespmem:s5+$0x17E20] =	vst v1  }
0x15e: {  	v1 =	vld [tilespmem:s20+$0xFE00];
	_ =	sdelay $0x1  }
0x15f: {  	v35 =	vld [tilespmem:s22+$0xC830];
	_ =	sdelay $0x1  }
0x160: {  	s20 =	spop (v2sf)  }
0x161: {  	s22 =	sand.u32 $0x7F, s20;
	s28 =	sshll.u32 s20, $0x2;
	v1 =	vmul.f32 $8.000000000e+00, v1  }
0x162: {  	s24 =	sand.u32 $0xFFFFFE00, s28;
	s22 =	sshll.u32 s22, $0x2  }
0x163: {  	s22 =	sor.u32 s22, s24;
	v1 =	vadd.f32 v35, v1  }
0x164: {  	s28 =	sadd.s32 $0xFFFFFFFA, s16;
	s22 =	sshra.s32 s22, $0x2  }
0x165: {  	p0 =	sgt.u32 s28, $0xC7;
	s24 =	simm.s32 $0xFFFFCC80;
	s22 =	sadd.s32 s5, s22;
	[tilespmem:s5+$0x17E30] =	vst v1  }
0x166: {  	s24 =	simm.s32 @!p0 $0xFFFFFE80;
	v1 =	vld [tilespmem:s22+$0xFE80]  }
0x167: {  	s22 =	sadd.s32 s24, s25  }
0x168: {  	v36 =	vld [tilespmem:s22+$0xC800];
	_ =	sdelay $0x1  }
0x169: {  	s24 =	sadd.s32 $0x10, s20  }
0x16a: {  	s28 =	sand.u32 $0x7F, s24;
	s24 =	sshll.u32 s24, $0x2;
	v1 =	vmul.f32 $8.000000000e+00, v1  }
0x16b: {  	s24 =	sand.u32 $0xFFFFFE00, s24;
	s28 =	sshll.u32 s28, $0x2  }
0x16c: {  	s24 =	sor.u32 s28, s24;
	v1 =	vadd.f32 v36, v1  }
0x16d: {  	s24 =	sshra.s32 s24, $0x2  }
0x16e: {  	s24 =	sadd.s32 s5, s24;
	[tilespmem:s5+$0x17E80] =	vst v1  }
0x16f: {  	v1 =	vld [tilespmem:s24+$0xFE80];
	_ =	sdelay $0x1  }
0x170: {  	v37 =	vld [tilespmem:s22+$0xC810];
	_ =	sdelay $0x1  }
0x171: {  	s24 =	sadd.s32 $0x20, s20  }
0x172: {  	s28 =	sand.u32 $0x7F, s24;
	s24 =	sshll.u32 s24, $0x2;
	v1 =	vmul.f32 $8.000000000e+00, v1  }
0x173: {  	s24 =	sand.u32 $0xFFFFFE00, s24;
	s28 =	sshll.u32 s28, $0x2  }
0x174: {  	s24 =	sor.u32 s28, s24;
	v1 =	vadd.f32 v37, v1  }
0x175: {  	s24 =	sshra.s32 s24, $0x2  }
0x176: {  	(v2sf) =	vpush v0, $0xA;
	s24 =	sadd.s32 s5, s24;
	[tilespmem:s5+$0x17E90] =	vst v1  }
0x177: {  	v1 =	vld [tilespmem:s24+$0xFE80];
	_ =	sdelay $0x1  }
0x178: {  	v38 =	vld [tilespmem:s22+$0xC820];
	_ =	sdelay $0x1  }
0x179: {  	s20 =	sadd.s32 $0x30, s20  }
0x17a: {  	s28 =	sand.u32 $0x7F, s20;
	s20 =	sshll.u32 s20, $0x2;
	v1 =	vmul.f32 $8.000000000e+00, v1  }
0x17b: {  	s20 =	sand.u32 $0xFFFFFE00, s20;
	s24 =	sshll.u32 s28, $0x2  }
0x17c: {  	s20 =	sor.u32 s24, s20;
	v1 =	vadd.f32 v38, v1  }
0x17d: {  	s20 =	sshra.s32 s20, $0x2  }
0x17e: {  	s20 =	sadd.s32 s5, s20;
	[tilespmem:s5+$0x17EA0] =	vst v1  }
0x17f: {  	v1 =	vld [tilespmem:s20+$0xFE80];
	_ =	sdelay $0x1  }
0x180: {  	v39 =	vld [tilespmem:s22+$0xC830];
	_ =	sdelay $0x1  }
0x181: {  	s20 =	spop (v2sf)  }
0x182: {  	s22 =	sand.u32 $0x7F, s20;
	s28 =	sshll.u32 s20, $0x2;
	v1 =	vmul.f32 $8.000000000e+00, v1  }
0x183: {  	s24 =	sand.u32 $0xFFFFFE00, s28;
	s22 =	sshll.u32 s22, $0x2  }
0x184: {  	s22 =	sor.u32 s22, s24;
	v1 =	vadd.f32 v39, v1  }
0x185: {  	s28 =	sadd.s32 $0xFFFFFFFB, s16;
	s22 =	sshra.s32 s22, $0x2  }
0x186: {  	p0 =	sgt.u32 s28, $0xC7;
	s24 =	simm.s32 $0xFFFFCCC0;
	s22 =	sadd.s32 s5, s22;
	[tilespmem:s5+$0x17EB0] =	vst v1  }
0x187: {  	s24 =	simm.s32 @!p0 $0xFFFFFEC0;
	v1 =	vld [tilespmem:s22+$0xFF00]  }
0x188: {  	s22 =	sadd.s32 s24, s25  }
0x189: {  	v40 =	vld [tilespmem:s22+$0xC800];
	_ =	sdelay $0x1  }
0x18a: {  	s24 =	sadd.s32 $0x10, s20  }
0x18b: {  	s28 =	sand.u32 $0x7F, s24;
	s24 =	sshll.u32 s24, $0x2;
	v1 =	vmul.f32 $8.000000000e+00, v1  }
0x18c: {  	s24 =	sand.u32 $0xFFFFFE00, s24;
	s28 =	sshll.u32 s28, $0x2  }
0x18d: {  	s24 =	sor.u32 s28, s24;
	v1 =	vadd.f32 v40, v1  }
0x18e: {  	s24 =	sshra.s32 s24, $0x2  }
0x18f: {  	s24 =	sadd.s32 s5, s24;
	[tilespmem:s5+$0x17F00] =	vst v1  }
0x190: {  	v1 =	vld [tilespmem:s24+$0xFF00];
	_ =	sdelay $0x1  }
0x191: {  	v41 =	vld [tilespmem:s22+$0xC810];
	_ =	sdelay $0x1  }
0x192: {  	s24 =	sadd.s32 $0x20, s20  }
0x193: {  	s28 =	sand.u32 $0x7F, s24;
	s24 =	sshll.u32 s24, $0x2;
	v1 =	vmul.f32 $8.000000000e+00, v1  }
0x194: {  	s24 =	sand.u32 $0xFFFFFE00, s24;
	s28 =	sshll.u32 s28, $0x2  }
0x195: {  	s24 =	sor.u32 s28, s24;
	v1 =	vadd.f32 v41, v1  }
0x196: {  	s24 =	sshra.s32 s24, $0x2  }
0x197: {  	(v2sf) =	vpush v0, $0xB;
	s24 =	sadd.s32 s5, s24;
	[tilespmem:s5+$0x17F10] =	vst v1  }
0x198: {  	v1 =	vld [tilespmem:s24+$0xFF00];
	_ =	sdelay $0x1  }
0x199: {  	v42 =	vld [tilespmem:s22+$0xC820];
	_ =	sdelay $0x1  }
0x19a: {  	s20 =	sadd.s32 $0x30, s20  }
0x19b: {  	s28 =	sand.u32 $0x7F, s20;
	s20 =	sshll.u32 s20, $0x2;
	v1 =	vmul.f32 $8.000000000e+00, v1  }
0x19c: {  	s20 =	sand.u32 $0xFFFFFE00, s20;
	s24 =	sshll.u32 s28, $0x2  }
0x19d: {  	s20 =	sor.u32 s24, s20;
	v1 =	vadd.f32 v42, v1  }
0x19e: {  	s20 =	sshra.s32 s20, $0x2  }
0x19f: {  	s20 =	sadd.s32 s5, s20;
	[tilespmem:s5+$0x17F20] =	vst v1  }
0x1a0: {  	v1 =	vld [tilespmem:s20+$0xFF00];
	_ =	sdelay $0x1  }
0x1a1: {  	v43 =	vld [tilespmem:s22+$0xC830];
	_ =	sdelay $0x1  }
0x1a2: {  	s20 =	spop (v2sf)  }
0x1a3: {  	s22 =	sand.u32 $0x7F, s20;
	s28 =	sshll.u32 s20, $0x2;
	v1 =	vmul.f32 $8.000000000e+00, v1  }
0x1a4: {  	s24 =	sand.u32 $0xFFFFFE00, s28;
	s22 =	sshll.u32 s22, $0x2  }
0x1a5: {  	s22 =	sor.u32 s22, s24;
	v1 =	vadd.f32 v43, v1  }
0x1a6: {  	s28 =	sadd.s32 $0xFFFFFFFC, s16;
	s22 =	sshra.s32 s22, $0x2  }
0x1a7: {  	p0 =	sgt.u32 s28, $0xC7;
	s24 =	simm.s32 $0xFFFFCD00;
	s22 =	sadd.s32 s5, s22;
	[tilespmem:s5+$0x17F30] =	vst v1  }
0x1a8: {  	s24 =	simm.s32 @!p0 $0xFFFFFF00;
	v1 =	vld [tilespmem:s22+$0xFF80]  }
0x1a9: {  	s22 =	sadd.s32 s24, s25  }
0x1aa: {  	v44 =	vld [tilespmem:s22+$0xC800];
	_ =	sdelay $0x1  }
0x1ab: {  	s24 =	sadd.s32 $0x10, s20  }
0x1ac: {  	s28 =	sand.u32 $0x7F, s24;
	s24 =	sshll.u32 s24, $0x2;
	v1 =	vmul.f32 $8.000000000e+00, v1  }
0x1ad: {  	s24 =	sand.u32 $0xFFFFFE00, s24;
	s28 =	sshll.u32 s28, $0x2  }
0x1ae: {  	s24 =	sor.u32 s28, s24;
	v1 =	vadd.f32 v44, v1  }
0x1af: {  	s24 =	sshra.s32 s24, $0x2  }
0x1b0: {  	s24 =	sadd.s32 s5, s24;
	[tilespmem:s5+$0x17F80] =	vst v1  }
0x1b1: {  	v1 =	vld [tilespmem:s24+$0xFF80];
	_ =	sdelay $0x1  }
0x1b2: {  	v45 =	vld [tilespmem:s22+$0xC810];
	_ =	sdelay $0x1  }
0x1b3: {  	s24 =	sadd.s32 $0x20, s20  }
0x1b4: {  	s28 =	sand.u32 $0x7F, s24;
	s24 =	sshll.u32 s24, $0x2;
	v1 =	vmul.f32 $8.000000000e+00, v1  }
0x1b5: {  	s24 =	sand.u32 $0xFFFFFE00, s24;
	s28 =	sshll.u32 s28, $0x2  }
0x1b6: {  	s24 =	sor.u32 s28, s24;
	v1 =	vadd.f32 v45, v1  }
0x1b7: {  	s24 =	sshra.s32 s24, $0x2  }
0x1b8: {  	(v2sf) =	vpush v0, $0xC;
	s24 =	sadd.s32 s5, s24;
	[tilespmem:s5+$0x17F90] =	vst v1  }
0x1b9: {  	v1 =	vld [tilespmem:s24+$0xFF80];
	_ =	sdelay $0x1  }
0x1ba: {  	v46 =	vld [tilespmem:s22+$0xC820];
	_ =	sdelay $0x1  }
0x1bb: {  	s20 =	sadd.s32 $0x30, s20  }
0x1bc: {  	s28 =	sand.u32 $0x7F, s20;
	s20 =	sshll.u32 s20, $0x2;
	v1 =	vmul.f32 $8.000000000e+00, v1  }
0x1bd: {  	s20 =	sand.u32 $0xFFFFFE00, s20;
	s24 =	sshll.u32 s28, $0x2  }
0x1be: {  	s20 =	sor.u32 s24, s20;
	v1 =	vadd.f32 v46, v1  }
0x1bf: {  	s20 =	sshra.s32 s20, $0x2  }
0x1c0: {  	s20 =	sadd.s32 s5, s20;
	[tilespmem:s5+$0x17FA0] =	vst v1  }
0x1c1: {  	v1 =	vld [tilespmem:s20+$0xFF80];
	_ =	sdelay $0x1  }
0x1c2: {  	v47 =	vld [tilespmem:s22+$0xC830];
	_ =	sdelay $0x1  }
0x1c3: {  	s20 =	spop (v2sf)  }
0x1c4: {  	s22 =	sand.u32 $0x7F, s20;
	s28 =	sshll.u32 s20, $0x2;
	v1 =	vmul.f32 $8.000000000e+00, v1  }
0x1c5: {  	s24 =	sand.u32 $0xFFFFFE00, s28;
	s22 =	sshll.u32 s22, $0x2  }
0x1c6: {  	s22 =	sor.u32 s22, s24;
	v1 =	vadd.f32 v47, v1  }
0x1c7: {  	s28 =	sadd.s32 $0xFFFFFFFD, s16;
	s22 =	sshra.s32 s22, $0x2  }
0x1c8: {  	p0 =	sgt.u32 s28, $0xC7;
	s24 =	simm.s32 $0xFFFFCD40;
	s22 =	sadd.s32 s5, s22;
	[tilespmem:s5+$0x17FB0] =	vst v1  }
0x1c9: {  	s24 =	simm.s32 @!p0 $0xFFFFFF40;
	v1 =	vld [tilespmem:s22+$0x10000]  }
0x1ca: {  	s22 =	sadd.s32 s24, s25  }
0x1cb: {  	v48 =	vld [tilespmem:s22+$0xC800];
	_ =	sdelay $0x1  }
0x1cc: {  	s24 =	sadd.s32 $0x10, s20  }
0x1cd: {  	s28 =	sand.u32 $0x7F, s24;
	s24 =	sshll.u32 s24, $0x2;
	v1 =	vmul.f32 $8.000000000e+00, v1  }
0x1ce: {  	s24 =	sand.u32 $0xFFFFFE00, s24;
	s28 =	sshll.u32 s28, $0x2  }
0x1cf: {  	s24 =	sor.u32 s28, s24;
	v1 =	vadd.f32 v48, v1  }
0x1d0: {  	s24 =	sshra.s32 s24, $0x2  }
0x1d1: {  	s24 =	sadd.s32 s5, s24;
	[tilespmem:s5+$0x18000] =	vst v1  }
0x1d2: {  	v1 =	vld [tilespmem:s24+$0x10000];
	_ =	sdelay $0x1  }
0x1d3: {  	v49 =	vld [tilespmem:s22+$0xC810];
	_ =	sdelay $0x1  }
0x1d4: {  	s24 =	sadd.s32 $0x20, s20  }
0x1d5: {  	s28 =	sand.u32 $0x7F, s24;
	s24 =	sshll.u32 s24, $0x2;
	v1 =	vmul.f32 $8.000000000e+00, v1  }
0x1d6: {  	s24 =	sand.u32 $0xFFFFFE00, s24;
	s28 =	sshll.u32 s28, $0x2  }
0x1d7: {  	s24 =	sor.u32 s28, s24;
	v1 =	vadd.f32 v49, v1  }
0x1d8: {  	s24 =	sshra.s32 s24, $0x2  }
0x1d9: {  	(v2sf) =	vpush v0, $0xD;
	s24 =	sadd.s32 s5, s24;
	[tilespmem:s5+$0x18010] =	vst v1  }
0x1da: {  	v1 =	vld [tilespmem:s24+$0x10000];
	_ =	sdelay $0x1  }
0x1db: {  	v50 =	vld [tilespmem:s22+$0xC820];
	_ =	sdelay $0x1  }
0x1dc: {  	s20 =	sadd.s32 $0x30, s20  }
0x1dd: {  	s28 =	sand.u32 $0x7F, s20;
	s20 =	sshll.u32 s20, $0x2;
	v1 =	vmul.f32 $8.000000000e+00, v1  }
0x1de: {  	s20 =	sand.u32 $0xFFFFFE00, s20;
	s24 =	sshll.u32 s28, $0x2  }
0x1df: {  	s20 =	sor.u32 s24, s20;
	v1 =	vadd.f32 v50, v1  }
0x1e0: {  	s20 =	sshra.s32 s20, $0x2  }
0x1e1: {  	s20 =	sadd.s32 s5, s20;
	[tilespmem:s5+$0x18020] =	vst v1  }
0x1e2: {  	v1 =	vld [tilespmem:s20+$0x10000];
	_ =	sdelay $0x1  }
0x1e3: {  	v51 =	vld [tilespmem:s22+$0xC830];
	_ =	sdelay $0x1  }
0x1e4: {  	s20 =	spop (v2sf)  }
0x1e5: {  	s22 =	sand.u32 $0x7F, s20;
	s28 =	sshll.u32 s20, $0x2;
	v1 =	vmul.f32 $8.000000000e+00, v1  }
0x1e6: {  	s24 =	sand.u32 $0xFFFFFE00, s28;
	s22 =	sshll.u32 s22, $0x2  }
0x1e7: {  	s22 =	sor.u32 s22, s24;
	v1 =	vadd.f32 v51, v1  }
0x1e8: {  	s28 =	sadd.s32 $0xFFFFFFFE, s16;
	s22 =	sshra.s32 s22, $0x2  }
0x1e9: {  	p0 =	sgt.u32 s28, $0xC7;
	s24 =	simm.s32 $0xFFFFCD80;
	s22 =	sadd.s32 s5, s22;
	[tilespmem:s5+$0x18030] =	vst v1  }
0x1ea: {  	s24 =	simm.s32 @!p0 $0xFFFFFF80;
	v1 =	vld [tilespmem:s22+$0x10080]  }
0x1eb: {  	s22 =	sadd.s32 s24, s25  }
0x1ec: {  	v52 =	vld [tilespmem:s22+$0xC800];
	_ =	sdelay $0x1  }
0x1ed: {  	s24 =	sadd.s32 $0x10, s20  }
0x1ee: {  	s28 =	sand.u32 $0x7F, s24;
	s24 =	sshll.u32 s24, $0x2;
	v1 =	vmul.f32 $8.000000000e+00, v1  }
0x1ef: {  	s24 =	sand.u32 $0xFFFFFE00, s24;
	s28 =	sshll.u32 s28, $0x2  }
0x1f0: {  	s24 =	sor.u32 s28, s24;
	v1 =	vadd.f32 v52, v1  }
0x1f1: {  	s24 =	sshra.s32 s24, $0x2  }
0x1f2: {  	s24 =	sadd.s32 s5, s24;
	[tilespmem:s5+$0x18080] =	vst v1  }
0x1f3: {  	v1 =	vld [tilespmem:s24+$0x10080];
	_ =	sdelay $0x1  }
0x1f4: {  	v53 =	vld [tilespmem:s22+$0xC810];
	_ =	sdelay $0x1  }
0x1f5: {  	s24 =	sadd.s32 $0x20, s20  }
0x1f6: {  	s28 =	sand.u32 $0x7F, s24;
	s24 =	sshll.u32 s24, $0x2;
	v1 =	vmul.f32 $8.000000000e+00, v1  }
0x1f7: {  	s24 =	sand.u32 $0xFFFFFE00, s24;
	s28 =	sshll.u32 s28, $0x2  }
0x1f8: {  	s24 =	sor.u32 s28, s24;
	v1 =	vadd.f32 v53, v1  }
0x1f9: {  	s24 =	sshra.s32 s24, $0x2  }
0x1fa: {  	(v2sf) =	vpush v0, $0xE;
	s24 =	sadd.s32 s5, s24;
	[tilespmem:s5+$0x18090] =	vst v1  }
0x1fb: {  	v1 =	vld [tilespmem:s24+$0x10080];
	_ =	sdelay $0x1  }
0x1fc: {  	v54 =	vld [tilespmem:s22+$0xC820];
	_ =	sdelay $0x1  }
0x1fd: {  	s20 =	sadd.s32 $0x30, s20  }
0x1fe: {  	s28 =	sand.u32 $0x7F, s20;
	s20 =	sshll.u32 s20, $0x2;
	v1 =	vmul.f32 $8.000000000e+00, v1  }
0x1ff: {  	s20 =	sand.u32 $0xFFFFFE00, s20;
	s24 =	sshll.u32 s28, $0x2  }
0x200: {  	s20 =	sor.u32 s24, s20;
	v1 =	vadd.f32 v54, v1  }
0x201: {  	s20 =	sshra.s32 s20, $0x2  }
0x202: {  	s20 =	sadd.s32 s5, s20;
	[tilespmem:s5+$0x180A0] =	vst v1  }
0x203: {  	v1 =	vld [tilespmem:s20+$0x10080];
	_ =	sdelay $0x1  }
0x204: {  	v55 =	vld [tilespmem:s22+$0xC830];
	_ =	sdelay $0x1  }
0x205: {  	s20 =	spop (v2sf)  }
0x206: {  	s22 =	sand.u32 $0x7F, s20;
	s28 =	sshll.u32 s20, $0x2;
	v1 =	vmul.f32 $8.000000000e+00, v1  }
0x207: {  	s24 =	sand.u32 $0xFFFFFE00, s28;
	s22 =	sshll.u32 s22, $0x2  }
0x208: {  	s22 =	sor.u32 s22, s24;
	v1 =	vadd.f32 v55, v1  }
0x209: {  	s28 =	sadd.s32 $0xFFFFFFFF, s16;
	s22 =	sshra.s32 s22, $0x2  }
0x20a: {  	p0 =	sgt.u32 s28, $0xC7;
	s24 =	simm.s32 $0xFFFFCDC0;
	s22 =	sadd.s32 s5, s22;
	[tilespmem:s5+$0x180B0] =	vst v1  }
0x20b: {  	s24 =	simm.s32 @!p0 $0xFFFFFFC0;
	v1 =	vld [tilespmem:s22+$0x10100]  }
0x20c: {  	s22 =	sadd.s32 s24, s25  }
0x20d: {  	v56 =	vld [tilespmem:s22+$0xC800];
	_ =	sdelay $0x1  }
0x20e: {  	s24 =	sadd.s32 $0x10, s20  }
0x20f: {  	s28 =	sand.u32 $0x7F, s24;
	s24 =	sshll.u32 s24, $0x2;
	v1 =	vmul.f32 $8.000000000e+00, v1  }
0x210: {  	s24 =	sand.u32 $0xFFFFFE00, s24;
	s28 =	sshll.u32 s28, $0x2  }
0x211: {  	s24 =	sor.u32 s28, s24;
	v1 =	vadd.f32 v56, v1  }
0x212: {  	s24 =	sshra.s32 s24, $0x2  }
0x213: {  	s24 =	sadd.s32 s5, s24;
	[tilespmem:s5+$0x18100] =	vst v1  }
0x214: {  	v1 =	vld [tilespmem:s24+$0x10100];
	_ =	sdelay $0x1  }
0x215: {  	v57 =	vld [tilespmem:s22+$0xC810];
	_ =	sdelay $0x1  }
0x216: {  	s24 =	sadd.s32 $0x20, s20  }
0x217: {  	s28 =	sand.u32 $0x7F, s24;
	s24 =	sshll.u32 s24, $0x2;
	v1 =	vmul.f32 $8.000000000e+00, v1  }
0x218: {  	s24 =	sand.u32 $0xFFFFFE00, s24;
	s28 =	sshll.u32 s28, $0x2  }
0x219: {  	s24 =	sor.u32 s28, s24;
	v1 =	vadd.f32 v57, v1  }
0x21a: {  	s24 =	sshra.s32 s24, $0x2  }
0x21b: {  	(v2sf) =	vpush v0, $0xF;
	s24 =	sadd.s32 s5, s24;
	[tilespmem:s5+$0x18110] =	vst v1  }
0x21c: {  	v58 =	vld [tilespmem:s24+$0x10100];
	_ =	sdelay $0x1  }
0x21d: {  	v1 =	vld [tilespmem:s22+$0xC820];
	_ =	sdelay $0x1  }
0x21e: {  	s20 =	sadd.s32 $0x30, s20  }
0x21f: {  	s28 =	sand.u32 $0x7F, s20;
	s20 =	sshll.u32 s20, $0x2;
	v0 =	vmul.f32 $8.000000000e+00, v58  }
0x220: {  	s20 =	sand.u32 $0xFFFFFE00, s20;
	s24 =	sshll.u32 s28, $0x2  }
0x221: {  	s20 =	sor.u32 s24, s20;
	v0 =	vadd.f32 v1, v0  }
0x222: {  	s20 =	sshra.s32 s20, $0x2  }
0x223: {  	s20 =	sadd.s32 s5, s20;
	[tilespmem:s5+$0x18120] =	vst v0  }
0x224: {  	v0 =	vld [tilespmem:s20+$0x10100];
	_ =	sdelay $0x1  }
0x225: {  	v59 =	vld [tilespmem:s22+$0xC830];
	_ =	sdelay $0x1  }
0x226: {  	s20 =	spop (v2sf)  }
0x227: {  	s22 =	sand.u32 $0x7F, s20;
	s28 =	sshll.u32 s20, $0x2;
	v0 =	vmul.f32 $8.000000000e+00, v0  }
0x228: {  	s24 =	sand.u32 $0xFFFFFE00, s28;
	s22 =	sshll.u32 s22, $0x2  }
0x229: {  	s22 =	sor.u32 s22, s24;
	v0 =	vadd.f32 v59, v0  }
0x22a: {  	s22 =	sshra.s32 s22, $0x2  }
0x22b: {  	s22 =	sadd.s32 s5, s22;
	[tilespmem:s5+$0x18130] =	vst v0  }
0x22c: {  	p0 =	sgt.u32 s16, $0xC7;
	s16 =	sadd.s32 $0xFFFFCE00, s25;
	v0 =	vld [tilespmem:s22+$0x10180]  }
0x22d: {  	s25 =	smov.u32 @p0 s16  }
0x22e: {  	v60 =	vld [tilespmem:s25+$0xC800];
	_ =	sdelay $0x1  }
0x22f: {  	s24 =	sadd.s32 $0x10, s20  }
0x230: {  	s28 =	sand.u32 $0x7F, s24;
	s16 =	sshll.u32 s24, $0x2;
	v0 =	vmul.f32 $8.000000000e+00, v0  }
0x231: {  	s16 =	sand.u32 $0xFFFFFE00, s16;
	s22 =	sshll.u32 s28, $0x2  }
0x232: {  	s16 =	sor.u32 s22, s16;
	v0 =	vadd.f32 v60, v0  }
0x233: {  	s16 =	sshra.s32 s16, $0x2  }
0x234: {  	s16 =	sadd.s32 s5, s16;
	[tilespmem:s5+$0x18180] =	vst v0  }
0x235: {  	v0 =	vld [tilespmem:s16+$0x10180];
	_ =	sdelay $0x1  }
0x236: {  	v61 =	vld [tilespmem:s25+$0xC810];
	_ =	sdelay $0x1  }
0x237: {  	s22 =	sadd.s32 $0x20, s20  }
0x238: {  	s24 =	sand.u32 $0x7F, s22;
	s16 =	sshll.u32 s22, $0x2;
	v0 =	vmul.f32 $8.000000000e+00, v0  }
0x239: {  	s22 =	sshll.u32 s24, $0x2;
	s16 =	sand.u32 $0xFFFFFE00, s16  }
0x23a: {  	s16 =	sor.u32 s22, s16;
	v0 =	vadd.f32 v61, v0  }
0x23b: {  	s16 =	sshra.s32 s16, $0x2  }
0x23c: {  	s16 =	sadd.s32 s5, s16;
	[tilespmem:s5+$0x18190] =	vst v0  }
0x23d: {  	v0 =	vld [tilespmem:s16+$0x10180];
	_ =	sdelay $0x1  }
0x23e: {  	v62 =	vld [tilespmem:s25+$0xC820];
	_ =	sdelay $0x1  }
0x23f: {  	s28 =	sadd.s32 $0x30, s20  }
0x240: {  	s20 =	sand.u32 $0x7F, s28;
	s16 =	sshll.u32 s28, $0x2;
	v0 =	vmul.f32 $8.000000000e+00, v0  }
0x241: {  	s20 =	sshll.u32 s20, $0x2;
	s16 =	sand.u32 $0xFFFFFE00, s16  }
0x242: {  	s16 =	sor.u32 s20, s16;
	v0 =	vadd.f32 v62, v0  }
0x243: {  	s16 =	sshra.s32 s16, $0x2  }
0x244: {  	s16 =	sadd.s32 s5, s16;
	[tilespmem:s5+$0x181A0] =	vst v0  }
0x245: {  	v0 =	vld [tilespmem:s16+$0x10180];
	_ =	sdelay $0x1  }
0x246: {  	v63 =	vld [tilespmem:s25+$0xC830];
	_ =	sdelay $0x1  }
0x247: {  	p0 =	sne.s32 s17, $0xE000  }
.Ltmp0:
0x248: {  	v0 =	vmul.f32 $8.000000000e+00, v0;
	(pc) =	sbr.rel @p0 .LBB2_3-.Ltmp0, $4  }
0x249: {  	_ = 	snop  }
0x24a: {  	v0 =	vadd.f32 v63, v0  }
0x24b: {  	s29 =	sadd.s32 $0x10, s29  }
0x24c: {  	s11 =	sadd.s32 $0x10, s11;
	s12 =	sadd.s32 $0x400, s12;
	s17 =	sadd.s32 $0x2000, s17;
	[tilespmem:s5+$0x181B0] =	vst v0  }
0x24d: {  	s5 =	sshll.u32 s19, $0xB  }
0x24e: {  	s11 =	simm.s32 $0x17A00;
	p0 =	seq.s32 s7, $0x63;
	s5 =	sadd.s32 s6, s5  }
0x24f: {  	[hbm4b:s5+s3] =	stream.linear.scatter [tilespmem:s11], [sflag:$0x3], $0x4000, $0x38;
	[tilespmem:$0x1FA00] =	vst v63  }
0x250: {  	p1 =	seq.s32 @!p0 s7, $0x0;
	s5 =	sshrl.u32 @!p0 s9, $0x2  }
0x251: {  	s9 =	simm.s32 @!p0 $0x80;
	s11 =	simm.s32 @!p0 $0xFA00;
	s5 =	sadd.s32 @!p0 $0x100, s5  }
0x252: {  	[tilespmem:s11], [sflag:$0x1] =	stream.indirect.gather @!p0 [hbm4b:s4+s9], $0x80, s5, s9, $0xb8;
	[tilespmem:$0x1FA00] =	vst v63  }
0x253: {  	p0 =	por p0, !p1  }
0x254: {  	_ =	swait.ge @p0 [sflag:s26], $0x4000  }
0x255: {  	[sflag:s26] =	ssyncset.done @p0 $0x0  }
0x256: {  	[sflag:s26] =	ssyncadd.s32 @p0 $0xFFFFC000  }
0x257: {  	s8 =	sadd.s32 s2, s8;
	_ =	swait.ge [sflag:s23], $0x4000  }
0x258: {  	s17 =	smov.u32 s31;
	s12 =	smov.u32 s14;
	[sflag:s23] =	ssyncset.done $0x0  }
0x259: {  	s9 =	simm.s32 $0x0;
	s11 =	smov.u32 s30;
	[sflag:s23] =	ssyncadd.s32 $0xFFFFC000  }
.LBB2_5:
0x25a: {  	v0 =	vld [tilespmem:s11+$0x0];
	_ =	sdelay $0x4  }
0x25b: {  	(v2sf) =	vpush v0, $0x0;
	_ =	sdelay $0xe  }
0x25c: {  	s20 =	spop (v2sf)  }
0x25d: {  	s16 =	sand.u32 $0x7F, s20;
	s19 =	sshll.u32 s20, $0x2  }
0x25e: {  	s5 =	rddreg [dreg:$0x6];
	s19 =	sand.u32 $0xFFFFFE00, s19;
	s22 =	sshll.u32 s16, $0x2  }
0x25f: {  	s24 =	rddreg [dreg:$0x5];
	s16 =	sadd.s32 s17, s5;
	s22 =	sor.u32 s22, s19  }
0x260: {  	s5 =	sshra.s32 s9, $0x2;
	s25 =	sadd.s32 $0xFFFFFFF1, s16;
	s22 =	sshra.s32 s22, $0x2  }
0x261: {  	p0 =	sgt.u32 s25, $0xC7;
	s25 =	simm.s32 $0xFFFFCA40;
	s22 =	sadd.s32 s5, s22  }
0x262: {  	s19 =	sadd.s32 s12, s24;
	s25 =	simm.s32 @!p0 $0xFFFFFC40;
	v1 =	vld [tilespmem:s22+$0x13A00]  }
0x263: {  	s22 =	sadd.s32 s25, s19  }
0x264: {  	v2 =	vld [tilespmem:s22+$0xC800];
	_ =	sdelay $0x1  }
0x265: {  	s28 =	sadd.s32 $0x10, s20  }
0x266: {  	s29 =	sand.u32 $0x7F, s28;
	s24 =	sshll.u32 s28, $0x2;
	v1 =	vmul.f32 $8.000000000e+00, v1  }
0x267: {  	s24 =	sand.u32 $0xFFFFFE00, s24;
	s25 =	sshll.u32 s29, $0x2  }
0x268: {  	s24 =	sor.u32 s25, s24;
	v1 =	vadd.f32 v2, v1  }
0x269: {  	s24 =	sshra.s32 s24, $0x2  }
0x26a: {  	s24 =	sadd.s32 s5, s24;
	[tilespmem:s5+$0x1BA00] =	vst v1  }
0x26b: {  	v1 =	vld [tilespmem:s24+$0x13A00];
	_ =	sdelay $0x1  }
0x26c: {  	v61 =	vld [tilespmem:s22+$0xC810];
	_ =	sdelay $0x1  }
0x26d: {  	s28 =	sadd.s32 $0x20, s20  }
0x26e: {  	s29 =	sand.u32 $0x7F, s28;
	s24 =	sshll.u32 s28, $0x2;
	v1 =	vmul.f32 $8.000000000e+00, v1  }
0x26f: {  	s25 =	sshll.u32 s29, $0x2;
	s24 =	sand.u32 $0xFFFFFE00, s24  }
0x270: {  	s24 =	sor.u32 s25, s24;
	v1 =	vadd.f32 v61, v1  }
0x271: {  	s24 =	sshra.s32 s24, $0x2  }
0x272: {  	(v2sf) =	vpush v0, $0x1;
	s24 =	sadd.s32 s5, s24;
	[tilespmem:s5+$0x1BA10] =	vst v1  }
0x273: {  	v1 =	vld [tilespmem:s24+$0x13A00];
	_ =	sdelay $0x1  }
0x274: {  	v62 =	vld [tilespmem:s22+$0xC820];
	_ =	sdelay $0x1  }
0x275: {  	s20 =	sadd.s32 $0x30, s20  }
0x276: {  	s25 =	sand.u32 $0x7F, s20;
	s20 =	sshll.u32 s20, $0x2;
	v1 =	vmul.f32 $8.000000000e+00, v1  }
0x277: {  	s20 =	sand.u32 $0xFFFFFE00, s20;
	s24 =	sshll.u32 s25, $0x2  }
0x278: {  	s20 =	sor.u32 s24, s20;
	v1 =	vadd.f32 v62, v1  }
0x279: {  	s20 =	sshra.s32 s20, $0x2  }
0x27a: {  	s20 =	sadd.s32 s5, s20;
	[tilespmem:s5+$0x1BA20] =	vst v1  }
0x27b: {  	v1 =	vld [tilespmem:s20+$0x13A00];
	_ =	sdelay $0x1  }
0x27c: {  	v63 =	vld [tilespmem:s22+$0xC830];
	_ =	sdelay $0x1  }
0x27d: {  	s20 =	spop (v2sf)  }
0x27e: {  	s28 =	sand.u32 $0x7F, s20;
	s29 =	sshll.u32 s20, $0x2;
	v1 =	vmul.f32 $8.000000000e+00, v1  }
0x27f: {  	s24 =	sand.u32 $0xFFFFFE00, s29;
	s22 =	sshll.u32 s28, $0x2  }
0x280: {  	s22 =	sor.u32 s22, s24;
	v1 =	vadd.f32 v63, v1  }
0x281: {  	s25 =	sadd.s32 $0xFFFFFFF2, s16;
	s22 =	sshra.s32 s22, $0x2  }
0x282: {  	p0 =	sgt.u32 s25, $0xC7;
	s24 =	simm.s32 $0xFFFFCA80;
	s22 =	sadd.s32 s5, s22;
	[tilespmem:s5+$0x1BA30] =	vst v1  }
0x283: {  	s24 =	simm.s32 @!p0 $0xFFFFFC80;
	v1 =	vld [tilespmem:s22+$0x13A80]  }
0x284: {  	s22 =	sadd.s32 s24, s19  }
0x285: {  	v4 =	vld [tilespmem:s22+$0xC800];
	_ =	sdelay $0x1  }
0x286: {  	s28 =	sadd.s32 $0x10, s20  }
0x287: {  	s29 =	sand.u32 $0x7F, s28;
	s24 =	sshll.u32 s28, $0x2;
	v1 =	vmul.f32 $8.000000000e+00, v1  }
0x288: {  	s25 =	sshll.u32 s29, $0x2;
	s24 =	sand.u32 $0xFFFFFE00, s24  }
0x289: {  	s24 =	sor.u32 s25, s24;
	v1 =	vadd.f32 v4, v1  }
0x28a: {  	s24 =	sshra.s32 s24, $0x2  }
0x28b: {  	s24 =	sadd.s32 s5, s24;
	[tilespmem:s5+$0x1BA80] =	vst v1  }
0x28c: {  	v1 =	vld [tilespmem:s24+$0x13A80];
	_ =	sdelay $0x1  }
0x28d: {  	v5 =	vld [tilespmem:s22+$0xC810];
	_ =	sdelay $0x1  }
0x28e: {  	s28 =	sadd.s32 $0x20, s20  }
0x28f: {  	s29 =	sand.u32 $0x7F, s28;
	s24 =	sshll.u32 s28, $0x2;
	v1 =	vmul.f32 $8.000000000e+00, v1  }
0x290: {  	s25 =	sshll.u32 s29, $0x2;
	s24 =	sand.u32 $0xFFFFFE00, s24  }
0x291: {  	s24 =	sor.u32 s25, s24;
	v1 =	vadd.f32 v5, v1  }
0x292: {  	s24 =	sshra.s32 s24, $0x2  }
0x293: {  	(v2sf) =	vpush v0, $0x2;
	s24 =	sadd.s32 s5, s24;
	[tilespmem:s5+$0x1BA90] =	vst v1  }
0x294: {  	v1 =	vld [tilespmem:s24+$0x13A80];
	_ =	sdelay $0x1  }
0x295: {  	v6 =	vld [tilespmem:s22+$0xC820];
	_ =	sdelay $0x1  }
0x296: {  	s20 =	sadd.s32 $0x30, s20  }
0x297: {  	s25 =	sand.u32 $0x7F, s20;
	s20 =	sshll.u32 s20, $0x2;
	v1 =	vmul.f32 $8.000000000e+00, v1  }
0x298: {  	s20 =	sand.u32 $0xFFFFFE00, s20;
	s24 =	sshll.u32 s25, $0x2  }
0x299: {  	s20 =	sor.u32 s24, s20;
	v1 =	vadd.f32 v6, v1  }
0x29a: {  	s20 =	sshra.s32 s20, $0x2  }
0x29b: {  	s20 =	sadd.s32 s5, s20;
	[tilespmem:s5+$0x1BAA0] =	vst v1  }
0x29c: {  	v1 =	vld [tilespmem:s20+$0x13A80];
	_ =	sdelay $0x1  }
0x29d: {  	v7 =	vld [tilespmem:s22+$0xC830];
	_ =	sdelay $0x1  }
0x29e: {  	s20 =	spop (v2sf)  }
0x29f: {  	s28 =	sand.u32 $0x7F, s20;
	s29 =	sshll.u32 s20, $0x2;
	v1 =	vmul.f32 $8.000000000e+00, v1  }
0x2a0: {  	s24 =	sand.u32 $0xFFFFFE00, s29;
	s22 =	sshll.u32 s28, $0x2  }
0x2a1: {  	s22 =	sor.u32 s22, s24;
	v1 =	vadd.f32 v7, v1  }
0x2a2: {  	s25 =	sadd.s32 $0xFFFFFFF3, s16;
	s22 =	sshra.s32 s22, $0x2  }
0x2a3: {  	p0 =	sgt.u32 s25, $0xC7;
	s24 =	simm.s32 $0xFFFFCAC0;
	s22 =	sadd.s32 s5, s22;
	[tilespmem:s5+$0x1BAB0] =	vst v1  }
0x2a4: {  	s24 =	simm.s32 @!p0 $0xFFFFFCC0;
	v1 =	vld [tilespmem:s22+$0x13B00]  }
0x2a5: {  	s22 =	sadd.s32 s24, s19  }
0x2a6: {  	v8 =	vld [tilespmem:s22+$0xC800];
	_ =	sdelay $0x1  }
0x2a7: {  	s28 =	sadd.s32 $0x10, s20  }
0x2a8: {  	s29 =	sand.u32 $0x7F, s28;
	s24 =	sshll.u32 s28, $0x2;
	v1 =	vmul.f32 $8.000000000e+00, v1  }
0x2a9: {  	s25 =	sshll.u32 s29, $0x2;
	s24 =	sand.u32 $0xFFFFFE00, s24  }
0x2aa: {  	s24 =	sor.u32 s25, s24;
	v1 =	vadd.f32 v8, v1  }
0x2ab: {  	s24 =	sshra.s32 s24, $0x2  }
0x2ac: {  	s24 =	sadd.s32 s5, s24;
	[tilespmem:s5+$0x1BB00] =	vst v1  }
0x2ad: {  	v1 =	vld [tilespmem:s24+$0x13B00];
	_ =	sdelay $0x1  }
0x2ae: {  	v9 =	vld [tilespmem:s22+$0xC810];
	_ =	sdelay $0x1  }
0x2af: {  	s28 =	sadd.s32 $0x20, s20  }
0x2b0: {  	s29 =	sand.u32 $0x7F, s28;
	s24 =	sshll.u32 s28, $0x2;
	v1 =	vmul.f32 $8.000000000e+00, v1  }
0x2b1: {  	s25 =	sshll.u32 s29, $0x2;
	s24 =	sand.u32 $0xFFFFFE00, s24  }
0x2b2: {  	s24 =	sor.u32 s25, s24;
	v1 =	vadd.f32 v9, v1  }
0x2b3: {  	s24 =	sshra.s32 s24, $0x2  }
0x2b4: {  	(v2sf) =	vpush v0, $0x3;
	s24 =	sadd.s32 s5, s24;
	[tilespmem:s5+$0x1BB10] =	vst v1  }
0x2b5: {  	v1 =	vld [tilespmem:s24+$0x13B00];
	_ =	sdelay $0x1  }
0x2b6: {  	v10 =	vld [tilespmem:s22+$0xC820];
	_ =	sdelay $0x1  }
0x2b7: {  	s20 =	sadd.s32 $0x30, s20  }
0x2b8: {  	s25 =	sand.u32 $0x7F, s20;
	s20 =	sshll.u32 s20, $0x2;
	v1 =	vmul.f32 $8.000000000e+00, v1  }
0x2b9: {  	s20 =	sand.u32 $0xFFFFFE00, s20;
	s24 =	sshll.u32 s25, $0x2  }
0x2ba: {  	s20 =	sor.u32 s24, s20;
	v1 =	vadd.f32 v10, v1  }
0x2bb: {  	s20 =	sshra.s32 s20, $0x2  }
0x2bc: {  	s20 =	sadd.s32 s5, s20;
	[tilespmem:s5+$0x1BB20] =	vst v1  }
0x2bd: {  	v1 =	vld [tilespmem:s20+$0x13B00];
	_ =	sdelay $0x1  }
0x2be: {  	v11 =	vld [tilespmem:s22+$0xC830];
	_ =	sdelay $0x1  }
0x2bf: {  	s20 =	spop (v2sf)  }
0x2c0: {  	s28 =	sand.u32 $0x7F, s20;
	s29 =	sshll.u32 s20, $0x2;
	v1 =	vmul.f32 $8.000000000e+00, v1  }
0x2c1: {  	s24 =	sand.u32 $0xFFFFFE00, s29;
	s22 =	sshll.u32 s28, $0x2  }
0x2c2: {  	s22 =	sor.u32 s22, s24;
	v1 =	vadd.f32 v11, v1  }
0x2c3: {  	s25 =	sadd.s32 $0xFFFFFFF4, s16;
	s22 =	sshra.s32 s22, $0x2  }
0x2c4: {  	p0 =	sgt.u32 s25, $0xC7;
	s24 =	simm.s32 $0xFFFFCB00;
	s22 =	sadd.s32 s5, s22;
	[tilespmem:s5+$0x1BB30] =	vst v1  }
0x2c5: {  	s24 =	simm.s32 @!p0 $0xFFFFFD00;
	v1 =	vld [tilespmem:s22+$0x13B80]  }
0x2c6: {  	s22 =	sadd.s32 s24, s19  }
0x2c7: {  	v12 =	vld [tilespmem:s22+$0xC800];
	_ =	sdelay $0x1  }
0x2c8: {  	s28 =	sadd.s32 $0x10, s20  }
0x2c9: {  	s29 =	sand.u32 $0x7F, s28;
	s24 =	sshll.u32 s28, $0x2;
	v1 =	vmul.f32 $8.000000000e+00, v1  }
0x2ca: {  	s25 =	sshll.u32 s29, $0x2;
	s24 =	sand.u32 $0xFFFFFE00, s24  }
0x2cb: {  	s24 =	sor.u32 s25, s24;
	v1 =	vadd.f32 v12, v1  }
0x2cc: {  	s24 =	sshra.s32 s24, $0x2  }
0x2cd: {  	s24 =	sadd.s32 s5, s24;
	[tilespmem:s5+$0x1BB80] =	vst v1  }
0x2ce: {  	v1 =	vld [tilespmem:s24+$0x13B80];
	_ =	sdelay $0x1  }
0x2cf: {  	v13 =	vld [tilespmem:s22+$0xC810];
	_ =	sdelay $0x1  }
0x2d0: {  	s28 =	sadd.s32 $0x20, s20  }
0x2d1: {  	s29 =	sand.u32 $0x7F, s28;
	s24 =	sshll.u32 s28, $0x2;
	v1 =	vmul.f32 $8.000000000e+00, v1  }
0x2d2: {  	s25 =	sshll.u32 s29, $0x2;
	s24 =	sand.u32 $0xFFFFFE00, s24  }
0x2d3: {  	s24 =	sor.u32 s25, s24;
	v1 =	vadd.f32 v13, v1  }
0x2d4: {  	s24 =	sshra.s32 s24, $0x2  }
0x2d5: {  	(v2sf) =	vpush v0, $0x4;
	s24 =	sadd.s32 s5, s24;
	[tilespmem:s5+$0x1BB90] =	vst v1  }
0x2d6: {  	v1 =	vld [tilespmem:s24+$0x13B80];
	_ =	sdelay $0x1  }
0x2d7: {  	v14 =	vld [tilespmem:s22+$0xC820];
	_ =	sdelay $0x1  }
0x2d8: {  	s20 =	sadd.s32 $0x30, s20  }
0x2d9: {  	s25 =	sand.u32 $0x7F, s20;
	s20 =	sshll.u32 s20, $0x2;
	v1 =	vmul.f32 $8.000000000e+00, v1  }
0x2da: {  	s20 =	sand.u32 $0xFFFFFE00, s20;
	s24 =	sshll.u32 s25, $0x2  }
0x2db: {  	s20 =	sor.u32 s24, s20;
	v1 =	vadd.f32 v14, v1  }
0x2dc: {  	s20 =	sshra.s32 s20, $0x2  }
0x2dd: {  	s20 =	sadd.s32 s5, s20;
	[tilespmem:s5+$0x1BBA0] =	vst v1  }
0x2de: {  	v1 =	vld [tilespmem:s20+$0x13B80];
	_ =	sdelay $0x1  }
0x2df: {  	v15 =	vld [tilespmem:s22+$0xC830];
	_ =	sdelay $0x1  }
0x2e0: {  	s20 =	spop (v2sf)  }
0x2e1: {  	s28 =	sand.u32 $0x7F, s20;
	s29 =	sshll.u32 s20, $0x2;
	v1 =	vmul.f32 $8.000000000e+00, v1  }
0x2e2: {  	s24 =	sand.u32 $0xFFFFFE00, s29;
	s22 =	sshll.u32 s28, $0x2  }
0x2e3: {  	s22 =	sor.u32 s22, s24;
	v1 =	vadd.f32 v15, v1  }
0x2e4: {  	s25 =	sadd.s32 $0xFFFFFFF5, s16;
	s22 =	sshra.s32 s22, $0x2  }
0x2e5: {  	p0 =	sgt.u32 s25, $0xC7;
	s24 =	simm.s32 $0xFFFFCB40;
	s22 =	sadd.s32 s5, s22;
	[tilespmem:s5+$0x1BBB0] =	vst v1  }
0x2e6: {  	s24 =	simm.s32 @!p0 $0xFFFFFD40;
	v1 =	vld [tilespmem:s22+$0x13C00]  }
0x2e7: {  	s22 =	sadd.s32 s24, s19  }
0x2e8: {  	v16 =	vld [tilespmem:s22+$0xC800];
	_ =	sdelay $0x1  }
0x2e9: {  	s28 =	sadd.s32 $0x10, s20  }
0x2ea: {  	s29 =	sand.u32 $0x7F, s28;
	s24 =	sshll.u32 s28, $0x2;
	v1 =	vmul.f32 $8.000000000e+00, v1  }
0x2eb: {  	s25 =	sshll.u32 s29, $0x2;
	s24 =	sand.u32 $0xFFFFFE00, s24  }
0x2ec: {  	s24 =	sor.u32 s25, s24;
	v1 =	vadd.f32 v16, v1  }
0x2ed: {  	s24 =	sshra.s32 s24, $0x2  }
0x2ee: {  	s24 =	sadd.s32 s5, s24;
	[tilespmem:s5+$0x1BC00] =	vst v1  }
0x2ef: {  	v1 =	vld [tilespmem:s24+$0x13C00];
	_ =	sdelay $0x1  }
0x2f0: {  	v17 =	vld [tilespmem:s22+$0xC810];
	_ =	sdelay $0x1  }
0x2f1: {  	s28 =	sadd.s32 $0x20, s20  }
0x2f2: {  	s29 =	sand.u32 $0x7F, s28;
	s24 =	sshll.u32 s28, $0x2;
	v1 =	vmul.f32 $8.000000000e+00, v1  }
0x2f3: {  	s25 =	sshll.u32 s29, $0x2;
	s24 =	sand.u32 $0xFFFFFE00, s24  }
0x2f4: {  	s24 =	sor.u32 s25, s24;
	v1 =	vadd.f32 v17, v1  }
0x2f5: {  	s24 =	sshra.s32 s24, $0x2  }
0x2f6: {  	(v2sf) =	vpush v0, $0x5;
	s24 =	sadd.s32 s5, s24;
	[tilespmem:s5+$0x1BC10] =	vst v1  }
0x2f7: {  	v1 =	vld [tilespmem:s24+$0x13C00];
	_ =	sdelay $0x1  }
0x2f8: {  	v18 =	vld [tilespmem:s22+$0xC820];
	_ =	sdelay $0x1  }
0x2f9: {  	s20 =	sadd.s32 $0x30, s20  }
0x2fa: {  	s25 =	sand.u32 $0x7F, s20;
	s20 =	sshll.u32 s20, $0x2;
	v1 =	vmul.f32 $8.000000000e+00, v1  }
0x2fb: {  	s20 =	sand.u32 $0xFFFFFE00, s20;
	s24 =	sshll.u32 s25, $0x2  }
0x2fc: {  	s20 =	sor.u32 s24, s20;
	v1 =	vadd.f32 v18, v1  }
0x2fd: {  	s20 =	sshra.s32 s20, $0x2  }
0x2fe: {  	s20 =	sadd.s32 s5, s20;
	[tilespmem:s5+$0x1BC20] =	vst v1  }
0x2ff: {  	v1 =	vld [tilespmem:s20+$0x13C00];
	_ =	sdelay $0x1  }
0x300: {  	v19 =	vld [tilespmem:s22+$0xC830];
	_ =	sdelay $0x1  }
0x301: {  	s20 =	spop (v2sf)  }
0x302: {  	s28 =	sand.u32 $0x7F, s20;
	s29 =	sshll.u32 s20, $0x2;
	v1 =	vmul.f32 $8.000000000e+00, v1  }
0x303: {  	s24 =	sand.u32 $0xFFFFFE00, s29;
	s22 =	sshll.u32 s28, $0x2  }
0x304: {  	s22 =	sor.u32 s22, s24;
	v1 =	vadd.f32 v19, v1  }
0x305: {  	s25 =	sadd.s32 $0xFFFFFFF6, s16;
	s22 =	sshra.s32 s22, $0x2  }
0x306: {  	p0 =	sgt.u32 s25, $0xC7;
	s24 =	simm.s32 $0xFFFFCB80;
	s22 =	sadd.s32 s5, s22;
	[tilespmem:s5+$0x1BC30] =	vst v1  }
0x307: {  	s24 =	simm.s32 @!p0 $0xFFFFFD80;
	v1 =	vld [tilespmem:s22+$0x13C80]  }
0x308: {  	s22 =	sadd.s32 s24, s19  }
0x309: {  	v20 =	vld [tilespmem:s22+$0xC800];
	_ =	sdelay $0x1  }
0x30a: {  	s28 =	sadd.s32 $0x10, s20  }
0x30b: {  	s29 =	sand.u32 $0x7F, s28;
	s24 =	sshll.u32 s28, $0x2;
	v1 =	vmul.f32 $8.000000000e+00, v1  }
0x30c: {  	s25 =	sshll.u32 s29, $0x2;
	s24 =	sand.u32 $0xFFFFFE00, s24  }
0x30d: {  	s24 =	sor.u32 s25, s24;
	v1 =	vadd.f32 v20, v1  }
0x30e: {  	s24 =	sshra.s32 s24, $0x2  }
0x30f: {  	s24 =	sadd.s32 s5, s24;
	[tilespmem:s5+$0x1BC80] =	vst v1  }
0x310: {  	v1 =	vld [tilespmem:s24+$0x13C80];
	_ =	sdelay $0x1  }
0x311: {  	v21 =	vld [tilespmem:s22+$0xC810];
	_ =	sdelay $0x1  }
0x312: {  	s28 =	sadd.s32 $0x20, s20  }
0x313: {  	s29 =	sand.u32 $0x7F, s28;
	s24 =	sshll.u32 s28, $0x2;
	v1 =	vmul.f32 $8.000000000e+00, v1  }
0x314: {  	s25 =	sshll.u32 s29, $0x2;
	s24 =	sand.u32 $0xFFFFFE00, s24  }
0x315: {  	s24 =	sor.u32 s25, s24;
	v1 =	vadd.f32 v21, v1  }
0x316: {  	s24 =	sshra.s32 s24, $0x2  }
0x317: {  	(v2sf) =	vpush v0, $0x6;
	s24 =	sadd.s32 s5, s24;
	[tilespmem:s5+$0x1BC90] =	vst v1  }
0x318: {  	v1 =	vld [tilespmem:s24+$0x13C80];
	_ =	sdelay $0x1  }
0x319: {  	v22 =	vld [tilespmem:s22+$0xC820];
	_ =	sdelay $0x1  }
0x31a: {  	s20 =	sadd.s32 $0x30, s20  }
0x31b: {  	s25 =	sand.u32 $0x7F, s20;
	s20 =	sshll.u32 s20, $0x2;
	v1 =	vmul.f32 $8.000000000e+00, v1  }
0x31c: {  	s20 =	sand.u32 $0xFFFFFE00, s20;
	s24 =	sshll.u32 s25, $0x2  }
0x31d: {  	s20 =	sor.u32 s24, s20;
	v1 =	vadd.f32 v22, v1  }
0x31e: {  	s20 =	sshra.s32 s20, $0x2  }
0x31f: {  	s20 =	sadd.s32 s5, s20;
	[tilespmem:s5+$0x1BCA0] =	vst v1  }
0x320: {  	v1 =	vld [tilespmem:s20+$0x13C80];
	_ =	sdelay $0x1  }
0x321: {  	v23 =	vld [tilespmem:s22+$0xC830];
	_ =	sdelay $0x1  }
0x322: {  	s20 =	spop (v2sf)  }
0x323: {  	s28 =	sand.u32 $0x7F, s20;
	s29 =	sshll.u32 s20, $0x2;
	v1 =	vmul.f32 $8.000000000e+00, v1  }
0x324: {  	s24 =	sand.u32 $0xFFFFFE00, s29;
	s22 =	sshll.u32 s28, $0x2  }
0x325: {  	s22 =	sor.u32 s22, s24;
	v1 =	vadd.f32 v23, v1  }
0x326: {  	s25 =	sadd.s32 $0xFFFFFFF7, s16;
	s22 =	sshra.s32 s22, $0x2  }
0x327: {  	p0 =	sgt.u32 s25, $0xC7;
	s24 =	simm.s32 $0xFFFFCBC0;
	s22 =	sadd.s32 s5, s22;
	[tilespmem:s5+$0x1BCB0] =	vst v1  }
0x328: {  	s24 =	simm.s32 @!p0 $0xFFFFFDC0;
	v1 =	vld [tilespmem:s22+$0x13D00]  }
0x329: {  	s22 =	sadd.s32 s24, s19  }
0x32a: {  	v24 =	vld [tilespmem:s22+$0xC800];
	_ =	sdelay $0x1  }
0x32b: {  	s28 =	sadd.s32 $0x10, s20  }
0x32c: {  	s29 =	sand.u32 $0x7F, s28;
	s24 =	sshll.u32 s28, $0x2;
	v1 =	vmul.f32 $8.000000000e+00, v1  }
0x32d: {  	s25 =	sshll.u32 s29, $0x2;
	s24 =	sand.u32 $0xFFFFFE00, s24  }
0x32e: {  	s24 =	sor.u32 s25, s24;
	v1 =	vadd.f32 v24, v1  }
0x32f: {  	s24 =	sshra.s32 s24, $0x2  }
0x330: {  	s24 =	sadd.s32 s5, s24;
	[tilespmem:s5+$0x1BD00] =	vst v1  }
0x331: {  	v1 =	vld [tilespmem:s24+$0x13D00];
	_ =	sdelay $0x1  }
0x332: {  	v25 =	vld [tilespmem:s22+$0xC810];
	_ =	sdelay $0x1  }
0x333: {  	s28 =	sadd.s32 $0x20, s20  }
0x334: {  	s29 =	sand.u32 $0x7F, s28;
	s24 =	sshll.u32 s28, $0x2;
	v1 =	vmul.f32 $8.000000000e+00, v1  }
0x335: {  	s25 =	sshll.u32 s29, $0x2;
	s24 =	sand.u32 $0xFFFFFE00, s24  }
0x336: {  	s24 =	sor.u32 s25, s24;
	v1 =	vadd.f32 v25, v1  }
0x337: {  	s24 =	sshra.s32 s24, $0x2  }
0x338: {  	(v2sf) =	vpush v0, $0x7;
	s24 =	sadd.s32 s5, s24;
	[tilespmem:s5+$0x1BD10] =	vst v1  }
0x339: {  	v1 =	vld [tilespmem:s24+$0x13D00];
	_ =	sdelay $0x1  }
0x33a: {  	v26 =	vld [tilespmem:s22+$0xC820];
	_ =	sdelay $0x1  }
0x33b: {  	s20 =	sadd.s32 $0x30, s20  }
0x33c: {  	s25 =	sand.u32 $0x7F, s20;
	s20 =	sshll.u32 s20, $0x2;
	v1 =	vmul.f32 $8.000000000e+00, v1  }
0x33d: {  	s20 =	sand.u32 $0xFFFFFE00, s20;
	s24 =	sshll.u32 s25, $0x2  }
0x33e: {  	s20 =	sor.u32 s24, s20;
	v1 =	vadd.f32 v26, v1  }
0x33f: {  	s20 =	sshra.s32 s20, $0x2  }
0x340: {  	s20 =	sadd.s32 s5, s20;
	[tilespmem:s5+$0x1BD20] =	vst v1  }
0x341: {  	v1 =	vld [tilespmem:s20+$0x13D00];
	_ =	sdelay $0x1  }
0x342: {  	v27 =	vld [tilespmem:s22+$0xC830];
	_ =	sdelay $0x1  }
0x343: {  	s20 =	spop (v2sf)  }
0x344: {  	s28 =	sand.u32 $0x7F, s20;
	s29 =	sshll.u32 s20, $0x2;
	v1 =	vmul.f32 $8.000000000e+00, v1  }
0x345: {  	s24 =	sand.u32 $0xFFFFFE00, s29;
	s22 =	sshll.u32 s28, $0x2  }
0x346: {  	s22 =	sor.u32 s22, s24;
	v1 =	vadd.f32 v27, v1  }
0x347: {  	s25 =	sadd.s32 $0xFFFFFFF8, s16;
	s22 =	sshra.s32 s22, $0x2  }
0x348: {  	p0 =	sgt.u32 s25, $0xC7;
	s24 =	simm.s32 $0xFFFFCC00;
	s22 =	sadd.s32 s5, s22;
	[tilespmem:s5+$0x1BD30] =	vst v1  }
0x349: {  	s24 =	simm.s32 @!p0 $0xFFFFFE00;
	v1 =	vld [tilespmem:s22+$0x13D80]  }
0x34a: {  	s22 =	sadd.s32 s24, s19  }
0x34b: {  	v28 =	vld [tilespmem:s22+$0xC800];
	_ =	sdelay $0x1  }
0x34c: {  	s28 =	sadd.s32 $0x10, s20  }
0x34d: {  	s29 =	sand.u32 $0x7F, s28;
	s24 =	sshll.u32 s28, $0x2;
	v1 =	vmul.f32 $8.000000000e+00, v1  }
0x34e: {  	s25 =	sshll.u32 s29, $0x2;
	s24 =	sand.u32 $0xFFFFFE00, s24  }
0x34f: {  	s24 =	sor.u32 s25, s24;
	v1 =	vadd.f32 v28, v1  }
0x350: {  	s24 =	sshra.s32 s24, $0x2  }
0x351: {  	s24 =	sadd.s32 s5, s24;
	[tilespmem:s5+$0x1BD80] =	vst v1  }
0x352: {  	v1 =	vld [tilespmem:s24+$0x13D80];
	_ =	sdelay $0x1  }
0x353: {  	v29 =	vld [tilespmem:s22+$0xC810];
	_ =	sdelay $0x1  }
0x354: {  	s28 =	sadd.s32 $0x20, s20  }
0x355: {  	s29 =	sand.u32 $0x7F, s28;
	s24 =	sshll.u32 s28, $0x2;
	v1 =	vmul.f32 $8.000000000e+00, v1  }
0x356: {  	s25 =	sshll.u32 s29, $0x2;
	s24 =	sand.u32 $0xFFFFFE00, s24  }
0x357: {  	s24 =	sor.u32 s25, s24;
	v1 =	vadd.f32 v29, v1  }
0x358: {  	s24 =	sshra.s32 s24, $0x2  }
0x359: {  	(v2sf) =	vpush v0, $0x8;
	s24 =	sadd.s32 s5, s24;
	[tilespmem:s5+$0x1BD90] =	vst v1  }
0x35a: {  	v1 =	vld [tilespmem:s24+$0x13D80];
	_ =	sdelay $0x1  }
0x35b: {  	v30 =	vld [tilespmem:s22+$0xC820];
	_ =	sdelay $0x1  }
0x35c: {  	s20 =	sadd.s32 $0x30, s20  }
0x35d: {  	s25 =	sand.u32 $0x7F, s20;
	s20 =	sshll.u32 s20, $0x2;
	v1 =	vmul.f32 $8.000000000e+00, v1  }
0x35e: {  	s20 =	sand.u32 $0xFFFFFE00, s20;
	s24 =	sshll.u32 s25, $0x2  }
0x35f: {  	s20 =	sor.u32 s24, s20;
	v1 =	vadd.f32 v30, v1  }
0x360: {  	s20 =	sshra.s32 s20, $0x2  }
0x361: {  	s20 =	sadd.s32 s5, s20;
	[tilespmem:s5+$0x1BDA0] =	vst v1  }
0x362: {  	v1 =	vld [tilespmem:s20+$0x13D80];
	_ =	sdelay $0x1  }
0x363: {  	v31 =	vld [tilespmem:s22+$0xC830];
	_ =	sdelay $0x1  }
0x364: {  	s20 =	spop (v2sf)  }
0x365: {  	s28 =	sand.u32 $0x7F, s20;
	s29 =	sshll.u32 s20, $0x2;
	v1 =	vmul.f32 $8.000000000e+00, v1  }
0x366: {  	s24 =	sand.u32 $0xFFFFFE00, s29;
	s22 =	sshll.u32 s28, $0x2  }
0x367: {  	s22 =	sor.u32 s22, s24;
	v1 =	vadd.f32 v31, v1  }
0x368: {  	s25 =	sadd.s32 $0xFFFFFFF9, s16;
	s22 =	sshra.s32 s22, $0x2  }
0x369: {  	p0 =	sgt.u32 s25, $0xC7;
	s24 =	simm.s32 $0xFFFFCC40;
	s22 =	sadd.s32 s5, s22;
	[tilespmem:s5+$0x1BDB0] =	vst v1  }
0x36a: {  	s24 =	simm.s32 @!p0 $0xFFFFFE40;
	v1 =	vld [tilespmem:s22+$0x13E00]  }
0x36b: {  	s22 =	sadd.s32 s24, s19  }
0x36c: {  	v32 =	vld [tilespmem:s22+$0xC800];
	_ =	sdelay $0x1  }
0x36d: {  	s28 =	sadd.s32 $0x10, s20  }
0x36e: {  	s29 =	sand.u32 $0x7F, s28;
	s24 =	sshll.u32 s28, $0x2;
	v1 =	vmul.f32 $8.000000000e+00, v1  }
0x36f: {  	s25 =	sshll.u32 s29, $0x2;
	s24 =	sand.u32 $0xFFFFFE00, s24  }
0x370: {  	s24 =	sor.u32 s25, s24;
	v1 =	vadd.f32 v32, v1  }
0x371: {  	s24 =	sshra.s32 s24, $0x2  }
0x372: {  	s24 =	sadd.s32 s5, s24;
	[tilespmem:s5+$0x1BE00] =	vst v1  }
0x373: {  	v1 =	vld [tilespmem:s24+$0x13E00];
	_ =	sdelay $0x1  }
0x374: {  	v33 =	vld [tilespmem:s22+$0xC810];
	_ =	sdelay $0x1  }
0x375: {  	s28 =	sadd.s32 $0x20, s20  }
0x376: {  	s29 =	sand.u32 $0x7F, s28;
	s24 =	sshll.u32 s28, $0x2;
	v1 =	vmul.f32 $8.000000000e+00, v1  }
0x377: {  	s25 =	sshll.u32 s29, $0x2;
	s24 =	sand.u32 $0xFFFFFE00, s24  }
0x378: {  	s24 =	sor.u32 s25, s24;
	v1 =	vadd.f32 v33, v1  }
0x379: {  	s24 =	sshra.s32 s24, $0x2  }
0x37a: {  	(v2sf) =	vpush v0, $0x9;
	s24 =	sadd.s32 s5, s24;
	[tilespmem:s5+$0x1BE10] =	vst v1  }
0x37b: {  	v1 =	vld [tilespmem:s24+$0x13E00];
	_ =	sdelay $0x1  }
0x37c: {  	v34 =	vld [tilespmem:s22+$0xC820];
	_ =	sdelay $0x1  }
0x37d: {  	s20 =	sadd.s32 $0x30, s20  }
0x37e: {  	s25 =	sand.u32 $0x7F, s20;
	s20 =	sshll.u32 s20, $0x2;
	v1 =	vmul.f32 $8.000000000e+00, v1  }
0x37f: {  	s20 =	sand.u32 $0xFFFFFE00, s20;
	s24 =	sshll.u32 s25, $0x2  }
0x380: {  	s20 =	sor.u32 s24, s20;
	v1 =	vadd.f32 v34, v1  }
0x381: {  	s20 =	sshra.s32 s20, $0x2  }
0x382: {  	s20 =	sadd.s32 s5, s20;
	[tilespmem:s5+$0x1BE20] =	vst v1  }
0x383: {  	v1 =	vld [tilespmem:s20+$0x13E00];
	_ =	sdelay $0x1  }
0x384: {  	v35 =	vld [tilespmem:s22+$0xC830];
	_ =	sdelay $0x1  }
0x385: {  	s20 =	spop (v2sf)  }
0x386: {  	s28 =	sand.u32 $0x7F, s20;
	s29 =	sshll.u32 s20, $0x2;
	v1 =	vmul.f32 $8.000000000e+00, v1  }
0x387: {  	s24 =	sand.u32 $0xFFFFFE00, s29;
	s22 =	sshll.u32 s28, $0x2  }
0x388: {  	s22 =	sor.u32 s22, s24;
	v1 =	vadd.f32 v35, v1  }
0x389: {  	s25 =	sadd.s32 $0xFFFFFFFA, s16;
	s22 =	sshra.s32 s22, $0x2  }
0x38a: {  	p0 =	sgt.u32 s25, $0xC7;
	s24 =	simm.s32 $0xFFFFCC80;
	s22 =	sadd.s32 s5, s22;
	[tilespmem:s5+$0x1BE30] =	vst v1  }
0x38b: {  	s24 =	simm.s32 @!p0 $0xFFFFFE80;
	v1 =	vld [tilespmem:s22+$0x13E80]  }
0x38c: {  	s22 =	sadd.s32 s24, s19  }
0x38d: {  	v36 =	vld [tilespmem:s22+$0xC800];
	_ =	sdelay $0x1  }
0x38e: {  	s28 =	sadd.s32 $0x10, s20  }
0x38f: {  	s29 =	sand.u32 $0x7F, s28;
	s24 =	sshll.u32 s28, $0x2;
	v1 =	vmul.f32 $8.000000000e+00, v1  }
0x390: {  	s25 =	sshll.u32 s29, $0x2;
	s24 =	sand.u32 $0xFFFFFE00, s24  }
0x391: {  	s24 =	sor.u32 s25, s24;
	v1 =	vadd.f32 v36, v1  }
0x392: {  	s24 =	sshra.s32 s24, $0x2  }
0x393: {  	s24 =	sadd.s32 s5, s24;
	[tilespmem:s5+$0x1BE80] =	vst v1  }
0x394: {  	v1 =	vld [tilespmem:s24+$0x13E80];
	_ =	sdelay $0x1  }
0x395: {  	v37 =	vld [tilespmem:s22+$0xC810];
	_ =	sdelay $0x1  }
0x396: {  	s28 =	sadd.s32 $0x20, s20  }
0x397: {  	s29 =	sand.u32 $0x7F, s28;
	s24 =	sshll.u32 s28, $0x2;
	v1 =	vmul.f32 $8.000000000e+00, v1  }
0x398: {  	s25 =	sshll.u32 s29, $0x2;
	s24 =	sand.u32 $0xFFFFFE00, s24  }
0x399: {  	s24 =	sor.u32 s25, s24;
	v1 =	vadd.f32 v37, v1  }
0x39a: {  	s24 =	sshra.s32 s24, $0x2  }
0x39b: {  	(v2sf) =	vpush v0, $0xA;
	s24 =	sadd.s32 s5, s24;
	[tilespmem:s5+$0x1BE90] =	vst v1  }
0x39c: {  	v1 =	vld [tilespmem:s24+$0x13E80];
	_ =	sdelay $0x1  }
0x39d: {  	v38 =	vld [tilespmem:s22+$0xC820];
	_ =	sdelay $0x1  }
0x39e: {  	s20 =	sadd.s32 $0x30, s20  }
0x39f: {  	s25 =	sand.u32 $0x7F, s20;
	s20 =	sshll.u32 s20, $0x2;
	v1 =	vmul.f32 $8.000000000e+00, v1  }
0x3a0: {  	s20 =	sand.u32 $0xFFFFFE00, s20;
	s24 =	sshll.u32 s25, $0x2  }
0x3a1: {  	s20 =	sor.u32 s24, s20;
	v1 =	vadd.f32 v38, v1  }
0x3a2: {  	s20 =	sshra.s32 s20, $0x2  }
0x3a3: {  	s20 =	sadd.s32 s5, s20;
	[tilespmem:s5+$0x1BEA0] =	vst v1  }
0x3a4: {  	v1 =	vld [tilespmem:s20+$0x13E80];
	_ =	sdelay $0x1  }
0x3a5: {  	v39 =	vld [tilespmem:s22+$0xC830];
	_ =	sdelay $0x1  }
0x3a6: {  	s20 =	spop (v2sf)  }
0x3a7: {  	s28 =	sand.u32 $0x7F, s20;
	s29 =	sshll.u32 s20, $0x2;
	v1 =	vmul.f32 $8.000000000e+00, v1  }
0x3a8: {  	s24 =	sand.u32 $0xFFFFFE00, s29;
	s22 =	sshll.u32 s28, $0x2  }
0x3a9: {  	s22 =	sor.u32 s22, s24;
	v1 =	vadd.f32 v39, v1  }
0x3aa: {  	s25 =	sadd.s32 $0xFFFFFFFB, s16;
	s22 =	sshra.s32 s22, $0x2  }
0x3ab: {  	p0 =	sgt.u32 s25, $0xC7;
	s24 =	simm.s32 $0xFFFFCCC0;
	s22 =	sadd.s32 s5, s22;
	[tilespmem:s5+$0x1BEB0] =	vst v1  }
0x3ac: {  	s24 =	simm.s32 @!p0 $0xFFFFFEC0;
	v1 =	vld [tilespmem:s22+$0x13F00]  }
0x3ad: {  	s22 =	sadd.s32 s24, s19  }
0x3ae: {  	v40 =	vld [tilespmem:s22+$0xC800];
	_ =	sdelay $0x1  }
0x3af: {  	s28 =	sadd.s32 $0x10, s20  }
0x3b0: {  	s29 =	sand.u32 $0x7F, s28;
	s24 =	sshll.u32 s28, $0x2;
	v1 =	vmul.f32 $8.000000000e+00, v1  }
0x3b1: {  	s25 =	sshll.u32 s29, $0x2;
	s24 =	sand.u32 $0xFFFFFE00, s24  }
0x3b2: {  	s24 =	sor.u32 s25, s24;
	v1 =	vadd.f32 v40, v1  }
0x3b3: {  	s24 =	sshra.s32 s24, $0x2  }
0x3b4: {  	s24 =	sadd.s32 s5, s24;
	[tilespmem:s5+$0x1BF00] =	vst v1  }
0x3b5: {  	v1 =	vld [tilespmem:s24+$0x13F00];
	_ =	sdelay $0x1  }
0x3b6: {  	v41 =	vld [tilespmem:s22+$0xC810];
	_ =	sdelay $0x1  }
0x3b7: {  	s28 =	sadd.s32 $0x20, s20  }
0x3b8: {  	s29 =	sand.u32 $0x7F, s28;
	s24 =	sshll.u32 s28, $0x2;
	v1 =	vmul.f32 $8.000000000e+00, v1  }
0x3b9: {  	s25 =	sshll.u32 s29, $0x2;
	s24 =	sand.u32 $0xFFFFFE00, s24  }
0x3ba: {  	s24 =	sor.u32 s25, s24;
	v1 =	vadd.f32 v41, v1  }
0x3bb: {  	s24 =	sshra.s32 s24, $0x2  }
0x3bc: {  	(v2sf) =	vpush v0, $0xB;
	s24 =	sadd.s32 s5, s24;
	[tilespmem:s5+$0x1BF10] =	vst v1  }
0x3bd: {  	v1 =	vld [tilespmem:s24+$0x13F00];
	_ =	sdelay $0x1  }
0x3be: {  	v42 =	vld [tilespmem:s22+$0xC820];
	_ =	sdelay $0x1  }
0x3bf: {  	s20 =	sadd.s32 $0x30, s20  }
0x3c0: {  	s25 =	sand.u32 $0x7F, s20;
	s20 =	sshll.u32 s20, $0x2;
	v1 =	vmul.f32 $8.000000000e+00, v1  }
0x3c1: {  	s20 =	sand.u32 $0xFFFFFE00, s20;
	s24 =	sshll.u32 s25, $0x2  }
0x3c2: {  	s20 =	sor.u32 s24, s20;
	v1 =	vadd.f32 v42, v1  }
0x3c3: {  	s20 =	sshra.s32 s20, $0x2  }
0x3c4: {  	s20 =	sadd.s32 s5, s20;
	[tilespmem:s5+$0x1BF20] =	vst v1  }
0x3c5: {  	v1 =	vld [tilespmem:s20+$0x13F00];
	_ =	sdelay $0x1  }
0x3c6: {  	v43 =	vld [tilespmem:s22+$0xC830];
	_ =	sdelay $0x1  }
0x3c7: {  	s20 =	spop (v2sf)  }
0x3c8: {  	s28 =	sand.u32 $0x7F, s20;
	s29 =	sshll.u32 s20, $0x2;
	v1 =	vmul.f32 $8.000000000e+00, v1  }
0x3c9: {  	s24 =	sand.u32 $0xFFFFFE00, s29;
	s22 =	sshll.u32 s28, $0x2  }
0x3ca: {  	s22 =	sor.u32 s22, s24;
	v1 =	vadd.f32 v43, v1  }
0x3cb: {  	s25 =	sadd.s32 $0xFFFFFFFC, s16;
	s22 =	sshra.s32 s22, $0x2  }
0x3cc: {  	p0 =	sgt.u32 s25, $0xC7;
	s24 =	simm.s32 $0xFFFFCD00;
	s22 =	sadd.s32 s5, s22;
	[tilespmem:s5+$0x1BF30] =	vst v1  }
0x3cd: {  	s24 =	simm.s32 @!p0 $0xFFFFFF00;
	v1 =	vld [tilespmem:s22+$0x13F80]  }
0x3ce: {  	s22 =	sadd.s32 s24, s19  }
0x3cf: {  	v44 =	vld [tilespmem:s22+$0xC800];
	_ =	sdelay $0x1  }
0x3d0: {  	s28 =	sadd.s32 $0x10, s20  }
0x3d1: {  	s29 =	sand.u32 $0x7F, s28;
	s24 =	sshll.u32 s28, $0x2;
	v1 =	vmul.f32 $8.000000000e+00, v1  }
0x3d2: {  	s25 =	sshll.u32 s29, $0x2;
	s24 =	sand.u32 $0xFFFFFE00, s24  }
0x3d3: {  	s24 =	sor.u32 s25, s24;
	v1 =	vadd.f32 v44, v1  }
0x3d4: {  	s24 =	sshra.s32 s24, $0x2  }
0x3d5: {  	s24 =	sadd.s32 s5, s24;
	[tilespmem:s5+$0x1BF80] =	vst v1  }
0x3d6: {  	v1 =	vld [tilespmem:s24+$0x13F80];
	_ =	sdelay $0x1  }
0x3d7: {  	v45 =	vld [tilespmem:s22+$0xC810];
	_ =	sdelay $0x1  }
0x3d8: {  	s28 =	sadd.s32 $0x20, s20  }
0x3d9: {  	s29 =	sand.u32 $0x7F, s28;
	s24 =	sshll.u32 s28, $0x2;
	v1 =	vmul.f32 $8.000000000e+00, v1  }
0x3da: {  	s25 =	sshll.u32 s29, $0x2;
	s24 =	sand.u32 $0xFFFFFE00, s24  }
0x3db: {  	s24 =	sor.u32 s25, s24;
	v1 =	vadd.f32 v45, v1  }
0x3dc: {  	s24 =	sshra.s32 s24, $0x2  }
0x3dd: {  	(v2sf) =	vpush v0, $0xC;
	s24 =	sadd.s32 s5, s24;
	[tilespmem:s5+$0x1BF90] =	vst v1  }
0x3de: {  	v1 =	vld [tilespmem:s24+$0x13F80];
	_ =	sdelay $0x1  }
0x3df: {  	v46 =	vld [tilespmem:s22+$0xC820];
	_ =	sdelay $0x1  }
0x3e0: {  	s20 =	sadd.s32 $0x30, s20  }
0x3e1: {  	s25 =	sand.u32 $0x7F, s20;
	s20 =	sshll.u32 s20, $0x2;
	v1 =	vmul.f32 $8.000000000e+00, v1  }
0x3e2: {  	s20 =	sand.u32 $0xFFFFFE00, s20;
	s24 =	sshll.u32 s25, $0x2  }
0x3e3: {  	s20 =	sor.u32 s24, s20;
	v1 =	vadd.f32 v46, v1  }
0x3e4: {  	s20 =	sshra.s32 s20, $0x2  }
0x3e5: {  	s20 =	sadd.s32 s5, s20;
	[tilespmem:s5+$0x1BFA0] =	vst v1  }
0x3e6: {  	v1 =	vld [tilespmem:s20+$0x13F80];
	_ =	sdelay $0x1  }
0x3e7: {  	v47 =	vld [tilespmem:s22+$0xC830];
	_ =	sdelay $0x1  }
0x3e8: {  	s20 =	spop (v2sf)  }
0x3e9: {  	s28 =	sand.u32 $0x7F, s20;
	s29 =	sshll.u32 s20, $0x2;
	v1 =	vmul.f32 $8.000000000e+00, v1  }
0x3ea: {  	s24 =	sand.u32 $0xFFFFFE00, s29;
	s22 =	sshll.u32 s28, $0x2  }
0x3eb: {  	s22 =	sor.u32 s22, s24;
	v1 =	vadd.f32 v47, v1  }
0x3ec: {  	s25 =	sadd.s32 $0xFFFFFFFD, s16;
	s22 =	sshra.s32 s22, $0x2  }
0x3ed: {  	p0 =	sgt.u32 s25, $0xC7;
	s24 =	simm.s32 $0xFFFFCD40;
	s22 =	sadd.s32 s5, s22;
	[tilespmem:s5+$0x1BFB0] =	vst v1  }
0x3ee: {  	s24 =	simm.s32 @!p0 $0xFFFFFF40;
	v1 =	vld [tilespmem:s22+$0x14000]  }
0x3ef: {  	s22 =	sadd.s32 s24, s19  }
0x3f0: {  	v48 =	vld [tilespmem:s22+$0xC800];
	_ =	sdelay $0x1  }
0x3f1: {  	s28 =	sadd.s32 $0x10, s20  }
0x3f2: {  	s29 =	sand.u32 $0x7F, s28;
	s24 =	sshll.u32 s28, $0x2;
	v1 =	vmul.f32 $8.000000000e+00, v1  }
0x3f3: {  	s25 =	sshll.u32 s29, $0x2;
	s24 =	sand.u32 $0xFFFFFE00, s24  }
0x3f4: {  	s24 =	sor.u32 s25, s24;
	v1 =	vadd.f32 v48, v1  }
0x3f5: {  	s24 =	sshra.s32 s24, $0x2  }
0x3f6: {  	s24 =	sadd.s32 s5, s24;
	[tilespmem:s5+$0x1C000] =	vst v1  }
0x3f7: {  	v1 =	vld [tilespmem:s24+$0x14000];
	_ =	sdelay $0x1  }
0x3f8: {  	v49 =	vld [tilespmem:s22+$0xC810];
	_ =	sdelay $0x1  }
0x3f9: {  	s28 =	sadd.s32 $0x20, s20  }
0x3fa: {  	s29 =	sand.u32 $0x7F, s28;
	s24 =	sshll.u32 s28, $0x2;
	v1 =	vmul.f32 $8.000000000e+00, v1  }
0x3fb: {  	s25 =	sshll.u32 s29, $0x2;
	s24 =	sand.u32 $0xFFFFFE00, s24  }
0x3fc: {  	s24 =	sor.u32 s25, s24;
	v1 =	vadd.f32 v49, v1  }
0x3fd: {  	s24 =	sshra.s32 s24, $0x2  }
0x3fe: {  	(v2sf) =	vpush v0, $0xD;
	s24 =	sadd.s32 s5, s24;
	[tilespmem:s5+$0x1C010] =	vst v1  }
0x3ff: {  	v1 =	vld [tilespmem:s24+$0x14000];
	_ =	sdelay $0x1  }
0x400: {  	v50 =	vld [tilespmem:s22+$0xC820];
	_ =	sdelay $0x1  }
0x401: {  	s20 =	sadd.s32 $0x30, s20  }
0x402: {  	s25 =	sand.u32 $0x7F, s20;
	s20 =	sshll.u32 s20, $0x2;
	v1 =	vmul.f32 $8.000000000e+00, v1  }
0x403: {  	s20 =	sand.u32 $0xFFFFFE00, s20;
	s24 =	sshll.u32 s25, $0x2  }
0x404: {  	s20 =	sor.u32 s24, s20;
	v1 =	vadd.f32 v50, v1  }
0x405: {  	s20 =	sshra.s32 s20, $0x2  }
0x406: {  	s20 =	sadd.s32 s5, s20;
	[tilespmem:s5+$0x1C020] =	vst v1  }
0x407: {  	v1 =	vld [tilespmem:s20+$0x14000];
	_ =	sdelay $0x1  }
0x408: {  	v51 =	vld [tilespmem:s22+$0xC830];
	_ =	sdelay $0x1  }
0x409: {  	s20 =	spop (v2sf)  }
0x40a: {  	s28 =	sand.u32 $0x7F, s20;
	s29 =	sshll.u32 s20, $0x2;
	v1 =	vmul.f32 $8.000000000e+00, v1  }
0x40b: {  	s24 =	sand.u32 $0xFFFFFE00, s29;
	s22 =	sshll.u32 s28, $0x2  }
0x40c: {  	s22 =	sor.u32 s22, s24;
	v1 =	vadd.f32 v51, v1  }
0x40d: {  	s25 =	sadd.s32 $0xFFFFFFFE, s16;
	s22 =	sshra.s32 s22, $0x2  }
0x40e: {  	p0 =	sgt.u32 s25, $0xC7;
	s24 =	simm.s32 $0xFFFFCD80;
	s22 =	sadd.s32 s5, s22;
	[tilespmem:s5+$0x1C030] =	vst v1  }
0x40f: {  	s24 =	simm.s32 @!p0 $0xFFFFFF80;
	v1 =	vld [tilespmem:s22+$0x14080]  }
0x410: {  	s22 =	sadd.s32 s24, s19  }
0x411: {  	v52 =	vld [tilespmem:s22+$0xC800];
	_ =	sdelay $0x1  }
0x412: {  	s28 =	sadd.s32 $0x10, s20  }
0x413: {  	s29 =	sand.u32 $0x7F, s28;
	s24 =	sshll.u32 s28, $0x2;
	v1 =	vmul.f32 $8.000000000e+00, v1  }
0x414: {  	s25 =	sshll.u32 s29, $0x2;
	s24 =	sand.u32 $0xFFFFFE00, s24  }
0x415: {  	s24 =	sor.u32 s25, s24;
	v1 =	vadd.f32 v52, v1  }
0x416: {  	s24 =	sshra.s32 s24, $0x2  }
0x417: {  	s24 =	sadd.s32 s5, s24;
	[tilespmem:s5+$0x1C080] =	vst v1  }
0x418: {  	v1 =	vld [tilespmem:s24+$0x14080];
	_ =	sdelay $0x1  }
0x419: {  	v53 =	vld [tilespmem:s22+$0xC810];
	_ =	sdelay $0x1  }
0x41a: {  	s28 =	sadd.s32 $0x20, s20  }
0x41b: {  	s29 =	sand.u32 $0x7F, s28;
	s24 =	sshll.u32 s28, $0x2;
	v1 =	vmul.f32 $8.000000000e+00, v1  }
0x41c: {  	s25 =	sshll.u32 s29, $0x2;
	s24 =	sand.u32 $0xFFFFFE00, s24  }
0x41d: {  	s24 =	sor.u32 s25, s24;
	v1 =	vadd.f32 v53, v1  }
0x41e: {  	s24 =	sshra.s32 s24, $0x2  }
0x41f: {  	(v2sf) =	vpush v0, $0xE;
	s24 =	sadd.s32 s5, s24;
	[tilespmem:s5+$0x1C090] =	vst v1  }
0x420: {  	v1 =	vld [tilespmem:s24+$0x14080];
	_ =	sdelay $0x1  }
0x421: {  	v54 =	vld [tilespmem:s22+$0xC820];
	_ =	sdelay $0x1  }
0x422: {  	s20 =	sadd.s32 $0x30, s20  }
0x423: {  	s25 =	sand.u32 $0x7F, s20;
	s20 =	sshll.u32 s20, $0x2;
	v1 =	vmul.f32 $8.000000000e+00, v1  }
0x424: {  	s20 =	sand.u32 $0xFFFFFE00, s20;
	s24 =	sshll.u32 s25, $0x2  }
0x425: {  	s20 =	sor.u32 s24, s20;
	v1 =	vadd.f32 v54, v1  }
0x426: {  	s20 =	sshra.s32 s20, $0x2  }
0x427: {  	s20 =	sadd.s32 s5, s20;
	[tilespmem:s5+$0x1C0A0] =	vst v1  }
0x428: {  	v1 =	vld [tilespmem:s20+$0x14080];
	_ =	sdelay $0x1  }
0x429: {  	v55 =	vld [tilespmem:s22+$0xC830];
	_ =	sdelay $0x1  }
0x42a: {  	s20 =	spop (v2sf)  }
0x42b: {  	s28 =	sand.u32 $0x7F, s20;
	s29 =	sshll.u32 s20, $0x2;
	v1 =	vmul.f32 $8.000000000e+00, v1  }
0x42c: {  	s24 =	sand.u32 $0xFFFFFE00, s29;
	s22 =	sshll.u32 s28, $0x2  }
0x42d: {  	s22 =	sor.u32 s22, s24;
	v1 =	vadd.f32 v55, v1  }
0x42e: {  	s25 =	sadd.s32 $0xFFFFFFFF, s16;
	s22 =	sshra.s32 s22, $0x2  }
0x42f: {  	p0 =	sgt.u32 s25, $0xC7;
	s24 =	simm.s32 $0xFFFFCDC0;
	s22 =	sadd.s32 s5, s22;
	[tilespmem:s5+$0x1C0B0] =	vst v1  }
0x430: {  	s24 =	simm.s32 @!p0 $0xFFFFFFC0;
	v1 =	vld [tilespmem:s22+$0x14100]  }
0x431: {  	s22 =	sadd.s32 s24, s19  }
0x432: {  	v56 =	vld [tilespmem:s22+$0xC800];
	_ =	sdelay $0x1  }
0x433: {  	s28 =	sadd.s32 $0x10, s20  }
0x434: {  	s29 =	sand.u32 $0x7F, s28;
	s24 =	sshll.u32 s28, $0x2;
	v1 =	vmul.f32 $8.000000000e+00, v1  }
0x435: {  	s25 =	sshll.u32 s29, $0x2;
	s24 =	sand.u32 $0xFFFFFE00, s24  }
0x436: {  	s24 =	sor.u32 s25, s24;
	v1 =	vadd.f32 v56, v1  }
0x437: {  	s24 =	sshra.s32 s24, $0x2  }
0x438: {  	s24 =	sadd.s32 s5, s24;
	[tilespmem:s5+$0x1C100] =	vst v1  }
0x439: {  	v1 =	vld [tilespmem:s24+$0x14100];
	_ =	sdelay $0x1  }
0x43a: {  	v57 =	vld [tilespmem:s22+$0xC810];
	_ =	sdelay $0x1  }
0x43b: {  	s28 =	sadd.s32 $0x20, s20  }
0x43c: {  	s29 =	sand.u32 $0x7F, s28;
	s24 =	sshll.u32 s28, $0x2;
	v1 =	vmul.f32 $8.000000000e+00, v1  }
0x43d: {  	s25 =	sshll.u32 s29, $0x2;
	s24 =	sand.u32 $0xFFFFFE00, s24  }
0x43e: {  	s24 =	sor.u32 s25, s24;
	v1 =	vadd.f32 v57, v1  }
0x43f: {  	s24 =	sshra.s32 s24, $0x2  }
0x440: {  	(v2sf) =	vpush v0, $0xF;
	s24 =	sadd.s32 s5, s24;
	[tilespmem:s5+$0x1C110] =	vst v1  }
0x441: {  	v58 =	vld [tilespmem:s24+$0x14100];
	_ =	sdelay $0x1  }
0x442: {  	v1 =	vld [tilespmem:s22+$0xC820];
	_ =	sdelay $0x1  }
0x443: {  	s20 =	sadd.s32 $0x30, s20  }
0x444: {  	s25 =	sand.u32 $0x7F, s20;
	s20 =	sshll.u32 s20, $0x2;
	v0 =	vmul.f32 $8.000000000e+00, v58  }
0x445: {  	s20 =	sand.u32 $0xFFFFFE00, s20;
	s24 =	sshll.u32 s25, $0x2  }
0x446: {  	s20 =	sor.u32 s24, s20;
	v0 =	vadd.f32 v1, v0  }
0x447: {  	s20 =	sshra.s32 s20, $0x2  }
0x448: {  	s20 =	sadd.s32 s5, s20;
	[tilespmem:s5+$0x1C120] =	vst v0  }
0x449: {  	v0 =	vld [tilespmem:s20+$0x14100];
	_ =	sdelay $0x1  }
0x44a: {  	v59 =	vld [tilespmem:s22+$0xC830];
	_ =	sdelay $0x1  }
0x44b: {  	s20 =	spop (v2sf)  }
0x44c: {  	s28 =	sand.u32 $0x7F, s20;
	s29 =	sshll.u32 s20, $0x2;
	v0 =	vmul.f32 $8.000000000e+00, v0  }
0x44d: {  	s24 =	sand.u32 $0xFFFFFE00, s29;
	s22 =	sshll.u32 s28, $0x2  }
0x44e: {  	s22 =	sor.u32 s22, s24;
	v0 =	vadd.f32 v59, v0  }
0x44f: {  	s22 =	sshra.s32 s22, $0x2  }
0x450: {  	s22 =	sadd.s32 s5, s22;
	[tilespmem:s5+$0x1C130] =	vst v0  }
0x451: {  	p0 =	sgt.u32 s16, $0xC7;
	s16 =	sadd.s32 $0xFFFFCE00, s19;
	v0 =	vld [tilespmem:s22+$0x14180]  }
0x452: {  	s19 =	smov.u32 @p0 s16  }
0x453: {  	v60 =	vld [tilespmem:s19+$0xC800];
	_ =	sdelay $0x1  }
0x454: {  	s22 =	sadd.s32 $0x10, s20  }
0x455: {  	s24 =	sand.u32 $0x7F, s22;
	s16 =	sshll.u32 s22, $0x2;
	v0 =	vmul.f32 $8.000000000e+00, v0  }
0x456: {  	s16 =	sand.u32 $0xFFFFFE00, s16;
	s22 =	sshll.u32 s24, $0x2  }
0x457: {  	s16 =	sor.u32 s22, s16;
	v0 =	vadd.f32 v60, v0  }
0x458: {  	s16 =	sshra.s32 s16, $0x2  }
0x459: {  	s16 =	sadd.s32 s5, s16;
	[tilespmem:s5+$0x1C180] =	vst v0  }
0x45a: {  	v0 =	vld [tilespmem:s16+$0x14180];
	_ =	sdelay $0x1  }
0x45b: {  	v61 =	vld [tilespmem:s19+$0xC810];
	_ =	sdelay $0x1  }
0x45c: {  	s25 =	sadd.s32 $0x20, s20  }
0x45d: {  	s28 =	sand.u32 $0x7F, s25;
	s16 =	sshll.u32 s25, $0x2;
	v0 =	vmul.f32 $8.000000000e+00, v0  }
0x45e: {  	s22 =	sshll.u32 s28, $0x2;
	s16 =	sand.u32 $0xFFFFFE00, s16  }
0x45f: {  	s16 =	sor.u32 s22, s16;
	v0 =	vadd.f32 v61, v0  }
0x460: {  	s16 =	sshra.s32 s16, $0x2  }
0x461: {  	s16 =	sadd.s32 s5, s16;
	[tilespmem:s5+$0x1C190] =	vst v0  }
0x462: {  	v0 =	vld [tilespmem:s16+$0x14180];
	_ =	sdelay $0x1  }
0x463: {  	v62 =	vld [tilespmem:s19+$0xC820];
	_ =	sdelay $0x1  }
0x464: {  	s29 =	sadd.s32 $0x30, s20  }
0x465: {  	s20 =	sand.u32 $0x7F, s29;
	s16 =	sshll.u32 s29, $0x2;
	v0 =	vmul.f32 $8.000000000e+00, v0  }
0x466: {  	s20 =	sshll.u32 s20, $0x2;
	s16 =	sand.u32 $0xFFFFFE00, s16  }
0x467: {  	s16 =	sor.u32 s20, s16;
	v0 =	vadd.f32 v62, v0  }
0x468: {  	s16 =	sshra.s32 s16, $0x2  }
0x469: {  	s16 =	sadd.s32 s5, s16;
	[tilespmem:s5+$0x1C1A0] =	vst v0  }
0x46a: {  	v0 =	vld [tilespmem:s16+$0x14180];
	_ =	sdelay $0x1  }
0x46b: {  	v63 =	vld [tilespmem:s19+$0xC830];
	_ =	sdelay $0x1  }
0x46c: {  	p0 =	sne.s32 s9, $0xE000  }
.Ltmp1:
0x46d: {  	v0 =	vmul.f32 $8.000000000e+00, v0;
	(pc) =	sbr.rel @p0 .LBB2_5-.Ltmp1, $4  }
0x46e: {  	_ = 	snop  }
0x46f: {  	v0 =	vadd.f32 v63, v0  }
0x470: {  	s11 =	sadd.s32 $0x10, s11  }
0x471: {  	s17 =	sadd.s32 $0x10, s17;
	s12 =	sadd.s32 $0x400, s12;
	s9 =	sadd.s32 $0x2000, s9;
	[tilespmem:s5+$0x1C1B0] =	vst v0  }
0x472: {  	s7 =	sadd.s32 $0x1, s7  }
0x473: {  	s5 =	sshll.u32 s8, $0xB;
	p0 =	sne.s32 s7, $0x64  }
.Ltmp2:
0x474: {  	s29 =	simm.s32 $0x1BA00;
	s10 =	sadd.s32 $0x100, s10;
	(pc) =	sbr.rel @p0 .LBB2_2-.Ltmp2, $4  }
0x475: {  	s15 =	sadd.s32 $0x100, s15;
	s1 =	sadd.s32 $0x4000, s1;
	s0 =	sadd.s32 $0x100, s0  }
0x476: {  	s30 =	sadd.s32 $0x100, s30;
	s13 =	sadd.s32 $0x100, s13;
	s5 =	sand.u32 $0x1FFFF800, s5  }
0x477: {  	s14 =	sadd.s32 $0x4000, s14;
	s31 =	sadd.s32 $0x100, s31;
	s5 =	sadd.s32 s6, s5  }
0x478: {  	[hbm4b:s5+s3] =	stream.linear.scatter [tilespmem:s29], [sflag:$0x4], $0x4000, $0x38;
	[tilespmem:$0x1FA00] =	vst v63  }
0x479: {  	s0 =	simm.s32 $0x3  }
0x47a: {  	_ =	swait.ge [sflag:s0], $0x4000  }
0x47b: {  	[sflag:s0] =	ssyncset.done $0x0  }
0x47c: {  	[sflag:s0] =	ssyncadd.s32 $0xFFFFC000  }
0x47d: {  	_ =	swait.ge [sflag:s26], $0x4000  }
0x47e: {  	s1 =	rddreg [dreg:$0x11]  }
0x47f: {  	s31 =	rddreg [dreg:$0xa];
	s1 =	sadd.s32 $0x1, s1  }
0x480: {  	p0 =	sne.s32 s1, s31  }
.Ltmp3:
0x481: {  	_ = 	snop;
	(pc) =	sbr.rel @p0 .LBB2_1-.Ltmp3, $3  }
0x482: {  	_ =	sdelay $0x1  }
0x483: {  	[sflag:s26] =	ssyncset.done $0x0  }
0x484: {  	[sflag:s26] =	ssyncadd.s32 $0xFFFFC000  }
0x485: {  	_ =	sfence.sel $0x180000  }
0x486: {  	[bflag:$0x0] =	sbarrier.arrive $0xFFFF  }
0x487: {  	_ =	strace $0x90000047  }
0x488: {  	s0 =	stileid.u32;
	[bflag:$0x2] =	sbarrier.arrive $0xFFFF  }
0x489: {  	p0 =	sne.s32 s0, $0x0;
	s0 =	rddreg [dreg:$0x2]  }
0x48a: {  	s0 =	sadd.s32 @!p0 $0x100000, s0  }
0x48b: {  	[sflag:s0] =	ssyncadd.tile.s32 @!p0 $0x1;
	_ =	shalt  }
.Lfunc_end2:
_tile_overlayer_lowered:
.L_overlay_start_2:
0x48c: {  	(tag) =	ssettag $0x2  }
0x48d: {  	s0 =	rddreg [dreg:$0x0];
	s2 =	stileid.u32  }
0x48e: {  	s1 =	rddreg [dreg:$0x1];
	p0 =	sne.s32 s2, $0x0  }
0x48f: {  	s3 =	rddreg [dreg:$0x2];
	[bflag:$0x3] =	sbarrier.arrive $0xFFFF;
	s2 =	simm.s32 @!p0 $0x1C05  }
0x490: {  	[timem:s3], [sflag:s2] =	dma.local @!p0 [hbm:s0], s1  }
0x491: {  	s0 =	simm.s32 @!p0 $0x5  }
0x492: {  	_ =	swait.ge @!p0 [sflag:s0], s1  }
0x493: {  	s1 =	ssub.s32 @!p0 $0x0, s1;
	[sflag:s0] =	ssyncset.done @!p0 $0x0  }
0x494: {  	[sflag:s0] =	ssyncadd.s32 @!p0 s1  }
0x495: {  	[bflag:$0x3] =	sbarrier.arrive $0xFFFF  }
0x496: {  	_ =	shalt  }

// kernel: sparse-core-data-format-call.cloned.1.call-start
scs
called_computation_lowered:
.L_overlay_start_0:
0x0: {  	s2 =	sld [smem:$0x3FD9]  }
0x1: {  	s3 =	sld [smem:$0x3FFE];
	_ =	sdelay $0x1  }
0x2: {  	s1 =	srdreg.scid  }
0x3: {  	s0 =	sand.u32 $0x1, s1  }
0x4: {  	s18 =	sshll.u32 s0, $0xA;
	s2 =	sadd.s32 s3, s2  }
0x5: {  	s2 =	sadd.s32 s2, s18  }
0x6: {  	[smem:$0x3FC6] =	sst s2  }
0x7: {  	_ = 	snop  }
0x8: {  	s2 =	sld [smem:$0x3FD0];
	(tm) =	ssettm $0x1  }
0x9: {  	s19 =	sld [smem:$0x3FFB];
	_ =	sdelay $0x3  }
0xa: {  	_ =	strace s19  }
0xb: {  	s3 =	sld [smem:$0x3FFC];
	_ =	sdelay $0x3  }
0xc: {  	_ =	strace s3  }
0xd: {  	s3 =	sld [smem:$0x3FFD];
	_ =	sdelay $0x3  }
0xe: {  	_ =	strace s3  }
0xf: {  	_ =	strace $0x8FFFFFFF  }
0x10: {  	s20 =	sld [smem:$0x3FDB];
	_ =	sdelay $0x1  }
0x11: {  	s4 =	simm.s32 $_scs_section_size  }
0x12: {  	s5 =	simm.s32 $_size__tile_overlayer_lowered;
	s6 =	simm.s32 $_tile_overlayer_lowered  }
0x13: {  	s23 =	simm.s32 $0x1BFF;
	s22 =	sshll.u32 s6, $0x1;
	s3 =	sadd.s32 s4, s20  }
0x14: {  	s7 =	simm.s32 $0x0;
	s21 =	sshll.u32 s5, $0x1;
	s5 =	sadd.s32 s22, s3  }
0x15: {  	[timem:s7], [sflag:s23] =	dma.local [hbm:s5], s21  }
0x16: {  	_ =	swait.ge [sflag:s23], s21  }
0x17: {  	s4 =	ssub.s32 $0x0, s21;
	[sflag:s23] =	ssyncset.done $0x0  }
0x18: {  	[sflag:s23] =	ssyncadd.s32 s4;
	_ =	sdelay $0x1  }
0x19: {  	s24 =	simm.s32 $0x1B8B  }
0x1a: {  	_ =	swait.ge [sflag:s24], $0x1  }
0x1b: {  	[sflag:s24] =	ssyncset.done $0x0  }
0x1c: {  	s26 =	simm.s32 $0x1B8E;
	s25 =	sld [smem:$0x3FFE];
	[sflag:s24] =	ssyncadd.s32 $0xFFFFFFFF  }
0x1d: {  	s27 =	simm.s32 $execute0_lowered;
	[smem:$0x3FD2] =	sst s26  }
0x1e: {  	s5 =	sshll.u32 s27, $0x1;
	_ =	strace $0x80000049;
	[dreg:$0x1] =	wrdreg $0xFFFFFFFF  }
0x1f: {  	s28 =	simm.s32 $_size_execute0_lowered;
	s3 =	sadd.s32 s3, s5;
	[dreg:$0x0] =	wrdreg $0x0  }
0x20: {  	s5 =	sshll.u32 s28, $0x1;
	[dreg:$0x2] =	wrdreg s3  }
0x21: {  	[dreg:$0x3] =	wrdreg s5  }
0x22: {  	[dreg:$0x4] =	wrdreg $0xC0  }
0x23: {  	_ =	task [dreg:s7], $0x5FFFF  }
0x24: {  	[dreg:$0x1] =	wrdreg $0xFFFFFFFF  }
0x25: {  	[dreg:$0x0] =	wrdreg $0x60  }
0x26: {  	[dreg:$0x2] =	wrdreg s25  }
0x27: {  	[dreg:$0x3] =	wrdreg s2  }
0x28: {  	[dreg:$0x4] =	wrdreg $0x9  }
0x29: {  	_ =	task.clear_ibuf [dreg:s7], $0x5FFFF;
	_ =	strace $0x90000049  }
0x2a: {  	s29 =	simm.s32 $0x9;
	_ =	strace $0x8000004B  }
0x2b: {  	_ =	swait.ge [sflag:s29], $0x1  }
0x2c: {  	[sflag:s29] =	ssyncadd.s32 $0xFFFFFFFF  }
0x2d: {  	_ =	strace $0x9000004B  }
0x2e: {  	_ =	sfence  }
0x2f: {  	s30 =	sld [smem:$0x0];
	_ =	sdelay $0x2  }
0x30: {  	s31 =	sshll.u32 s1, $0xD;
	s1 =	sshrl.u32 s1, $0x2  }
0x31: {  	s3 =	sand.u32 $0x4000, s31;
	s1 =	sadd.s32 s1, s30  }
0x32: {  	s0 =	sor.u32 s3, s0;
	s1 =	sshll.u32 s1, $0x11  }
0x33: {  	s0 =	sor.u32 s1, s0  }
0x34: {  	s0 =	sadd.s32 $0x8F2B, s0  }
0x35: {  	[sflag:s0] =	ssyncadd.remote.s32 $0x1  }
0x36: {  	_ =	sfence.sel $0xFFFF  }
0x37: {  	[dreg:$0x0] =	wrdreg $0xFFFFFFFF;
	(pc) =	sbr.abs _section_cstart, $3  }
0x38: {  	[dreg:$0x1] =	wrdreg $0xFFFFFFFF  }
0x39: {  	_ =	task.clear_ibuf [dreg:s7], $0x2FFFF;
	_ =	strace $0x9FFFFFFF  }
0x3a: {  	(tm) =	ssettm $0x7FFFFFFF  }
0x3b: {  	_ =	shalt  }
tec
execute0_lowered:
.L_overlay_start_1:
0x0: {  	(tag) =	ssettag $0x1  }
0x1: {  	s0 =	srdreg.scid  }
0x2: {  	s1 =	sshll.u32 s0, $0x4  }
0x3: {  	s0 =	stileid.u32;
	s1 =	sand.u32 $0x10, s1  }
0x4: {  	s1 =	sor.u32 s0, s1  }
0x5: {  	s6 =	rddreg [dreg:$0x0];
	s4 =	simm.s32 $0x1;
	s2 =	sshll.u32 s1, $0x7  }
0x6: {  	s7 =	simm.s32 $0x2;
	s12 =	simm.s32 $0x0;
	s1 =	ssub.s32 $0x1000, s2  }
0x7: {  	s8 =	simm.s32 $0x8000;
	s13 =	simm.s32 $0x0;
	s3 =	sand.u32 $0xF80, s1  }
0x8: {  	s9 =	simm.s32 $0x0;
	s5 =	sshrl.u32 s1, $0xC;
	p0 =	sne.s32 s3, $0x0  }
.Ltmp0:
0x9: {  	s1 =	rddreg [dreg:$0x2];
	s4 =	simm.s32 @!p0 $0x0;
	(pc) =	sbr.rel .LBB1_1-.Ltmp0, $4  }
0xa: {  	s11 =	simm.s32 $0x0;
	s3 =	rddreg [dreg:$0x1];
	s5 =	sadd.s32 s4, s5  }
0xb: {  	_ =	strace $0x8000004A;
	s4 =	simm.s32 $0x1;
	s5 =	smul.u32 $0xC8, s5  }
0xc: {  	s6 =	sadd.s32 $0x1A400, s6;
	s10 =	smov.u32 s2;
	[sflag:s4] =	ssyncpa.u1 $0x0  }
0xd: {  	p0 =	por $0x0, $0x0;
	[sflag:s7] =	ssyncpa.u1 $0x0;
	s7 =	sor.u32 $0x1, s5  }
.LBB1_4:
0xe: {  	s16 =	sshll.u32 s13, $0x3;
	s17 =	sand.u32 $0x78, s13  }
0xf: {  	s30 =	sand.u32 $0x7E00, s13;
	s12 =	sshll.u32 s12, $0xF;
	s16 =	sand.u32 $0xC00, s16  }
0x10: {  	[tilespmem:s15+$0x810 ss:$0x81] =	vst.msk $0xffff, v2;
	s31 =	sand.u32 $0x7, s13;
	s16 =	sor.u32 s17, s16;
	s17 =	sadd.s32 s3, s30  }
0x11: {  	[tilespmem:s15+$0x1020 ss:$0x81] =	vst.msk $0xffff, v0;
	s13 =	sshll.u32 s31, $0x12;
	s12 =	sadd.s32 s12, s17;
	s16 =	sshrl.u32 s16, $0x3  }
0x12: {  	[tilespmem:s15+$0x0 ss:$0x81] =	vst.msk $0xffff, v1;
	s13 =	sor.u32 $0x400, s13;
	s12 =	sadd.s32 s16, s12  }
0x13: {  	[hbm4b:s12+s13] =	stream.strided.scatter [tilespmem:s14], [sflag:$0x2], $0x2000, s8, s13, $0x20;
	[tilespmem:$0x8080] =	vst v63  }
.LBB1_5:
0x14: {  	s14 =	sadd.s32 $0x1, s9  }
0x15: {  	s12 =	sadd.s32 $0x1000, s10;
	s16 =	smov.u32 s10;
	p2 =	sgt.s32 s14, $0xC7  }
0x16: {  	s16 =	smov.u32 @p2 s12  }
0x17: {  	s14 =	simm.s32 @p2 $0x0;
	p2 =	sgt.s32 s16, $0xFFF  }
0x18: {  	s16 =	smov.u32 @p2 s2;
	p2 =	sne.s32 s11, s7  }
.Ltmp1:
0x19: {  	p1 =	slt.u32 s11, $0x2;
	(pc) =	sbr.rel @!p2 .LBB1_6-.Ltmp1, $4  }
0x1a: {  	s15 =	simm.s32 @!p1 $0x2  }
0x1b: {  	s13 =	smov.u32 s10;
	p0 =	por !p0, !p0;
	_ =	swait.ge @!p1 [sflag:s15], $0x2000  }
0x1c: {  	s12 =	smov.u32 s9;
	[sflag:s15] =	ssyncset.done @!p1 $0x0;
	s9 =	smov.u32 s14  }
0x1d: {  	s11 =	sadd.s32 $0x1, s11;
	[sflag:s15] =	ssyncadd.s32 @!p1 $0xFFFFE000;
	s10 =	smov.u32 s16  }
.LBB1_1:
0x1e: {  	p1 =	sge.u32 s11, s5  }
0x1f: {  	s14 =	sand.u32 @!p1 $0x1FFFFFF, s9  }
0x20: {  	s15 =	smulhi.u32 @!p1 $0x147AE15, s14;
	_ =	sdelay $0x1  }
0x21: {  	s15 =	smul.u32 @!p1 $0xC8, s15  }
0x22: {  	s16 =	sxor.u32 @!p1 $0xFFFFFFFF, s11;
	s17 =	smul.u32 @!p1 $0xC80, s10  }
0x23: {  	s31 =	sadd.s32 $0xFFFFFFFF, s11;
	s16 =	sshll.u32 @!p1 s16, $0xD;
	s14 =	ssub.s32 @!p1 s14, s15  }
0x24: {  	s15 =	sand.u32 @!p1 $0x2000, s16;
	s16 =	sadd.s32 @!p1 s6, s17;
	s14 =	sshll.u32 @!p1 s14, $0x4  }
0x25: {  	s17 =	simm.s32 @!p1 $0x6400;
	s14 =	sadd.s32 @!p1 s14, s16;
	s16 =	simm.s32 @!p1 $0x40  }
0x26: {  	[tilespmem:s15], [sflag:$0x1] =	stream.strided.gather @!p1 [hbm4b:s14+s16], $0x2000, s17, s16, $0x38;
	[tilespmem:$0x8080] =	vst v63  }
0x27: {  	p1 =	sge.u32 s31, s5  }
.Ltmp2:
0x28: {  	_ = 	snop;
	(pc) =	sbr.rel @p1 .LBB1_5-.Ltmp2, $1  }
0x29: {  	_ =	sdelay $0x3  }
0x2a: {  	s14 =	simm.s32 $0x1  }
0x2b: {  	_ =	swait.ge [sflag:s4], $0x2000;
	s14 =	simm.s32 @!p0 $0x0  }
0x2c: {  	[sflag:s4] =	ssyncset.done $0x0;
	s15 =	sshll.u32 s14, $0xD  }
0x2d: {  	[sflag:s4] =	ssyncadd.s32 $0xFFFFE000;
	s18 =	sor.u32 $0x20, s15  }
0x2e: {  	s14 =	smul.u32 $0x8100, s14;
	v3 =	vld [tilespmem:s18+$0x10]  }
0x2f: {  	s30 =	sand.u32 $0x1, s11;
	v2 =	vld [tilespmem:s18+$0xFFFFFFF0]  }
0x30: {  	s15 =	smul.u32 $0x8100, s30;
	s14 =	sshrl.u32 s14, $0x2;
	v0 =	vld [tilespmem:s18+$0x0]  }
0x31: {  	v1 =	vld [tilespmem:s18+$0xFFFFFFE0];
	s16 =	sor.u32 $0x4000, s14  }
0x32: {  	s31 =	sshrl.u32 s15, $0x2;
	s15 =	sadd.s32 $0x0, s16  }
0x33: {  	s17 =	simm.s32 $0x4;
	s18 =	sadd.s32 $0x40, s18;
	s14 =	sor.u32 $0x4000, s31;
	[tilespmem:s15+$0x1830 ss:$0x81] =	vst.msk $0xffff, v3  }
.LBB1_3:
0x34: {  	v3 =	vld [tilespmem:s18+$0x10];
	p1 =	sne.s32 s17, $0x1FC;
	[tilespmem:s15+$0x810 ss:$0x81] =	vst.msk $0xffff, v2;
	s19 =	smov.u32 s17;
	s17 =	sadd.s32 $0x4, s17  }
.Ltmp3:
0x35: {  	v2 =	vld [tilespmem:s18+$0xFFFFFFF0];
	[tilespmem:s15+$0x1020 ss:$0x81] =	vst.msk $0xffff, v0;
	(pc) =	sbr.rel @p1 .LBB1_3-.Ltmp3, $4  }
0x36: {  	v0 =	vld [tilespmem:s18+$0x0];
	[tilespmem:s15+$0x0 ss:$0x81] =	vst.msk $0xffff, v1  }
0x37: {  	s15 =	sshra.s32 s19, $0x2;
	v1 =	vld [tilespmem:s18+$0xFFFFFFE0]  }
0x38: {  	s15 =	sadd.s32 s15, s16  }
0x39: {  	s18 =	sadd.s32 $0x40, s18;
	[tilespmem:s15+$0x1830 ss:$0x81] =	vst.msk $0xffff, v3  }
.Ltmp4:
0x3a: {  	_ = 	snop;
	(pc) =	sbr.rel .LBB1_4-.Ltmp4, $1  }
0x3b: {  	_ =	sdelay $0x3  }
.LBB1_6:
0x3c: {  	_ =	sfence.sel $0x180000  }
0x3d: {  	s2 =	simm.s32 $0x1;
	[bflag:$0x0] =	sbarrier.arrive $0xFFFF  }
0x3e: {  	s31 =	simm.s32 $0x2;
	[sflag:s2] =	ssyncpa.u1 $0x1  }
0x3f: {  	[sflag:s31] =	ssyncpa.u1 $0x1  }
0x40: {  	p0 =	sne.s32 s0, $0x0;
	_ =	strace $0x9000004A  }
0x41: {  	s0 =	sadd.s32 @!p0 $0x100000, s1;
	[bflag:$0x2] =	sbarrier.arrive $0xFFFF  }
0x42: {  	[sflag:s0] =	ssyncadd.tile.s32 @!p0 $0x1;
	_ =	shalt  }
.Lfunc_end1:
_tile_overlayer_lowered:
.L_overlay_start_2:
0x43: {  	(tag) =	ssettag $0x2  }
0x44: {  	s0 =	rddreg [dreg:$0x0];
	s2 =	stileid.u32  }
0x45: {  	s1 =	rddreg [dreg:$0x1];
	p0 =	sne.s32 s2, $0x0  }
0x46: {  	s3 =	rddreg [dreg:$0x2];
	[bflag:$0x3] =	sbarrier.arrive $0xFFFF;
	s2 =	simm.s32 @!p0 $0x1C01  }
0x47: {  	[timem:s3], [sflag:s2] =	dma.local @!p0 [hbm:s0], s1  }
0x48: {  	s0 =	simm.s32 @!p0 $0x1  }
0x49: {  	_ =	swait.ge @!p0 [sflag:s0], s1  }
0x4a: {  	s1 =	ssub.s32 @!p0 $0x0, s1;
	[sflag:s0] =	ssyncset.done @!p0 $0x0  }
0x4b: {  	[sflag:s0] =	ssyncadd.s32 @!p0 s1  }
0x4c: {  	[bflag:$0x3] =	sbarrier.arrive $0xFFFF  }
0x4d: {  	_ =	shalt  }

</sc_bundles>
